<compile_context>
chip_gen: v7x
topology: tpu7x:2x2x1
jax: 0.10.2.dev20260603
libtpu: 0.0.44.dev20260713+nightly
codegen_flags: <defaults>
</compile_context>

<pallas_src>
import jax
import jax.numpy as jnp
from jax import lax
from jax.experimental import pallas as pl
from jax.experimental.pallas import tpu as pltpu
from jax.experimental.pallas import tpu_sc as plsc

TOK = 8192
D_IN = 2048
D_OUT = 2048
E = 8
K = 2
NOISE_STD = 0.1

M = 256
NASSIGN = TOK * K
NPAD = NASSIGN + E * M
NBLK = NPAD // M

NC = 2
NS = 16
NW = NC * NS
TW = TOK // NW
GC2 = 8
DNB = 4
CC = 4
ONB = 8
BNB = 4

_LANES = 128



def _gating_body(x_ref, gw_ref, nz_ref, gb_ref, pv_ref, iv_ref, loss_ref,
                 acc_ref):
    i = pl.program_id(0)
    logits = jnp.dot(x_ref[...], gw_ref[...],
                     preferred_element_type=jnp.float32)
    logits = logits + gb_ref[...] + nz_ref[...] * NOISE_STD
    lane = lax.broadcasted_iota(jnp.int32, logits.shape, 1)
    valid = lane < E
    logits = jnp.where(valid, logits, jnp.float32(-1e30))
    m = jnp.max(logits, axis=1, keepdims=True)
    e = jnp.where(valid, jnp.exp(logits - m), 0.0)
    probs = e / jnp.sum(e, axis=1, keepdims=True)

    @pl.when(i == 0)
    def _():
        acc_ref[...] = jnp.zeros_like(acc_ref)

    acc_ref[...] += jnp.sum(probs, axis=0, keepdims=True)

    v1 = jnp.max(probs, axis=1, keepdims=True)
    i1 = jnp.min(jnp.where(probs == v1, lane, 999), axis=1, keepdims=True)
    probs2 = jnp.where(lane == i1, -1.0, probs)
    v2 = jnp.max(probs2, axis=1, keepdims=True)
    i2 = jnp.min(jnp.where(probs2 == v2, lane, 999), axis=1, keepdims=True)
    pv_ref[...] = jnp.concatenate([v1, v2], axis=1)
    iv_ref[...] = jnp.concatenate([i1, i2], axis=1)

    @pl.when(i == pl.num_programs(0) - 1)
    def _():
        mean = acc_ref[...] * (1.0 / TOK)
        lane2 = lax.broadcasted_iota(jnp.int32, mean.shape, 1)
        dev = jnp.where(lane2 < E, mean - 1.0 / E, 0.0)
        loss_ref[...] = jnp.sum(dev * dev).reshape(1, 1)


def _gating(x, gwp, noise_p, gbp):
    bt = 1024
    grid = TOK // bt
    return pl.pallas_call(
        _gating_body,
        grid=(grid,),
        in_specs=[
            pl.BlockSpec((bt, D_IN), lambda i: (i, 0)),
            pl.BlockSpec((D_IN, _LANES), lambda i: (0, 0)),
            pl.BlockSpec((bt, _LANES), lambda i: (i, 0)),
            pl.BlockSpec((1, _LANES), lambda i: (0, 0)),
        ],
        out_specs=[
            pl.BlockSpec((bt, K), lambda i: (i, 0)),
            pl.BlockSpec((bt, K), lambda i: (i, 0)),
            pl.BlockSpec((1, 1), lambda i: (0, 0)),
        ],
        out_shape=[
            jax.ShapeDtypeStruct((TOK, K), jnp.float32),
            jax.ShapeDtypeStruct((TOK, K), jnp.int32),
            jax.ShapeDtypeStruct((1, 1), jnp.float32),
        ],
        scratch_shapes=[pltpu.VMEM((1, _LANES), jnp.float32)],
    )(x, gwp, noise_p, gbp)



def _dist_body(x_hbm, d0_hbm, d1_hbm, out_hbm, d0v, d1v, *bufs_and_sems):
    S = bufs_and_sems[0:DNB]
    SF = bufs_and_sems[DNB:2 * DNB]
    S0 = bufs_and_sems[2 * DNB:3 * DNB]
    S1 = bufs_and_sems[3 * DNB:4 * DNB]
    wid = lax.axis_index("s") * NC + lax.axis_index("c")
    tb = wid * TW
    pltpu.sync_copy(d0_hbm.at[wid], d0v)
    pltpu.sync_copy(d1_hbm.at[wid], d1v)
    nch = TW // GC2

    for b in range(2):
        pltpu.async_copy(x_hbm.at[pl.ds(tb + b * GC2, GC2), :], S[b], SF[b])

    def grp(i, carry):
        g = i * DNB
        for b in range(DNB):
            ch = g + b
            pltpu.make_async_copy(x_hbm.at[pl.ds(0, GC2), :], S[b],
                                  SF[b]).wait()
            pltpu.async_copy(S[b], out_hbm.at[d0v.at[ch]], S0[b])
            pltpu.async_copy(S[b], out_hbm.at[d1v.at[ch]], S1[b])
            bn = (b + 2) % DNB

            @pl.when(ch >= 2)
            def _():
                pltpu.make_async_copy(S[bn], out_hbm.at[pl.ds(0, GC2), :],
                                      S0[bn]).wait()
                pltpu.make_async_copy(S[bn], out_hbm.at[pl.ds(0, GC2), :],
                                      S1[bn]).wait()

            @pl.when(ch + 2 < nch)
            def _():
                pltpu.async_copy(x_hbm.at[pl.ds(tb + (ch + 2) * GC2, GC2), :],
                                 S[bn], SF[bn])
        return carry

    lax.fori_loop(0, nch // DNB, grp, 0)
    for ch in range(nch - 2, nch):
        bl = ch % DNB
        pltpu.make_async_copy(S[bl], out_hbm.at[pl.ds(0, GC2), :],
                              S0[bl]).wait()
        pltpu.make_async_copy(S[bl], out_hbm.at[pl.ds(0, GC2), :],
                              S1[bl]).wait()


def _sc_distribute(x, d0tm, d1tm):
    k = pl.kernel(
        _dist_body,
        mesh=plsc.VectorSubcoreMesh(core_axis_name="c", subcore_axis_name="s"),
        out_type=jax.ShapeDtypeStruct((NPAD, D_IN), jnp.float32),
        scratch_types=(
            [pltpu.VMEM((TW // GC2, GC2), jnp.int32)] * 2
            + [pltpu.VMEM((GC2, D_IN), jnp.float32)] * DNB
            + [pltpu.SemaphoreType.DMA] * (3 * DNB)
        ),
    )
    return k(x, d0tm, d1tm)



def _gmm_body(be_ref, xg_ref, pg_ref, wt_ref, eb_ref, out_ref):
    pgv = pg_ref[...]
    xs = jnp.where(pgv > 0, xg_ref[...] * pgv, 0.0).astype(jnp.bfloat16)
    acc = jnp.dot(xs, wt_ref[0], preferred_element_type=jnp.float32)
    out_ref[...] = acc + pg_ref[...] * eb_ref[0]


def _gmm(block_expert, xg, pg, wt, eb):
    grid_spec = pltpu.PrefetchScalarGridSpec(
        num_scalar_prefetch=1,
        grid=(NBLK,),
        in_specs=[
            pl.BlockSpec((M, D_IN), lambda i, be: (i, 0)),
            pl.BlockSpec((M, 1), lambda i, be: (i, 0)),
            pl.BlockSpec((1, D_IN, D_OUT), lambda i, be: (be[i], 0, 0)),
            pl.BlockSpec((1, 1, D_OUT), lambda i, be: (be[i], 0, 0)),
        ],
        out_specs=pl.BlockSpec((M, D_OUT), lambda i, be: (i, 0)),
    )
    return pl.pallas_call(
        _gmm_body,
        grid_spec=grid_spec,
        out_shape=jax.ShapeDtypeStruct((NPAD, D_OUT), jnp.float32),
    )(block_expert, xg, pg, wt, eb)



def _combine_body(yg_hbm, d0_hbm, d1_hbm, out_hbm, d0all, d1all,
                  *bufs_and_sems):
    O = bufs_and_sems[0:ONB]
    B = bufs_and_sems[ONB:ONB + BNB]
    SA = bufs_and_sems[ONB + BNB:2 * ONB + BNB]
    SB = bufs_and_sems[2 * ONB + BNB:2 * ONB + 2 * BNB]
    SW = bufs_and_sems[2 * ONB + 2 * BNB:3 * ONB + 2 * BNB]
    wid = lax.axis_index("s") * NC + lax.axis_index("c")
    base = wid * TW
    pltpu.sync_copy(d0_hbm.at[wid], d0all)
    pltpu.sync_copy(d1_hbm.at[wid], d1all)
    nch = TW // CC

    for p in range(BNB):
        pltpu.async_copy(yg_hbm.at[d0all.at[p]], O[p], SA[p])
        pltpu.async_copy(yg_hbm.at[d1all.at[p]], B[p], SB[p])

    def grp(i, carry):
        g = i * ONB
        for b in range(ONB):
            ch = g + b
            pb = b % BNB
            pltpu.make_async_copy(yg_hbm.at[pl.ds(0, CC), :], O[b],
                                  SA[b]).wait()
            pltpu.make_async_copy(yg_hbm.at[pl.ds(0, CC), :], B[pb],
                                  SB[pb]).wait()

            def row(r, c):
                def vec8(j, c2):
                    for u in range(8):
                        sl = pl.ds((j * 8 + u) * 16, 16)
                        plsc.addupdate(O[b].at[r, sl], B[pb][r, sl])
                    return c2
                return lax.fori_loop(0, D_OUT // 128, vec8, c)

            lax.fori_loop(0, CC, row, 0)
            pltpu.async_copy(O[b], out_hbm.at[pl.ds(base + ch * CC, CC), :],
                             SW[b])
            bn = (b + BNB) % ONB

            @pl.when(ch + BNB < nch)
            def _():
                @pl.when(ch >= ONB - BNB)
                def _():
                    pltpu.make_async_copy(O[bn],
                                          out_hbm.at[pl.ds(base, CC), :],
                                          SW[bn]).wait()
                pltpu.async_copy(yg_hbm.at[d0all.at[ch + BNB]], O[bn], SA[bn])
                pltpu.async_copy(yg_hbm.at[d1all.at[ch + BNB]], B[pb], SB[pb])
        return carry

    lax.fori_loop(0, nch // ONB, grp, 0)
    for ch in range(nch - ONB, nch):
        bl = ch % ONB
        pltpu.make_async_copy(O[bl], out_hbm.at[pl.ds(base, CC), :],
                              SW[bl]).wait()


def _sc_combine(yg, d0, d1):
    k = pl.kernel(
        _combine_body,
        mesh=plsc.VectorSubcoreMesh(core_axis_name="c", subcore_axis_name="s"),
        out_type=jax.ShapeDtypeStruct((TOK, D_OUT), jnp.float32),
        scratch_types=(
            [pltpu.VMEM((TW // CC, CC), jnp.int32)] * 2
            + [pltpu.VMEM((CC, D_OUT), jnp.float32)] * (ONB + BNB)
            + [pltpu.SemaphoreType.DMA] * (2 * ONB + 2 * BNB)
        ),
    )
    return k(yg, d0.reshape(NW, TW // CC, CC), d1.reshape(NW, TW // CC, CC))



def kernel(x, gate_w, gate_b, experts_w, experts_b, noise):
    gwp = jnp.zeros((_LANES, D_IN), jnp.float32).at[:E].set(gate_w).T
    gbp = jnp.zeros((1, _LANES), jnp.float32).at[0, :E].set(gate_b)
    noise_p = jnp.zeros((TOK, _LANES), jnp.float32).at[:, :E].set(noise)
    wt = (experts_w.reshape(E, D_OUT, D_IN)
          .transpose(0, 2, 1).astype(jnp.bfloat16))
    eb = experts_b.reshape(E, 1, D_OUT)

    pv, iv, loss = _gating(x, gwp, noise_p, gbp)

    e_flat = iv.reshape(-1)
    p_flat = pv.reshape(-1)
    oh = (e_flat[:, None] == jnp.arange(E, dtype=jnp.int32)[None, :])
    csum = jnp.cumsum(oh.astype(jnp.int32), axis=0)
    rank = jnp.take_along_axis(csum, e_flat[:, None], axis=1)[:, 0] - 1
    counts = csum[-1]
    padded = ((counts + M - 1) // M) * M
    pcum = jnp.cumsum(padded)
    poff = jnp.concatenate([jnp.zeros((1,), pcum.dtype), pcum])[:E]
    dest = (poff[e_flat] + rank).astype(jnp.int32)
    pg = jnp.zeros((NPAD,), jnp.float32).at[dest].set(p_flat)
    bstart = jnp.arange(NBLK, dtype=jnp.int32) * M
    block_expert = jnp.minimum(
        jnp.sum((bstart[:, None] >= pcum[None, :]).astype(jnp.int32), axis=1),
        E - 1).astype(jnp.int32)

    d0 = dest[0::K]
    d1 = dest[1::K]
    xg = _sc_distribute(x, d0.reshape(NW, TW // GC2, GC2),
                        d1.reshape(NW, TW // GC2, GC2))

    yg = _gmm(block_expert, xg, pg.reshape(NPAD, 1), wt, eb)

    out = _sc_combine(yg, d0, d1)

    return (out, loss[0, 0])

# --- scband reference (transcript-rebuilt; emitter-appended) ---
"""Pipeline reference for scband-mo-e-16381005266955 (READ-ONLY COPY).

The authoritative reference and input builder live on the scoring server;
editing this copy changes nothing except your own understanding.
"""

import jax, jax.numpy as jnp
import numpy as np

TOK = 8192
D_IN = 2048
D_OUT = 2048
E = 8
K = 2
NOISE_STD = 0.1


def setup_inputs(seed: int = 0) -> dict:
    key = jax.random.key(seed)
    k1, k2, k3, k4 = jax.random.split(key, 4)
    x = jax.random.normal(k1, (TOK, D_IN), dtype=jnp.float32)
    gate_w = jax.random.normal(k2, (E, D_IN), dtype=jnp.float32) * 0.02
    gate_b = jnp.zeros((E,), dtype=jnp.float32)
    # xavier_uniform for experts weight [E*D_OUT, D_IN]
    limit = float(np.sqrt(6.0 / (D_IN + E * D_OUT)))
    experts_w = jax.random.uniform(k3, (E * D_OUT, D_IN), dtype=jnp.float32, minval=-limit, maxval=limit)
    experts_b = jnp.zeros((E * D_OUT,), dtype=jnp.float32)
    # gaussian noise used for noisy gating (randn_like in the torch module)
    noise = jax.random.normal(k4, (TOK, E), dtype=jnp.float32)
    return {"x": x, "gate_w": gate_w, "gate_b": gate_b,
            "experts_w": experts_w, "experts_b": experts_b, "noise": noise}


def reference(x, gate_w, gate_b, experts_w, experts_b, noise):
    gate_logits = x @ gate_w.T + gate_b
    gate_logits = gate_logits + noise * NOISE_STD
    gate_probs = jax.nn.softmax(gate_logits, axis=-1)
    gate_probs_mean = gate_probs.mean(axis=0)
    expected_prob = 1.0 / E
    load_balance_loss = ((gate_probs_mean - expected_prob) ** 2).mean() * E
    topk_probs, topk_indices = jax.lax.top_k(gate_probs, K)
    expert_outputs = x @ experts_w.T + experts_b
    expert_outputs = expert_outputs.reshape(-1, E, D_OUT)
    selected = jnp.take_along_axis(expert_outputs, topk_indices[:, :, None], axis=1)
    output = jnp.einsum('bk,bkd->bd', topk_probs, selected)
    return (output, load_balance_loss)

if __name__ == "__main__":
    import jax
    _d = setup_inputs()
    print(jax.jit(kernel)(*tuple(_d.values())))

</pallas_src>

<mosaic_0001>
#map = affine_map<(d0, d1) -> (0, 0)>
#map1 = affine_map<(d0, d1) -> (0, 0, 0)>
module attributes {stable_mosaic.version = 14 : i64} {
  func.func @_combine_body(%arg0: i32, %arg1: i32, %arg2: memref<18432x2048xf32, #tpu.memory_space<hbm>>, %arg3: memref<32x64x4xi32, #tpu.memory_space<hbm>>, %arg4: memref<32x64x4xi32, #tpu.memory_space<hbm>>, %arg5: memref<8192x2048xf32, #tpu.memory_space<hbm>>, %arg6: memref<64x4xi32, #tpu.memory_space<vmem>>, %arg7: memref<64x4xi32, #tpu.memory_space<vmem>>, %arg8: memref<4x2048xf32, #tpu.memory_space<vmem>>, %arg9: memref<4x2048xf32, #tpu.memory_space<vmem>>, %arg10: memref<4x2048xf32, #tpu.memory_space<vmem>>, %arg11: memref<4x2048xf32, #tpu.memory_space<vmem>>, %arg12: memref<4x2048xf32, #tpu.memory_space<vmem>>, %arg13: memref<4x2048xf32, #tpu.memory_space<vmem>>, %arg14: memref<4x2048xf32, #tpu.memory_space<vmem>>, %arg15: memref<4x2048xf32, #tpu.memory_space<vmem>>, %arg16: memref<4x2048xf32, #tpu.memory_space<vmem>>, %arg17: memref<4x2048xf32, #tpu.memory_space<vmem>>, %arg18: memref<4x2048xf32, #tpu.memory_space<vmem>>, %arg19: memref<4x2048xf32, #tpu.memory_space<vmem>>, %arg20: memref<!tpu.dma_semaphore, #tpu.memory_space<semaphore_mem>>, %arg21: memref<!tpu.dma_semaphore, #tpu.memory_space<semaphore_mem>>, %arg22: memref<!tpu.dma_semaphore, #tpu.memory_space<semaphore_mem>>, %arg23: memref<!tpu.dma_semaphore, #tpu.memory_space<semaphore_mem>>, %arg24: memref<!tpu.dma_semaphore, #tpu.memory_space<semaphore_mem>>, %arg25: memref<!tpu.dma_semaphore, #tpu.memory_space<semaphore_mem>>, %arg26: memref<!tpu.dma_semaphore, #tpu.memory_space<semaphore_mem>>, %arg27: memref<!tpu.dma_semaphore, #tpu.memory_space<semaphore_mem>>, %arg28: memref<!tpu.dma_semaphore, #tpu.memory_space<semaphore_mem>>, %arg29: memref<!tpu.dma_semaphore, #tpu.memory_space<semaphore_mem>>, %arg30: memref<!tpu.dma_semaphore, #tpu.memory_space<semaphore_mem>>, %arg31: memref<!tpu.dma_semaphore, #tpu.memory_space<semaphore_mem>>, %arg32: memref<!tpu.dma_semaphore, #tpu.memory_space<semaphore_mem>>, %arg33: memref<!tpu.dma_semaphore, #tpu.memory_space<semaphore_mem>>, %arg34: memref<!tpu.dma_semaphore, #tpu.memory_space<semaphore_mem>>, %arg35: memref<!tpu.dma_semaphore, #tpu.memory_space<semaphore_mem>>, %arg36: memref<!tpu.dma_semaphore, #tpu.memory_space<semaphore_mem>>, %arg37: memref<!tpu.dma_semaphore, #tpu.memory_space<semaphore_mem>>, %arg38: memref<!tpu.dma_semaphore, #tpu.memory_space<semaphore_mem>>, %arg39: memref<!tpu.dma_semaphore, #tpu.memory_space<semaphore_mem>>, %arg40: memref<!tpu.dma_semaphore, #tpu.memory_space<semaphore_mem>>, %arg41: memref<!tpu.dma_semaphore, #tpu.memory_space<semaphore_mem>>, %arg42: memref<!tpu.dma_semaphore, #tpu.memory_space<semaphore_mem>>, %arg43: memref<!tpu.dma_semaphore, #tpu.memory_space<semaphore_mem>>) attributes {dimension_semantics = [#tpu.dimension_semantics<core_parallel>, #tpu.dimension_semantics<subcore_parallel>], iteration_bounds = array<i64: 2, 16>, scalar_prefetch = 0 : i64, scratch_operands = 38 : i64, tpu.core_type = #tpu.core_type<sc_vector_subcore>, window_params = [{transform_indices = #map}, {transform_indices = #map1}, {transform_indices = #map1}, {transform_indices = #map}]} {
    %mul3A = arith.constant 2 : i32
    %mul3A_0 = arith.muli %arg1, %mul3A : i32
    %add3A = arith.addi %mul3A_0, %arg0 : i32
    %mul3A_1 = arith.constant 256 : i32
    %mul3A_2 = arith.muli %add3A, %mul3A_1 : i32
    "tpu.region"() ({
      %run_scoped3A = tpu.sem_alloc : memref<!tpu.dma_semaphore, #tpu.memory_space<semaphore_mem>>
      %dma_start3A_94 = arith.constant 0 : i32
      %dma_start3A_95 = arith.constant 0 : i32
      %dma_start3A_96 = tpu.memref_slice %arg3[%add3A, %dma_start3A_94, %dma_start3A_95] : memref<32x64x4xi32, #tpu.memory_space<hbm>> -> memref<1x64x4xi32, #tpu.memory_space<hbm>>
      %dma_start3A_97 = tpu.memref_squeeze %dma_start3A_96 : memref<1x64x4xi32, #tpu.memory_space<hbm>> -> memref<64x4xi32, #tpu.memory_space<hbm>>
      %dma_start3A_98 = arith.constant 0 : i32
      %dma_start3A_99 = arith.constant 0 : i32
      %dma_start3A_100 = tpu.memref_slice %arg3[%add3A, %dma_start3A_98, %dma_start3A_99] : memref<32x64x4xi32, #tpu.memory_space<hbm>> -> memref<1x64x4xi32, #tpu.memory_space<hbm>>
      %dma_start3A_101 = tpu.memref_squeeze %dma_start3A_100 : memref<1x64x4xi32, #tpu.memory_space<hbm>> -> memref<64x4xi32, #tpu.memory_space<hbm>>
      tpu.enqueue_dma source(%dma_start3A_101 : memref<64x4xi32, #tpu.memory_space<hbm>>) target(%arg6 : memref<64x4xi32, #tpu.memory_space<vmem>>) target_semaphore(%run_scoped3A : memref<!tpu.dma_semaphore, #tpu.memory_space<semaphore_mem>>)
      %dma_wait3A_102 = arith.constant 0 : i32
      %dma_wait3A_103 = arith.constant 0 : i32
      %dma_wait3A_104 = tpu.memref_slice %arg3[%add3A, %dma_wait3A_102, %dma_wait3A_103] : memref<32x64x4xi32, #tpu.memory_space<hbm>> -> memref<1x64x4xi32, #tpu.memory_space<hbm>>
      %dma_wait3A_105 = tpu.memref_squeeze %dma_wait3A_104 : memref<1x64x4xi32, #tpu.memory_space<hbm>> -> memref<64x4xi32, #tpu.memory_space<hbm>>
      %dma_wait3A_106 = arith.constant 0 : i32
      %dma_wait3A_107 = arith.constant 0 : i32
      %dma_wait3A_108 = tpu.memref_slice %arg3[%add3A, %dma_wait3A_106, %dma_wait3A_107] : memref<32x64x4xi32, #tpu.memory_space<hbm>> -> memref<1x64x4xi32, #tpu.memory_space<hbm>>
      %dma_wait3A_109 = tpu.memref_squeeze %dma_wait3A_108 : memref<1x64x4xi32, #tpu.memory_space<hbm>> -> memref<64x4xi32, #tpu.memory_space<hbm>>
      tpu.wait_dma2 semaphore(%run_scoped3A : memref<!tpu.dma_semaphore, #tpu.memory_space<semaphore_mem>>) src(%dma_wait3A_109 : memref<64x4xi32, #tpu.memory_space<hbm>>) dst(%arg6 : memref<64x4xi32, #tpu.memory_space<vmem>>)
      tpu.yield
    }) : () -> ()
    "tpu.region"() ({
      %run_scoped3A = tpu.sem_alloc : memref<!tpu.dma_semaphore, #tpu.memory_space<semaphore_mem>>
      %dma_start3A_94 = arith.constant 0 : i32
      %dma_start3A_95 = arith.constant 0 : i32
      %dma_start3A_96 = tpu.memref_slice %arg4[%add3A, %dma_start3A_94, %dma_start3A_95] : memref<32x64x4xi32, #tpu.memory_space<hbm>> -> memref<1x64x4xi32, #tpu.memory_space<hbm>>
      %dma_start3A_97 = tpu.memref_squeeze %dma_start3A_96 : memref<1x64x4xi32, #tpu.memory_space<hbm>> -> memref<64x4xi32, #tpu.memory_space<hbm>>
      %dma_start3A_98 = arith.constant 0 : i32
      %dma_start3A_99 = arith.constant 0 : i32
      %dma_start3A_100 = tpu.memref_slice %arg4[%add3A, %dma_start3A_98, %dma_start3A_99] : memref<32x64x4xi32, #tpu.memory_space<hbm>> -> memref<1x64x4xi32, #tpu.memory_space<hbm>>
      %dma_start3A_101 = tpu.memref_squeeze %dma_start3A_100 : memref<1x64x4xi32, #tpu.memory_space<hbm>> -> memref<64x4xi32, #tpu.memory_space<hbm>>
      tpu.enqueue_dma source(%dma_start3A_101 : memref<64x4xi32, #tpu.memory_space<hbm>>) target(%arg7 : memref<64x4xi32, #tpu.memory_space<vmem>>) target_semaphore(%run_scoped3A : memref<!tpu.dma_semaphore, #tpu.memory_space<semaphore_mem>>)
      %dma_wait3A_102 = arith.constant 0 : i32
      %dma_wait3A_103 = arith.constant 0 : i32
      %dma_wait3A_104 = tpu.memref_slice %arg4[%add3A, %dma_wait3A_102, %dma_wait3A_103] : memref<32x64x4xi32, #tpu.memory_space<hbm>> -> memref<1x64x4xi32, #tpu.memory_space<hbm>>
      %dma_wait3A_105 = tpu.memref_squeeze %dma_wait3A_104 : memref<1x64x4xi32, #tpu.memory_space<hbm>> -> memref<64x4xi32, #tpu.memory_space<hbm>>
      %dma_wait3A_106 = arith.constant 0 : i32
      %dma_wait3A_107 = arith.constant 0 : i32
      %dma_wait3A_108 = tpu.memref_slice %arg4[%add3A, %dma_wait3A_106, %dma_wait3A_107] : memref<32x64x4xi32, #tpu.memory_space<hbm>> -> memref<1x64x4xi32, #tpu.memory_space<hbm>>
      %dma_wait3A_109 = tpu.memref_squeeze %dma_wait3A_108 : memref<1x64x4xi32, #tpu.memory_space<hbm>> -> memref<64x4xi32, #tpu.memory_space<hbm>>
      tpu.wait_dma2 semaphore(%run_scoped3A : memref<!tpu.dma_semaphore, #tpu.memory_space<semaphore_mem>>) src(%dma_wait3A_109 : memref<64x4xi32, #tpu.memory_space<hbm>>) dst(%arg7 : memref<64x4xi32, #tpu.memory_space<vmem>>)
      tpu.yield
    }) : () -> ()
    %dma_start3A = arith.constant 0 : i32
    %dma_start3A_3 = arith.constant 0 : i32
    %dma_start3A_4 = tpu.memref_slice %arg6[%dma_start3A, %dma_start3A_3] : memref<64x4xi32, #tpu.memory_space<vmem>> -> memref<1x4xi32, #tpu.memory_space<vmem>>
    %dma_start3A_5 = tpu.memref_squeeze %dma_start3A_4 : memref<1x4xi32, #tpu.memory_space<vmem>> -> memref<4xi32, #tpu.memory_space<vmem>>
    %dma_start3A_6 = arith.constant 0 : i32
    %dma_start3A_7 = arith.constant 0 : i32
    %dma_start3A_8 = tpu.memref_slice %arg2[%dma_start3A_6, %dma_start3A_7] : memref<18432x2048xf32, #tpu.memory_space<hbm>> -> memref<18432x2048xf32, #tpu.memory_space<hbm>>
    tpu.enqueue_indirect_dma source(%dma_start3A_8 : memref<18432x2048xf32, #tpu.memory_space<hbm>>) target(%arg8 : memref<4x2048xf32, #tpu.memory_space<vmem>>) offsets(%dma_start3A_5 : memref<4xi32, #tpu.memory_space<vmem>>) semaphore(%arg20 : memref<!tpu.dma_semaphore, #tpu.memory_space<semaphore_mem>>)
    %dma_start3A_9 = arith.constant 0 : i32
    %dma_start3A_10 = arith.constant 0 : i32
    %dma_start3A_11 = tpu.memref_slice %arg7[%dma_start3A_9, %dma_start3A_10] : memref<64x4xi32, #tpu.memory_space<vmem>> -> memref<1x4xi32, #tpu.memory_space<vmem>>
    %dma_start3A_12 = tpu.memref_squeeze %dma_start3A_11 : memref<1x4xi32, #tpu.memory_space<vmem>> -> memref<4xi32, #tpu.memory_space<vmem>>
    %dma_start3A_13 = arith.constant 0 : i32
    %dma_start3A_14 = arith.constant 0 : i32
    %dma_start3A_15 = tpu.memref_slice %arg2[%dma_start3A_13, %dma_start3A_14] : memref<18432x2048xf32, #tpu.memory_space<hbm>> -> memref<18432x2048xf32, #tpu.memory_space<hbm>>
    tpu.enqueue_indirect_dma source(%dma_start3A_15 : memref<18432x2048xf32, #tpu.memory_space<hbm>>) target(%arg16 : memref<4x2048xf32, #tpu.memory_space<vmem>>) offsets(%dma_start3A_12 : memref<4xi32, #tpu.memory_space<vmem>>) semaphore(%arg28 : memref<!tpu.dma_semaphore, #tpu.memory_space<semaphore_mem>>)
    %dma_start3A_16 = arith.constant 1 : i32
    %dma_start3A_17 = arith.constant 0 : i32
    %dma_start3A_18 = tpu.memref_slice %arg6[%dma_start3A_16, %dma_start3A_17] : memref<64x4xi32, #tpu.memory_space<vmem>> -> memref<1x4xi32, #tpu.memory_space<vmem>>
    %dma_start3A_19 = tpu.memref_squeeze %dma_start3A_18 : memref<1x4xi32, #tpu.memory_space<vmem>> -> memref<4xi32, #tpu.memory_space<vmem>>
    %dma_start3A_20 = arith.constant 0 : i32
    %dma_start3A_21 = arith.constant 0 : i32
    %dma_start3A_22 = tpu.memref_slice %arg2[%dma_start3A_20, %dma_start3A_21] : memref<18432x2048xf32, #tpu.memory_space<hbm>> -> memref<18432x2048xf32, #tpu.memory_space<hbm>>
    tpu.enqueue_indirect_dma source(%dma_start3A_22 : memref<18432x2048xf32, #tpu.memory_space<hbm>>) target(%arg9 : memref<4x2048xf32, #tpu.memory_space<vmem>>) offsets(%dma_start3A_19 : memref<4xi32, #tpu.memory_space<vmem>>) semaphore(%arg21 : memref<!tpu.dma_semaphore, #tpu.memory_space<semaphore_mem>>)
    %dma_start3A_23 = arith.constant 1 : i32
    %dma_start3A_24 = arith.constant 0 : i32
    %dma_start3A_25 = tpu.memref_slice %arg7[%dma_start3A_23, %dma_start3A_24] : memref<64x4xi32, #tpu.memory_space<vmem>> -> memref<1x4xi32, #tpu.memory_space<vmem>>
    %dma_start3A_26 = tpu.memref_squeeze %dma_start3A_25 : memref<1x4xi32, #tpu.memory_space<vmem>> -> memref<4xi32, #tpu.memory_space<vmem>>
    %dma_start3A_27 = arith.constant 0 : i32
    %dma_start3A_28 = arith.constant 0 : i32
    %dma_start3A_29 = tpu.memref_slice %arg2[%dma_start3A_27, %dma_start3A_28] : memref<18432x2048xf32, #tpu.memory_space<hbm>> -> memref<18432x2048xf32, #tpu.memory_space<hbm>>
    tpu.enqueue_indirect_dma source(%dma_start3A_29 : memref<18432x2048xf32, #tpu.memory_space<hbm>>) target(%arg17 : memref<4x2048xf32, #tpu.memory_space<vmem>>) offsets(%dma_start3A_26 : memref<4xi32, #tpu.memory_space<vmem>>) semaphore(%arg29 : memref<!tpu.dma_semaphore, #tpu.memory_space<semaphore_mem>>)
    %dma_start3A_30 = arith.constant 2 : i32
    %dma_start3A_31 = arith.constant 0 : i32
    %dma_start3A_32 = tpu.memref_slice %arg6[%dma_start3A_30, %dma_start3A_31] : memref<64x4xi32, #tpu.memory_space<vmem>> -> memref<1x4xi32, #tpu.memory_space<vmem>>
    %dma_start3A_33 = tpu.memref_squeeze %dma_start3A_32 : memref<1x4xi32, #tpu.memory_space<vmem>> -> memref<4xi32, #tpu.memory_space<vmem>>
    %dma_start3A_34 = arith.constant 0 : i32
    %dma_start3A_35 = arith.constant 0 : i32
    %dma_start3A_36 = tpu.memref_slice %arg2[%dma_start3A_34, %dma_start3A_35] : memref<18432x2048xf32, #tpu.memory_space<hbm>> -> memref<18432x2048xf32, #tpu.memory_space<hbm>>
    tpu.enqueue_indirect_dma source(%dma_start3A_36 : memref<18432x2048xf32, #tpu.memory_space<hbm>>) target(%arg10 : memref<4x2048xf32, #tpu.memory_space<vmem>>) offsets(%dma_start3A_33 : memref<4xi32, #tpu.memory_space<vmem>>) semaphore(%arg22 : memref<!tpu.dma_semaphore, #tpu.memory_space<semaphore_mem>>)
    %dma_start3A_37 = arith.constant 2 : i32
    %dma_start3A_38 = arith.constant 0 : i32
    %dma_start3A_39 = tpu.memref_slice %arg7[%dma_start3A_37, %dma_start3A_38] : memref<64x4xi32, #tpu.memory_space<vmem>> -> memref<1x4xi32, #tpu.memory_space<vmem>>
    %dma_start3A_40 = tpu.memref_squeeze %dma_start3A_39 : memref<1x4xi32, #tpu.memory_space<vmem>> -> memref<4xi32, #tpu.memory_space<vmem>>
    %dma_start3A_41 = arith.constant 0 : i32
    %dma_start3A_42 = arith.constant 0 : i32
    %dma_start3A_43 = tpu.memref_slice %arg2[%dma_start3A_41, %dma_start3A_42] : memref<18432x2048xf32, #tpu.memory_space<hbm>> -> memref<18432x2048xf32, #tpu.memory_space<hbm>>
    tpu.enqueue_indirect_dma source(%dma_start3A_43 : memref<18432x2048xf32, #tpu.memory_space<hbm>>) target(%arg18 : memref<4x2048xf32, #tpu.memory_space<vmem>>) offsets(%dma_start3A_40 : memref<4xi32, #tpu.memory_space<vmem>>) semaphore(%arg30 : memref<!tpu.dma_semaphore, #tpu.memory_space<semaphore_mem>>)
    %dma_start3A_44 = arith.constant 3 : i32
    %dma_start3A_45 = arith.constant 0 : i32
    %dma_start3A_46 = tpu.memref_slice %arg6[%dma_start3A_44, %dma_start3A_45] : memref<64x4xi32, #tpu.memory_space<vmem>> -> memref<1x4xi32, #tpu.memory_space<vmem>>
    %dma_start3A_47 = tpu.memref_squeeze %dma_start3A_46 : memref<1x4xi32, #tpu.memory_space<vmem>> -> memref<4xi32, #tpu.memory_space<vmem>>
    %dma_start3A_48 = arith.constant 0 : i32
    %dma_start3A_49 = arith.constant 0 : i32
    %dma_start3A_50 = tpu.memref_slice %arg2[%dma_start3A_48, %dma_start3A_49] : memref<18432x2048xf32, #tpu.memory_space<hbm>> -> memref<18432x2048xf32, #tpu.memory_space<hbm>>
    tpu.enqueue_indirect_dma source(%dma_start3A_50 : memref<18432x2048xf32, #tpu.memory_space<hbm>>) target(%arg11 : memref<4x2048xf32, #tpu.memory_space<vmem>>) offsets(%dma_start3A_47 : memref<4xi32, #tpu.memory_space<vmem>>) semaphore(%arg23 : memref<!tpu.dma_semaphore, #tpu.memory_space<semaphore_mem>>)
    %dma_start3A_51 = arith.constant 3 : i32
    %dma_start3A_52 = arith.constant 0 : i32
    %dma_start3A_53 = tpu.memref_slice %arg7[%dma_start3A_51, %dma_start3A_52] : memref<64x4xi32, #tpu.memory_space<vmem>> -> memref<1x4xi32, #tpu.memory_space<vmem>>
    %dma_start3A_54 = tpu.memref_squeeze %dma_start3A_53 : memref<1x4xi32, #tpu.memory_space<vmem>> -> memref<4xi32, #tpu.memory_space<vmem>>
    %dma_start3A_55 = arith.constant 0 : i32
    %dma_start3A_56 = arith.constant 0 : i32
    %dma_start3A_57 = tpu.memref_slice %arg2[%dma_start3A_55, %dma_start3A_56] : memref<18432x2048xf32, #tpu.memory_space<hbm>> -> memref<18432x2048xf32, #tpu.memory_space<hbm>>
    tpu.enqueue_indirect_dma source(%dma_start3A_57 : memref<18432x2048xf32, #tpu.memory_space<hbm>>) target(%arg19 : memref<4x2048xf32, #tpu.memory_space<vmem>>) offsets(%dma_start3A_54 : memref<4xi32, #tpu.memory_space<vmem>>) semaphore(%arg31 : memref<!tpu.dma_semaphore, #tpu.memory_space<semaphore_mem>>)
    %scan3A = arith.constant 0 : i32
    %scan3A_58 = arith.constant 0 : i32
    %scan3A_59 = arith.constant 8 : i32
    %scan3A_60 = arith.addi %scan3A_58, %scan3A_59 : i32
    %scan3A_61 = arith.constant 1 : i32
    scf.for %scan3A_94 = %scan3A_58 to %scan3A_60 step %scan3A_61  : i32 {
      %mul3A_95 = arith.constant 8 : i32
      %mul3A_96 = arith.muli %scan3A_94, %mul3A_95 : i32
      %add3A_97 = arith.constant 0 : i32
      %add3A_98 = arith.addi %mul3A_96, %add3A_97 : i32
      %dma_wait3A_99 = arith.constant 0 : i32
      %dma_wait3A_100 = arith.constant 0 : i32
      %dma_wait3A_101 = tpu.memref_slice %arg2[%dma_wait3A_99, %dma_wait3A_100] : memref<18432x2048xf32, #tpu.memory_space<hbm>> -> memref<4x2048xf32, #tpu.memory_space<hbm>>
      %dma_wait3A_102 = arith.constant 0 : i32
      %dma_wait3A_103 = arith.constant 0 : i32
      %dma_wait3A_104 = tpu.memref_slice %arg2[%dma_wait3A_102, %dma_wait3A_103] : memref<18432x2048xf32, #tpu.memory_space<hbm>> -> memref<4x2048xf32, #tpu.memory_space<hbm>>
      tpu.wait_dma2 semaphore(%arg20 : memref<!tpu.dma_semaphore, #tpu.memory_space<semaphore_mem>>) src(%dma_wait3A_104 : memref<4x2048xf32, #tpu.memory_space<hbm>>) dst(%arg8 : memref<4x2048xf32, #tpu.memory_space<vmem>>)
      %dma_wait3A_105 = arith.constant 0 : i32
      %dma_wait3A_106 = arith.constant 0 : i32
      %dma_wait3A_107 = tpu.memref_slice %arg2[%dma_wait3A_105, %dma_wait3A_106] : memref<18432x2048xf32, #tpu.memory_space<hbm>> -> memref<4x2048xf32, #tpu.memory_space<hbm>>
      %dma_wait3A_108 = arith.constant 0 : i32
      %dma_wait3A_109 = arith.constant 0 : i32
      %dma_wait3A_110 = tpu.memref_slice %arg2[%dma_wait3A_108, %dma_wait3A_109] : memref<18432x2048xf32, #tpu.memory_space<hbm>> -> memref<4x2048xf32, #tpu.memory_space<hbm>>
      tpu.wait_dma2 semaphore(%arg28 : memref<!tpu.dma_semaphore, #tpu.memory_space<semaphore_mem>>) src(%dma_wait3A_110 : memref<4x2048xf32, #tpu.memory_space<hbm>>) dst(%arg16 : memref<4x2048xf32, #tpu.memory_space<vmem>>)
      %scan3A_111 = arith.constant 0 : i32
      %scan3A_112 = arith.constant 0 : i32
      %scan3A_113 = arith.constant 4 : i32
      %scan3A_114 = arith.addi %scan3A_112, %scan3A_113 : i32
      %scan3A_115 = arith.constant 1 : i32
      scf.for %scan3A_366 = %scan3A_112 to %scan3A_114 step %scan3A_115  : i32 {
        %scan3A_367 = arith.constant 0 : i32
        %scan3A_368 = arith.constant 16 : i32
        %scan3A_369 = arith.addi %scan3A_367, %scan3A_368 : i32
        %scan3A_370 = arith.constant 1 : i32
        scf.for %scan3A_372 = %scan3A_367 to %scan3A_369 step %scan3A_370  : i32 {
          %mul3A_373 = arith.constant 8 : i32
          %mul3A_374 = arith.muli %scan3A_372, %mul3A_373 : i32
          %add3A_375 = arith.constant 0 : i32
          %add3A_376 = arith.addi %mul3A_374, %add3A_375 : i32
          %mul3A_377 = arith.constant 16 : i32
          %mul3A_378 = arith.muli %add3A_376, %mul3A_377 : i32
          %get3A = arith.index_cast %scan3A_366 : i32 to index
          %get3A_379 = arith.index_cast %mul3A_378 : i32 to index
          %get3A_380 = tpu.vector_load %arg16[%get3A, %get3A_379] {strides = array<i32>} : memref<4x2048xf32, #tpu.memory_space<vmem>>, vector<1x16xf32>,
          %get3A_381 = vector.shape_cast %get3A_380 : vector<1x16xf32> to vector<16xf32>
          %swap3A = arith.index_cast %scan3A_366 : i32 to index
          %swap3A_382 = arith.index_cast %mul3A_378 : i32 to index
          %swap3A_383 = tpu.vector_load %arg8[%swap3A, %swap3A_382] {strides = array<i32>} : memref<4x2048xf32, #tpu.memory_space<vmem>>, vector<1x16xf32>,
          %swap3A_384 = vector.shape_cast %swap3A_383 : vector<1x16xf32> to vector<16xf32>
          %swap3A_385 = vector.shape_cast %get3A_381 : vector<16xf32> to vector<1x16xf32>
          tpu.vector_store %arg8[%swap3A, %swap3A_382], %swap3A_385 {add = true, strides = array<i32>} : memref<4x2048xf32, #tpu.memory_space<vmem>>, vector<1x16xf32>,
          %mul3A_386 = arith.constant 8 : i32
          %mul3A_387 = arith.muli %scan3A_372, %mul3A_386 : i32
          %add3A_388 = arith.constant 1 : i32
          %add3A_389 = arith.addi %mul3A_387, %add3A_388 : i32
          %mul3A_390 = arith.constant 16 : i32
          %mul3A_391 = arith.muli %add3A_389, %mul3A_390 : i32
          %get3A_392 = arith.index_cast %scan3A_366 : i32 to index
          %get3A_393 = arith.index_cast %mul3A_391 : i32 to index
          %get3A_394 = tpu.vector_load %arg16[%get3A_392, %get3A_393] {strides = array<i32>} : memref<4x2048xf32, #tpu.memory_space<vmem>>, vector<1x16xf32>,
          %get3A_395 = vector.shape_cast %get3A_394 : vector<1x16xf32> to vector<16xf32>
          %swap3A_396 = arith.index_cast %scan3A_366 : i32 to index
          %swap3A_397 = arith.index_cast %mul3A_391 : i32 to index
          %swap3A_398 = tpu.vector_load %arg8[%swap3A_396, %swap3A_397] {strides = array<i32>} : memref<4x2048xf32, #tpu.memory_space<vmem>>, vector<1x16xf32>,
          %swap3A_399 = vector.shape_cast %swap3A_398 : vector<1x16xf32> to vector<16xf32>
          %swap3A_400 = vector.shape_cast %get3A_395 : vector<16xf32> to vector<1x16xf32>
          tpu.vector_store %arg8[%swap3A_396, %swap3A_397], %swap3A_400 {add = true, strides = array<i32>} : memref<4x2048xf32, #tpu.memory_space<vmem>>, vector<1x16xf32>,
          %mul3A_401 = arith.constant 8 : i32
          %mul3A_402 = arith.muli %scan3A_372, %mul3A_401 : i32
          %add3A_403 = arith.constant 2 : i32
          %add3A_404 = arith.addi %mul3A_402, %add3A_403 : i32
          %mul3A_405 = arith.constant 16 : i32
          %mul3A_406 = arith.muli %add3A_404, %mul3A_405 : i32
          %get3A_407 = arith.index_cast %scan3A_366 : i32 to index
          %get3A_408 = arith.index_cast %mul3A_406 : i32 to index
          %get3A_409 = tpu.vector_load %arg16[%get3A_407, %get3A_408] {strides = array<i32>} : memref<4x2048xf32, #tpu.memory_space<vmem>>, vector<1x16xf32>,
          %get3A_410 = vector.shape_cast %get3A_409 : vector<1x16xf32> to vector<16xf32>
          %swap3A_411 = arith.index_cast %scan3A_366 : i32 to index
          %swap3A_412 = arith.index_cast %mul3A_406 : i32 to index
          %swap3A_413 = tpu.vector_load %arg8[%swap3A_411, %swap3A_412] {strides = array<i32>} : memref<4x2048xf32, #tpu.memory_space<vmem>>, vector<1x16xf32>,
          %swap3A_414 = vector.shape_cast %swap3A_413 : vector<1x16xf32> to vector<16xf32>
          %swap3A_415 = vector.shape_cast %get3A_410 : vector<16xf32> to vector<1x16xf32>
          tpu.vector_store %arg8[%swap3A_411, %swap3A_412], %swap3A_415 {add = true, strides = array<i32>} : memref<4x2048xf32, #tpu.memory_space<vmem>>, vector<1x16xf32>,
          %mul3A_416 = arith.constant 8 : i32
          %mul3A_417 = arith.muli %scan3A_372, %mul3A_416 : i32
          %add3A_418 = arith.constant 3 : i32
          %add3A_419 = arith.addi %mul3A_417, %add3A_418 : i32
          %mul3A_420 = arith.constant 16 : i32
          %mul3A_421 = arith.muli %add3A_419, %mul3A_420 : i32
          %get3A_422 = arith.index_cast %scan3A_366 : i32 to index
          %get3A_423 = arith.index_cast %mul3A_421 : i32 to index
          %get3A_424 = tpu.vector_load %arg16[%get3A_422, %get3A_423] {strides = array<i32>} : memref<4x2048xf32, #tpu.memory_space<vmem>>, vector<1x16xf32>,
          %get3A_425 = vector.shape_cast %get3A_424 : vector<1x16xf32> to vector<16xf32>
          %swap3A_426 = arith.index_cast %scan3A_366 : i32 to index
          %swap3A_427 = arith.index_cast %mul3A_421 : i32 to index
          %swap3A_428 = tpu.vector_load %arg8[%swap3A_426, %swap3A_427] {strides = array<i32>} : memref<4x2048xf32, #tpu.memory_space<vmem>>, vector<1x16xf32>,
          %swap3A_429 = vector.shape_cast %swap3A_428 : vector<1x16xf32> to vector<16xf32>
          %swap3A_430 = vector.shape_cast %get3A_425 : vector<16xf32> to vector<1x16xf32>
          tpu.vector_store %arg8[%swap3A_426, %swap3A_427], %swap3A_430 {add = true, strides = array<i32>} : memref<4x2048xf32, #tpu.memory_space<vmem>>, vector<1x16xf32>,
          %mul3A_431 = arith.constant 8 : i32
          %mul3A_432 = arith.muli %scan3A_372, %mul3A_431 : i32
          %add3A_433 = arith.constant 4 : i32
          %add3A_434 = arith.addi %mul3A_432, %add3A_433 : i32
          %mul3A_435 = arith.constant 16 : i32
          %mul3A_436 = arith.muli %add3A_434, %mul3A_435 : i32
          %get3A_437 = arith.index_cast %scan3A_366 : i32 to index
          %get3A_438 = arith.index_cast %mul3A_436 : i32 to index
          %get3A_439 = tpu.vector_load %arg16[%get3A_437, %get3A_438] {strides = array<i32>} : memref<4x2048xf32, #tpu.memory_space<vmem>>, vector<1x16xf32>,
          %get3A_440 = vector.shape_cast %get3A_439 : vector<1x16xf32> to vector<16xf32>
          %swap3A_441 = arith.index_cast %scan3A_366 : i32 to index
          %swap3A_442 = arith.index_cast %mul3A_436 : i32 to index
          %swap3A_443 = tpu.vector_load %arg8[%swap3A_441, %swap3A_442] {strides = array<i32>} : memref<4x2048xf32, #tpu.memory_space<vmem>>, vector<1x16xf32>,
          %swap3A_444 = vector.shape_cast %swap3A_443 : vector<1x16xf32> to vector<16xf32>
          %swap3A_445 = vector.shape_cast %get3A_440 : vector<16xf32> to vector<1x16xf32>
          tpu.vector_store %arg8[%swap3A_441, %swap3A_442], %swap3A_445 {add = true, strides = array<i32>} : memref<4x2048xf32, #tpu.memory_space<vmem>>, vector<1x16xf32>,
          %mul3A_446 = arith.constant 8 : i32
          %mul3A_447 = arith.muli %scan3A_372, %mul3A_446 : i32
          %add3A_448 = arith.constant 5 : i32
          %add3A_449 = arith.addi %mul3A_447, %add3A_448 : i32
          %mul3A_450 = arith.constant 16 : i32
          %mul3A_451 = arith.muli %add3A_449, %mul3A_450 : i32
          %get3A_452 = arith.index_cast %scan3A_366 : i32 to index
          %get3A_453 = arith.index_cast %mul3A_451 : i32 to index
          %get3A_454 = tpu.vector_load %arg16[%get3A_452, %get3A_453] {strides = array<i32>} : memref<4x2048xf32, #tpu.memory_space<vmem>>, vector<1x16xf32>,
          %get3A_455 = vector.shape_cast %get3A_454 : vector<1x16xf32> to vector<16xf32>
          %swap3A_456 = arith.index_cast %scan3A_366 : i32 to index
          %swap3A_457 = arith.index_cast %mul3A_451 : i32 to index
          %swap3A_458 = tpu.vector_load %arg8[%swap3A_456, %swap3A_457] {strides = array<i32>} : memref<4x2048xf32, #tpu.memory_space<vmem>>, vector<1x16xf32>,
          %swap3A_459 = vector.shape_cast %swap3A_458 : vector<1x16xf32> to vector<16xf32>
          %swap3A_460 = vector.shape_cast %get3A_455 : vector<16xf32> to vector<1x16xf32>
          tpu.vector_store %arg8[%swap3A_456, %swap3A_457], %swap3A_460 {add = true, strides = array<i32>} : memref<4x2048xf32, #tpu.memory_space<vmem>>, vector<1x16xf32>,
          %mul3A_461 = arith.constant 8 : i32
          %mul3A_462 = arith.muli %scan3A_372, %mul3A_461 : i32
          %add3A_463 = arith.constant 6 : i32
          %add3A_464 = arith.addi %mul3A_462, %add3A_463 : i32
          %mul3A_465 = arith.constant 16 : i32
          %mul3A_466 = arith.muli %add3A_464, %mul3A_465 : i32
          %get3A_467 = arith.index_cast %scan3A_366 : i32 to index
          %get3A_468 = arith.index_cast %mul3A_466 : i32 to index
          %get3A_469 = tpu.vector_load %arg16[%get3A_467, %get3A_468] {strides = array<i32>} : memref<4x2048xf32, #tpu.memory_space<vmem>>, vector<1x16xf32>,
          %get3A_470 = vector.shape_cast %get3A_469 : vector<1x16xf32> to vector<16xf32>
          %swap3A_471 = arith.index_cast %scan3A_366 : i32 to index
          %swap3A_472 = arith.index_cast %mul3A_466 : i32 to index
          %swap3A_473 = tpu.vector_load %arg8[%swap3A_471, %swap3A_472] {strides = array<i32>} : memref<4x2048xf32, #tpu.memory_space<vmem>>, vector<1x16xf32>,
          %swap3A_474 = vector.shape_cast %swap3A_473 : vector<1x16xf32> to vector<16xf32>
          %swap3A_475 = vector.shape_cast %get3A_470 : vector<16xf32> to vector<1x16xf32>
          tpu.vector_store %arg8[%swap3A_471, %swap3A_472], %swap3A_475 {add = true, strides = array<i32>} : memref<4x2048xf32, #tpu.memory_space<vmem>>, vector<1x16xf32>,
          %mul3A_476 = arith.constant 8 : i32
          %mul3A_477 = arith.muli %scan3A_372, %mul3A_476 : i32
          %add3A_478 = arith.constant 7 : i32
          %add3A_479 = arith.addi %mul3A_477, %add3A_478 : i32
          %mul3A_480 = arith.constant 16 : i32
          %mul3A_481 = arith.muli %add3A_479, %mul3A_480 : i32
          %get3A_482 = arith.index_cast %scan3A_366 : i32 to index
          %get3A_483 = arith.index_cast %mul3A_481 : i32 to index
          %get3A_484 = tpu.vector_load %arg16[%get3A_482, %get3A_483] {strides = array<i32>} : memref<4x2048xf32, #tpu.memory_space<vmem>>, vector<1x16xf32>,
          %get3A_485 = vector.shape_cast %get3A_484 : vector<1x16xf32> to vector<16xf32>
          %swap3A_486 = arith.index_cast %scan3A_366 : i32 to index
          %swap3A_487 = arith.index_cast %mul3A_481 : i32 to index
          %swap3A_488 = tpu.vector_load %arg8[%swap3A_486, %swap3A_487] {strides = array<i32>} : memref<4x2048xf32, #tpu.memory_space<vmem>>, vector<1x16xf32>,
          %swap3A_489 = vector.shape_cast %swap3A_488 : vector<1x16xf32> to vector<16xf32>
          %swap3A_490 = vector.shape_cast %get3A_485 : vector<16xf32> to vector<1x16xf32>
          tpu.vector_store %arg8[%swap3A_486, %swap3A_487], %swap3A_490 {add = true, strides = array<i32>} : memref<4x2048xf32, #tpu.memory_space<vmem>>, vector<1x16xf32>,
        }
        %scan3A_371 = arith.constant 16 : i32
      }
      %scan3A_116 = arith.constant 4 : i32
      %mul3A_117 = arith.constant 4 : i32
      %mul3A_118 = arith.muli %add3A_98, %mul3A_117 : i32
      %add3A_119 = arith.addi %mul3A_2, %mul3A_118 : i32
      %dma_start3A_120 = arith.constant 0 : i32
      %dma_start3A_121 = tpu.memref_slice %arg5[%add3A_119, %dma_start3A_120] : memref<8192x2048xf32, #tpu.memory_space<hbm>> -> memref<4x2048xf32, #tpu.memory_space<hbm>>
      %dma_start3A_122 = arith.constant 0 : i32
      %dma_start3A_123 = tpu.memref_slice %arg5[%add3A_119, %dma_start3A_122] : memref<8192x2048xf32, #tpu.memory_space<hbm>> -> memref<4x2048xf32, #tpu.memory_space<hbm>>
      tpu.enqueue_dma source(%arg8 : memref<4x2048xf32, #tpu.memory_space<vmem>>) target(%dma_start3A_123 : memref<4x2048xf32, #tpu.memory_space<hbm>>) target_semaphore(%arg32 : memref<!tpu.dma_semaphore, #tpu.memory_space<semaphore_mem>>)
      %add3A_124 = arith.constant 4 : i32
      %add3A_125 = arith.addi %add3A_98, %add3A_124 : i32
      %lt3A = arith.constant 64 : i32
      %lt3A_126 = arith.cmpi slt, %add3A_125, %lt3A : i32
      %convert_element_type3A = arith.extui %lt3A_126 : i1 to i32
      %cond3A = arith.constant 0 : i32
      %cond3A_127 = arith.cmpi ne, %convert_element_type3A, %cond3A : i32
      scf.if %cond3A_127 {
        %ge3A = arith.constant 4 : i32
        %ge3A_366 = arith.cmpi sge, %add3A_98, %ge3A : i32
        %convert_element_type3A_367 = arith.extui %ge3A_366 : i1 to i32
        %cond3A_368 = arith.constant 0 : i32
        %cond3A_369 = arith.cmpi ne, %convert_element_type3A_367, %cond3A_368 : i32
        scf.if %cond3A_369 {
          %dma_wait3A_386 = arith.constant 0 : i32
          %dma_wait3A_387 = tpu.memref_slice %arg5[%mul3A_2, %dma_wait3A_386] : memref<8192x2048xf32, #tpu.memory_space<hbm>> -> memref<4x2048xf32, #tpu.memory_space<hbm>>
          %dma_wait3A_388 = arith.constant 0 : i32
          %dma_wait3A_389 = tpu.memref_slice %arg5[%mul3A_2, %dma_wait3A_388] : memref<8192x2048xf32, #tpu.memory_space<hbm>> -> memref<4x2048xf32, #tpu.memory_space<hbm>>
          tpu.wait_dma2 semaphore(%arg36 : memref<!tpu.dma_semaphore, #tpu.memory_space<semaphore_mem>>) src(%arg12 : memref<4x2048xf32, #tpu.memory_space<vmem>>) dst(%dma_wait3A_389 : memref<4x2048xf32, #tpu.memory_space<hbm>>)
        } else {
        }
        %add3A_370 = arith.constant 4 : i32
        %add3A_371 = arith.addi %add3A_98, %add3A_370 : i32
        %dma_start3A_372 = arith.constant 0 : i32
        %dma_start3A_373 = tpu.memref_slice %arg6[%add3A_371, %dma_start3A_372] : memref<64x4xi32, #tpu.memory_space<vmem>> -> memref<1x4xi32, #tpu.memory_space<vmem>>
        %dma_start3A_374 = tpu.memref_squeeze %dma_start3A_373 : memref<1x4xi32, #tpu.memory_space<vmem>> -> memref<4xi32, #tpu.memory_space<vmem>>
        %dma_start3A_375 = arith.constant 0 : i32
        %dma_start3A_376 = arith.constant 0 : i32
        %dma_start3A_377 = tpu.memref_slice %arg2[%dma_start3A_375, %dma_start3A_376] : memref<18432x2048xf32, #tpu.memory_space<hbm>> -> memref<18432x2048xf32, #tpu.memory_space<hbm>>
        tpu.enqueue_indirect_dma source(%dma_start3A_377 : memref<18432x2048xf32, #tpu.memory_space<hbm>>) target(%arg12 : memref<4x2048xf32, #tpu.memory_space<vmem>>) offsets(%dma_start3A_374 : memref<4xi32, #tpu.memory_space<vmem>>) semaphore(%arg24 : memref<!tpu.dma_semaphore, #tpu.memory_space<semaphore_mem>>)
        %add3A_378 = arith.constant 4 : i32
        %add3A_379 = arith.addi %add3A_98, %add3A_378 : i32
        %dma_start3A_380 = arith.constant 0 : i32
        %dma_start3A_381 = tpu.memref_slice %arg7[%add3A_379, %dma_start3A_380] : memref<64x4xi32, #tpu.memory_space<vmem>> -> memref<1x4xi32, #tpu.memory_space<vmem>>
        %dma_start3A_382 = tpu.memref_squeeze %dma_start3A_381 : memref<1x4xi32, #tpu.memory_space<vmem>> -> memref<4xi32, #tpu.memory_space<vmem>>
        %dma_start3A_383 = arith.constant 0 : i32
        %dma_start3A_384 = arith.constant 0 : i32
        %dma_start3A_385 = tpu.memref_slice %arg2[%dma_start3A_383, %dma_start3A_384] : memref<18432x2048xf32, #tpu.memory_space<hbm>> -> memref<18432x2048xf32, #tpu.memory_space<hbm>>
        tpu.enqueue_indirect_dma source(%dma_start3A_385 : memref<18432x2048xf32, #tpu.memory_space<hbm>>) target(%arg16 : memref<4x2048xf32, #tpu.memory_space<vmem>>) offsets(%dma_start3A_382 : memref<4xi32, #tpu.memory_space<vmem>>) semaphore(%arg28 : memref<!tpu.dma_semaphore, #tpu.memory_space<semaphore_mem>>)
      } else {
      }
      %add3A_128 = arith.constant 1 : i32
      %add3A_129 = arith.addi %mul3A_96, %add3A_128 : i32
      %dma_wait3A_130 = arith.constant 0 : i32
      %dma_wait3A_131 = arith.constant 0 : i32
      %dma_wait3A_132 = tpu.memref_slice %arg2[%dma_wait3A_130, %dma_wait3A_131] : memref<18432x2048xf32, #tpu.memory_space<hbm>> -> memref<4x2048xf32, #tpu.memory_space<hbm>>
      %dma_wait3A_133 = arith.constant 0 : i32
      %dma_wait3A_134 = arith.constant 0 : i32
      %dma_wait3A_135 = tpu.memref_slice %arg2[%dma_wait3A_133, %dma_wait3A_134] : memref<18432x2048xf32, #tpu.memory_space<hbm>> -> memref<4x2048xf32, #tpu.memory_space<hbm>>
      tpu.wait_dma2 semaphore(%arg21 : memref<!tpu.dma_semaphore, #tpu.memory_space<semaphore_mem>>) src(%dma_wait3A_135 : memref<4x2048xf32, #tpu.memory_space<hbm>>) dst(%arg9 : memref<4x2048xf32, #tpu.memory_space<vmem>>)
      %dma_wait3A_136 = arith.constant 0 : i32
      %dma_wait3A_137 = arith.constant 0 : i32
      %dma_wait3A_138 = tpu.memref_slice %arg2[%dma_wait3A_136, %dma_wait3A_137] : memref<18432x2048xf32, #tpu.memory_space<hbm>> -> memref<4x2048xf32, #tpu.memory_space<hbm>>
      %dma_wait3A_139 = arith.constant 0 : i32
      %dma_wait3A_140 = arith.constant 0 : i32
      %dma_wait3A_141 = tpu.memref_slice %arg2[%dma_wait3A_139, %dma_wait3A_140] : memref<18432x2048xf32, #tpu.memory_space<hbm>> -> memref<4x2048xf32, #tpu.memory_space<hbm>>
      tpu.wait_dma2 semaphore(%arg29 : memref<!tpu.dma_semaphore, #tpu.memory_space<semaphore_mem>>) src(%dma_wait3A_141 : memref<4x2048xf32, #tpu.memory_space<hbm>>) dst(%arg17 : memref<4x2048xf32, #tpu.memory_space<vmem>>)
      %scan3A_142 = arith.constant 0 : i32
      %scan3A_143 = arith.constant 0 : i32
      %scan3A_144 = arith.constant 4 : i32
      %scan3A_145 = arith.addi %scan3A_143, %scan3A_144 : i32
      %scan3A_146 = arith.constant 1 : i32
      scf.for %scan3A_366 = %scan3A_143 to %scan3A_145 step %scan3A_146  : i32 {
        %scan3A_367 = arith.constant 0 : i32
        %scan3A_368 = arith.constant 16 : i32
        %scan3A_369 = arith.addi %scan3A_367, %scan3A_368 : i32
        %scan3A_370 = arith.constant 1 : i32
        scf.for %scan3A_372 = %scan3A_367 to %scan3A_369 step %scan3A_370  : i32 {
          %mul3A_373 = arith.constant 8 : i32
          %mul3A_374 = arith.muli %scan3A_372, %mul3A_373 : i32
          %add3A_375 = arith.constant 0 : i32
          %add3A_376 = arith.addi %mul3A_374, %add3A_375 : i32
          %mul3A_377 = arith.constant 16 : i32
          %mul3A_378 = arith.muli %add3A_376, %mul3A_377 : i32
          %get3A = arith.index_cast %scan3A_366 : i32 to index
          %get3A_379 = arith.index_cast %mul3A_378 : i32 to index
          %get3A_380 = tpu.vector_load %arg17[%get3A, %get3A_379] {strides = array<i32>} : memref<4x2048xf32, #tpu.memory_space<vmem>>, vector<1x16xf32>,
          %get3A_381 = vector.shape_cast %get3A_380 : vector<1x16xf32> to vector<16xf32>
          %swap3A = arith.index_cast %scan3A_366 : i32 to index
          %swap3A_382 = arith.index_cast %mul3A_378 : i32 to index
          %swap3A_383 = tpu.vector_load %arg9[%swap3A, %swap3A_382] {strides = array<i32>} : memref<4x2048xf32, #tpu.memory_space<vmem>>, vector<1x16xf32>,
          %swap3A_384 = vector.shape_cast %swap3A_383 : vector<1x16xf32> to vector<16xf32>
          %swap3A_385 = vector.shape_cast %get3A_381 : vector<16xf32> to vector<1x16xf32>
          tpu.vector_store %arg9[%swap3A, %swap3A_382], %swap3A_385 {add = true, strides = array<i32>} : memref<4x2048xf32, #tpu.memory_space<vmem>>, vector<1x16xf32>,
          %mul3A_386 = arith.constant 8 : i32
          %mul3A_387 = arith.muli %scan3A_372, %mul3A_386 : i32
          %add3A_388 = arith.constant 1 : i32
          %add3A_389 = arith.addi %mul3A_387, %add3A_388 : i32
          %mul3A_390 = arith.constant 16 : i32
          %mul3A_391 = arith.muli %add3A_389, %mul3A_390 : i32
          %get3A_392 = arith.index_cast %scan3A_366 : i32 to index
          %get3A_393 = arith.index_cast %mul3A_391 : i32 to index
          %get3A_394 = tpu.vector_load %arg17[%get3A_392, %get3A_393] {strides = array<i32>} : memref<4x2048xf32, #tpu.memory_space<vmem>>, vector<1x16xf32>,
          %get3A_395 = vector.shape_cast %get3A_394 : vector<1x16xf32> to vector<16xf32>
          %swap3A_396 = arith.index_cast %scan3A_366 : i32 to index
          %swap3A_397 = arith.index_cast %mul3A_391 : i32 to index
          %swap3A_398 = tpu.vector_load %arg9[%swap3A_396, %swap3A_397] {strides = array<i32>} : memref<4x2048xf32, #tpu.memory_space<vmem>>, vector<1x16xf32>,
          %swap3A_399 = vector.shape_cast %swap3A_398 : vector<1x16xf32> to vector<16xf32>
          %swap3A_400 = vector.shape_cast %get3A_395 : vector<16xf32> to vector<1x16xf32>
          tpu.vector_store %arg9[%swap3A_396, %swap3A_397], %swap3A_400 {add = true, strides = array<i32>} : memref<4x2048xf32, #tpu.memory_space<vmem>>, vector<1x16xf32>,
          %mul3A_401 = arith.constant 8 : i32
          %mul3A_402 = arith.muli %scan3A_372, %mul3A_401 : i32
          %add3A_403 = arith.constant 2 : i32
          %add3A_404 = arith.addi %mul3A_402, %add3A_403 : i32
          %mul3A_405 = arith.constant 16 : i32
          %mul3A_406 = arith.muli %add3A_404, %mul3A_405 : i32
          %get3A_407 = arith.index_cast %scan3A_366 : i32 to index
          %get3A_408 = arith.index_cast %mul3A_406 : i32 to index
          %get3A_409 = tpu.vector_load %arg17[%get3A_407, %get3A_408] {strides = array<i32>} : memref<4x2048xf32, #tpu.memory_space<vmem>>, vector<1x16xf32>,
          %get3A_410 = vector.shape_cast %get3A_409 : vector<1x16xf32> to vector<16xf32>
          %swap3A_411 = arith.index_cast %scan3A_366 : i32 to index
          %swap3A_412 = arith.index_cast %mul3A_406 : i32 to index
          %swap3A_413 = tpu.vector_load %arg9[%swap3A_411, %swap3A_412] {strides = array<i32>} : memref<4x2048xf32, #tpu.memory_space<vmem>>, vector<1x16xf32>,
          %swap3A_414 = vector.shape_cast %swap3A_413 : vector<1x16xf32> to vector<16xf32>
          %swap3A_415 = vector.shape_cast %get3A_410 : vector<16xf32> to vector<1x16xf32>
          tpu.vector_store %arg9[%swap3A_411, %swap3A_412], %swap3A_415 {add = true, strides = array<i32>} : memref<4x2048xf32, #tpu.memory_space<vmem>>, vector<1x16xf32>,
          %mul3A_416 = arith.constant 8 : i32
          %mul3A_417 = arith.muli %scan3A_372, %mul3A_416 : i32
          %add3A_418 = arith.constant 3 : i32
          %add3A_419 = arith.addi %mul3A_417, %add3A_418 : i32
          %mul3A_420 = arith.constant 16 : i32
          %mul3A_421 = arith.muli %add3A_419, %mul3A_420 : i32
          %get3A_422 = arith.index_cast %scan3A_366 : i32 to index
          %get3A_423 = arith.index_cast %mul3A_421 : i32 to index
          %get3A_424 = tpu.vector_load %arg17[%get3A_422, %get3A_423] {strides = array<i32>} : memref<4x2048xf32, #tpu.memory_space<vmem>>, vector<1x16xf32>,
          %get3A_425 = vector.shape_cast %get3A_424 : vector<1x16xf32> to vector<16xf32>
          %swap3A_426 = arith.index_cast %scan3A_366 : i32 to index
          %swap3A_427 = arith.index_cast %mul3A_421 : i32 to index
          %swap3A_428 = tpu.vector_load %arg9[%swap3A_426, %swap3A_427] {strides = array<i32>} : memref<4x2048xf32, #tpu.memory_space<vmem>>, vector<1x16xf32>,
          %swap3A_429 = vector.shape_cast %swap3A_428 : vector<1x16xf32> to vector<16xf32>
          %swap3A_430 = vector.shape_cast %get3A_425 : vector<16xf32> to vector<1x16xf32>
          tpu.vector_store %arg9[%swap3A_426, %swap3A_427], %swap3A_430 {add = true, strides = array<i32>} : memref<4x2048xf32, #tpu.memory_space<vmem>>, vector<1x16xf32>,
          %mul3A_431 = arith.constant 8 : i32
          %mul3A_432 = arith.muli %scan3A_372, %mul3A_431 : i32
          %add3A_433 = arith.constant 4 : i32
          %add3A_434 = arith.addi %mul3A_432, %add3A_433 : i32
          %mul3A_435 = arith.constant 16 : i32
          %mul3A_436 = arith.muli %add3A_434, %mul3A_435 : i32
          %get3A_437 = arith.index_cast %scan3A_366 : i32 to index
          %get3A_438 = arith.index_cast %mul3A_436 : i32 to index
          %get3A_439 = tpu.vector_load %arg17[%get3A_437, %get3A_438] {strides = array<i32>} : memref<4x2048xf32, #tpu.memory_space<vmem>>, vector<1x16xf32>,
          %get3A_440 = vector.shape_cast %get3A_439 : vector<1x16xf32> to vector<16xf32>
          %swap3A_441 = arith.index_cast %scan3A_366 : i32 to index
          %swap3A_442 = arith.index_cast %mul3A_436 : i32 to index
          %swap3A_443 = tpu.vector_load %arg9[%swap3A_441, %swap3A_442] {strides = array<i32>} : memref<4x2048xf32, #tpu.memory_space<vmem>>, vector<1x16xf32>,
          %swap3A_444 = vector.shape_cast %swap3A_443 : vector<1x16xf32> to vector<16xf32>
          %swap3A_445 = vector.shape_cast %get3A_440 : vector<16xf32> to vector<1x16xf32>
          tpu.vector_store %arg9[%swap3A_441, %swap3A_442], %swap3A_445 {add = true, strides = array<i32>} : memref<4x2048xf32, #tpu.memory_space<vmem>>, vector<1x16xf32>,
          %mul3A_446 = arith.constant 8 : i32
          %mul3A_447 = arith.muli %scan3A_372, %mul3A_446 : i32
          %add3A_448 = arith.constant 5 : i32
          %add3A_449 = arith.addi %mul3A_447, %add3A_448 : i32
          %mul3A_450 = arith.constant 16 : i32
          %mul3A_451 = arith.muli %add3A_449, %mul3A_450 : i32
          %get3A_452 = arith.index_cast %scan3A_366 : i32 to index
          %get3A_453 = arith.index_cast %mul3A_451 : i32 to index
          %get3A_454 = tpu.vector_load %arg17[%get3A_452, %get3A_453] {strides = array<i32>} : memref<4x2048xf32, #tpu.memory_space<vmem>>, vector<1x16xf32>,
          %get3A_455 = vector.shape_cast %get3A_454 : vector<1x16xf32> to vector<16xf32>
          %swap3A_456 = arith.index_cast %scan3A_366 : i32 to index
          %swap3A_457 = arith.index_cast %mul3A_451 : i32 to index
          %swap3A_458 = tpu.vector_load %arg9[%swap3A_456, %swap3A_457] {strides = array<i32>} : memref<4x2048xf32, #tpu.memory_space<vmem>>, vector<1x16xf32>,
          %swap3A_459 = vector.shape_cast %swap3A_458 : vector<1x16xf32> to vector<16xf32>
          %swap3A_460 = vector.shape_cast %get3A_455 : vector<16xf32> to vector<1x16xf32>
          tpu.vector_store %arg9[%swap3A_456, %swap3A_457], %swap3A_460 {add = true, strides = array<i32>} : memref<4x2048xf32, #tpu.memory_space<vmem>>, vector<1x16xf32>,
          %mul3A_461 = arith.constant 8 : i32
          %mul3A_462 = arith.muli %scan3A_372, %mul3A_461 : i32
          %add3A_463 = arith.constant 6 : i32
          %add3A_464 = arith.addi %mul3A_462, %add3A_463 : i32
          %mul3A_465 = arith.constant 16 : i32
          %mul3A_466 = arith.muli %add3A_464, %mul3A_465 : i32
          %get3A_467 = arith.index_cast %scan3A_366 : i32 to index
          %get3A_468 = arith.index_cast %mul3A_466 : i32 to index
          %get3A_469 = tpu.vector_load %arg17[%get3A_467, %get3A_468] {strides = array<i32>} : memref<4x2048xf32, #tpu.memory_space<vmem>>, vector<1x16xf32>,
          %get3A_470 = vector.shape_cast %get3A_469 : vector<1x16xf32> to vector<16xf32>
          %swap3A_471 = arith.index_cast %scan3A_366 : i32 to index
          %swap3A_472 = arith.index_cast %mul3A_466 : i32 to index
          %swap3A_473 = tpu.vector_load %arg9[%swap3A_471, %swap3A_472] {strides = array<i32>} : memref<4x2048xf32, #tpu.memory_space<vmem>>, vector<1x16xf32>,
          %swap3A_474 = vector.shape_cast %swap3A_473 : vector<1x16xf32> to vector<16xf32>
          %swap3A_475 = vector.shape_cast %get3A_470 : vector<16xf32> to vector<1x16xf32>
          tpu.vector_store %arg9[%swap3A_471, %swap3A_472], %swap3A_475 {add = true, strides = array<i32>} : memref<4x2048xf32, #tpu.memory_space<vmem>>, vector<1x16xf32>,
          %mul3A_476 = arith.constant 8 : i32
          %mul3A_477 = arith.muli %scan3A_372, %mul3A_476 : i32
          %add3A_478 = arith.constant 7 : i32
          %add3A_479 = arith.addi %mul3A_477, %add3A_478 : i32
          %mul3A_480 = arith.constant 16 : i32
          %mul3A_481 = arith.muli %add3A_479, %mul3A_480 : i32
          %get3A_482 = arith.index_cast %scan3A_366 : i32 to index
          %get3A_483 = arith.index_cast %mul3A_481 : i32 to index
          %get3A_484 = tpu.vector_load %arg17[%get3A_482, %get3A_483] {strides = array<i32>} : memref<4x2048xf32, #tpu.memory_space<vmem>>, vector<1x16xf32>,
          %get3A_485 = vector.shape_cast %get3A_484 : vector<1x16xf32> to vector<16xf32>
          %swap3A_486 = arith.index_cast %scan3A_366 : i32 to index
          %swap3A_487 = arith.index_cast %mul3A_481 : i32 to index
          %swap3A_488 = tpu.vector_load %arg9[%swap3A_486, %swap3A_487] {strides = array<i32>} : memref<4x2048xf32, #tpu.memory_space<vmem>>, vector<1x16xf32>,
          %swap3A_489 = vector.shape_cast %swap3A_488 : vector<1x16xf32> to vector<16xf32>
          %swap3A_490 = vector.shape_cast %get3A_485 : vector<16xf32> to vector<1x16xf32>
          tpu.vector_store %arg9[%swap3A_486, %swap3A_487], %swap3A_490 {add = true, strides = array<i32>} : memref<4x2048xf32, #tpu.memory_space<vmem>>, vector<1x16xf32>,
        }
        %scan3A_371 = arith.constant 16 : i32
      }
      %scan3A_147 = arith.constant 4 : i32
      %mul3A_148 = arith.constant 4 : i32
      %mul3A_149 = arith.muli %add3A_129, %mul3A_148 : i32
      %add3A_150 = arith.addi %mul3A_2, %mul3A_149 : i32
      %dma_start3A_151 = arith.constant 0 : i32
      %dma_start3A_152 = tpu.memref_slice %arg5[%add3A_150, %dma_start3A_151] : memref<8192x2048xf32, #tpu.memory_space<hbm>> -> memref<4x2048xf32, #tpu.memory_space<hbm>>
      %dma_start3A_153 = arith.constant 0 : i32
      %dma_start3A_154 = tpu.memref_slice %arg5[%add3A_150, %dma_start3A_153] : memref<8192x2048xf32, #tpu.memory_space<hbm>> -> memref<4x2048xf32, #tpu.memory_space<hbm>>
      tpu.enqueue_dma source(%arg9 : memref<4x2048xf32, #tpu.memory_space<vmem>>) target(%dma_start3A_154 : memref<4x2048xf32, #tpu.memory_space<hbm>>) target_semaphore(%arg33 : memref<!tpu.dma_semaphore, #tpu.memory_space<semaphore_mem>>)
      %add3A_155 = arith.constant 4 : i32
      %add3A_156 = arith.addi %add3A_129, %add3A_155 : i32
      %lt3A_157 = arith.constant 64 : i32
      %lt3A_158 = arith.cmpi slt, %add3A_156, %lt3A_157 : i32
      %convert_element_type3A_159 = arith.extui %lt3A_158 : i1 to i32
      %cond3A_160 = arith.constant 0 : i32
      %cond3A_161 = arith.cmpi ne, %convert_element_type3A_159, %cond3A_160 : i32
      scf.if %cond3A_161 {
        %ge3A = arith.constant 4 : i32
        %ge3A_366 = arith.cmpi sge, %add3A_129, %ge3A : i32
        %convert_element_type3A_367 = arith.extui %ge3A_366 : i1 to i32
        %cond3A_368 = arith.constant 0 : i32
        %cond3A_369 = arith.cmpi ne, %convert_element_type3A_367, %cond3A_368 : i32
        scf.if %cond3A_369 {
          %dma_wait3A_386 = arith.constant 0 : i32
          %dma_wait3A_387 = tpu.memref_slice %arg5[%mul3A_2, %dma_wait3A_386] : memref<8192x2048xf32, #tpu.memory_space<hbm>> -> memref<4x2048xf32, #tpu.memory_space<hbm>>
          %dma_wait3A_388 = arith.constant 0 : i32
          %dma_wait3A_389 = tpu.memref_slice %arg5[%mul3A_2, %dma_wait3A_388] : memref<8192x2048xf32, #tpu.memory_space<hbm>> -> memref<4x2048xf32, #tpu.memory_space<hbm>>
          tpu.wait_dma2 semaphore(%arg37 : memref<!tpu.dma_semaphore, #tpu.memory_space<semaphore_mem>>) src(%arg13 : memref<4x2048xf32, #tpu.memory_space<vmem>>) dst(%dma_wait3A_389 : memref<4x2048xf32, #tpu.memory_space<hbm>>)
        } else {
        }
        %add3A_370 = arith.constant 4 : i32
        %add3A_371 = arith.addi %add3A_129, %add3A_370 : i32
        %dma_start3A_372 = arith.constant 0 : i32
        %dma_start3A_373 = tpu.memref_slice %arg6[%add3A_371, %dma_start3A_372] : memref<64x4xi32, #tpu.memory_space<vmem>> -> memref<1x4xi32, #tpu.memory_space<vmem>>
        %dma_start3A_374 = tpu.memref_squeeze %dma_start3A_373 : memref<1x4xi32, #tpu.memory_space<vmem>> -> memref<4xi32, #tpu.memory_space<vmem>>
        %dma_start3A_375 = arith.constant 0 : i32
        %dma_start3A_376 = arith.constant 0 : i32
        %dma_start3A_377 = tpu.memref_slice %arg2[%dma_start3A_375, %dma_start3A_376] : memref<18432x2048xf32, #tpu.memory_space<hbm>> -> memref<18432x2048xf32, #tpu.memory_space<hbm>>
        tpu.enqueue_indirect_dma source(%dma_start3A_377 : memref<18432x2048xf32, #tpu.memory_space<hbm>>) target(%arg13 : memref<4x2048xf32, #tpu.memory_space<vmem>>) offsets(%dma_start3A_374 : memref<4xi32, #tpu.memory_space<vmem>>) semaphore(%arg25 : memref<!tpu.dma_semaphore, #tpu.memory_space<semaphore_mem>>)
        %add3A_378 = arith.constant 4 : i32
        %add3A_379 = arith.addi %add3A_129, %add3A_378 : i32
        %dma_start3A_380 = arith.constant 0 : i32
        %dma_start3A_381 = tpu.memref_slice %arg7[%add3A_379, %dma_start3A_380] : memref<64x4xi32, #tpu.memory_space<vmem>> -> memref<1x4xi32, #tpu.memory_space<vmem>>
        %dma_start3A_382 = tpu.memref_squeeze %dma_start3A_381 : memref<1x4xi32, #tpu.memory_space<vmem>> -> memref<4xi32, #tpu.memory_space<vmem>>
        %dma_start3A_383 = arith.constant 0 : i32
        %dma_start3A_384 = arith.constant 0 : i32
        %dma_start3A_385 = tpu.memref_slice %arg2[%dma_start3A_383, %dma_start3A_384] : memref<18432x2048xf32, #tpu.memory_space<hbm>> -> memref<18432x2048xf32, #tpu.memory_space<hbm>>
        tpu.enqueue_indirect_dma source(%dma_start3A_385 : memref<18432x2048xf32, #tpu.memory_space<hbm>>) target(%arg17 : memref<4x2048xf32, #tpu.memory_space<vmem>>) offsets(%dma_start3A_382 : memref<4xi32, #tpu.memory_space<vmem>>) semaphore(%arg29 : memref<!tpu.dma_semaphore, #tpu.memory_space<semaphore_mem>>)
      } else {
      }
      %add3A_162 = arith.constant 2 : i32
      %add3A_163 = arith.addi %mul3A_96, %add3A_162 : i32
      %dma_wait3A_164 = arith.constant 0 : i32
      %dma_wait3A_165 = arith.constant 0 : i32
      %dma_wait3A_166 = tpu.memref_slice %arg2[%dma_wait3A_164, %dma_wait3A_165] : memref<18432x2048xf32, #tpu.memory_space<hbm>> -> memref<4x2048xf32, #tpu.memory_space<hbm>>
      %dma_wait3A_167 = arith.constant 0 : i32
      %dma_wait3A_168 = arith.constant 0 : i32
      %dma_wait3A_169 = tpu.memref_slice %arg2[%dma_wait3A_167, %dma_wait3A_168] : memref<18432x2048xf32, #tpu.memory_space<hbm>> -> memref<4x2048xf32, #tpu.memory_space<hbm>>
      tpu.wait_dma2 semaphore(%arg22 : memref<!tpu.dma_semaphore, #tpu.memory_space<semaphore_mem>>) src(%dma_wait3A_169 : memref<4x2048xf32, #tpu.memory_space<hbm>>) dst(%arg10 : memref<4x2048xf32, #tpu.memory_space<vmem>>)
      %dma_wait3A_170 = arith.constant 0 : i32
      %dma_wait3A_171 = arith.constant 0 : i32
      %dma_wait3A_172 = tpu.memref_slice %arg2[%dma_wait3A_170, %dma_wait3A_171] : memref<18432x2048xf32, #tpu.memory_space<hbm>> -> memref<4x2048xf32, #tpu.memory_space<hbm>>
      %dma_wait3A_173 = arith.constant 0 : i32
      %dma_wait3A_174 = arith.constant 0 : i32
      %dma_wait3A_175 = tpu.memref_slice %arg2[%dma_wait3A_173, %dma_wait3A_174] : memref<18432x2048xf32, #tpu.memory_space<hbm>> -> memref<4x2048xf32, #tpu.memory_space<hbm>>
      tpu.wait_dma2 semaphore(%arg30 : memref<!tpu.dma_semaphore, #tpu.memory_space<semaphore_mem>>) src(%dma_wait3A_175 : memref<4x2048xf32, #tpu.memory_space<hbm>>) dst(%arg18 : memref<4x2048xf32, #tpu.memory_space<vmem>>)
      %scan3A_176 = arith.constant 0 : i32
      %scan3A_177 = arith.constant 0 : i32
      %scan3A_178 = arith.constant 4 : i32
      %scan3A_179 = arith.addi %scan3A_177, %scan3A_178 : i32
      %scan3A_180 = arith.constant 1 : i32
      scf.for %scan3A_366 = %scan3A_177 to %scan3A_179 step %scan3A_180  : i32 {
        %scan3A_367 = arith.constant 0 : i32
        %scan3A_368 = arith.constant 16 : i32
        %scan3A_369 = arith.addi %scan3A_367, %scan3A_368 : i32
        %scan3A_370 = arith.constant 1 : i32
        scf.for %scan3A_372 = %scan3A_367 to %scan3A_369 step %scan3A_370  : i32 {
          %mul3A_373 = arith.constant 8 : i32
          %mul3A_374 = arith.muli %scan3A_372, %mul3A_373 : i32
          %add3A_375 = arith.constant 0 : i32
          %add3A_376 = arith.addi %mul3A_374, %add3A_375 : i32
          %mul3A_377 = arith.constant 16 : i32
          %mul3A_378 = arith.muli %add3A_376, %mul3A_377 : i32
          %get3A = arith.index_cast %scan3A_366 : i32 to index
          %get3A_379 = arith.index_cast %mul3A_378 : i32 to index
          %get3A_380 = tpu.vector_load %arg18[%get3A, %get3A_379] {strides = array<i32>} : memref<4x2048xf32, #tpu.memory_space<vmem>>, vector<1x16xf32>,
          %get3A_381 = vector.shape_cast %get3A_380 : vector<1x16xf32> to vector<16xf32>
          %swap3A = arith.index_cast %scan3A_366 : i32 to index
          %swap3A_382 = arith.index_cast %mul3A_378 : i32 to index
          %swap3A_383 = tpu.vector_load %arg10[%swap3A, %swap3A_382] {strides = array<i32>} : memref<4x2048xf32, #tpu.memory_space<vmem>>, vector<1x16xf32>,
          %swap3A_384 = vector.shape_cast %swap3A_383 : vector<1x16xf32> to vector<16xf32>
          %swap3A_385 = vector.shape_cast %get3A_381 : vector<16xf32> to vector<1x16xf32>
          tpu.vector_store %arg10[%swap3A, %swap3A_382], %swap3A_385 {add = true, strides = array<i32>} : memref<4x2048xf32, #tpu.memory_space<vmem>>, vector<1x16xf32>,
          %mul3A_386 = arith.constant 8 : i32
          %mul3A_387 = arith.muli %scan3A_372, %mul3A_386 : i32
          %add3A_388 = arith.constant 1 : i32
          %add3A_389 = arith.addi %mul3A_387, %add3A_388 : i32
          %mul3A_390 = arith.constant 16 : i32
          %mul3A_391 = arith.muli %add3A_389, %mul3A_390 : i32
          %get3A_392 = arith.index_cast %scan3A_366 : i32 to index
          %get3A_393 = arith.index_cast %mul3A_391 : i32 to index
          %get3A_394 = tpu.vector_load %arg18[%get3A_392, %get3A_393] {strides = array<i32>} : memref<4x2048xf32, #tpu.memory_space<vmem>>, vector<1x16xf32>,
          %get3A_395 = vector.shape_cast %get3A_394 : vector<1x16xf32> to vector<16xf32>
          %swap3A_396 = arith.index_cast %scan3A_366 : i32 to index
          %swap3A_397 = arith.index_cast %mul3A_391 : i32 to index
          %swap3A_398 = tpu.vector_load %arg10[%swap3A_396, %swap3A_397] {strides = array<i32>} : memref<4x2048xf32, #tpu.memory_space<vmem>>, vector<1x16xf32>,
          %swap3A_399 = vector.shape_cast %swap3A_398 : vector<1x16xf32> to vector<16xf32>
          %swap3A_400 = vector.shape_cast %get3A_395 : vector<16xf32> to vector<1x16xf32>
          tpu.vector_store %arg10[%swap3A_396, %swap3A_397], %swap3A_400 {add = true, strides = array<i32>} : memref<4x2048xf32, #tpu.memory_space<vmem>>, vector<1x16xf32>,
          %mul3A_401 = arith.constant 8 : i32
          %mul3A_402 = arith.muli %scan3A_372, %mul3A_401 : i32
          %add3A_403 = arith.constant 2 : i32
          %add3A_404 = arith.addi %mul3A_402, %add3A_403 : i32
          %mul3A_405 = arith.constant 16 : i32
          %mul3A_406 = arith.muli %add3A_404, %mul3A_405 : i32
          %get3A_407 = arith.index_cast %scan3A_366 : i32 to index
          %get3A_408 = arith.index_cast %mul3A_406 : i32 to index
          %get3A_409 = tpu.vector_load %arg18[%get3A_407, %get3A_408] {strides = array<i32>} : memref<4x2048xf32, #tpu.memory_space<vmem>>, vector<1x16xf32>,
          %get3A_410 = vector.shape_cast %get3A_409 : vector<1x16xf32> to vector<16xf32>
          %swap3A_411 = arith.index_cast %scan3A_366 : i32 to index
          %swap3A_412 = arith.index_cast %mul3A_406 : i32 to index
          %swap3A_413 = tpu.vector_load %arg10[%swap3A_411, %swap3A_412] {strides = array<i32>} : memref<4x2048xf32, #tpu.memory_space<vmem>>, vector<1x16xf32>,
          %swap3A_414 = vector.shape_cast %swap3A_413 : vector<1x16xf32> to vector<16xf32>
          %swap3A_415 = vector.shape_cast %get3A_410 : vector<16xf32> to vector<1x16xf32>
          tpu.vector_store %arg10[%swap3A_411, %swap3A_412], %swap3A_415 {add = true, strides = array<i32>} : memref<4x2048xf32, #tpu.memory_space<vmem>>, vector<1x16xf32>,
          %mul3A_416 = arith.constant 8 : i32
          %mul3A_417 = arith.muli %scan3A_372, %mul3A_416 : i32
          %add3A_418 = arith.constant 3 : i32
          %add3A_419 = arith.addi %mul3A_417, %add3A_418 : i32
          %mul3A_420 = arith.constant 16 : i32
          %mul3A_421 = arith.muli %add3A_419, %mul3A_420 : i32
          %get3A_422 = arith.index_cast %scan3A_366 : i32 to index
          %get3A_423 = arith.index_cast %mul3A_421 : i32 to index
          %get3A_424 = tpu.vector_load %arg18[%get3A_422, %get3A_423] {strides = array<i32>} : memref<4x2048xf32, #tpu.memory_space<vmem>>, vector<1x16xf32>,
          %get3A_425 = vector.shape_cast %get3A_424 : vector<1x16xf32> to vector<16xf32>
          %swap3A_426 = arith.index_cast %scan3A_366 : i32 to index
          %swap3A_427 = arith.index_cast %mul3A_421 : i32 to index
          %swap3A_428 = tpu.vector_load %arg10[%swap3A_426, %swap3A_427] {strides = array<i32>} : memref<4x2048xf32, #tpu.memory_space<vmem>>, vector<1x16xf32>,
          %swap3A_429 = vector.shape_cast %swap3A_428 : vector<1x16xf32> to vector<16xf32>
          %swap3A_430 = vector.shape_cast %get3A_425 : vector<16xf32> to vector<1x16xf32>
          tpu.vector_store %arg10[%swap3A_426, %swap3A_427], %swap3A_430 {add = true, strides = array<i32>} : memref<4x2048xf32, #tpu.memory_space<vmem>>, vector<1x16xf32>,
          %mul3A_431 = arith.constant 8 : i32
          %mul3A_432 = arith.muli %scan3A_372, %mul3A_431 : i32
          %add3A_433 = arith.constant 4 : i32
          %add3A_434 = arith.addi %mul3A_432, %add3A_433 : i32
          %mul3A_435 = arith.constant 16 : i32
          %mul3A_436 = arith.muli %add3A_434, %mul3A_435 : i32
          %get3A_437 = arith.index_cast %scan3A_366 : i32 to index
          %get3A_438 = arith.index_cast %mul3A_436 : i32 to index
          %get3A_439 = tpu.vector_load %arg18[%get3A_437, %get3A_438] {strides = array<i32>} : memref<4x2048xf32, #tpu.memory_space<vmem>>, vector<1x16xf32>,
          %get3A_440 = vector.shape_cast %get3A_439 : vector<1x16xf32> to vector<16xf32>
          %swap3A_441 = arith.index_cast %scan3A_366 : i32 to index
          %swap3A_442 = arith.index_cast %mul3A_436 : i32 to index
          %swap3A_443 = tpu.vector_load %arg10[%swap3A_441, %swap3A_442] {strides = array<i32>} : memref<4x2048xf32, #tpu.memory_space<vmem>>, vector<1x16xf32>,
          %swap3A_444 = vector.shape_cast %swap3A_443 : vector<1x16xf32> to vector<16xf32>
          %swap3A_445 = vector.shape_cast %get3A_440 : vector<16xf32> to vector<1x16xf32>
          tpu.vector_store %arg10[%swap3A_441, %swap3A_442], %swap3A_445 {add = true, strides = array<i32>} : memref<4x2048xf32, #tpu.memory_space<vmem>>, vector<1x16xf32>,
          %mul3A_446 = arith.constant 8 : i32
          %mul3A_447 = arith.muli %scan3A_372, %mul3A_446 : i32
          %add3A_448 = arith.constant 5 : i32
          %add3A_449 = arith.addi %mul3A_447, %add3A_448 : i32
          %mul3A_450 = arith.constant 16 : i32
          %mul3A_451 = arith.muli %add3A_449, %mul3A_450 : i32
          %get3A_452 = arith.index_cast %scan3A_366 : i32 to index
          %get3A_453 = arith.index_cast %mul3A_451 : i32 to index
          %get3A_454 = tpu.vector_load %arg18[%get3A_452, %get3A_453] {strides = array<i32>} : memref<4x2048xf32, #tpu.memory_space<vmem>>, vector<1x16xf32>,
          %get3A_455 = vector.shape_cast %get3A_454 : vector<1x16xf32> to vector<16xf32>
          %swap3A_456 = arith.index_cast %scan3A_366 : i32 to index
          %swap3A_457 = arith.index_cast %mul3A_451 : i32 to index
          %swap3A_458 = tpu.vector_load %arg10[%swap3A_456, %swap3A_457] {strides = array<i32>} : memref<4x2048xf32, #tpu.memory_space<vmem>>, vector<1x16xf32>,
          %swap3A_459 = vector.shape_cast %swap3A_458 : vector<1x16xf32> to vector<16xf32>
          %swap3A_460 = vector.shape_cast %get3A_455 : vector<16xf32> to vector<1x16xf32>
          tpu.vector_store %arg10[%swap3A_456, %swap3A_457], %swap3A_460 {add = true, strides = array<i32>} : memref<4x2048xf32, #tpu.memory_space<vmem>>, vector<1x16xf32>,
          %mul3A_461 = arith.constant 8 : i32
          %mul3A_462 = arith.muli %scan3A_372, %mul3A_461 : i32
          %add3A_463 = arith.constant 6 : i32
          %add3A_464 = arith.addi %mul3A_462, %add3A_463 : i32
          %mul3A_465 = arith.constant 16 : i32
          %mul3A_466 = arith.muli %add3A_464, %mul3A_465 : i32
          %get3A_467 = arith.index_cast %scan3A_366 : i32 to index
          %get3A_468 = arith.index_cast %mul3A_466 : i32 to index
          %get3A_469 = tpu.vector_load %arg18[%get3A_467, %get3A_468] {strides = array<i32>} : memref<4x2048xf32, #tpu.memory_space<vmem>>, vector<1x16xf32>,
          %get3A_470 = vector.shape_cast %get3A_469 : vector<1x16xf32> to vector<16xf32>
          %swap3A_471 = arith.index_cast %scan3A_366 : i32 to index
          %swap3A_472 = arith.index_cast %mul3A_466 : i32 to index
          %swap3A_473 = tpu.vector_load %arg10[%swap3A_471, %swap3A_472] {strides = array<i32>} : memref<4x2048xf32, #tpu.memory_space<vmem>>, vector<1x16xf32>,
          %swap3A_474 = vector.shape_cast %swap3A_473 : vector<1x16xf32> to vector<16xf32>
          %swap3A_475 = vector.shape_cast %get3A_470 : vector<16xf32> to vector<1x16xf32>
          tpu.vector_store %arg10[%swap3A_471, %swap3A_472], %swap3A_475 {add = true, strides = array<i32>} : memref<4x2048xf32, #tpu.memory_space<vmem>>, vector<1x16xf32>,
          %mul3A_476 = arith.constant 8 : i32
          %mul3A_477 = arith.muli %scan3A_372, %mul3A_476 : i32
          %add3A_478 = arith.constant 7 : i32
          %add3A_479 = arith.addi %mul3A_477, %add3A_478 : i32
          %mul3A_480 = arith.constant 16 : i32
          %mul3A_481 = arith.muli %add3A_479, %mul3A_480 : i32
          %get3A_482 = arith.index_cast %scan3A_366 : i32 to index
          %get3A_483 = arith.index_cast %mul3A_481 : i32 to index
          %get3A_484 = tpu.vector_load %arg18[%get3A_482, %get3A_483] {strides = array<i32>} : memref<4x2048xf32, #tpu.memory_space<vmem>>, vector<1x16xf32>,
          %get3A_485 = vector.shape_cast %get3A_484 : vector<1x16xf32> to vector<16xf32>
          %swap3A_486 = arith.index_cast %scan3A_366 : i32 to index
          %swap3A_487 = arith.index_cast %mul3A_481 : i32 to index
          %swap3A_488 = tpu.vector_load %arg10[%swap3A_486, %swap3A_487] {strides = array<i32>} : memref<4x2048xf32, #tpu.memory_space<vmem>>, vector<1x16xf32>,
          %swap3A_489 = vector.shape_cast %swap3A_488 : vector<1x16xf32> to vector<16xf32>
          %swap3A_490 = vector.shape_cast %get3A_485 : vector<16xf32> to vector<1x16xf32>
          tpu.vector_store %arg10[%swap3A_486, %swap3A_487], %swap3A_490 {add = true, strides = array<i32>} : memref<4x2048xf32, #tpu.memory_space<vmem>>, vector<1x16xf32>,
        }
        %scan3A_371 = arith.constant 16 : i32
      }
      %scan3A_181 = arith.constant 4 : i32
      %mul3A_182 = arith.constant 4 : i32
      %mul3A_183 = arith.muli %add3A_163, %mul3A_182 : i32
      %add3A_184 = arith.addi %mul3A_2, %mul3A_183 : i32
      %dma_start3A_185 = arith.constant 0 : i32
      %dma_start3A_186 = tpu.memref_slice %arg5[%add3A_184, %dma_start3A_185] : memref<8192x2048xf32, #tpu.memory_space<hbm>> -> memref<4x2048xf32, #tpu.memory_space<hbm>>
      %dma_start3A_187 = arith.constant 0 : i32
      %dma_start3A_188 = tpu.memref_slice %arg5[%add3A_184, %dma_start3A_187] : memref<8192x2048xf32, #tpu.memory_space<hbm>> -> memref<4x2048xf32, #tpu.memory_space<hbm>>
      tpu.enqueue_dma source(%arg10 : memref<4x2048xf32, #tpu.memory_space<vmem>>) target(%dma_start3A_188 : memref<4x2048xf32, #tpu.memory_space<hbm>>) target_semaphore(%arg34 : memref<!tpu.dma_semaphore, #tpu.memory_space<semaphore_mem>>)
      %add3A_189 = arith.constant 4 : i32
      %add3A_190 = arith.addi %add3A_163, %add3A_189 : i32
      %lt3A_191 = arith.constant 64 : i32
      %lt3A_192 = arith.cmpi slt, %add3A_190, %lt3A_191 : i32
      %convert_element_type3A_193 = arith.extui %lt3A_192 : i1 to i32
      %cond3A_194 = arith.constant 0 : i32
      %cond3A_195 = arith.cmpi ne, %convert_element_type3A_193, %cond3A_194 : i32
      scf.if %cond3A_195 {
        %ge3A = arith.constant 4 : i32
        %ge3A_366 = arith.cmpi sge, %add3A_163, %ge3A : i32
        %convert_element_type3A_367 = arith.extui %ge3A_366 : i1 to i32
        %cond3A_368 = arith.constant 0 : i32
        %cond3A_369 = arith.cmpi ne, %convert_element_type3A_367, %cond3A_368 : i32
        scf.if %cond3A_369 {
          %dma_wait3A_386 = arith.constant 0 : i32
          %dma_wait3A_387 = tpu.memref_slice %arg5[%mul3A_2, %dma_wait3A_386] : memref<8192x2048xf32, #tpu.memory_space<hbm>> -> memref<4x2048xf32, #tpu.memory_space<hbm>>
          %dma_wait3A_388 = arith.constant 0 : i32
          %dma_wait3A_389 = tpu.memref_slice %arg5[%mul3A_2, %dma_wait3A_388] : memref<8192x2048xf32, #tpu.memory_space<hbm>> -> memref<4x2048xf32, #tpu.memory_space<hbm>>
          tpu.wait_dma2 semaphore(%arg38 : memref<!tpu.dma_semaphore, #tpu.memory_space<semaphore_mem>>) src(%arg14 : memref<4x2048xf32, #tpu.memory_space<vmem>>) dst(%dma_wait3A_389 : memref<4x2048xf32, #tpu.memory_space<hbm>>)
        } else {
        }
        %add3A_370 = arith.constant 4 : i32
        %add3A_371 = arith.addi %add3A_163, %add3A_370 : i32
        %dma_start3A_372 = arith.constant 0 : i32
        %dma_start3A_373 = tpu.memref_slice %arg6[%add3A_371, %dma_start3A_372] : memref<64x4xi32, #tpu.memory_space<vmem>> -> memref<1x4xi32, #tpu.memory_space<vmem>>
        %dma_start3A_374 = tpu.memref_squeeze %dma_start3A_373 : memref<1x4xi32, #tpu.memory_space<vmem>> -> memref<4xi32, #tpu.memory_space<vmem>>
        %dma_start3A_375 = arith.constant 0 : i32
        %dma_start3A_376 = arith.constant 0 : i32
        %dma_start3A_377 = tpu.memref_slice %arg2[%dma_start3A_375, %dma_start3A_376] : memref<18432x2048xf32, #tpu.memory_space<hbm>> -> memref<18432x2048xf32, #tpu.memory_space<hbm>>
        tpu.enqueue_indirect_dma source(%dma_start3A_377 : memref<18432x2048xf32, #tpu.memory_space<hbm>>) target(%arg14 : memref<4x2048xf32, #tpu.memory_space<vmem>>) offsets(%dma_start3A_374 : memref<4xi32, #tpu.memory_space<vmem>>) semaphore(%arg26 : memref<!tpu.dma_semaphore, #tpu.memory_space<semaphore_mem>>)
        %add3A_378 = arith.constant 4 : i32
        %add3A_379 = arith.addi %add3A_163, %add3A_378 : i32
        %dma_start3A_380 = arith.constant 0 : i32
        %dma_start3A_381 = tpu.memref_slice %arg7[%add3A_379, %dma_start3A_380] : memref<64x4xi32, #tpu.memory_space<vmem>> -> memref<1x4xi32, #tpu.memory_space<vmem>>
        %dma_start3A_382 = tpu.memref_squeeze %dma_start3A_381 : memref<1x4xi32, #tpu.memory_space<vmem>> -> memref<4xi32, #tpu.memory_space<vmem>>
        %dma_start3A_383 = arith.constant 0 : i32
        %dma_start3A_384 = arith.constant 0 : i32
        %dma_start3A_385 = tpu.memref_slice %arg2[%dma_start3A_383, %dma_start3A_384] : memref<18432x2048xf32, #tpu.memory_space<hbm>> -> memref<18432x2048xf32, #tpu.memory_space<hbm>>
        tpu.enqueue_indirect_dma source(%dma_start3A_385 : memref<18432x2048xf32, #tpu.memory_space<hbm>>) target(%arg18 : memref<4x2048xf32, #tpu.memory_space<vmem>>) offsets(%dma_start3A_382 : memref<4xi32, #tpu.memory_space<vmem>>) semaphore(%arg30 : memref<!tpu.dma_semaphore, #tpu.memory_space<semaphore_mem>>)
      } else {
      }
      %add3A_196 = arith.constant 3 : i32
      %add3A_197 = arith.addi %mul3A_96, %add3A_196 : i32
      %dma_wait3A_198 = arith.constant 0 : i32
      %dma_wait3A_199 = arith.constant 0 : i32
      %dma_wait3A_200 = tpu.memref_slice %arg2[%dma_wait3A_198, %dma_wait3A_199] : memref<18432x2048xf32, #tpu.memory_space<hbm>> -> memref<4x2048xf32, #tpu.memory_space<hbm>>
      %dma_wait3A_201 = arith.constant 0 : i32
      %dma_wait3A_202 = arith.constant 0 : i32
      %dma_wait3A_203 = tpu.memref_slice %arg2[%dma_wait3A_201, %dma_wait3A_202] : memref<18432x2048xf32, #tpu.memory_space<hbm>> -> memref<4x2048xf32, #tpu.memory_space<hbm>>
      tpu.wait_dma2 semaphore(%arg23 : memref<!tpu.dma_semaphore, #tpu.memory_space<semaphore_mem>>) src(%dma_wait3A_203 : memref<4x2048xf32, #tpu.memory_space<hbm>>) dst(%arg11 : memref<4x2048xf32, #tpu.memory_space<vmem>>)
      %dma_wait3A_204 = arith.constant 0 : i32
      %dma_wait3A_205 = arith.constant 0 : i32
      %dma_wait3A_206 = tpu.memref_slice %arg2[%dma_wait3A_204, %dma_wait3A_205] : memref<18432x2048xf32, #tpu.memory_space<hbm>> -> memref<4x2048xf32, #tpu.memory_space<hbm>>
      %dma_wait3A_207 = arith.constant 0 : i32
      %dma_wait3A_208 = arith.constant 0 : i32
      %dma_wait3A_209 = tpu.memref_slice %arg2[%dma_wait3A_207, %dma_wait3A_208] : memref<18432x2048xf32, #tpu.memory_space<hbm>> -> memref<4x2048xf32, #tpu.memory_space<hbm>>
      tpu.wait_dma2 semaphore(%arg31 : memref<!tpu.dma_semaphore, #tpu.memory_space<semaphore_mem>>) src(%dma_wait3A_209 : memref<4x2048xf32, #tpu.memory_space<hbm>>) dst(%arg19 : memref<4x2048xf32, #tpu.memory_space<vmem>>)
      %scan3A_210 = arith.constant 0 : i32
      %scan3A_211 = arith.constant 0 : i32
      %scan3A_212 = arith.constant 4 : i32
      %scan3A_213 = arith.addi %scan3A_211, %scan3A_212 : i32
      %scan3A_214 = arith.constant 1 : i32
      scf.for %scan3A_366 = %scan3A_211 to %scan3A_213 step %scan3A_214  : i32 {
        %scan3A_367 = arith.constant 0 : i32
        %scan3A_368 = arith.constant 16 : i32
        %scan3A_369 = arith.addi %scan3A_367, %scan3A_368 : i32
        %scan3A_370 = arith.constant 1 : i32
        scf.for %scan3A_372 = %scan3A_367 to %scan3A_369 step %scan3A_370  : i32 {
          %mul3A_373 = arith.constant 8 : i32
          %mul3A_374 = arith.muli %scan3A_372, %mul3A_373 : i32
          %add3A_375 = arith.constant 0 : i32
          %add3A_376 = arith.addi %mul3A_374, %add3A_375 : i32
          %mul3A_377 = arith.constant 16 : i32
          %mul3A_378 = arith.muli %add3A_376, %mul3A_377 : i32
          %get3A = arith.index_cast %scan3A_366 : i32 to index
          %get3A_379 = arith.index_cast %mul3A_378 : i32 to index
          %get3A_380 = tpu.vector_load %arg19[%get3A, %get3A_379] {strides = array<i32>} : memref<4x2048xf32, #tpu.memory_space<vmem>>, vector<1x16xf32>,
          %get3A_381 = vector.shape_cast %get3A_380 : vector<1x16xf32> to vector<16xf32>
          %swap3A = arith.index_cast %scan3A_366 : i32 to index
          %swap3A_382 = arith.index_cast %mul3A_378 : i32 to index
          %swap3A_383 = tpu.vector_load %arg11[%swap3A, %swap3A_382] {strides = array<i32>} : memref<4x2048xf32, #tpu.memory_space<vmem>>, vector<1x16xf32>,
          %swap3A_384 = vector.shape_cast %swap3A_383 : vector<1x16xf32> to vector<16xf32>
          %swap3A_385 = vector.shape_cast %get3A_381 : vector<16xf32> to vector<1x16xf32>
          tpu.vector_store %arg11[%swap3A, %swap3A_382], %swap3A_385 {add = true, strides = array<i32>} : memref<4x2048xf32, #tpu.memory_space<vmem>>, vector<1x16xf32>,
          %mul3A_386 = arith.constant 8 : i32
          %mul3A_387 = arith.muli %scan3A_372, %mul3A_386 : i32
          %add3A_388 = arith.constant 1 : i32
          %add3A_389 = arith.addi %mul3A_387, %add3A_388 : i32
          %mul3A_390 = arith.constant 16 : i32
          %mul3A_391 = arith.muli %add3A_389, %mul3A_390 : i32
          %get3A_392 = arith.index_cast %scan3A_366 : i32 to index
          %get3A_393 = arith.index_cast %mul3A_391 : i32 to index
          %get3A_394 = tpu.vector_load %arg19[%get3A_392, %get3A_393] {strides = array<i32>} : memref<4x2048xf32, #tpu.memory_space<vmem>>, vector<1x16xf32>,
          %get3A_395 = vector.shape_cast %get3A_394 : vector<1x16xf32> to vector<16xf32>
          %swap3A_396 = arith.index_cast %scan3A_366 : i32 to index
          %swap3A_397 = arith.index_cast %mul3A_391 : i32 to index
          %swap3A_398 = tpu.vector_load %arg11[%swap3A_396, %swap3A_397] {strides = array<i32>} : memref<4x2048xf32, #tpu.memory_space<vmem>>, vector<1x16xf32>,
          %swap3A_399 = vector.shape_cast %swap3A_398 : vector<1x16xf32> to vector<16xf32>
          %swap3A_400 = vector.shape_cast %get3A_395 : vector<16xf32> to vector<1x16xf32>
          tpu.vector_store %arg11[%swap3A_396, %swap3A_397], %swap3A_400 {add = true, strides = array<i32>} : memref<4x2048xf32, #tpu.memory_space<vmem>>, vector<1x16xf32>,
          %mul3A_401 = arith.constant 8 : i32
          %mul3A_402 = arith.muli %scan3A_372, %mul3A_401 : i32
          %add3A_403 = arith.constant 2 : i32
          %add3A_404 = arith.addi %mul3A_402, %add3A_403 : i32
          %mul3A_405 = arith.constant 16 : i32
          %mul3A_406 = arith.muli %add3A_404, %mul3A_405 : i32
          %get3A_407 = arith.index_cast %scan3A_366 : i32 to index
          %get3A_408 = arith.index_cast %mul3A_406 : i32 to index
          %get3A_409 = tpu.vector_load %arg19[%get3A_407, %get3A_408] {strides = array<i32>} : memref<4x2048xf32, #tpu.memory_space<vmem>>, vector<1x16xf32>,
          %get3A_410 = vector.shape_cast %get3A_409 : vector<1x16xf32> to vector<16xf32>
          %swap3A_411 = arith.index_cast %scan3A_366 : i32 to index
          %swap3A_412 = arith.index_cast %mul3A_406 : i32 to index
          %swap3A_413 = tpu.vector_load %arg11[%swap3A_411, %swap3A_412] {strides = array<i32>} : memref<4x2048xf32, #tpu.memory_space<vmem>>, vector<1x16xf32>,
          %swap3A_414 = vector.shape_cast %swap3A_413 : vector<1x16xf32> to vector<16xf32>
          %swap3A_415 = vector.shape_cast %get3A_410 : vector<16xf32> to vector<1x16xf32>
          tpu.vector_store %arg11[%swap3A_411, %swap3A_412], %swap3A_415 {add = true, strides = array<i32>} : memref<4x2048xf32, #tpu.memory_space<vmem>>, vector<1x16xf32>,
          %mul3A_416 = arith.constant 8 : i32
          %mul3A_417 = arith.muli %scan3A_372, %mul3A_416 : i32
          %add3A_418 = arith.constant 3 : i32
          %add3A_419 = arith.addi %mul3A_417, %add3A_418 : i32
          %mul3A_420 = arith.constant 16 : i32
          %mul3A_421 = arith.muli %add3A_419, %mul3A_420 : i32
          %get3A_422 = arith.index_cast %scan3A_366 : i32 to index
          %get3A_423 = arith.index_cast %mul3A_421 : i32 to index
          %get3A_424 = tpu.vector_load %arg19[%get3A_422, %get3A_423] {strides = array<i32>} : memref<4x2048xf32, #tpu.memory_space<vmem>>, vector<1x16xf32>,
          %get3A_425 = vector.shape_cast %get3A_424 : vector<1x16xf32> to vector<16xf32>
          %swap3A_426 = arith.index_cast %scan3A_366 : i32 to index
          %swap3A_427 = arith.index_cast %mul3A_421 : i32 to index
          %swap3A_428 = tpu.vector_load %arg11[%swap3A_426, %swap3A_427] {strides = array<i32>} : memref<4x2048xf32, #tpu.memory_space<vmem>>, vector<1x16xf32>,
          %swap3A_429 = vector.shape_cast %swap3A_428 : vector<1x16xf32> to vector<16xf32>
          %swap3A_430 = vector.shape_cast %get3A_425 : vector<16xf32> to vector<1x16xf32>
          tpu.vector_store %arg11[%swap3A_426, %swap3A_427], %swap3A_430 {add = true, strides = array<i32>} : memref<4x2048xf32, #tpu.memory_space<vmem>>, vector<1x16xf32>,
          %mul3A_431 = arith.constant 8 : i32
          %mul3A_432 = arith.muli %scan3A_372, %mul3A_431 : i32
          %add3A_433 = arith.constant 4 : i32
          %add3A_434 = arith.addi %mul3A_432, %add3A_433 : i32
          %mul3A_435 = arith.constant 16 : i32
          %mul3A_436 = arith.muli %add3A_434, %mul3A_435 : i32
          %get3A_437 = arith.index_cast %scan3A_366 : i32 to index
          %get3A_438 = arith.index_cast %mul3A_436 : i32 to index
          %get3A_439 = tpu.vector_load %arg19[%get3A_437, %get3A_438] {strides = array<i32>} : memref<4x2048xf32, #tpu.memory_space<vmem>>, vector<1x16xf32>,
          %get3A_440 = vector.shape_cast %get3A_439 : vector<1x16xf32> to vector<16xf32>
          %swap3A_441 = arith.index_cast %scan3A_366 : i32 to index
          %swap3A_442 = arith.index_cast %mul3A_436 : i32 to index
          %swap3A_443 = tpu.vector_load %arg11[%swap3A_441, %swap3A_442] {strides = array<i32>} : memref<4x2048xf32, #tpu.memory_space<vmem>>, vector<1x16xf32>,
          %swap3A_444 = vector.shape_cast %swap3A_443 : vector<1x16xf32> to vector<16xf32>
          %swap3A_445 = vector.shape_cast %get3A_440 : vector<16xf32> to vector<1x16xf32>
          tpu.vector_store %arg11[%swap3A_441, %swap3A_442], %swap3A_445 {add = true, strides = array<i32>} : memref<4x2048xf32, #tpu.memory_space<vmem>>, vector<1x16xf32>,
          %mul3A_446 = arith.constant 8 : i32
          %mul3A_447 = arith.muli %scan3A_372, %mul3A_446 : i32
          %add3A_448 = arith.constant 5 : i32
          %add3A_449 = arith.addi %mul3A_447, %add3A_448 : i32
          %mul3A_450 = arith.constant 16 : i32
          %mul3A_451 = arith.muli %add3A_449, %mul3A_450 : i32
          %get3A_452 = arith.index_cast %scan3A_366 : i32 to index
          %get3A_453 = arith.index_cast %mul3A_451 : i32 to index
          %get3A_454 = tpu.vector_load %arg19[%get3A_452, %get3A_453] {strides = array<i32>} : memref<4x2048xf32, #tpu.memory_space<vmem>>, vector<1x16xf32>,
          %get3A_455 = vector.shape_cast %get3A_454 : vector<1x16xf32> to vector<16xf32>
          %swap3A_456 = arith.index_cast %scan3A_366 : i32 to index
          %swap3A_457 = arith.index_cast %mul3A_451 : i32 to index
          %swap3A_458 = tpu.vector_load %arg11[%swap3A_456, %swap3A_457] {strides = array<i32>} : memref<4x2048xf32, #tpu.memory_space<vmem>>, vector<1x16xf32>,
          %swap3A_459 = vector.shape_cast %swap3A_458 : vector<1x16xf32> to vector<16xf32>
          %swap3A_460 = vector.shape_cast %get3A_455 : vector<16xf32> to vector<1x16xf32>
          tpu.vector_store %arg11[%swap3A_456, %swap3A_457], %swap3A_460 {add = true, strides = array<i32>} : memref<4x2048xf32, #tpu.memory_space<vmem>>, vector<1x16xf32>,
          %mul3A_461 = arith.constant 8 : i32
          %mul3A_462 = arith.muli %scan3A_372, %mul3A_461 : i32
          %add3A_463 = arith.constant 6 : i32
          %add3A_464 = arith.addi %mul3A_462, %add3A_463 : i32
          %mul3A_465 = arith.constant 16 : i32
          %mul3A_466 = arith.muli %add3A_464, %mul3A_465 : i32
          %get3A_467 = arith.index_cast %scan3A_366 : i32 to index
          %get3A_468 = arith.index_cast %mul3A_466 : i32 to index
          %get3A_469 = tpu.vector_load %arg19[%get3A_467, %get3A_468] {strides = array<i32>} : memref<4x2048xf32, #tpu.memory_space<vmem>>, vector<1x16xf32>,
          %get3A_470 = vector.shape_cast %get3A_469 : vector<1x16xf32> to vector<16xf32>
          %swap3A_471 = arith.index_cast %scan3A_366 : i32 to index
          %swap3A_472 = arith.index_cast %mul3A_466 : i32 to index
          %swap3A_473 = tpu.vector_load %arg11[%swap3A_471, %swap3A_472] {strides = array<i32>} : memref<4x2048xf32, #tpu.memory_space<vmem>>, vector<1x16xf32>,
          %swap3A_474 = vector.shape_cast %swap3A_473 : vector<1x16xf32> to vector<16xf32>
          %swap3A_475 = vector.shape_cast %get3A_470 : vector<16xf32> to vector<1x16xf32>
          tpu.vector_store %arg11[%swap3A_471, %swap3A_472], %swap3A_475 {add = true, strides = array<i32>} : memref<4x2048xf32, #tpu.memory_space<vmem>>, vector<1x16xf32>,
          %mul3A_476 = arith.constant 8 : i32
          %mul3A_477 = arith.muli %scan3A_372, %mul3A_476 : i32
          %add3A_478 = arith.constant 7 : i32
          %add3A_479 = arith.addi %mul3A_477, %add3A_478 : i32
          %mul3A_480 = arith.constant 16 : i32
          %mul3A_481 = arith.muli %add3A_479, %mul3A_480 : i32
          %get3A_482 = arith.index_cast %scan3A_366 : i32 to index
          %get3A_483 = arith.index_cast %mul3A_481 : i32 to index
          %get3A_484 = tpu.vector_load %arg19[%get3A_482, %get3A_483] {strides = array<i32>} : memref<4x2048xf32, #tpu.memory_space<vmem>>, vector<1x16xf32>,
          %get3A_485 = vector.shape_cast %get3A_484 : vector<1x16xf32> to vector<16xf32>
          %swap3A_486 = arith.index_cast %scan3A_366 : i32 to index
          %swap3A_487 = arith.index_cast %mul3A_481 : i32 to index
          %swap3A_488 = tpu.vector_load %arg11[%swap3A_486, %swap3A_487] {strides = array<i32>} : memref<4x2048xf32, #tpu.memory_space<vmem>>, vector<1x16xf32>,
          %swap3A_489 = vector.shape_cast %swap3A_488 : vector<1x16xf32> to vector<16xf32>
          %swap3A_490 = vector.shape_cast %get3A_485 : vector<16xf32> to vector<1x16xf32>
          tpu.vector_store %arg11[%swap3A_486, %swap3A_487], %swap3A_490 {add = true, strides = array<i32>} : memref<4x2048xf32, #tpu.memory_space<vmem>>, vector<1x16xf32>,
        }
        %scan3A_371 = arith.constant 16 : i32
      }
      %scan3A_215 = arith.constant 4 : i32
      %mul3A_216 = arith.constant 4 : i32
      %mul3A_217 = arith.muli %add3A_197, %mul3A_216 : i32
      %add3A_218 = arith.addi %mul3A_2, %mul3A_217 : i32
      %dma_start3A_219 = arith.constant 0 : i32
      %dma_start3A_220 = tpu.memref_slice %arg5[%add3A_218, %dma_start3A_219] : memref<8192x2048xf32, #tpu.memory_space<hbm>> -> memref<4x2048xf32, #tpu.memory_space<hbm>>
      %dma_start3A_221 = arith.constant 0 : i32
      %dma_start3A_222 = tpu.memref_slice %arg5[%add3A_218, %dma_start3A_221] : memref<8192x2048xf32, #tpu.memory_space<hbm>> -> memref<4x2048xf32, #tpu.memory_space<hbm>>
      tpu.enqueue_dma source(%arg11 : memref<4x2048xf32, #tpu.memory_space<vmem>>) target(%dma_start3A_222 : memref<4x2048xf32, #tpu.memory_space<hbm>>) target_semaphore(%arg35 : memref<!tpu.dma_semaphore, #tpu.memory_space<semaphore_mem>>)
      %add3A_223 = arith.constant 4 : i32
      %add3A_224 = arith.addi %add3A_197, %add3A_223 : i32
      %lt3A_225 = arith.constant 64 : i32
      %lt3A_226 = arith.cmpi slt, %add3A_224, %lt3A_225 : i32
      %convert_element_type3A_227 = arith.extui %lt3A_226 : i1 to i32
      %cond3A_228 = arith.constant 0 : i32
      %cond3A_229 = arith.cmpi ne, %convert_element_type3A_227, %cond3A_228 : i32
      scf.if %cond3A_229 {
        %ge3A = arith.constant 4 : i32
        %ge3A_366 = arith.cmpi sge, %add3A_197, %ge3A : i32
        %convert_element_type3A_367 = arith.extui %ge3A_366 : i1 to i32
        %cond3A_368 = arith.constant 0 : i32
        %cond3A_369 = arith.cmpi ne, %convert_element_type3A_367, %cond3A_368 : i32
        scf.if %cond3A_369 {
          %dma_wait3A_386 = arith.constant 0 : i32
          %dma_wait3A_387 = tpu.memref_slice %arg5[%mul3A_2, %dma_wait3A_386] : memref<8192x2048xf32, #tpu.memory_space<hbm>> -> memref<4x2048xf32, #tpu.memory_space<hbm>>
          %dma_wait3A_388 = arith.constant 0 : i32
          %dma_wait3A_389 = tpu.memref_slice %arg5[%mul3A_2, %dma_wait3A_388] : memref<8192x2048xf32, #tpu.memory_space<hbm>> -> memref<4x2048xf32, #tpu.memory_space<hbm>>
          tpu.wait_dma2 semaphore(%arg39 : memref<!tpu.dma_semaphore, #tpu.memory_space<semaphore_mem>>) src(%arg15 : memref<4x2048xf32, #tpu.memory_space<vmem>>) dst(%dma_wait3A_389 : memref<4x2048xf32, #tpu.memory_space<hbm>>)
        } else {
        }
        %add3A_370 = arith.constant 4 : i32
        %add3A_371 = arith.addi %add3A_197, %add3A_370 : i32
        %dma_start3A_372 = arith.constant 0 : i32
        %dma_start3A_373 = tpu.memref_slice %arg6[%add3A_371, %dma_start3A_372] : memref<64x4xi32, #tpu.memory_space<vmem>> -> memref<1x4xi32, #tpu.memory_space<vmem>>
        %dma_start3A_374 = tpu.memref_squeeze %dma_start3A_373 : memref<1x4xi32, #tpu.memory_space<vmem>> -> memref<4xi32, #tpu.memory_space<vmem>>
        %dma_start3A_375 = arith.constant 0 : i32
        %dma_start3A_376 = arith.constant 0 : i32
        %dma_start3A_377 = tpu.memref_slice %arg2[%dma_start3A_375, %dma_start3A_376] : memref<18432x2048xf32, #tpu.memory_space<hbm>> -> memref<18432x2048xf32, #tpu.memory_space<hbm>>
        tpu.enqueue_indirect_dma source(%dma_start3A_377 : memref<18432x2048xf32, #tpu.memory_space<hbm>>) target(%arg15 : memref<4x2048xf32, #tpu.memory_space<vmem>>) offsets(%dma_start3A_374 : memref<4xi32, #tpu.memory_space<vmem>>) semaphore(%arg27 : memref<!tpu.dma_semaphore, #tpu.memory_space<semaphore_mem>>)
        %add3A_378 = arith.constant 4 : i32
        %add3A_379 = arith.addi %add3A_197, %add3A_378 : i32
        %dma_start3A_380 = arith.constant 0 : i32
        %dma_start3A_381 = tpu.memref_slice %arg7[%add3A_379, %dma_start3A_380] : memref<64x4xi32, #tpu.memory_space<vmem>> -> memref<1x4xi32, #tpu.memory_space<vmem>>
        %dma_start3A_382 = tpu.memref_squeeze %dma_start3A_381 : memref<1x4xi32, #tpu.memory_space<vmem>> -> memref<4xi32, #tpu.memory_space<vmem>>
        %dma_start3A_383 = arith.constant 0 : i32
        %dma_start3A_384 = arith.constant 0 : i32
        %dma_start3A_385 = tpu.memref_slice %arg2[%dma_start3A_383, %dma_start3A_384] : memref<18432x2048xf32, #tpu.memory_space<hbm>> -> memref<18432x2048xf32, #tpu.memory_space<hbm>>
        tpu.enqueue_indirect_dma source(%dma_start3A_385 : memref<18432x2048xf32, #tpu.memory_space<hbm>>) target(%arg19 : memref<4x2048xf32, #tpu.memory_space<vmem>>) offsets(%dma_start3A_382 : memref<4xi32, #tpu.memory_space<vmem>>) semaphore(%arg31 : memref<!tpu.dma_semaphore, #tpu.memory_space<semaphore_mem>>)
      } else {
      }
      %add3A_230 = arith.constant 4 : i32
      %add3A_231 = arith.addi %mul3A_96, %add3A_230 : i32
      %dma_wait3A_232 = arith.constant 0 : i32
      %dma_wait3A_233 = arith.constant 0 : i32
      %dma_wait3A_234 = tpu.memref_slice %arg2[%dma_wait3A_232, %dma_wait3A_233] : memref<18432x2048xf32, #tpu.memory_space<hbm>> -> memref<4x2048xf32, #tpu.memory_space<hbm>>
      %dma_wait3A_235 = arith.constant 0 : i32
      %dma_wait3A_236 = arith.constant 0 : i32
      %dma_wait3A_237 = tpu.memref_slice %arg2[%dma_wait3A_235, %dma_wait3A_236] : memref<18432x2048xf32, #tpu.memory_space<hbm>> -> memref<4x2048xf32, #tpu.memory_space<hbm>>
      tpu.wait_dma2 semaphore(%arg24 : memref<!tpu.dma_semaphore, #tpu.memory_space<semaphore_mem>>) src(%dma_wait3A_237 : memref<4x2048xf32, #tpu.memory_space<hbm>>) dst(%arg12 : memref<4x2048xf32, #tpu.memory_space<vmem>>)
      %dma_wait3A_238 = arith.constant 0 : i32
      %dma_wait3A_239 = arith.constant 0 : i32
      %dma_wait3A_240 = tpu.memref_slice %arg2[%dma_wait3A_238, %dma_wait3A_239] : memref<18432x2048xf32, #tpu.memory_space<hbm>> -> memref<4x2048xf32, #tpu.memory_space<hbm>>
      %dma_wait3A_241 = arith.constant 0 : i32
      %dma_wait3A_242 = arith.constant 0 : i32
      %dma_wait3A_243 = tpu.memref_slice %arg2[%dma_wait3A_241, %dma_wait3A_242] : memref<18432x2048xf32, #tpu.memory_space<hbm>> -> memref<4x2048xf32, #tpu.memory_space<hbm>>
      tpu.wait_dma2 semaphore(%arg28 : memref<!tpu.dma_semaphore, #tpu.memory_space<semaphore_mem>>) src(%dma_wait3A_243 : memref<4x2048xf32, #tpu.memory_space<hbm>>) dst(%arg16 : memref<4x2048xf32, #tpu.memory_space<vmem>>)
      %scan3A_244 = arith.constant 0 : i32
      %scan3A_245 = arith.constant 0 : i32
      %scan3A_246 = arith.constant 4 : i32
      %scan3A_247 = arith.addi %scan3A_245, %scan3A_246 : i32
      %scan3A_248 = arith.constant 1 : i32
      scf.for %scan3A_366 = %scan3A_245 to %scan3A_247 step %scan3A_248  : i32 {
        %scan3A_367 = arith.constant 0 : i32
        %scan3A_368 = arith.constant 16 : i32
        %scan3A_369 = arith.addi %scan3A_367, %scan3A_368 : i32
        %scan3A_370 = arith.constant 1 : i32
        scf.for %scan3A_372 = %scan3A_367 to %scan3A_369 step %scan3A_370  : i32 {
          %mul3A_373 = arith.constant 8 : i32
          %mul3A_374 = arith.muli %scan3A_372, %mul3A_373 : i32
          %add3A_375 = arith.constant 0 : i32
          %add3A_376 = arith.addi %mul3A_374, %add3A_375 : i32
          %mul3A_377 = arith.constant 16 : i32
          %mul3A_378 = arith.muli %add3A_376, %mul3A_377 : i32
          %get3A = arith.index_cast %scan3A_366 : i32 to index
          %get3A_379 = arith.index_cast %mul3A_378 : i32 to index
          %get3A_380 = tpu.vector_load %arg16[%get3A, %get3A_379] {strides = array<i32>} : memref<4x2048xf32, #tpu.memory_space<vmem>>, vector<1x16xf32>,
          %get3A_381 = vector.shape_cast %get3A_380 : vector<1x16xf32> to vector<16xf32>
          %swap3A = arith.index_cast %scan3A_366 : i32 to index
          %swap3A_382 = arith.index_cast %mul3A_378 : i32 to index
          %swap3A_383 = tpu.vector_load %arg12[%swap3A, %swap3A_382] {strides = array<i32>} : memref<4x2048xf32, #tpu.memory_space<vmem>>, vector<1x16xf32>,
          %swap3A_384 = vector.shape_cast %swap3A_383 : vector<1x16xf32> to vector<16xf32>
          %swap3A_385 = vector.shape_cast %get3A_381 : vector<16xf32> to vector<1x16xf32>
          tpu.vector_store %arg12[%swap3A, %swap3A_382], %swap3A_385 {add = true, strides = array<i32>} : memref<4x2048xf32, #tpu.memory_space<vmem>>, vector<1x16xf32>,
          %mul3A_386 = arith.constant 8 : i32
          %mul3A_387 = arith.muli %scan3A_372, %mul3A_386 : i32
          %add3A_388 = arith.constant 1 : i32
          %add3A_389 = arith.addi %mul3A_387, %add3A_388 : i32
          %mul3A_390 = arith.constant 16 : i32
          %mul3A_391 = arith.muli %add3A_389, %mul3A_390 : i32
          %get3A_392 = arith.index_cast %scan3A_366 : i32 to index
          %get3A_393 = arith.index_cast %mul3A_391 : i32 to index
          %get3A_394 = tpu.vector_load %arg16[%get3A_392, %get3A_393] {strides = array<i32>} : memref<4x2048xf32, #tpu.memory_space<vmem>>, vector<1x16xf32>,
          %get3A_395 = vector.shape_cast %get3A_394 : vector<1x16xf32> to vector<16xf32>
          %swap3A_396 = arith.index_cast %scan3A_366 : i32 to index
          %swap3A_397 = arith.index_cast %mul3A_391 : i32 to index
          %swap3A_398 = tpu.vector_load %arg12[%swap3A_396, %swap3A_397] {strides = array<i32>} : memref<4x2048xf32, #tpu.memory_space<vmem>>, vector<1x16xf32>,
          %swap3A_399 = vector.shape_cast %swap3A_398 : vector<1x16xf32> to vector<16xf32>
          %swap3A_400 = vector.shape_cast %get3A_395 : vector<16xf32> to vector<1x16xf32>
          tpu.vector_store %arg12[%swap3A_396, %swap3A_397], %swap3A_400 {add = true, strides = array<i32>} : memref<4x2048xf32, #tpu.memory_space<vmem>>, vector<1x16xf32>,
          %mul3A_401 = arith.constant 8 : i32
          %mul3A_402 = arith.muli %scan3A_372, %mul3A_401 : i32
          %add3A_403 = arith.constant 2 : i32
          %add3A_404 = arith.addi %mul3A_402, %add3A_403 : i32
          %mul3A_405 = arith.constant 16 : i32
          %mul3A_406 = arith.muli %add3A_404, %mul3A_405 : i32
          %get3A_407 = arith.index_cast %scan3A_366 : i32 to index
          %get3A_408 = arith.index_cast %mul3A_406 : i32 to index
          %get3A_409 = tpu.vector_load %arg16[%get3A_407, %get3A_408] {strides = array<i32>} : memref<4x2048xf32, #tpu.memory_space<vmem>>, vector<1x16xf32>,
          %get3A_410 = vector.shape_cast %get3A_409 : vector<1x16xf32> to vector<16xf32>
          %swap3A_411 = arith.index_cast %scan3A_366 : i32 to index
          %swap3A_412 = arith.index_cast %mul3A_406 : i32 to index
          %swap3A_413 = tpu.vector_load %arg12[%swap3A_411, %swap3A_412] {strides = array<i32>} : memref<4x2048xf32, #tpu.memory_space<vmem>>, vector<1x16xf32>,
          %swap3A_414 = vector.shape_cast %swap3A_413 : vector<1x16xf32> to vector<16xf32>
          %swap3A_415 = vector.shape_cast %get3A_410 : vector<16xf32> to vector<1x16xf32>
          tpu.vector_store %arg12[%swap3A_411, %swap3A_412], %swap3A_415 {add = true, strides = array<i32>} : memref<4x2048xf32, #tpu.memory_space<vmem>>, vector<1x16xf32>,
          %mul3A_416 = arith.constant 8 : i32
          %mul3A_417 = arith.muli %scan3A_372, %mul3A_416 : i32
          %add3A_418 = arith.constant 3 : i32
          %add3A_419 = arith.addi %mul3A_417, %add3A_418 : i32
          %mul3A_420 = arith.constant 16 : i32
          %mul3A_421 = arith.muli %add3A_419, %mul3A_420 : i32
          %get3A_422 = arith.index_cast %scan3A_366 : i32 to index
          %get3A_423 = arith.index_cast %mul3A_421 : i32 to index
          %get3A_424 = tpu.vector_load %arg16[%get3A_422, %get3A_423] {strides = array<i32>} : memref<4x2048xf32, #tpu.memory_space<vmem>>, vector<1x16xf32>,
          %get3A_425 = vector.shape_cast %get3A_424 : vector<1x16xf32> to vector<16xf32>
          %swap3A_426 = arith.index_cast %scan3A_366 : i32 to index
          %swap3A_427 = arith.index_cast %mul3A_421 : i32 to index
          %swap3A_428 = tpu.vector_load %arg12[%swap3A_426, %swap3A_427] {strides = array<i32>} : memref<4x2048xf32, #tpu.memory_space<vmem>>, vector<1x16xf32>,
          %swap3A_429 = vector.shape_cast %swap3A_428 : vector<1x16xf32> to vector<16xf32>
          %swap3A_430 = vector.shape_cast %get3A_425 : vector<16xf32> to vector<1x16xf32>
          tpu.vector_store %arg12[%swap3A_426, %swap3A_427], %swap3A_430 {add = true, strides = array<i32>} : memref<4x2048xf32, #tpu.memory_space<vmem>>, vector<1x16xf32>,
          %mul3A_431 = arith.constant 8 : i32
          %mul3A_432 = arith.muli %scan3A_372, %mul3A_431 : i32
          %add3A_433 = arith.constant 4 : i32
          %add3A_434 = arith.addi %mul3A_432, %add3A_433 : i32
          %mul3A_435 = arith.constant 16 : i32
          %mul3A_436 = arith.muli %add3A_434, %mul3A_435 : i32
          %get3A_437 = arith.index_cast %scan3A_366 : i32 to index
          %get3A_438 = arith.index_cast %mul3A_436 : i32 to index
          %get3A_439 = tpu.vector_load %arg16[%get3A_437, %get3A_438] {strides = array<i32>} : memref<4x2048xf32, #tpu.memory_space<vmem>>, vector<1x16xf32>,
          %get3A_440 = vector.shape_cast %get3A_439 : vector<1x16xf32> to vector<16xf32>
          %swap3A_441 = arith.index_cast %scan3A_366 : i32 to index
          %swap3A_442 = arith.index_cast %mul3A_436 : i32 to index
          %swap3A_443 = tpu.vector_load %arg12[%swap3A_441, %swap3A_442] {strides = array<i32>} : memref<4x2048xf32, #tpu.memory_space<vmem>>, vector<1x16xf32>,
          %swap3A_444 = vector.shape_cast %swap3A_443 : vector<1x16xf32> to vector<16xf32>
          %swap3A_445 = vector.shape_cast %get3A_440 : vector<16xf32> to vector<1x16xf32>
          tpu.vector_store %arg12[%swap3A_441, %swap3A_442], %swap3A_445 {add = true, strides = array<i32>} : memref<4x2048xf32, #tpu.memory_space<vmem>>, vector<1x16xf32>,
          %mul3A_446 = arith.constant 8 : i32
          %mul3A_447 = arith.muli %scan3A_372, %mul3A_446 : i32
          %add3A_448 = arith.constant 5 : i32
          %add3A_449 = arith.addi %mul3A_447, %add3A_448 : i32
          %mul3A_450 = arith.constant 16 : i32
          %mul3A_451 = arith.muli %add3A_449, %mul3A_450 : i32
          %get3A_452 = arith.index_cast %scan3A_366 : i32 to index
          %get3A_453 = arith.index_cast %mul3A_451 : i32 to index
          %get3A_454 = tpu.vector_load %arg16[%get3A_452, %get3A_453] {strides = array<i32>} : memref<4x2048xf32, #tpu.memory_space<vmem>>, vector<1x16xf32>,
          %get3A_455 = vector.shape_cast %get3A_454 : vector<1x16xf32> to vector<16xf32>
          %swap3A_456 = arith.index_cast %scan3A_366 : i32 to index
          %swap3A_457 = arith.index_cast %mul3A_451 : i32 to index
          %swap3A_458 = tpu.vector_load %arg12[%swap3A_456, %swap3A_457] {strides = array<i32>} : memref<4x2048xf32, #tpu.memory_space<vmem>>, vector<1x16xf32>,
          %swap3A_459 = vector.shape_cast %swap3A_458 : vector<1x16xf32> to vector<16xf32>
          %swap3A_460 = vector.shape_cast %get3A_455 : vector<16xf32> to vector<1x16xf32>
          tpu.vector_store %arg12[%swap3A_456, %swap3A_457], %swap3A_460 {add = true, strides = array<i32>} : memref<4x2048xf32, #tpu.memory_space<vmem>>, vector<1x16xf32>,
          %mul3A_461 = arith.constant 8 : i32
          %mul3A_462 = arith.muli %scan3A_372, %mul3A_461 : i32
          %add3A_463 = arith.constant 6 : i32
          %add3A_464 = arith.addi %mul3A_462, %add3A_463 : i32
          %mul3A_465 = arith.constant 16 : i32
          %mul3A_466 = arith.muli %add3A_464, %mul3A_465 : i32
          %get3A_467 = arith.index_cast %scan3A_366 : i32 to index
          %get3A_468 = arith.index_cast %mul3A_466 : i32 to index
          %get3A_469 = tpu.vector_load %arg16[%get3A_467, %get3A_468] {strides = array<i32>} : memref<4x2048xf32, #tpu.memory_space<vmem>>, vector<1x16xf32>,
          %get3A_470 = vector.shape_cast %get3A_469 : vector<1x16xf32> to vector<16xf32>
          %swap3A_471 = arith.index_cast %scan3A_366 : i32 to index
          %swap3A_472 = arith.index_cast %mul3A_466 : i32 to index
          %swap3A_473 = tpu.vector_load %arg12[%swap3A_471, %swap3A_472] {strides = array<i32>} : memref<4x2048xf32, #tpu.memory_space<vmem>>, vector<1x16xf32>,
          %swap3A_474 = vector.shape_cast %swap3A_473 : vector<1x16xf32> to vector<16xf32>
          %swap3A_475 = vector.shape_cast %get3A_470 : vector<16xf32> to vector<1x16xf32>
          tpu.vector_store %arg12[%swap3A_471, %swap3A_472], %swap3A_475 {add = true, strides = array<i32>} : memref<4x2048xf32, #tpu.memory_space<vmem>>, vector<1x16xf32>,
          %mul3A_476 = arith.constant 8 : i32
          %mul3A_477 = arith.muli %scan3A_372, %mul3A_476 : i32
          %add3A_478 = arith.constant 7 : i32
          %add3A_479 = arith.addi %mul3A_477, %add3A_478 : i32
          %mul3A_480 = arith.constant 16 : i32
          %mul3A_481 = arith.muli %add3A_479, %mul3A_480 : i32
          %get3A_482 = arith.index_cast %scan3A_366 : i32 to index
          %get3A_483 = arith.index_cast %mul3A_481 : i32 to index
          %get3A_484 = tpu.vector_load %arg16[%get3A_482, %get3A_483] {strides = array<i32>} : memref<4x2048xf32, #tpu.memory_space<vmem>>, vector<1x16xf32>,
          %get3A_485 = vector.shape_cast %get3A_484 : vector<1x16xf32> to vector<16xf32>
          %swap3A_486 = arith.index_cast %scan3A_366 : i32 to index
          %swap3A_487 = arith.index_cast %mul3A_481 : i32 to index
          %swap3A_488 = tpu.vector_load %arg12[%swap3A_486, %swap3A_487] {strides = array<i32>} : memref<4x2048xf32, #tpu.memory_space<vmem>>, vector<1x16xf32>,
          %swap3A_489 = vector.shape_cast %swap3A_488 : vector<1x16xf32> to vector<16xf32>
          %swap3A_490 = vector.shape_cast %get3A_485 : vector<16xf32> to vector<1x16xf32>
          tpu.vector_store %arg12[%swap3A_486, %swap3A_487], %swap3A_490 {add = true, strides = array<i32>} : memref<4x2048xf32, #tpu.memory_space<vmem>>, vector<1x16xf32>,
        }
        %scan3A_371 = arith.constant 16 : i32
      }
      %scan3A_249 = arith.constant 4 : i32
      %mul3A_250 = arith.constant 4 : i32
      %mul3A_251 = arith.muli %add3A_231, %mul3A_250 : i32
      %add3A_252 = arith.addi %mul3A_2, %mul3A_251 : i32
      %dma_start3A_253 = arith.constant 0 : i32
      %dma_start3A_254 = tpu.memref_slice %arg5[%add3A_252, %dma_start3A_253] : memref<8192x2048xf32, #tpu.memory_space<hbm>> -> memref<4x2048xf32, #tpu.memory_space<hbm>>
      %dma_start3A_255 = arith.constant 0 : i32
      %dma_start3A_256 = tpu.memref_slice %arg5[%add3A_252, %dma_start3A_255] : memref<8192x2048xf32, #tpu.memory_space<hbm>> -> memref<4x2048xf32, #tpu.memory_space<hbm>>
      tpu.enqueue_dma source(%arg12 : memref<4x2048xf32, #tpu.memory_space<vmem>>) target(%dma_start3A_256 : memref<4x2048xf32, #tpu.memory_space<hbm>>) target_semaphore(%arg36 : memref<!tpu.dma_semaphore, #tpu.memory_space<semaphore_mem>>)
      %add3A_257 = arith.constant 4 : i32
      %add3A_258 = arith.addi %add3A_231, %add3A_257 : i32
      %lt3A_259 = arith.constant 64 : i32
      %lt3A_260 = arith.cmpi slt, %add3A_258, %lt3A_259 : i32
      %convert_element_type3A_261 = arith.extui %lt3A_260 : i1 to i32
      %cond3A_262 = arith.constant 0 : i32
      %cond3A_263 = arith.cmpi ne, %convert_element_type3A_261, %cond3A_262 : i32
      scf.if %cond3A_263 {
        %ge3A = arith.constant 4 : i32
        %ge3A_366 = arith.cmpi sge, %add3A_231, %ge3A : i32
        %convert_element_type3A_367 = arith.extui %ge3A_366 : i1 to i32
        %cond3A_368 = arith.constant 0 : i32
        %cond3A_369 = arith.cmpi ne, %convert_element_type3A_367, %cond3A_368 : i32
        scf.if %cond3A_369 {
          %dma_wait3A_386 = arith.constant 0 : i32
          %dma_wait3A_387 = tpu.memref_slice %arg5[%mul3A_2, %dma_wait3A_386] : memref<8192x2048xf32, #tpu.memory_space<hbm>> -> memref<4x2048xf32, #tpu.memory_space<hbm>>
          %dma_wait3A_388 = arith.constant 0 : i32
          %dma_wait3A_389 = tpu.memref_slice %arg5[%mul3A_2, %dma_wait3A_388] : memref<8192x2048xf32, #tpu.memory_space<hbm>> -> memref<4x2048xf32, #tpu.memory_space<hbm>>
          tpu.wait_dma2 semaphore(%arg32 : memref<!tpu.dma_semaphore, #tpu.memory_space<semaphore_mem>>) src(%arg8 : memref<4x2048xf32, #tpu.memory_space<vmem>>) dst(%dma_wait3A_389 : memref<4x2048xf32, #tpu.memory_space<hbm>>)
        } else {
        }
        %add3A_370 = arith.constant 4 : i32
        %add3A_371 = arith.addi %add3A_231, %add3A_370 : i32
        %dma_start3A_372 = arith.constant 0 : i32
        %dma_start3A_373 = tpu.memref_slice %arg6[%add3A_371, %dma_start3A_372] : memref<64x4xi32, #tpu.memory_space<vmem>> -> memref<1x4xi32, #tpu.memory_space<vmem>>
        %dma_start3A_374 = tpu.memref_squeeze %dma_start3A_373 : memref<1x4xi32, #tpu.memory_space<vmem>> -> memref<4xi32, #tpu.memory_space<vmem>>
        %dma_start3A_375 = arith.constant 0 : i32
        %dma_start3A_376 = arith.constant 0 : i32
        %dma_start3A_377 = tpu.memref_slice %arg2[%dma_start3A_375, %dma_start3A_376] : memref<18432x2048xf32, #tpu.memory_space<hbm>> -> memref<18432x2048xf32, #tpu.memory_space<hbm>>
        tpu.enqueue_indirect_dma source(%dma_start3A_377 : memref<18432x2048xf32, #tpu.memory_space<hbm>>) target(%arg8 : memref<4x2048xf32, #tpu.memory_space<vmem>>) offsets(%dma_start3A_374 : memref<4xi32, #tpu.memory_space<vmem>>) semaphore(%arg20 : memref<!tpu.dma_semaphore, #tpu.memory_space<semaphore_mem>>)
        %add3A_378 = arith.constant 4 : i32
        %add3A_379 = arith.addi %add3A_231, %add3A_378 : i32
        %dma_start3A_380 = arith.constant 0 : i32
        %dma_start3A_381 = tpu.memref_slice %arg7[%add3A_379, %dma_start3A_380] : memref<64x4xi32, #tpu.memory_space<vmem>> -> memref<1x4xi32, #tpu.memory_space<vmem>>
        %dma_start3A_382 = tpu.memref_squeeze %dma_start3A_381 : memref<1x4xi32, #tpu.memory_space<vmem>> -> memref<4xi32, #tpu.memory_space<vmem>>
        %dma_start3A_383 = arith.constant 0 : i32
        %dma_start3A_384 = arith.constant 0 : i32
        %dma_start3A_385 = tpu.memref_slice %arg2[%dma_start3A_383, %dma_start3A_384] : memref<18432x2048xf32, #tpu.memory_space<hbm>> -> memref<18432x2048xf32, #tpu.memory_space<hbm>>
        tpu.enqueue_indirect_dma source(%dma_start3A_385 : memref<18432x2048xf32, #tpu.memory_space<hbm>>) target(%arg16 : memref<4x2048xf32, #tpu.memory_space<vmem>>) offsets(%dma_start3A_382 : memref<4xi32, #tpu.memory_space<vmem>>) semaphore(%arg28 : memref<!tpu.dma_semaphore, #tpu.memory_space<semaphore_mem>>)
      } else {
      }
      %add3A_264 = arith.constant 5 : i32
      %add3A_265 = arith.addi %mul3A_96, %add3A_264 : i32
      %dma_wait3A_266 = arith.constant 0 : i32
      %dma_wait3A_267 = arith.constant 0 : i32
      %dma_wait3A_268 = tpu.memref_slice %arg2[%dma_wait3A_266, %dma_wait3A_267] : memref<18432x2048xf32, #tpu.memory_space<hbm>> -> memref<4x2048xf32, #tpu.memory_space<hbm>>
      %dma_wait3A_269 = arith.constant 0 : i32
      %dma_wait3A_270 = arith.constant 0 : i32
      %dma_wait3A_271 = tpu.memref_slice %arg2[%dma_wait3A_269, %dma_wait3A_270] : memref<18432x2048xf32, #tpu.memory_space<hbm>> -> memref<4x2048xf32, #tpu.memory_space<hbm>>
      tpu.wait_dma2 semaphore(%arg25 : memref<!tpu.dma_semaphore, #tpu.memory_space<semaphore_mem>>) src(%dma_wait3A_271 : memref<4x2048xf32, #tpu.memory_space<hbm>>) dst(%arg13 : memref<4x2048xf32, #tpu.memory_space<vmem>>)
      %dma_wait3A_272 = arith.constant 0 : i32
      %dma_wait3A_273 = arith.constant 0 : i32
      %dma_wait3A_274 = tpu.memref_slice %arg2[%dma_wait3A_272, %dma_wait3A_273] : memref<18432x2048xf32, #tpu.memory_space<hbm>> -> memref<4x2048xf32, #tpu.memory_space<hbm>>
      %dma_wait3A_275 = arith.constant 0 : i32
      %dma_wait3A_276 = arith.constant 0 : i32
      %dma_wait3A_277 = tpu.memref_slice %arg2[%dma_wait3A_275, %dma_wait3A_276] : memref<18432x2048xf32, #tpu.memory_space<hbm>> -> memref<4x2048xf32, #tpu.memory_space<hbm>>
      tpu.wait_dma2 semaphore(%arg29 : memref<!tpu.dma_semaphore, #tpu.memory_space<semaphore_mem>>) src(%dma_wait3A_277 : memref<4x2048xf32, #tpu.memory_space<hbm>>) dst(%arg17 : memref<4x2048xf32, #tpu.memory_space<vmem>>)
      %scan3A_278 = arith.constant 0 : i32
      %scan3A_279 = arith.constant 0 : i32
      %scan3A_280 = arith.constant 4 : i32
      %scan3A_281 = arith.addi %scan3A_279, %scan3A_280 : i32
      %scan3A_282 = arith.constant 1 : i32
      scf.for %scan3A_366 = %scan3A_279 to %scan3A_281 step %scan3A_282  : i32 {
        %scan3A_367 = arith.constant 0 : i32
        %scan3A_368 = arith.constant 16 : i32
        %scan3A_369 = arith.addi %scan3A_367, %scan3A_368 : i32
        %scan3A_370 = arith.constant 1 : i32
        scf.for %scan3A_372 = %scan3A_367 to %scan3A_369 step %scan3A_370  : i32 {
          %mul3A_373 = arith.constant 8 : i32
          %mul3A_374 = arith.muli %scan3A_372, %mul3A_373 : i32
          %add3A_375 = arith.constant 0 : i32
          %add3A_376 = arith.addi %mul3A_374, %add3A_375 : i32
          %mul3A_377 = arith.constant 16 : i32
          %mul3A_378 = arith.muli %add3A_376, %mul3A_377 : i32
          %get3A = arith.index_cast %scan3A_366 : i32 to index
          %get3A_379 = arith.index_cast %mul3A_378 : i32 to index
          %get3A_380 = tpu.vector_load %arg17[%get3A, %get3A_379] {strides = array<i32>} : memref<4x2048xf32, #tpu.memory_space<vmem>>, vector<1x16xf32>,
          %get3A_381 = vector.shape_cast %get3A_380 : vector<1x16xf32> to vector<16xf32>
          %swap3A = arith.index_cast %scan3A_366 : i32 to index
          %swap3A_382 = arith.index_cast %mul3A_378 : i32 to index
          %swap3A_383 = tpu.vector_load %arg13[%swap3A, %swap3A_382] {strides = array<i32>} : memref<4x2048xf32, #tpu.memory_space<vmem>>, vector<1x16xf32>,
          %swap3A_384 = vector.shape_cast %swap3A_383 : vector<1x16xf32> to vector<16xf32>
          %swap3A_385 = vector.shape_cast %get3A_381 : vector<16xf32> to vector<1x16xf32>
          tpu.vector_store %arg13[%swap3A, %swap3A_382], %swap3A_385 {add = true, strides = array<i32>} : memref<4x2048xf32, #tpu.memory_space<vmem>>, vector<1x16xf32>,
          %mul3A_386 = arith.constant 8 : i32
          %mul3A_387 = arith.muli %scan3A_372, %mul3A_386 : i32
          %add3A_388 = arith.constant 1 : i32
          %add3A_389 = arith.addi %mul3A_387, %add3A_388 : i32
          %mul3A_390 = arith.constant 16 : i32
          %mul3A_391 = arith.muli %add3A_389, %mul3A_390 : i32
          %get3A_392 = arith.index_cast %scan3A_366 : i32 to index
          %get3A_393 = arith.index_cast %mul3A_391 : i32 to index
          %get3A_394 = tpu.vector_load %arg17[%get3A_392, %get3A_393] {strides = array<i32>} : memref<4x2048xf32, #tpu.memory_space<vmem>>, vector<1x16xf32>,
          %get3A_395 = vector.shape_cast %get3A_394 : vector<1x16xf32> to vector<16xf32>
          %swap3A_396 = arith.index_cast %scan3A_366 : i32 to index
          %swap3A_397 = arith.index_cast %mul3A_391 : i32 to index
          %swap3A_398 = tpu.vector_load %arg13[%swap3A_396, %swap3A_397] {strides = array<i32>} : memref<4x2048xf32, #tpu.memory_space<vmem>>, vector<1x16xf32>,
          %swap3A_399 = vector.shape_cast %swap3A_398 : vector<1x16xf32> to vector<16xf32>
          %swap3A_400 = vector.shape_cast %get3A_395 : vector<16xf32> to vector<1x16xf32>
          tpu.vector_store %arg13[%swap3A_396, %swap3A_397], %swap3A_400 {add = true, strides = array<i32>} : memref<4x2048xf32, #tpu.memory_space<vmem>>, vector<1x16xf32>,
          %mul3A_401 = arith.constant 8 : i32
          %mul3A_402 = arith.muli %scan3A_372, %mul3A_401 : i32
          %add3A_403 = arith.constant 2 : i32
          %add3A_404 = arith.addi %mul3A_402, %add3A_403 : i32
          %mul3A_405 = arith.constant 16 : i32
          %mul3A_406 = arith.muli %add3A_404, %mul3A_405 : i32
          %get3A_407 = arith.index_cast %scan3A_366 : i32 to index
          %get3A_408 = arith.index_cast %mul3A_406 : i32 to index
          %get3A_409 = tpu.vector_load %arg17[%get3A_407, %get3A_408] {strides = array<i32>} : memref<4x2048xf32, #tpu.memory_space<vmem>>, vector<1x16xf32>,
          %get3A_410 = vector.shape_cast %get3A_409 : vector<1x16xf32> to vector<16xf32>
          %swap3A_411 = arith.index_cast %scan3A_366 : i32 to index
          %swap3A_412 = arith.index_cast %mul3A_406 : i32 to index
          %swap3A_413 = tpu.vector_load %arg13[%swap3A_411, %swap3A_412] {strides = array<i32>} : memref<4x2048xf32, #tpu.memory_space<vmem>>, vector<1x16xf32>,
          %swap3A_414 = vector.shape_cast %swap3A_413 : vector<1x16xf32> to vector<16xf32>
          %swap3A_415 = vector.shape_cast %get3A_410 : vector<16xf32> to vector<1x16xf32>
          tpu.vector_store %arg13[%swap3A_411, %swap3A_412], %swap3A_415 {add = true, strides = array<i32>} : memref<4x2048xf32, #tpu.memory_space<vmem>>, vector<1x16xf32>,
          %mul3A_416 = arith.constant 8 : i32
          %mul3A_417 = arith.muli %scan3A_372, %mul3A_416 : i32
          %add3A_418 = arith.constant 3 : i32
          %add3A_419 = arith.addi %mul3A_417, %add3A_418 : i32
          %mul3A_420 = arith.constant 16 : i32
          %mul3A_421 = arith.muli %add3A_419, %mul3A_420 : i32
          %get3A_422 = arith.index_cast %scan3A_366 : i32 to index
          %get3A_423 = arith.index_cast %mul3A_421 : i32 to index
          %get3A_424 = tpu.vector_load %arg17[%get3A_422, %get3A_423] {strides = array<i32>} : memref<4x2048xf32, #tpu.memory_space<vmem>>, vector<1x16xf32>,
          %get3A_425 = vector.shape_cast %get3A_424 : vector<1x16xf32> to vector<16xf32>
          %swap3A_426 = arith.index_cast %scan3A_366 : i32 to index
          %swap3A_427 = arith.index_cast %mul3A_421 : i32 to index
          %swap3A_428 = tpu.vector_load %arg13[%swap3A_426, %swap3A_427] {strides = array<i32>} : memref<4x2048xf32, #tpu.memory_space<vmem>>, vector<1x16xf32>,
          %swap3A_429 = vector.shape_cast %swap3A_428 : vector<1x16xf32> to vector<16xf32>
          %swap3A_430 = vector.shape_cast %get3A_425 : vector<16xf32> to vector<1x16xf32>
          tpu.vector_store %arg13[%swap3A_426, %swap3A_427], %swap3A_430 {add = true, strides = array<i32>} : memref<4x2048xf32, #tpu.memory_space<vmem>>, vector<1x16xf32>,
          %mul3A_431 = arith.constant 8 : i32
          %mul3A_432 = arith.muli %scan3A_372, %mul3A_431 : i32
          %add3A_433 = arith.constant 4 : i32
          %add3A_434 = arith.addi %mul3A_432, %add3A_433 : i32
          %mul3A_435 = arith.constant 16 : i32
          %mul3A_436 = arith.muli %add3A_434, %mul3A_435 : i32
          %get3A_437 = arith.index_cast %scan3A_366 : i32 to index
          %get3A_438 = arith.index_cast %mul3A_436 : i32 to index
          %get3A_439 = tpu.vector_load %arg17[%get3A_437, %get3A_438] {strides = array<i32>} : memref<4x2048xf32, #tpu.memory_space<vmem>>, vector<1x16xf32>,
          %get3A_440 = vector.shape_cast %get3A_439 : vector<1x16xf32> to vector<16xf32>
          %swap3A_441 = arith.index_cast %scan3A_366 : i32 to index
          %swap3A_442 = arith.index_cast %mul3A_436 : i32 to index
          %swap3A_443 = tpu.vector_load %arg13[%swap3A_441, %swap3A_442] {strides = array<i32>} : memref<4x2048xf32, #tpu.memory_space<vmem>>, vector<1x16xf32>,
          %swap3A_444 = vector.shape_cast %swap3A_443 : vector<1x16xf32> to vector<16xf32>
          %swap3A_445 = vector.shape_cast %get3A_440 : vector<16xf32> to vector<1x16xf32>
          tpu.vector_store %arg13[%swap3A_441, %swap3A_442], %swap3A_445 {add = true, strides = array<i32>} : memref<4x2048xf32, #tpu.memory_space<vmem>>, vector<1x16xf32>,
          %mul3A_446 = arith.constant 8 : i32
          %mul3A_447 = arith.muli %scan3A_372, %mul3A_446 : i32
          %add3A_448 = arith.constant 5 : i32
          %add3A_449 = arith.addi %mul3A_447, %add3A_448 : i32
          %mul3A_450 = arith.constant 16 : i32
          %mul3A_451 = arith.muli %add3A_449, %mul3A_450 : i32
          %get3A_452 = arith.index_cast %scan3A_366 : i32 to index
          %get3A_453 = arith.index_cast %mul3A_451 : i32 to index
          %get3A_454 = tpu.vector_load %arg17[%get3A_452, %get3A_453] {strides = array<i32>} : memref<4x2048xf32, #tpu.memory_space<vmem>>, vector<1x16xf32>,
          %get3A_455 = vector.shape_cast %get3A_454 : vector<1x16xf32> to vector<16xf32>
          %swap3A_456 = arith.index_cast %scan3A_366 : i32 to index
          %swap3A_457 = arith.index_cast %mul3A_451 : i32 to index
          %swap3A_458 = tpu.vector_load %arg13[%swap3A_456, %swap3A_457] {strides = array<i32>} : memref<4x2048xf32, #tpu.memory_space<vmem>>, vector<1x16xf32>,
          %swap3A_459 = vector.shape_cast %swap3A_458 : vector<1x16xf32> to vector<16xf32>
          %swap3A_460 = vector.shape_cast %get3A_455 : vector<16xf32> to vector<1x16xf32>
          tpu.vector_store %arg13[%swap3A_456, %swap3A_457], %swap3A_460 {add = true, strides = array<i32>} : memref<4x2048xf32, #tpu.memory_space<vmem>>, vector<1x16xf32>,
          %mul3A_461 = arith.constant 8 : i32
          %mul3A_462 = arith.muli %scan3A_372, %mul3A_461 : i32
          %add3A_463 = arith.constant 6 : i32
          %add3A_464 = arith.addi %mul3A_462, %add3A_463 : i32
          %mul3A_465 = arith.constant 16 : i32
          %mul3A_466 = arith.muli %add3A_464, %mul3A_465 : i32
          %get3A_467 = arith.index_cast %scan3A_366 : i32 to index
          %get3A_468 = arith.index_cast %mul3A_466 : i32 to index
          %get3A_469 = tpu.vector_load %arg17[%get3A_467, %get3A_468] {strides = array<i32>} : memref<4x2048xf32, #tpu.memory_space<vmem>>, vector<1x16xf32>,
          %get3A_470 = vector.shape_cast %get3A_469 : vector<1x16xf32> to vector<16xf32>
          %swap3A_471 = arith.index_cast %scan3A_366 : i32 to index
          %swap3A_472 = arith.index_cast %mul3A_466 : i32 to index
          %swap3A_473 = tpu.vector_load %arg13[%swap3A_471, %swap3A_472] {strides = array<i32>} : memref<4x2048xf32, #tpu.memory_space<vmem>>, vector<1x16xf32>,
          %swap3A_474 = vector.shape_cast %swap3A_473 : vector<1x16xf32> to vector<16xf32>
          %swap3A_475 = vector.shape_cast %get3A_470 : vector<16xf32> to vector<1x16xf32>
          tpu.vector_store %arg13[%swap3A_471, %swap3A_472], %swap3A_475 {add = true, strides = array<i32>} : memref<4x2048xf32, #tpu.memory_space<vmem>>, vector<1x16xf32>,
          %mul3A_476 = arith.constant 8 : i32
          %mul3A_477 = arith.muli %scan3A_372, %mul3A_476 : i32
          %add3A_478 = arith.constant 7 : i32
          %add3A_479 = arith.addi %mul3A_477, %add3A_478 : i32
          %mul3A_480 = arith.constant 16 : i32
          %mul3A_481 = arith.muli %add3A_479, %mul3A_480 : i32
          %get3A_482 = arith.index_cast %scan3A_366 : i32 to index
          %get3A_483 = arith.index_cast %mul3A_481 : i32 to index
          %get3A_484 = tpu.vector_load %arg17[%get3A_482, %get3A_483] {strides = array<i32>} : memref<4x2048xf32, #tpu.memory_space<vmem>>, vector<1x16xf32>,
          %get3A_485 = vector.shape_cast %get3A_484 : vector<1x16xf32> to vector<16xf32>
          %swap3A_486 = arith.index_cast %scan3A_366 : i32 to index
          %swap3A_487 = arith.index_cast %mul3A_481 : i32 to index
          %swap3A_488 = tpu.vector_load %arg13[%swap3A_486, %swap3A_487] {strides = array<i32>} : memref<4x2048xf32, #tpu.memory_space<vmem>>, vector<1x16xf32>,
          %swap3A_489 = vector.shape_cast %swap3A_488 : vector<1x16xf32> to vector<16xf32>
          %swap3A_490 = vector.shape_cast %get3A_485 : vector<16xf32> to vector<1x16xf32>
          tpu.vector_store %arg13[%swap3A_486, %swap3A_487], %swap3A_490 {add = true, strides = array<i32>} : memref<4x2048xf32, #tpu.memory_space<vmem>>, vector<1x16xf32>,
        }
        %scan3A_371 = arith.constant 16 : i32
      }
      %scan3A_283 = arith.constant 4 : i32
      %mul3A_284 = arith.constant 4 : i32
      %mul3A_285 = arith.muli %add3A_265, %mul3A_284 : i32
      %add3A_286 = arith.addi %mul3A_2, %mul3A_285 : i32
      %dma_start3A_287 = arith.constant 0 : i32
      %dma_start3A_288 = tpu.memref_slice %arg5[%add3A_286, %dma_start3A_287] : memref<8192x2048xf32, #tpu.memory_space<hbm>> -> memref<4x2048xf32, #tpu.memory_space<hbm>>
      %dma_start3A_289 = arith.constant 0 : i32
      %dma_start3A_290 = tpu.memref_slice %arg5[%add3A_286, %dma_start3A_289] : memref<8192x2048xf32, #tpu.memory_space<hbm>> -> memref<4x2048xf32, #tpu.memory_space<hbm>>
      tpu.enqueue_dma source(%arg13 : memref<4x2048xf32, #tpu.memory_space<vmem>>) target(%dma_start3A_290 : memref<4x2048xf32, #tpu.memory_space<hbm>>) target_semaphore(%arg37 : memref<!tpu.dma_semaphore, #tpu.memory_space<semaphore_mem>>)
      %add3A_291 = arith.constant 4 : i32
      %add3A_292 = arith.addi %add3A_265, %add3A_291 : i32
      %lt3A_293 = arith.constant 64 : i32
      %lt3A_294 = arith.cmpi slt, %add3A_292, %lt3A_293 : i32
      %convert_element_type3A_295 = arith.extui %lt3A_294 : i1 to i32
      %cond3A_296 = arith.constant 0 : i32
      %cond3A_297 = arith.cmpi ne, %convert_element_type3A_295, %cond3A_296 : i32
      scf.if %cond3A_297 {
        %ge3A = arith.constant 4 : i32
        %ge3A_366 = arith.cmpi sge, %add3A_265, %ge3A : i32
        %convert_element_type3A_367 = arith.extui %ge3A_366 : i1 to i32
        %cond3A_368 = arith.constant 0 : i32
        %cond3A_369 = arith.cmpi ne, %convert_element_type3A_367, %cond3A_368 : i32
        scf.if %cond3A_369 {
          %dma_wait3A_386 = arith.constant 0 : i32
          %dma_wait3A_387 = tpu.memref_slice %arg5[%mul3A_2, %dma_wait3A_386] : memref<8192x2048xf32, #tpu.memory_space<hbm>> -> memref<4x2048xf32, #tpu.memory_space<hbm>>
          %dma_wait3A_388 = arith.constant 0 : i32
          %dma_wait3A_389 = tpu.memref_slice %arg5[%mul3A_2, %dma_wait3A_388] : memref<8192x2048xf32, #tpu.memory_space<hbm>> -> memref<4x2048xf32, #tpu.memory_space<hbm>>
          tpu.wait_dma2 semaphore(%arg33 : memref<!tpu.dma_semaphore, #tpu.memory_space<semaphore_mem>>) src(%arg9 : memref<4x2048xf32, #tpu.memory_space<vmem>>) dst(%dma_wait3A_389 : memref<4x2048xf32, #tpu.memory_space<hbm>>)
        } else {
        }
        %add3A_370 = arith.constant 4 : i32
        %add3A_371 = arith.addi %add3A_265, %add3A_370 : i32
        %dma_start3A_372 = arith.constant 0 : i32
        %dma_start3A_373 = tpu.memref_slice %arg6[%add3A_371, %dma_start3A_372] : memref<64x4xi32, #tpu.memory_space<vmem>> -> memref<1x4xi32, #tpu.memory_space<vmem>>
        %dma_start3A_374 = tpu.memref_squeeze %dma_start3A_373 : memref<1x4xi32, #tpu.memory_space<vmem>> -> memref<4xi32, #tpu.memory_space<vmem>>
        %dma_start3A_375 = arith.constant 0 : i32
        %dma_start3A_376 = arith.constant 0 : i32
        %dma_start3A_377 = tpu.memref_slice %arg2[%dma_start3A_375, %dma_start3A_376] : memref<18432x2048xf32, #tpu.memory_space<hbm>> -> memref<18432x2048xf32, #tpu.memory_space<hbm>>
        tpu.enqueue_indirect_dma source(%dma_start3A_377 : memref<18432x2048xf32, #tpu.memory_space<hbm>>) target(%arg9 : memref<4x2048xf32, #tpu.memory_space<vmem>>) offsets(%dma_start3A_374 : memref<4xi32, #tpu.memory_space<vmem>>) semaphore(%arg21 : memref<!tpu.dma_semaphore, #tpu.memory_space<semaphore_mem>>)
        %add3A_378 = arith.constant 4 : i32
        %add3A_379 = arith.addi %add3A_265, %add3A_378 : i32
        %dma_start3A_380 = arith.constant 0 : i32
        %dma_start3A_381 = tpu.memref_slice %arg7[%add3A_379, %dma_start3A_380] : memref<64x4xi32, #tpu.memory_space<vmem>> -> memref<1x4xi32, #tpu.memory_space<vmem>>
        %dma_start3A_382 = tpu.memref_squeeze %dma_start3A_381 : memref<1x4xi32, #tpu.memory_space<vmem>> -> memref<4xi32, #tpu.memory_space<vmem>>
        %dma_start3A_383 = arith.constant 0 : i32
        %dma_start3A_384 = arith.constant 0 : i32
        %dma_start3A_385 = tpu.memref_slice %arg2[%dma_start3A_383, %dma_start3A_384] : memref<18432x2048xf32, #tpu.memory_space<hbm>> -> memref<18432x2048xf32, #tpu.memory_space<hbm>>
        tpu.enqueue_indirect_dma source(%dma_start3A_385 : memref<18432x2048xf32, #tpu.memory_space<hbm>>) target(%arg17 : memref<4x2048xf32, #tpu.memory_space<vmem>>) offsets(%dma_start3A_382 : memref<4xi32, #tpu.memory_space<vmem>>) semaphore(%arg29 : memref<!tpu.dma_semaphore, #tpu.memory_space<semaphore_mem>>)
      } else {
      }
      %add3A_298 = arith.constant 6 : i32
      %add3A_299 = arith.addi %mul3A_96, %add3A_298 : i32
      %dma_wait3A_300 = arith.constant 0 : i32
      %dma_wait3A_301 = arith.constant 0 : i32
      %dma_wait3A_302 = tpu.memref_slice %arg2[%dma_wait3A_300, %dma_wait3A_301] : memref<18432x2048xf32, #tpu.memory_space<hbm>> -> memref<4x2048xf32, #tpu.memory_space<hbm>>
      %dma_wait3A_303 = arith.constant 0 : i32
      %dma_wait3A_304 = arith.constant 0 : i32
      %dma_wait3A_305 = tpu.memref_slice %arg2[%dma_wait3A_303, %dma_wait3A_304] : memref<18432x2048xf32, #tpu.memory_space<hbm>> -> memref<4x2048xf32, #tpu.memory_space<hbm>>
      tpu.wait_dma2 semaphore(%arg26 : memref<!tpu.dma_semaphore, #tpu.memory_space<semaphore_mem>>) src(%dma_wait3A_305 : memref<4x2048xf32, #tpu.memory_space<hbm>>) dst(%arg14 : memref<4x2048xf32, #tpu.memory_space<vmem>>)
      %dma_wait3A_306 = arith.constant 0 : i32
      %dma_wait3A_307 = arith.constant 0 : i32
      %dma_wait3A_308 = tpu.memref_slice %arg2[%dma_wait3A_306, %dma_wait3A_307] : memref<18432x2048xf32, #tpu.memory_space<hbm>> -> memref<4x2048xf32, #tpu.memory_space<hbm>>
      %dma_wait3A_309 = arith.constant 0 : i32
      %dma_wait3A_310 = arith.constant 0 : i32
      %dma_wait3A_311 = tpu.memref_slice %arg2[%dma_wait3A_309, %dma_wait3A_310] : memref<18432x2048xf32, #tpu.memory_space<hbm>> -> memref<4x2048xf32, #tpu.memory_space<hbm>>
      tpu.wait_dma2 semaphore(%arg30 : memref<!tpu.dma_semaphore, #tpu.memory_space<semaphore_mem>>) src(%dma_wait3A_311 : memref<4x2048xf32, #tpu.memory_space<hbm>>) dst(%arg18 : memref<4x2048xf32, #tpu.memory_space<vmem>>)
      %scan3A_312 = arith.constant 0 : i32
      %scan3A_313 = arith.constant 0 : i32
      %scan3A_314 = arith.constant 4 : i32
      %scan3A_315 = arith.addi %scan3A_313, %scan3A_314 : i32
      %scan3A_316 = arith.constant 1 : i32
      scf.for %scan3A_366 = %scan3A_313 to %scan3A_315 step %scan3A_316  : i32 {
        %scan3A_367 = arith.constant 0 : i32
        %scan3A_368 = arith.constant 16 : i32
        %scan3A_369 = arith.addi %scan3A_367, %scan3A_368 : i32
        %scan3A_370 = arith.constant 1 : i32
        scf.for %scan3A_372 = %scan3A_367 to %scan3A_369 step %scan3A_370  : i32 {
          %mul3A_373 = arith.constant 8 : i32
          %mul3A_374 = arith.muli %scan3A_372, %mul3A_373 : i32
          %add3A_375 = arith.constant 0 : i32
          %add3A_376 = arith.addi %mul3A_374, %add3A_375 : i32
          %mul3A_377 = arith.constant 16 : i32
          %mul3A_378 = arith.muli %add3A_376, %mul3A_377 : i32
          %get3A = arith.index_cast %scan3A_366 : i32 to index
          %get3A_379 = arith.index_cast %mul3A_378 : i32 to index
          %get3A_380 = tpu.vector_load %arg18[%get3A, %get3A_379] {strides = array<i32>} : memref<4x2048xf32, #tpu.memory_space<vmem>>, vector<1x16xf32>,
          %get3A_381 = vector.shape_cast %get3A_380 : vector<1x16xf32> to vector<16xf32>
          %swap3A = arith.index_cast %scan3A_366 : i32 to index
          %swap3A_382 = arith.index_cast %mul3A_378 : i32 to index
          %swap3A_383 = tpu.vector_load %arg14[%swap3A, %swap3A_382] {strides = array<i32>} : memref<4x2048xf32, #tpu.memory_space<vmem>>, vector<1x16xf32>,
          %swap3A_384 = vector.shape_cast %swap3A_383 : vector<1x16xf32> to vector<16xf32>
          %swap3A_385 = vector.shape_cast %get3A_381 : vector<16xf32> to vector<1x16xf32>
          tpu.vector_store %arg14[%swap3A, %swap3A_382], %swap3A_385 {add = true, strides = array<i32>} : memref<4x2048xf32, #tpu.memory_space<vmem>>, vector<1x16xf32>,
          %mul3A_386 = arith.constant 8 : i32
          %mul3A_387 = arith.muli %scan3A_372, %mul3A_386 : i32
          %add3A_388 = arith.constant 1 : i32
          %add3A_389 = arith.addi %mul3A_387, %add3A_388 : i32
          %mul3A_390 = arith.constant 16 : i32
          %mul3A_391 = arith.muli %add3A_389, %mul3A_390 : i32
          %get3A_392 = arith.index_cast %scan3A_366 : i32 to index
          %get3A_393 = arith.index_cast %mul3A_391 : i32 to index
          %get3A_394 = tpu.vector_load %arg18[%get3A_392, %get3A_393] {strides = array<i32>} : memref<4x2048xf32, #tpu.memory_space<vmem>>, vector<1x16xf32>,
          %get3A_395 = vector.shape_cast %get3A_394 : vector<1x16xf32> to vector<16xf32>
          %swap3A_396 = arith.index_cast %scan3A_366 : i32 to index
          %swap3A_397 = arith.index_cast %mul3A_391 : i32 to index
          %swap3A_398 = tpu.vector_load %arg14[%swap3A_396, %swap3A_397] {strides = array<i32>} : memref<4x2048xf32, #tpu.memory_space<vmem>>, vector<1x16xf32>,
          %swap3A_399 = vector.shape_cast %swap3A_398 : vector<1x16xf32> to vector<16xf32>
          %swap3A_400 = vector.shape_cast %get3A_395 : vector<16xf32> to vector<1x16xf32>
          tpu.vector_store %arg14[%swap3A_396, %swap3A_397], %swap3A_400 {add = true, strides = array<i32>} : memref<4x2048xf32, #tpu.memory_space<vmem>>, vector<1x16xf32>,
          %mul3A_401 = arith.constant 8 : i32
          %mul3A_402 = arith.muli %scan3A_372, %mul3A_401 : i32
          %add3A_403 = arith.constant 2 : i32
          %add3A_404 = arith.addi %mul3A_402, %add3A_403 : i32
          %mul3A_405 = arith.constant 16 : i32
          %mul3A_406 = arith.muli %add3A_404, %mul3A_405 : i32
          %get3A_407 = arith.index_cast %scan3A_366 : i32 to index
          %get3A_408 = arith.index_cast %mul3A_406 : i32 to index
          %get3A_409 = tpu.vector_load %arg18[%get3A_407, %get3A_408] {strides = array<i32>} : memref<4x2048xf32, #tpu.memory_space<vmem>>, vector<1x16xf32>,
          %get3A_410 = vector.shape_cast %get3A_409 : vector<1x16xf32> to vector<16xf32>
          %swap3A_411 = arith.index_cast %scan3A_366 : i32 to index
          %swap3A_412 = arith.index_cast %mul3A_406 : i32 to index
          %swap3A_413 = tpu.vector_load %arg14[%swap3A_411, %swap3A_412] {strides = array<i32>} : memref<4x2048xf32, #tpu.memory_space<vmem>>, vector<1x16xf32>,
          %swap3A_414 = vector.shape_cast %swap3A_413 : vector<1x16xf32> to vector<16xf32>
          %swap3A_415 = vector.shape_cast %get3A_410 : vector<16xf32> to vector<1x16xf32>
          tpu.vector_store %arg14[%swap3A_411, %swap3A_412], %swap3A_415 {add = true, strides = array<i32>} : memref<4x2048xf32, #tpu.memory_space<vmem>>, vector<1x16xf32>,
          %mul3A_416 = arith.constant 8 : i32
          %mul3A_417 = arith.muli %scan3A_372, %mul3A_416 : i32
          %add3A_418 = arith.constant 3 : i32
          %add3A_419 = arith.addi %mul3A_417, %add3A_418 : i32
          %mul3A_420 = arith.constant 16 : i32
          %mul3A_421 = arith.muli %add3A_419, %mul3A_420 : i32
          %get3A_422 = arith.index_cast %scan3A_366 : i32 to index
          %get3A_423 = arith.index_cast %mul3A_421 : i32 to index
          %get3A_424 = tpu.vector_load %arg18[%get3A_422, %get3A_423] {strides = array<i32>} : memref<4x2048xf32, #tpu.memory_space<vmem>>, vector<1x16xf32>,
          %get3A_425 = vector.shape_cast %get3A_424 : vector<1x16xf32> to vector<16xf32>
          %swap3A_426 = arith.index_cast %scan3A_366 : i32 to index
          %swap3A_427 = arith.index_cast %mul3A_421 : i32 to index
          %swap3A_428 = tpu.vector_load %arg14[%swap3A_426, %swap3A_427] {strides = array<i32>} : memref<4x2048xf32, #tpu.memory_space<vmem>>, vector<1x16xf32>,
          %swap3A_429 = vector.shape_cast %swap3A_428 : vector<1x16xf32> to vector<16xf32>
          %swap3A_430 = vector.shape_cast %get3A_425 : vector<16xf32> to vector<1x16xf32>
          tpu.vector_store %arg14[%swap3A_426, %swap3A_427], %swap3A_430 {add = true, strides = array<i32>} : memref<4x2048xf32, #tpu.memory_space<vmem>>, vector<1x16xf32>,
          %mul3A_431 = arith.constant 8 : i32
          %mul3A_432 = arith.muli %scan3A_372, %mul3A_431 : i32
          %add3A_433 = arith.constant 4 : i32
          %add3A_434 = arith.addi %mul3A_432, %add3A_433 : i32
          %mul3A_435 = arith.constant 16 : i32
          %mul3A_436 = arith.muli %add3A_434, %mul3A_435 : i32
          %get3A_437 = arith.index_cast %scan3A_366 : i32 to index
          %get3A_438 = arith.index_cast %mul3A_436 : i32 to index
          %get3A_439 = tpu.vector_load %arg18[%get3A_437, %get3A_438] {strides = array<i32>} : memref<4x2048xf32, #tpu.memory_space<vmem>>, vector<1x16xf32>,
          %get3A_440 = vector.shape_cast %get3A_439 : vector<1x16xf32> to vector<16xf32>
          %swap3A_441 = arith.index_cast %scan3A_366 : i32 to index
          %swap3A_442 = arith.index_cast %mul3A_436 : i32 to index
          %swap3A_443 = tpu.vector_load %arg14[%swap3A_441, %swap3A_442] {strides = array<i32>} : memref<4x2048xf32, #tpu.memory_space<vmem>>, vector<1x16xf32>,
          %swap3A_444 = vector.shape_cast %swap3A_443 : vector<1x16xf32> to vector<16xf32>
          %swap3A_445 = vector.shape_cast %get3A_440 : vector<16xf32> to vector<1x16xf32>
          tpu.vector_store %arg14[%swap3A_441, %swap3A_442], %swap3A_445 {add = true, strides = array<i32>} : memref<4x2048xf32, #tpu.memory_space<vmem>>, vector<1x16xf32>,
          %mul3A_446 = arith.constant 8 : i32
          %mul3A_447 = arith.muli %scan3A_372, %mul3A_446 : i32
          %add3A_448 = arith.constant 5 : i32
          %add3A_449 = arith.addi %mul3A_447, %add3A_448 : i32
          %mul3A_450 = arith.constant 16 : i32
          %mul3A_451 = arith.muli %add3A_449, %mul3A_450 : i32
          %get3A_452 = arith.index_cast %scan3A_366 : i32 to index
          %get3A_453 = arith.index_cast %mul3A_451 : i32 to index
          %get3A_454 = tpu.vector_load %arg18[%get3A_452, %get3A_453] {strides = array<i32>} : memref<4x2048xf32, #tpu.memory_space<vmem>>, vector<1x16xf32>,
          %get3A_455 = vector.shape_cast %get3A_454 : vector<1x16xf32> to vector<16xf32>
          %swap3A_456 = arith.index_cast %scan3A_366 : i32 to index
          %swap3A_457 = arith.index_cast %mul3A_451 : i32 to index
          %swap3A_458 = tpu.vector_load %arg14[%swap3A_456, %swap3A_457] {strides = array<i32>} : memref<4x2048xf32, #tpu.memory_space<vmem>>, vector<1x16xf32>,
          %swap3A_459 = vector.shape_cast %swap3A_458 : vector<1x16xf32> to vector<16xf32>
          %swap3A_460 = vector.shape_cast %get3A_455 : vector<16xf32> to vector<1x16xf32>
          tpu.vector_store %arg14[%swap3A_456, %swap3A_457], %swap3A_460 {add = true, strides = array<i32>} : memref<4x2048xf32, #tpu.memory_space<vmem>>, vector<1x16xf32>,
          %mul3A_461 = arith.constant 8 : i32
          %mul3A_462 = arith.muli %scan3A_372, %mul3A_461 : i32
          %add3A_463 = arith.constant 6 : i32
          %add3A_464 = arith.addi %mul3A_462, %add3A_463 : i32
          %mul3A_465 = arith.constant 16 : i32
          %mul3A_466 = arith.muli %add3A_464, %mul3A_465 : i32
          %get3A_467 = arith.index_cast %scan3A_366 : i32 to index
          %get3A_468 = arith.index_cast %mul3A_466 : i32 to index
          %get3A_469 = tpu.vector_load %arg18[%get3A_467, %get3A_468] {strides = array<i32>} : memref<4x2048xf32, #tpu.memory_space<vmem>>, vector<1x16xf32>,
          %get3A_470 = vector.shape_cast %get3A_469 : vector<1x16xf32> to vector<16xf32>
          %swap3A_471 = arith.index_cast %scan3A_366 : i32 to index
          %swap3A_472 = arith.index_cast %mul3A_466 : i32 to index
          %swap3A_473 = tpu.vector_load %arg14[%swap3A_471, %swap3A_472] {strides = array<i32>} : memref<4x2048xf32, #tpu.memory_space<vmem>>, vector<1x16xf32>,
          %swap3A_474 = vector.shape_cast %swap3A_473 : vector<1x16xf32> to vector<16xf32>
          %swap3A_475 = vector.shape_cast %get3A_470 : vector<16xf32> to vector<1x16xf32>
          tpu.vector_store %arg14[%swap3A_471, %swap3A_472], %swap3A_475 {add = true, strides = array<i32>} : memref<4x2048xf32, #tpu.memory_space<vmem>>, vector<1x16xf32>,
          %mul3A_476 = arith.constant 8 : i32
          %mul3A_477 = arith.muli %scan3A_372, %mul3A_476 : i32
          %add3A_478 = arith.constant 7 : i32
          %add3A_479 = arith.addi %mul3A_477, %add3A_478 : i32
          %mul3A_480 = arith.constant 16 : i32
          %mul3A_481 = arith.muli %add3A_479, %mul3A_480 : i32
          %get3A_482 = arith.index_cast %scan3A_366 : i32 to index
          %get3A_483 = arith.index_cast %mul3A_481 : i32 to index
          %get3A_484 = tpu.vector_load %arg18[%get3A_482, %get3A_483] {strides = array<i32>} : memref<4x2048xf32, #tpu.memory_space<vmem>>, vector<1x16xf32>,
          %get3A_485 = vector.shape_cast %get3A_484 : vector<1x16xf32> to vector<16xf32>
          %swap3A_486 = arith.index_cast %scan3A_366 : i32 to index
          %swap3A_487 = arith.index_cast %mul3A_481 : i32 to index
          %swap3A_488 = tpu.vector_load %arg14[%swap3A_486, %swap3A_487] {strides = array<i32>} : memref<4x2048xf32, #tpu.memory_space<vmem>>, vector<1x16xf32>,
          %swap3A_489 = vector.shape_cast %swap3A_488 : vector<1x16xf32> to vector<16xf32>
          %swap3A_490 = vector.shape_cast %get3A_485 : vector<16xf32> to vector<1x16xf32>
          tpu.vector_store %arg14[%swap3A_486, %swap3A_487], %swap3A_490 {add = true, strides = array<i32>} : memref<4x2048xf32, #tpu.memory_space<vmem>>, vector<1x16xf32>,
        }
        %scan3A_371 = arith.constant 16 : i32
      }
      %scan3A_317 = arith.constant 4 : i32
      %mul3A_318 = arith.constant 4 : i32
      %mul3A_319 = arith.muli %add3A_299, %mul3A_318 : i32
      %add3A_320 = arith.addi %mul3A_2, %mul3A_319 : i32
      %dma_start3A_321 = arith.constant 0 : i32
      %dma_start3A_322 = tpu.memref_slice %arg5[%add3A_320, %dma_start3A_321] : memref<8192x2048xf32, #tpu.memory_space<hbm>> -> memref<4x2048xf32, #tpu.memory_space<hbm>>
      %dma_start3A_323 = arith.constant 0 : i32
      %dma_start3A_324 = tpu.memref_slice %arg5[%add3A_320, %dma_start3A_323] : memref<8192x2048xf32, #tpu.memory_space<hbm>> -> memref<4x2048xf32, #tpu.memory_space<hbm>>
      tpu.enqueue_dma source(%arg14 : memref<4x2048xf32, #tpu.memory_space<vmem>>) target(%dma_start3A_324 : memref<4x2048xf32, #tpu.memory_space<hbm>>) target_semaphore(%arg38 : memref<!tpu.dma_semaphore, #tpu.memory_space<semaphore_mem>>)
      %add3A_325 = arith.constant 4 : i32
      %add3A_326 = arith.addi %add3A_299, %add3A_325 : i32
      %lt3A_327 = arith.constant 64 : i32
      %lt3A_328 = arith.cmpi slt, %add3A_326, %lt3A_327 : i32
      %convert_element_type3A_329 = arith.extui %lt3A_328 : i1 to i32
      %cond3A_330 = arith.constant 0 : i32
      %cond3A_331 = arith.cmpi ne, %convert_element_type3A_329, %cond3A_330 : i32
      scf.if %cond3A_331 {
        %ge3A = arith.constant 4 : i32
        %ge3A_366 = arith.cmpi sge, %add3A_299, %ge3A : i32
        %convert_element_type3A_367 = arith.extui %ge3A_366 : i1 to i32
        %cond3A_368 = arith.constant 0 : i32
        %cond3A_369 = arith.cmpi ne, %convert_element_type3A_367, %cond3A_368 : i32
        scf.if %cond3A_369 {
          %dma_wait3A_386 = arith.constant 0 : i32
          %dma_wait3A_387 = tpu.memref_slice %arg5[%mul3A_2, %dma_wait3A_386] : memref<8192x2048xf32, #tpu.memory_space<hbm>> -> memref<4x2048xf32, #tpu.memory_space<hbm>>
          %dma_wait3A_388 = arith.constant 0 : i32
          %dma_wait3A_389 = tpu.memref_slice %arg5[%mul3A_2, %dma_wait3A_388] : memref<8192x2048xf32, #tpu.memory_space<hbm>> -> memref<4x2048xf32, #tpu.memory_space<hbm>>
          tpu.wait_dma2 semaphore(%arg34 : memref<!tpu.dma_semaphore, #tpu.memory_space<semaphore_mem>>) src(%arg10 : memref<4x2048xf32, #tpu.memory_space<vmem>>) dst(%dma_wait3A_389 : memref<4x2048xf32, #tpu.memory_space<hbm>>)
        } else {
        }
        %add3A_370 = arith.constant 4 : i32
        %add3A_371 = arith.addi %add3A_299, %add3A_370 : i32
        %dma_start3A_372 = arith.constant 0 : i32
        %dma_start3A_373 = tpu.memref_slice %arg6[%add3A_371, %dma_start3A_372] : memref<64x4xi32, #tpu.memory_space<vmem>> -> memref<1x4xi32, #tpu.memory_space<vmem>>
        %dma_start3A_374 = tpu.memref_squeeze %dma_start3A_373 : memref<1x4xi32, #tpu.memory_space<vmem>> -> memref<4xi32, #tpu.memory_space<vmem>>
        %dma_start3A_375 = arith.constant 0 : i32
        %dma_start3A_376 = arith.constant 0 : i32
        %dma_start3A_377 = tpu.memref_slice %arg2[%dma_start3A_375, %dma_start3A_376] : memref<18432x2048xf32, #tpu.memory_space<hbm>> -> memref<18432x2048xf32, #tpu.memory_space<hbm>>
        tpu.enqueue_indirect_dma source(%dma_start3A_377 : memref<18432x2048xf32, #tpu.memory_space<hbm>>) target(%arg10 : memref<4x2048xf32, #tpu.memory_space<vmem>>) offsets(%dma_start3A_374 : memref<4xi32, #tpu.memory_space<vmem>>) semaphore(%arg22 : memref<!tpu.dma_semaphore, #tpu.memory_space<semaphore_mem>>)
        %add3A_378 = arith.constant 4 : i32
        %add3A_379 = arith.addi %add3A_299, %add3A_378 : i32
        %dma_start3A_380 = arith.constant 0 : i32
        %dma_start3A_381 = tpu.memref_slice %arg7[%add3A_379, %dma_start3A_380] : memref<64x4xi32, #tpu.memory_space<vmem>> -> memref<1x4xi32, #tpu.memory_space<vmem>>
        %dma_start3A_382 = tpu.memref_squeeze %dma_start3A_381 : memref<1x4xi32, #tpu.memory_space<vmem>> -> memref<4xi32, #tpu.memory_space<vmem>>
        %dma_start3A_383 = arith.constant 0 : i32
        %dma_start3A_384 = arith.constant 0 : i32
        %dma_start3A_385 = tpu.memref_slice %arg2[%dma_start3A_383, %dma_start3A_384] : memref<18432x2048xf32, #tpu.memory_space<hbm>> -> memref<18432x2048xf32, #tpu.memory_space<hbm>>
        tpu.enqueue_indirect_dma source(%dma_start3A_385 : memref<18432x2048xf32, #tpu.memory_space<hbm>>) target(%arg18 : memref<4x2048xf32, #tpu.memory_space<vmem>>) offsets(%dma_start3A_382 : memref<4xi32, #tpu.memory_space<vmem>>) semaphore(%arg30 : memref<!tpu.dma_semaphore, #tpu.memory_space<semaphore_mem>>)
      } else {
      }
      %add3A_332 = arith.constant 7 : i32
      %add3A_333 = arith.addi %mul3A_96, %add3A_332 : i32
      %dma_wait3A_334 = arith.constant 0 : i32
      %dma_wait3A_335 = arith.constant 0 : i32
      %dma_wait3A_336 = tpu.memref_slice %arg2[%dma_wait3A_334, %dma_wait3A_335] : memref<18432x2048xf32, #tpu.memory_space<hbm>> -> memref<4x2048xf32, #tpu.memory_space<hbm>>
      %dma_wait3A_337 = arith.constant 0 : i32
      %dma_wait3A_338 = arith.constant 0 : i32
      %dma_wait3A_339 = tpu.memref_slice %arg2[%dma_wait3A_337, %dma_wait3A_338] : memref<18432x2048xf32, #tpu.memory_space<hbm>> -> memref<4x2048xf32, #tpu.memory_space<hbm>>
      tpu.wait_dma2 semaphore(%arg27 : memref<!tpu.dma_semaphore, #tpu.memory_space<semaphore_mem>>) src(%dma_wait3A_339 : memref<4x2048xf32, #tpu.memory_space<hbm>>) dst(%arg15 : memref<4x2048xf32, #tpu.memory_space<vmem>>)
      %dma_wait3A_340 = arith.constant 0 : i32
      %dma_wait3A_341 = arith.constant 0 : i32
      %dma_wait3A_342 = tpu.memref_slice %arg2[%dma_wait3A_340, %dma_wait3A_341] : memref<18432x2048xf32, #tpu.memory_space<hbm>> -> memref<4x2048xf32, #tpu.memory_space<hbm>>
      %dma_wait3A_343 = arith.constant 0 : i32
      %dma_wait3A_344 = arith.constant 0 : i32
      %dma_wait3A_345 = tpu.memref_slice %arg2[%dma_wait3A_343, %dma_wait3A_344] : memref<18432x2048xf32, #tpu.memory_space<hbm>> -> memref<4x2048xf32, #tpu.memory_space<hbm>>
      tpu.wait_dma2 semaphore(%arg31 : memref<!tpu.dma_semaphore, #tpu.memory_space<semaphore_mem>>) src(%dma_wait3A_345 : memref<4x2048xf32, #tpu.memory_space<hbm>>) dst(%arg19 : memref<4x2048xf32, #tpu.memory_space<vmem>>)
      %scan3A_346 = arith.constant 0 : i32
      %scan3A_347 = arith.constant 0 : i32
      %scan3A_348 = arith.constant 4 : i32
      %scan3A_349 = arith.addi %scan3A_347, %scan3A_348 : i32
      %scan3A_350 = arith.constant 1 : i32
      scf.for %scan3A_366 = %scan3A_347 to %scan3A_349 step %scan3A_350  : i32 {
        %scan3A_367 = arith.constant 0 : i32
        %scan3A_368 = arith.constant 16 : i32
        %scan3A_369 = arith.addi %scan3A_367, %scan3A_368 : i32
        %scan3A_370 = arith.constant 1 : i32
        scf.for %scan3A_372 = %scan3A_367 to %scan3A_369 step %scan3A_370  : i32 {
          %mul3A_373 = arith.constant 8 : i32
          %mul3A_374 = arith.muli %scan3A_372, %mul3A_373 : i32
          %add3A_375 = arith.constant 0 : i32
          %add3A_376 = arith.addi %mul3A_374, %add3A_375 : i32
          %mul3A_377 = arith.constant 16 : i32
          %mul3A_378 = arith.muli %add3A_376, %mul3A_377 : i32
          %get3A = arith.index_cast %scan3A_366 : i32 to index
          %get3A_379 = arith.index_cast %mul3A_378 : i32 to index
          %get3A_380 = tpu.vector_load %arg19[%get3A, %get3A_379] {strides = array<i32>} : memref<4x2048xf32, #tpu.memory_space<vmem>>, vector<1x16xf32>,
          %get3A_381 = vector.shape_cast %get3A_380 : vector<1x16xf32> to vector<16xf32>
          %swap3A = arith.index_cast %scan3A_366 : i32 to index
          %swap3A_382 = arith.index_cast %mul3A_378 : i32 to index
          %swap3A_383 = tpu.vector_load %arg15[%swap3A, %swap3A_382] {strides = array<i32>} : memref<4x2048xf32, #tpu.memory_space<vmem>>, vector<1x16xf32>,
          %swap3A_384 = vector.shape_cast %swap3A_383 : vector<1x16xf32> to vector<16xf32>
          %swap3A_385 = vector.shape_cast %get3A_381 : vector<16xf32> to vector<1x16xf32>
          tpu.vector_store %arg15[%swap3A, %swap3A_382], %swap3A_385 {add = true, strides = array<i32>} : memref<4x2048xf32, #tpu.memory_space<vmem>>, vector<1x16xf32>,
          %mul3A_386 = arith.constant 8 : i32
          %mul3A_387 = arith.muli %scan3A_372, %mul3A_386 : i32
          %add3A_388 = arith.constant 1 : i32
          %add3A_389 = arith.addi %mul3A_387, %add3A_388 : i32
          %mul3A_390 = arith.constant 16 : i32
          %mul3A_391 = arith.muli %add3A_389, %mul3A_390 : i32
          %get3A_392 = arith.index_cast %scan3A_366 : i32 to index
          %get3A_393 = arith.index_cast %mul3A_391 : i32 to index
          %get3A_394 = tpu.vector_load %arg19[%get3A_392, %get3A_393] {strides = array<i32>} : memref<4x2048xf32, #tpu.memory_space<vmem>>, vector<1x16xf32>,
          %get3A_395 = vector.shape_cast %get3A_394 : vector<1x16xf32> to vector<16xf32>
          %swap3A_396 = arith.index_cast %scan3A_366 : i32 to index
          %swap3A_397 = arith.index_cast %mul3A_391 : i32 to index
          %swap3A_398 = tpu.vector_load %arg15[%swap3A_396, %swap3A_397] {strides = array<i32>} : memref<4x2048xf32, #tpu.memory_space<vmem>>, vector<1x16xf32>,
          %swap3A_399 = vector.shape_cast %swap3A_398 : vector<1x16xf32> to vector<16xf32>
          %swap3A_400 = vector.shape_cast %get3A_395 : vector<16xf32> to vector<1x16xf32>
          tpu.vector_store %arg15[%swap3A_396, %swap3A_397], %swap3A_400 {add = true, strides = array<i32>} : memref<4x2048xf32, #tpu.memory_space<vmem>>, vector<1x16xf32>,
          %mul3A_401 = arith.constant 8 : i32
          %mul3A_402 = arith.muli %scan3A_372, %mul3A_401 : i32
          %add3A_403 = arith.constant 2 : i32
          %add3A_404 = arith.addi %mul3A_402, %add3A_403 : i32
          %mul3A_405 = arith.constant 16 : i32
          %mul3A_406 = arith.muli %add3A_404, %mul3A_405 : i32
          %get3A_407 = arith.index_cast %scan3A_366 : i32 to index
          %get3A_408 = arith.index_cast %mul3A_406 : i32 to index
          %get3A_409 = tpu.vector_load %arg19[%get3A_407, %get3A_408] {strides = array<i32>} : memref<4x2048xf32, #tpu.memory_space<vmem>>, vector<1x16xf32>,
          %get3A_410 = vector.shape_cast %get3A_409 : vector<1x16xf32> to vector<16xf32>
          %swap3A_411 = arith.index_cast %scan3A_366 : i32 to index
          %swap3A_412 = arith.index_cast %mul3A_406 : i32 to index
          %swap3A_413 = tpu.vector_load %arg15[%swap3A_411, %swap3A_412] {strides = array<i32>} : memref<4x2048xf32, #tpu.memory_space<vmem>>, vector<1x16xf32>,
          %swap3A_414 = vector.shape_cast %swap3A_413 : vector<1x16xf32> to vector<16xf32>
          %swap3A_415 = vector.shape_cast %get3A_410 : vector<16xf32> to vector<1x16xf32>
          tpu.vector_store %arg15[%swap3A_411, %swap3A_412], %swap3A_415 {add = true, strides = array<i32>} : memref<4x2048xf32, #tpu.memory_space<vmem>>, vector<1x16xf32>,
          %mul3A_416 = arith.constant 8 : i32
          %mul3A_417 = arith.muli %scan3A_372, %mul3A_416 : i32
          %add3A_418 = arith.constant 3 : i32
          %add3A_419 = arith.addi %mul3A_417, %add3A_418 : i32
          %mul3A_420 = arith.constant 16 : i32
          %mul3A_421 = arith.muli %add3A_419, %mul3A_420 : i32
          %get3A_422 = arith.index_cast %scan3A_366 : i32 to index
          %get3A_423 = arith.index_cast %mul3A_421 : i32 to index
          %get3A_424 = tpu.vector_load %arg19[%get3A_422, %get3A_423] {strides = array<i32>} : memref<4x2048xf32, #tpu.memory_space<vmem>>, vector<1x16xf32>,
          %get3A_425 = vector.shape_cast %get3A_424 : vector<1x16xf32> to vector<16xf32>
          %swap3A_426 = arith.index_cast %scan3A_366 : i32 to index
          %swap3A_427 = arith.index_cast %mul3A_421 : i32 to index
          %swap3A_428 = tpu.vector_load %arg15[%swap3A_426, %swap3A_427] {strides = array<i32>} : memref<4x2048xf32, #tpu.memory_space<vmem>>, vector<1x16xf32>,
          %swap3A_429 = vector.shape_cast %swap3A_428 : vector<1x16xf32> to vector<16xf32>
          %swap3A_430 = vector.shape_cast %get3A_425 : vector<16xf32> to vector<1x16xf32>
          tpu.vector_store %arg15[%swap3A_426, %swap3A_427], %swap3A_430 {add = true, strides = array<i32>} : memref<4x2048xf32, #tpu.memory_space<vmem>>, vector<1x16xf32>,
          %mul3A_431 = arith.constant 8 : i32
          %mul3A_432 = arith.muli %scan3A_372, %mul3A_431 : i32
          %add3A_433 = arith.constant 4 : i32
          %add3A_434 = arith.addi %mul3A_432, %add3A_433 : i32
          %mul3A_435 = arith.constant 16 : i32
          %mul3A_436 = arith.muli %add3A_434, %mul3A_435 : i32
          %get3A_437 = arith.index_cast %scan3A_366 : i32 to index
          %get3A_438 = arith.index_cast %mul3A_436 : i32 to index
          %get3A_439 = tpu.vector_load %arg19[%get3A_437, %get3A_438] {strides = array<i32>} : memref<4x2048xf32, #tpu.memory_space<vmem>>, vector<1x16xf32>,
          %get3A_440 = vector.shape_cast %get3A_439 : vector<1x16xf32> to vector<16xf32>
          %swap3A_441 = arith.index_cast %scan3A_366 : i32 to index
          %swap3A_442 = arith.index_cast %mul3A_436 : i32 to index
          %swap3A_443 = tpu.vector_load %arg15[%swap3A_441, %swap3A_442] {strides = array<i32>} : memref<4x2048xf32, #tpu.memory_space<vmem>>, vector<1x16xf32>,
          %swap3A_444 = vector.shape_cast %swap3A_443 : vector<1x16xf32> to vector<16xf32>
          %swap3A_445 = vector.shape_cast %get3A_440 : vector<16xf32> to vector<1x16xf32>
          tpu.vector_store %arg15[%swap3A_441, %swap3A_442], %swap3A_445 {add = true, strides = array<i32>} : memref<4x2048xf32, #tpu.memory_space<vmem>>, vector<1x16xf32>,
          %mul3A_446 = arith.constant 8 : i32
          %mul3A_447 = arith.muli %scan3A_372, %mul3A_446 : i32
          %add3A_448 = arith.constant 5 : i32
          %add3A_449 = arith.addi %mul3A_447, %add3A_448 : i32
          %mul3A_450 = arith.constant 16 : i32
          %mul3A_451 = arith.muli %add3A_449, %mul3A_450 : i32
          %get3A_452 = arith.index_cast %scan3A_366 : i32 to index
          %get3A_453 = arith.index_cast %mul3A_451 : i32 to index
          %get3A_454 = tpu.vector_load %arg19[%get3A_452, %get3A_453] {strides = array<i32>} : memref<4x2048xf32, #tpu.memory_space<vmem>>, vector<1x16xf32>,
          %get3A_455 = vector.shape_cast %get3A_454 : vector<1x16xf32> to vector<16xf32>
          %swap3A_456 = arith.index_cast %scan3A_366 : i32 to index
          %swap3A_457 = arith.index_cast %mul3A_451 : i32 to index
          %swap3A_458 = tpu.vector_load %arg15[%swap3A_456, %swap3A_457] {strides = array<i32>} : memref<4x2048xf32, #tpu.memory_space<vmem>>, vector<1x16xf32>,
          %swap3A_459 = vector.shape_cast %swap3A_458 : vector<1x16xf32> to vector<16xf32>
          %swap3A_460 = vector.shape_cast %get3A_455 : vector<16xf32> to vector<1x16xf32>
          tpu.vector_store %arg15[%swap3A_456, %swap3A_457], %swap3A_460 {add = true, strides = array<i32>} : memref<4x2048xf32, #tpu.memory_space<vmem>>, vector<1x16xf32>,
          %mul3A_461 = arith.constant 8 : i32
          %mul3A_462 = arith.muli %scan3A_372, %mul3A_461 : i32
          %add3A_463 = arith.constant 6 : i32
          %add3A_464 = arith.addi %mul3A_462, %add3A_463 : i32
          %mul3A_465 = arith.constant 16 : i32
          %mul3A_466 = arith.muli %add3A_464, %mul3A_465 : i32
          %get3A_467 = arith.index_cast %scan3A_366 : i32 to index
          %get3A_468 = arith.index_cast %mul3A_466 : i32 to index
          %get3A_469 = tpu.vector_load %arg19[%get3A_467, %get3A_468] {strides = array<i32>} : memref<4x2048xf32, #tpu.memory_space<vmem>>, vector<1x16xf32>,
          %get3A_470 = vector.shape_cast %get3A_469 : vector<1x16xf32> to vector<16xf32>
          %swap3A_471 = arith.index_cast %scan3A_366 : i32 to index
          %swap3A_472 = arith.index_cast %mul3A_466 : i32 to index
          %swap3A_473 = tpu.vector_load %arg15[%swap3A_471, %swap3A_472] {strides = array<i32>} : memref<4x2048xf32, #tpu.memory_space<vmem>>, vector<1x16xf32>,
          %swap3A_474 = vector.shape_cast %swap3A_473 : vector<1x16xf32> to vector<16xf32>
          %swap3A_475 = vector.shape_cast %get3A_470 : vector<16xf32> to vector<1x16xf32>
          tpu.vector_store %arg15[%swap3A_471, %swap3A_472], %swap3A_475 {add = true, strides = array<i32>} : memref<4x2048xf32, #tpu.memory_space<vmem>>, vector<1x16xf32>,
          %mul3A_476 = arith.constant 8 : i32
          %mul3A_477 = arith.muli %scan3A_372, %mul3A_476 : i32
          %add3A_478 = arith.constant 7 : i32
          %add3A_479 = arith.addi %mul3A_477, %add3A_478 : i32
          %mul3A_480 = arith.constant 16 : i32
          %mul3A_481 = arith.muli %add3A_479, %mul3A_480 : i32
          %get3A_482 = arith.index_cast %scan3A_366 : i32 to index
          %get3A_483 = arith.index_cast %mul3A_481 : i32 to index
          %get3A_484 = tpu.vector_load %arg19[%get3A_482, %get3A_483] {strides = array<i32>} : memref<4x2048xf32, #tpu.memory_space<vmem>>, vector<1x16xf32>,
          %get3A_485 = vector.shape_cast %get3A_484 : vector<1x16xf32> to vector<16xf32>
          %swap3A_486 = arith.index_cast %scan3A_366 : i32 to index
          %swap3A_487 = arith.index_cast %mul3A_481 : i32 to index
          %swap3A_488 = tpu.vector_load %arg15[%swap3A_486, %swap3A_487] {strides = array<i32>} : memref<4x2048xf32, #tpu.memory_space<vmem>>, vector<1x16xf32>,
          %swap3A_489 = vector.shape_cast %swap3A_488 : vector<1x16xf32> to vector<16xf32>
          %swap3A_490 = vector.shape_cast %get3A_485 : vector<16xf32> to vector<1x16xf32>
          tpu.vector_store %arg15[%swap3A_486, %swap3A_487], %swap3A_490 {add = true, strides = array<i32>} : memref<4x2048xf32, #tpu.memory_space<vmem>>, vector<1x16xf32>,
        }
        %scan3A_371 = arith.constant 16 : i32
      }
      %scan3A_351 = arith.constant 4 : i32
      %mul3A_352 = arith.constant 4 : i32
      %mul3A_353 = arith.muli %add3A_333, %mul3A_352 : i32
      %add3A_354 = arith.addi %mul3A_2, %mul3A_353 : i32
      %dma_start3A_355 = arith.constant 0 : i32
      %dma_start3A_356 = tpu.memref_slice %arg5[%add3A_354, %dma_start3A_355] : memref<8192x2048xf32, #tpu.memory_space<hbm>> -> memref<4x2048xf32, #tpu.memory_space<hbm>>
      %dma_start3A_357 = arith.constant 0 : i32
      %dma_start3A_358 = tpu.memref_slice %arg5[%add3A_354, %dma_start3A_357] : memref<8192x2048xf32, #tpu.memory_space<hbm>> -> memref<4x2048xf32, #tpu.memory_space<hbm>>
      tpu.enqueue_dma source(%arg15 : memref<4x2048xf32, #tpu.memory_space<vmem>>) target(%dma_start3A_358 : memref<4x2048xf32, #tpu.memory_space<hbm>>) target_semaphore(%arg39 : memref<!tpu.dma_semaphore, #tpu.memory_space<semaphore_mem>>)
      %add3A_359 = arith.constant 4 : i32
      %add3A_360 = arith.addi %add3A_333, %add3A_359 : i32
      %lt3A_361 = arith.constant 64 : i32
      %lt3A_362 = arith.cmpi slt, %add3A_360, %lt3A_361 : i32
      %convert_element_type3A_363 = arith.extui %lt3A_362 : i1 to i32
      %cond3A_364 = arith.constant 0 : i32
      %cond3A_365 = arith.cmpi ne, %convert_element_type3A_363, %cond3A_364 : i32
      scf.if %cond3A_365 {
        %ge3A = arith.constant 4 : i32
        %ge3A_366 = arith.cmpi sge, %add3A_333, %ge3A : i32
        %convert_element_type3A_367 = arith.extui %ge3A_366 : i1 to i32
        %cond3A_368 = arith.constant 0 : i32
        %cond3A_369 = arith.cmpi ne, %convert_element_type3A_367, %cond3A_368 : i32
        scf.if %cond3A_369 {
          %dma_wait3A_386 = arith.constant 0 : i32
          %dma_wait3A_387 = tpu.memref_slice %arg5[%mul3A_2, %dma_wait3A_386] : memref<8192x2048xf32, #tpu.memory_space<hbm>> -> memref<4x2048xf32, #tpu.memory_space<hbm>>
          %dma_wait3A_388 = arith.constant 0 : i32
          %dma_wait3A_389 = tpu.memref_slice %arg5[%mul3A_2, %dma_wait3A_388] : memref<8192x2048xf32, #tpu.memory_space<hbm>> -> memref<4x2048xf32, #tpu.memory_space<hbm>>
          tpu.wait_dma2 semaphore(%arg35 : memref<!tpu.dma_semaphore, #tpu.memory_space<semaphore_mem>>) src(%arg11 : memref<4x2048xf32, #tpu.memory_space<vmem>>) dst(%dma_wait3A_389 : memref<4x2048xf32, #tpu.memory_space<hbm>>)
        } else {
        }
        %add3A_370 = arith.constant 4 : i32
        %add3A_371 = arith.addi %add3A_333, %add3A_370 : i32
        %dma_start3A_372 = arith.constant 0 : i32
        %dma_start3A_373 = tpu.memref_slice %arg6[%add3A_371, %dma_start3A_372] : memref<64x4xi32, #tpu.memory_space<vmem>> -> memref<1x4xi32, #tpu.memory_space<vmem>>
        %dma_start3A_374 = tpu.memref_squeeze %dma_start3A_373 : memref<1x4xi32, #tpu.memory_space<vmem>> -> memref<4xi32, #tpu.memory_space<vmem>>
        %dma_start3A_375 = arith.constant 0 : i32
        %dma_start3A_376 = arith.constant 0 : i32
        %dma_start3A_377 = tpu.memref_slice %arg2[%dma_start3A_375, %dma_start3A_376] : memref<18432x2048xf32, #tpu.memory_space<hbm>> -> memref<18432x2048xf32, #tpu.memory_space<hbm>>
        tpu.enqueue_indirect_dma source(%dma_start3A_377 : memref<18432x2048xf32, #tpu.memory_space<hbm>>) target(%arg11 : memref<4x2048xf32, #tpu.memory_space<vmem>>) offsets(%dma_start3A_374 : memref<4xi32, #tpu.memory_space<vmem>>) semaphore(%arg23 : memref<!tpu.dma_semaphore, #tpu.memory_space<semaphore_mem>>)
        %add3A_378 = arith.constant 4 : i32
        %add3A_379 = arith.addi %add3A_333, %add3A_378 : i32
        %dma_start3A_380 = arith.constant 0 : i32
        %dma_start3A_381 = tpu.memref_slice %arg7[%add3A_379, %dma_start3A_380] : memref<64x4xi32, #tpu.memory_space<vmem>> -> memref<1x4xi32, #tpu.memory_space<vmem>>
        %dma_start3A_382 = tpu.memref_squeeze %dma_start3A_381 : memref<1x4xi32, #tpu.memory_space<vmem>> -> memref<4xi32, #tpu.memory_space<vmem>>
        %dma_start3A_383 = arith.constant 0 : i32
        %dma_start3A_384 = arith.constant 0 : i32
        %dma_start3A_385 = tpu.memref_slice %arg2[%dma_start3A_383, %dma_start3A_384] : memref<18432x2048xf32, #tpu.memory_space<hbm>> -> memref<18432x2048xf32, #tpu.memory_space<hbm>>
        tpu.enqueue_indirect_dma source(%dma_start3A_385 : memref<18432x2048xf32, #tpu.memory_space<hbm>>) target(%arg19 : memref<4x2048xf32, #tpu.memory_space<vmem>>) offsets(%dma_start3A_382 : memref<4xi32, #tpu.memory_space<vmem>>) semaphore(%arg31 : memref<!tpu.dma_semaphore, #tpu.memory_space<semaphore_mem>>)
      } else {
      }
    }
    %scan3A_62 = arith.constant 8 : i32
    %dma_wait3A = arith.constant 0 : i32
    %dma_wait3A_63 = tpu.memref_slice %arg5[%mul3A_2, %dma_wait3A] : memref<8192x2048xf32, #tpu.memory_space<hbm>> -> memref<4x2048xf32, #tpu.memory_space<hbm>>
    %dma_wait3A_64 = arith.constant 0 : i32
    %dma_wait3A_65 = tpu.memref_slice %arg5[%mul3A_2, %dma_wait3A_64] : memref<8192x2048xf32, #tpu.memory_space<hbm>> -> memref<4x2048xf32, #tpu.memory_space<hbm>>
    tpu.wait_dma2 semaphore(%arg32 : memref<!tpu.dma_semaphore, #tpu.memory_space<semaphore_mem>>) src(%arg8 : memref<4x2048xf32, #tpu.memory_space<vmem>>) dst(%dma_wait3A_65 : memref<4x2048xf32, #tpu.memory_space<hbm>>)
    %dma_wait3A_66 = arith.constant 0 : i32
    %dma_wait3A_67 = tpu.memref_slice %arg5[%mul3A_2, %dma_wait3A_66] : memref<8192x2048xf32, #tpu.memory_space<hbm>> -> memref<4x2048xf32, #tpu.memory_space<hbm>>
    %dma_wait3A_68 = arith.constant 0 : i32
    %dma_wait3A_69 = tpu.memref_slice %arg5[%mul3A_2, %dma_wait3A_68] : memref<8192x2048xf32, #tpu.memory_space<hbm>> -> memref<4x2048xf32, #tpu.memory_space<hbm>>
    tpu.wait_dma2 semaphore(%arg33 : memref<!tpu.dma_semaphore, #tpu.memory_space<semaphore_mem>>) src(%arg9 : memref<4x2048xf32, #tpu.memory_space<vmem>>) dst(%dma_wait3A_69 : memref<4x2048xf32, #tpu.memory_space<hbm>>)
    %dma_wait3A_70 = arith.constant 0 : i32
    %dma_wait3A_71 = tpu.memref_slice %arg5[%mul3A_2, %dma_wait3A_70] : memref<8192x2048xf32, #tpu.memory_space<hbm>> -> memref<4x2048xf32, #tpu.memory_space<hbm>>
    %dma_wait3A_72 = arith.constant 0 : i32
    %dma_wait3A_73 = tpu.memref_slice %arg5[%mul3A_2, %dma_wait3A_72] : memref<8192x2048xf32, #tpu.memory_space<hbm>> -> memref<4x2048xf32, #tpu.memory_space<hbm>>
    tpu.wait_dma2 semaphore(%arg34 : memref<!tpu.dma_semaphore, #tpu.memory_space<semaphore_mem>>) src(%arg10 : memref<4x2048xf32, #tpu.memory_space<vmem>>) dst(%dma_wait3A_73 : memref<4x2048xf32, #tpu.memory_space<hbm>>)
    %dma_wait3A_74 = arith.constant 0 : i32
    %dma_wait3A_75 = tpu.memref_slice %arg5[%mul3A_2, %dma_wait3A_74] : memref<8192x2048xf32, #tpu.memory_space<hbm>> -> memref<4x2048xf32, #tpu.memory_space<hbm>>
    %dma_wait3A_76 = arith.constant 0 : i32
    %dma_wait3A_77 = tpu.memref_slice %arg5[%mul3A_2, %dma_wait3A_76] : memref<8192x2048xf32, #tpu.memory_space<hbm>> -> memref<4x2048xf32, #tpu.memory_space<hbm>>
    tpu.wait_dma2 semaphore(%arg35 : memref<!tpu.dma_semaphore, #tpu.memory_space<semaphore_mem>>) src(%arg11 : memref<4x2048xf32, #tpu.memory_space<vmem>>) dst(%dma_wait3A_77 : memref<4x2048xf32, #tpu.memory_space<hbm>>)
    %dma_wait3A_78 = arith.constant 0 : i32
    %dma_wait3A_79 = tpu.memref_slice %arg5[%mul3A_2, %dma_wait3A_78] : memref<8192x2048xf32, #tpu.memory_space<hbm>> -> memref<4x2048xf32, #tpu.memory_space<hbm>>
    %dma_wait3A_80 = arith.constant 0 : i32
    %dma_wait3A_81 = tpu.memref_slice %arg5[%mul3A_2, %dma_wait3A_80] : memref<8192x2048xf32, #tpu.memory_space<hbm>> -> memref<4x2048xf32, #tpu.memory_space<hbm>>
    tpu.wait_dma2 semaphore(%arg36 : memref<!tpu.dma_semaphore, #tpu.memory_space<semaphore_mem>>) src(%arg12 : memref<4x2048xf32, #tpu.memory_space<vmem>>) dst(%dma_wait3A_81 : memref<4x2048xf32, #tpu.memory_space<hbm>>)
    %dma_wait3A_82 = arith.constant 0 : i32
    %dma_wait3A_83 = tpu.memref_slice %arg5[%mul3A_2, %dma_wait3A_82] : memref<8192x2048xf32, #tpu.memory_space<hbm>> -> memref<4x2048xf32, #tpu.memory_space<hbm>>
    %dma_wait3A_84 = arith.constant 0 : i32
    %dma_wait3A_85 = tpu.memref_slice %arg5[%mul3A_2, %dma_wait3A_84] : memref<8192x2048xf32, #tpu.memory_space<hbm>> -> memref<4x2048xf32, #tpu.memory_space<hbm>>
    tpu.wait_dma2 semaphore(%arg37 : memref<!tpu.dma_semaphore, #tpu.memory_space<semaphore_mem>>) src(%arg13 : memref<4x2048xf32, #tpu.memory_space<vmem>>) dst(%dma_wait3A_85 : memref<4x2048xf32, #tpu.memory_space<hbm>>)
    %dma_wait3A_86 = arith.constant 0 : i32
    %dma_wait3A_87 = tpu.memref_slice %arg5[%mul3A_2, %dma_wait3A_86] : memref<8192x2048xf32, #tpu.memory_space<hbm>> -> memref<4x2048xf32, #tpu.memory_space<hbm>>
    %dma_wait3A_88 = arith.constant 0 : i32
    %dma_wait3A_89 = tpu.memref_slice %arg5[%mul3A_2, %dma_wait3A_88] : memref<8192x2048xf32, #tpu.memory_space<hbm>> -> memref<4x2048xf32, #tpu.memory_space<hbm>>
    tpu.wait_dma2 semaphore(%arg38 : memref<!tpu.dma_semaphore, #tpu.memory_space<semaphore_mem>>) src(%arg14 : memref<4x2048xf32, #tpu.memory_space<vmem>>) dst(%dma_wait3A_89 : memref<4x2048xf32, #tpu.memory_space<hbm>>)
    %dma_wait3A_90 = arith.constant 0 : i32
    %dma_wait3A_91 = tpu.memref_slice %arg5[%mul3A_2, %dma_wait3A_90] : memref<8192x2048xf32, #tpu.memory_space<hbm>> -> memref<4x2048xf32, #tpu.memory_space<hbm>>
    %dma_wait3A_92 = arith.constant 0 : i32
    %dma_wait3A_93 = tpu.memref_slice %arg5[%mul3A_2, %dma_wait3A_92] : memref<8192x2048xf32, #tpu.memory_space<hbm>> -> memref<4x2048xf32, #tpu.memory_space<hbm>>
    tpu.wait_dma2 semaphore(%arg39 : memref<!tpu.dma_semaphore, #tpu.memory_space<semaphore_mem>>) src(%arg15 : memref<4x2048xf32, #tpu.memory_space<vmem>>) dst(%dma_wait3A_93 : memref<4x2048xf32, #tpu.memory_space<hbm>>)
    return
  }
}

#map = affine_map<(d0, d1) -> (0, 0)>
#map1 = affine_map<(d0, d1) -> (0, 0, 0)>
module attributes {stable_mosaic.version = 14 : i64} {
  func.func @_dist_body(%arg0: i32, %arg1: i32, %arg2: memref<8192x2048xf32, #tpu.memory_space<hbm>>, %arg3: memref<32x32x8xi32, #tpu.memory_space<hbm>>, %arg4: memref<32x32x8xi32, #tpu.memory_space<hbm>>, %arg5: memref<18432x2048xf32, #tpu.memory_space<hbm>>, %arg6: memref<32x8xi32, #tpu.memory_space<vmem>>, %arg7: memref<32x8xi32, #tpu.memory_space<vmem>>, %arg8: memref<8x2048xf32, #tpu.memory_space<vmem>>, %arg9: memref<8x2048xf32, #tpu.memory_space<vmem>>, %arg10: memref<8x2048xf32, #tpu.memory_space<vmem>>, %arg11: memref<8x2048xf32, #tpu.memory_space<vmem>>, %arg12: memref<!tpu.dma_semaphore, #tpu.memory_space<semaphore_mem>>, %arg13: memref<!tpu.dma_semaphore, #tpu.memory_space<semaphore_mem>>, %arg14: memref<!tpu.dma_semaphore, #tpu.memory_space<semaphore_mem>>, %arg15: memref<!tpu.dma_semaphore, #tpu.memory_space<semaphore_mem>>, %arg16: memref<!tpu.dma_semaphore, #tpu.memory_space<semaphore_mem>>, %arg17: memref<!tpu.dma_semaphore, #tpu.memory_space<semaphore_mem>>, %arg18: memref<!tpu.dma_semaphore, #tpu.memory_space<semaphore_mem>>, %arg19: memref<!tpu.dma_semaphore, #tpu.memory_space<semaphore_mem>>, %arg20: memref<!tpu.dma_semaphore, #tpu.memory_space<semaphore_mem>>, %arg21: memref<!tpu.dma_semaphore, #tpu.memory_space<semaphore_mem>>, %arg22: memref<!tpu.dma_semaphore, #tpu.memory_space<semaphore_mem>>, %arg23: memref<!tpu.dma_semaphore, #tpu.memory_space<semaphore_mem>>) attributes {dimension_semantics = [#tpu.dimension_semantics<core_parallel>, #tpu.dimension_semantics<subcore_parallel>], iteration_bounds = array<i64: 2, 16>, scalar_prefetch = 0 : i64, scratch_operands = 18 : i64, tpu.core_type = #tpu.core_type<sc_vector_subcore>, window_params = [{transform_indices = #map}, {transform_indices = #map1}, {transform_indices = #map1}, {transform_indices = #map}]} {
    %mul3A = arith.constant 2 : i32
    %mul3A_0 = arith.muli %arg1, %mul3A : i32
    %add3A = arith.addi %mul3A_0, %arg0 : i32
    %mul3A_1 = arith.constant 256 : i32
    %mul3A_2 = arith.muli %add3A, %mul3A_1 : i32
    "tpu.region"() ({
      %run_scoped3A = tpu.sem_alloc : memref<!tpu.dma_semaphore, #tpu.memory_space<semaphore_mem>>
      %dma_start3A_42 = arith.constant 0 : i32
      %dma_start3A_43 = arith.constant 0 : i32
      %dma_start3A_44 = tpu.memref_slice %arg3[%add3A, %dma_start3A_42, %dma_start3A_43] : memref<32x32x8xi32, #tpu.memory_space<hbm>> -> memref<1x32x8xi32, #tpu.memory_space<hbm>>
      %dma_start3A_45 = tpu.memref_squeeze %dma_start3A_44 : memref<1x32x8xi32, #tpu.memory_space<hbm>> -> memref<32x8xi32, #tpu.memory_space<hbm>>
      %dma_start3A_46 = arith.constant 0 : i32
      %dma_start3A_47 = arith.constant 0 : i32
      %dma_start3A_48 = tpu.memref_slice %arg3[%add3A, %dma_start3A_46, %dma_start3A_47] : memref<32x32x8xi32, #tpu.memory_space<hbm>> -> memref<1x32x8xi32, #tpu.memory_space<hbm>>
      %dma_start3A_49 = tpu.memref_squeeze %dma_start3A_48 : memref<1x32x8xi32, #tpu.memory_space<hbm>> -> memref<32x8xi32, #tpu.memory_space<hbm>>
      tpu.enqueue_dma source(%dma_start3A_49 : memref<32x8xi32, #tpu.memory_space<hbm>>) target(%arg6 : memref<32x8xi32, #tpu.memory_space<vmem>>) target_semaphore(%run_scoped3A : memref<!tpu.dma_semaphore, #tpu.memory_space<semaphore_mem>>)
      %dma_wait3A_50 = arith.constant 0 : i32
      %dma_wait3A_51 = arith.constant 0 : i32
      %dma_wait3A_52 = tpu.memref_slice %arg3[%add3A, %dma_wait3A_50, %dma_wait3A_51] : memref<32x32x8xi32, #tpu.memory_space<hbm>> -> memref<1x32x8xi32, #tpu.memory_space<hbm>>
      %dma_wait3A_53 = tpu.memref_squeeze %dma_wait3A_52 : memref<1x32x8xi32, #tpu.memory_space<hbm>> -> memref<32x8xi32, #tpu.memory_space<hbm>>
      %dma_wait3A_54 = arith.constant 0 : i32
      %dma_wait3A_55 = arith.constant 0 : i32
      %dma_wait3A_56 = tpu.memref_slice %arg3[%add3A, %dma_wait3A_54, %dma_wait3A_55] : memref<32x32x8xi32, #tpu.memory_space<hbm>> -> memref<1x32x8xi32, #tpu.memory_space<hbm>>
      %dma_wait3A_57 = tpu.memref_squeeze %dma_wait3A_56 : memref<1x32x8xi32, #tpu.memory_space<hbm>> -> memref<32x8xi32, #tpu.memory_space<hbm>>
      tpu.wait_dma2 semaphore(%run_scoped3A : memref<!tpu.dma_semaphore, #tpu.memory_space<semaphore_mem>>) src(%dma_wait3A_57 : memref<32x8xi32, #tpu.memory_space<hbm>>) dst(%arg6 : memref<32x8xi32, #tpu.memory_space<vmem>>)
      tpu.yield
    }) : () -> ()
    "tpu.region"() ({
      %run_scoped3A = tpu.sem_alloc : memref<!tpu.dma_semaphore, #tpu.memory_space<semaphore_mem>>
      %dma_start3A_42 = arith.constant 0 : i32
      %dma_start3A_43 = arith.constant 0 : i32
      %dma_start3A_44 = tpu.memref_slice %arg4[%add3A, %dma_start3A_42, %dma_start3A_43] : memref<32x32x8xi32, #tpu.memory_space<hbm>> -> memref<1x32x8xi32, #tpu.memory_space<hbm>>
      %dma_start3A_45 = tpu.memref_squeeze %dma_start3A_44 : memref<1x32x8xi32, #tpu.memory_space<hbm>> -> memref<32x8xi32, #tpu.memory_space<hbm>>
      %dma_start3A_46 = arith.constant 0 : i32
      %dma_start3A_47 = arith.constant 0 : i32
      %dma_start3A_48 = tpu.memref_slice %arg4[%add3A, %dma_start3A_46, %dma_start3A_47] : memref<32x32x8xi32, #tpu.memory_space<hbm>> -> memref<1x32x8xi32, #tpu.memory_space<hbm>>
      %dma_start3A_49 = tpu.memref_squeeze %dma_start3A_48 : memref<1x32x8xi32, #tpu.memory_space<hbm>> -> memref<32x8xi32, #tpu.memory_space<hbm>>
      tpu.enqueue_dma source(%dma_start3A_49 : memref<32x8xi32, #tpu.memory_space<hbm>>) target(%arg7 : memref<32x8xi32, #tpu.memory_space<vmem>>) target_semaphore(%run_scoped3A : memref<!tpu.dma_semaphore, #tpu.memory_space<semaphore_mem>>)
      %dma_wait3A_50 = arith.constant 0 : i32
      %dma_wait3A_51 = arith.constant 0 : i32
      %dma_wait3A_52 = tpu.memref_slice %arg4[%add3A, %dma_wait3A_50, %dma_wait3A_51] : memref<32x32x8xi32, #tpu.memory_space<hbm>> -> memref<1x32x8xi32, #tpu.memory_space<hbm>>
      %dma_wait3A_53 = tpu.memref_squeeze %dma_wait3A_52 : memref<1x32x8xi32, #tpu.memory_space<hbm>> -> memref<32x8xi32, #tpu.memory_space<hbm>>
      %dma_wait3A_54 = arith.constant 0 : i32
      %dma_wait3A_55 = arith.constant 0 : i32
      %dma_wait3A_56 = tpu.memref_slice %arg4[%add3A, %dma_wait3A_54, %dma_wait3A_55] : memref<32x32x8xi32, #tpu.memory_space<hbm>> -> memref<1x32x8xi32, #tpu.memory_space<hbm>>
      %dma_wait3A_57 = tpu.memref_squeeze %dma_wait3A_56 : memref<1x32x8xi32, #tpu.memory_space<hbm>> -> memref<32x8xi32, #tpu.memory_space<hbm>>
      tpu.wait_dma2 semaphore(%run_scoped3A : memref<!tpu.dma_semaphore, #tpu.memory_space<semaphore_mem>>) src(%dma_wait3A_57 : memref<32x8xi32, #tpu.memory_space<hbm>>) dst(%arg7 : memref<32x8xi32, #tpu.memory_space<vmem>>)
      tpu.yield
    }) : () -> ()
    %add3A_3 = arith.constant 0 : i32
    %add3A_4 = arith.addi %mul3A_2, %add3A_3 : i32
    %dma_start3A = arith.constant 0 : i32
    %dma_start3A_5 = tpu.memref_slice %arg2[%add3A_4, %dma_start3A] : memref<8192x2048xf32, #tpu.memory_space<hbm>> -> memref<8x2048xf32, #tpu.memory_space<hbm>>
    %dma_start3A_6 = arith.constant 0 : i32
    %dma_start3A_7 = tpu.memref_slice %arg2[%add3A_4, %dma_start3A_6] : memref<8192x2048xf32, #tpu.memory_space<hbm>> -> memref<8x2048xf32, #tpu.memory_space<hbm>>
    tpu.enqueue_dma source(%dma_start3A_7 : memref<8x2048xf32, #tpu.memory_space<hbm>>) target(%arg8 : memref<8x2048xf32, #tpu.memory_space<vmem>>) target_semaphore(%arg12 : memref<!tpu.dma_semaphore, #tpu.memory_space<semaphore_mem>>)
    %add3A_8 = arith.constant 8 : i32
    %add3A_9 = arith.addi %mul3A_2, %add3A_8 : i32
    %dma_start3A_10 = arith.constant 0 : i32
    %dma_start3A_11 = tpu.memref_slice %arg2[%add3A_9, %dma_start3A_10] : memref<8192x2048xf32, #tpu.memory_space<hbm>> -> memref<8x2048xf32, #tpu.memory_space<hbm>>
    %dma_start3A_12 = arith.constant 0 : i32
    %dma_start3A_13 = tpu.memref_slice %arg2[%add3A_9, %dma_start3A_12] : memref<8192x2048xf32, #tpu.memory_space<hbm>> -> memref<8x2048xf32, #tpu.memory_space<hbm>>
    tpu.enqueue_dma source(%dma_start3A_13 : memref<8x2048xf32, #tpu.memory_space<hbm>>) target(%arg9 : memref<8x2048xf32, #tpu.memory_space<vmem>>) target_semaphore(%arg13 : memref<!tpu.dma_semaphore, #tpu.memory_space<semaphore_mem>>)
    %scan3A = arith.constant 0 : i32
    %scan3A_14 = arith.constant 0 : i32
    %scan3A_15 = arith.constant 8 : i32
    %scan3A_16 = arith.addi %scan3A_14, %scan3A_15 : i32
    %scan3A_17 = arith.constant 1 : i32
    scf.for %scan3A_42 = %scan3A_14 to %scan3A_16 step %scan3A_17  : i32 {
      %mul3A_43 = arith.constant 4 : i32
      %mul3A_44 = arith.muli %scan3A_42, %mul3A_43 : i32
      %add3A_45 = arith.constant 0 : i32
      %add3A_46 = arith.addi %mul3A_44, %add3A_45 : i32
      %dma_wait3A_47 = arith.constant 0 : i32
      %dma_wait3A_48 = arith.constant 0 : i32
      %dma_wait3A_49 = tpu.memref_slice %arg2[%dma_wait3A_47, %dma_wait3A_48] : memref<8192x2048xf32, #tpu.memory_space<hbm>> -> memref<8x2048xf32, #tpu.memory_space<hbm>>
      %dma_wait3A_50 = arith.constant 0 : i32
      %dma_wait3A_51 = arith.constant 0 : i32
      %dma_wait3A_52 = tpu.memref_slice %arg2[%dma_wait3A_50, %dma_wait3A_51] : memref<8192x2048xf32, #tpu.memory_space<hbm>> -> memref<8x2048xf32, #tpu.memory_space<hbm>>
      tpu.wait_dma2 semaphore(%arg12 : memref<!tpu.dma_semaphore, #tpu.memory_space<semaphore_mem>>) src(%dma_wait3A_52 : memref<8x2048xf32, #tpu.memory_space<hbm>>) dst(%arg8 : memref<8x2048xf32, #tpu.memory_space<vmem>>)
      %dma_start3A_53 = arith.constant 0 : i32
      %dma_start3A_54 = tpu.memref_slice %arg6[%add3A_46, %dma_start3A_53] : memref<32x8xi32, #tpu.memory_space<vmem>> -> memref<1x8xi32, #tpu.memory_space<vmem>>
      %dma_start3A_55 = tpu.memref_squeeze %dma_start3A_54 : memref<1x8xi32, #tpu.memory_space<vmem>> -> memref<8xi32, #tpu.memory_space<vmem>>
      %dma_start3A_56 = arith.constant 0 : i32
      %dma_start3A_57 = arith.constant 0 : i32
      %dma_start3A_58 = tpu.memref_slice %arg5[%dma_start3A_56, %dma_start3A_57] : memref<18432x2048xf32, #tpu.memory_space<hbm>> -> memref<18432x2048xf32, #tpu.memory_space<hbm>>
      tpu.enqueue_indirect_dma source(%arg8 : memref<8x2048xf32, #tpu.memory_space<vmem>>) target(%dma_start3A_58 : memref<18432x2048xf32, #tpu.memory_space<hbm>>) offsets(%dma_start3A_55 : memref<8xi32, #tpu.memory_space<vmem>>) semaphore(%arg16 : memref<!tpu.dma_semaphore, #tpu.memory_space<semaphore_mem>>)
      %dma_start3A_59 = arith.constant 0 : i32
      %dma_start3A_60 = tpu.memref_slice %arg7[%add3A_46, %dma_start3A_59] : memref<32x8xi32, #tpu.memory_space<vmem>> -> memref<1x8xi32, #tpu.memory_space<vmem>>
      %dma_start3A_61 = tpu.memref_squeeze %dma_start3A_60 : memref<1x8xi32, #tpu.memory_space<vmem>> -> memref<8xi32, #tpu.memory_space<vmem>>
      %dma_start3A_62 = arith.constant 0 : i32
      %dma_start3A_63 = arith.constant 0 : i32
      %dma_start3A_64 = tpu.memref_slice %arg5[%dma_start3A_62, %dma_start3A_63] : memref<18432x2048xf32, #tpu.memory_space<hbm>> -> memref<18432x2048xf32, #tpu.memory_space<hbm>>
      tpu.enqueue_indirect_dma source(%arg8 : memref<8x2048xf32, #tpu.memory_space<vmem>>) target(%dma_start3A_64 : memref<18432x2048xf32, #tpu.memory_space<hbm>>) offsets(%dma_start3A_61 : memref<8xi32, #tpu.memory_space<vmem>>) semaphore(%arg20 : memref<!tpu.dma_semaphore, #tpu.memory_space<semaphore_mem>>)
      %ge3A = arith.constant 2 : i32
      %ge3A_65 = arith.cmpi sge, %add3A_46, %ge3A : i32
      %convert_element_type3A = arith.extui %ge3A_65 : i1 to i32
      %cond3A = arith.constant 0 : i32
      %cond3A_66 = arith.cmpi ne, %convert_element_type3A, %cond3A : i32
      scf.if %cond3A_66 {
        %dma_wait3A_169 = arith.constant 0 : i32
        %dma_wait3A_170 = arith.constant 0 : i32
        %dma_wait3A_171 = tpu.memref_slice %arg5[%dma_wait3A_169, %dma_wait3A_170] : memref<18432x2048xf32, #tpu.memory_space<hbm>> -> memref<8x2048xf32, #tpu.memory_space<hbm>>
        %dma_wait3A_172 = arith.constant 0 : i32
        %dma_wait3A_173 = arith.constant 0 : i32
        %dma_wait3A_174 = tpu.memref_slice %arg5[%dma_wait3A_172, %dma_wait3A_173] : memref<18432x2048xf32, #tpu.memory_space<hbm>> -> memref<8x2048xf32, #tpu.memory_space<hbm>>
        tpu.wait_dma2 semaphore(%arg18 : memref<!tpu.dma_semaphore, #tpu.memory_space<semaphore_mem>>) src(%arg10 : memref<8x2048xf32, #tpu.memory_space<vmem>>) dst(%dma_wait3A_174 : memref<8x2048xf32, #tpu.memory_space<hbm>>)
        %dma_wait3A_175 = arith.constant 0 : i32
        %dma_wait3A_176 = arith.constant 0 : i32
        %dma_wait3A_177 = tpu.memref_slice %arg5[%dma_wait3A_175, %dma_wait3A_176] : memref<18432x2048xf32, #tpu.memory_space<hbm>> -> memref<8x2048xf32, #tpu.memory_space<hbm>>
        %dma_wait3A_178 = arith.constant 0 : i32
        %dma_wait3A_179 = arith.constant 0 : i32
        %dma_wait3A_180 = tpu.memref_slice %arg5[%dma_wait3A_178, %dma_wait3A_179] : memref<18432x2048xf32, #tpu.memory_space<hbm>> -> memref<8x2048xf32, #tpu.memory_space<hbm>>
        tpu.wait_dma2 semaphore(%arg22 : memref<!tpu.dma_semaphore, #tpu.memory_space<semaphore_mem>>) src(%arg10 : memref<8x2048xf32, #tpu.memory_space<vmem>>) dst(%dma_wait3A_180 : memref<8x2048xf32, #tpu.memory_space<hbm>>)
      } else {
      }
      %add3A_67 = arith.constant 2 : i32
      %add3A_68 = arith.addi %add3A_46, %add3A_67 : i32
      %lt3A = arith.constant 32 : i32
      %lt3A_69 = arith.cmpi slt, %add3A_68, %lt3A : i32
      %convert_element_type3A_70 = arith.extui %lt3A_69 : i1 to i32
      %cond3A_71 = arith.constant 0 : i32
      %cond3A_72 = arith.cmpi ne, %convert_element_type3A_70, %cond3A_71 : i32
      scf.if %cond3A_72 {
        %add3A_169 = arith.constant 2 : i32
        %add3A_170 = arith.addi %add3A_46, %add3A_169 : i32
        %mul3A_171 = arith.constant 8 : i32
        %mul3A_172 = arith.muli %add3A_170, %mul3A_171 : i32
        %add3A_173 = arith.addi %mul3A_2, %mul3A_172 : i32
        %dma_start3A_174 = arith.constant 0 : i32
        %dma_start3A_175 = tpu.memref_slice %arg2[%add3A_173, %dma_start3A_174] : memref<8192x2048xf32, #tpu.memory_space<hbm>> -> memref<8x2048xf32, #tpu.memory_space<hbm>>
        %dma_start3A_176 = arith.constant 0 : i32
        %dma_start3A_177 = tpu.memref_slice %arg2[%add3A_173, %dma_start3A_176] : memref<8192x2048xf32, #tpu.memory_space<hbm>> -> memref<8x2048xf32, #tpu.memory_space<hbm>>
        tpu.enqueue_dma source(%dma_start3A_177 : memref<8x2048xf32, #tpu.memory_space<hbm>>) target(%arg10 : memref<8x2048xf32, #tpu.memory_space<vmem>>) target_semaphore(%arg14 : memref<!tpu.dma_semaphore, #tpu.memory_space<semaphore_mem>>)
      } else {
      }
      %add3A_73 = arith.constant 1 : i32
      %add3A_74 = arith.addi %mul3A_44, %add3A_73 : i32
      %dma_wait3A_75 = arith.constant 0 : i32
      %dma_wait3A_76 = arith.constant 0 : i32
      %dma_wait3A_77 = tpu.memref_slice %arg2[%dma_wait3A_75, %dma_wait3A_76] : memref<8192x2048xf32, #tpu.memory_space<hbm>> -> memref<8x2048xf32, #tpu.memory_space<hbm>>
      %dma_wait3A_78 = arith.constant 0 : i32
      %dma_wait3A_79 = arith.constant 0 : i32
      %dma_wait3A_80 = tpu.memref_slice %arg2[%dma_wait3A_78, %dma_wait3A_79] : memref<8192x2048xf32, #tpu.memory_space<hbm>> -> memref<8x2048xf32, #tpu.memory_space<hbm>>
      tpu.wait_dma2 semaphore(%arg13 : memref<!tpu.dma_semaphore, #tpu.memory_space<semaphore_mem>>) src(%dma_wait3A_80 : memref<8x2048xf32, #tpu.memory_space<hbm>>) dst(%arg9 : memref<8x2048xf32, #tpu.memory_space<vmem>>)
      %dma_start3A_81 = arith.constant 0 : i32
      %dma_start3A_82 = tpu.memref_slice %arg6[%add3A_74, %dma_start3A_81] : memref<32x8xi32, #tpu.memory_space<vmem>> -> memref<1x8xi32, #tpu.memory_space<vmem>>
      %dma_start3A_83 = tpu.memref_squeeze %dma_start3A_82 : memref<1x8xi32, #tpu.memory_space<vmem>> -> memref<8xi32, #tpu.memory_space<vmem>>
      %dma_start3A_84 = arith.constant 0 : i32
      %dma_start3A_85 = arith.constant 0 : i32
      %dma_start3A_86 = tpu.memref_slice %arg5[%dma_start3A_84, %dma_start3A_85] : memref<18432x2048xf32, #tpu.memory_space<hbm>> -> memref<18432x2048xf32, #tpu.memory_space<hbm>>
      tpu.enqueue_indirect_dma source(%arg9 : memref<8x2048xf32, #tpu.memory_space<vmem>>) target(%dma_start3A_86 : memref<18432x2048xf32, #tpu.memory_space<hbm>>) offsets(%dma_start3A_83 : memref<8xi32, #tpu.memory_space<vmem>>) semaphore(%arg17 : memref<!tpu.dma_semaphore, #tpu.memory_space<semaphore_mem>>)
      %dma_start3A_87 = arith.constant 0 : i32
      %dma_start3A_88 = tpu.memref_slice %arg7[%add3A_74, %dma_start3A_87] : memref<32x8xi32, #tpu.memory_space<vmem>> -> memref<1x8xi32, #tpu.memory_space<vmem>>
      %dma_start3A_89 = tpu.memref_squeeze %dma_start3A_88 : memref<1x8xi32, #tpu.memory_space<vmem>> -> memref<8xi32, #tpu.memory_space<vmem>>
      %dma_start3A_90 = arith.constant 0 : i32
      %dma_start3A_91 = arith.constant 0 : i32
      %dma_start3A_92 = tpu.memref_slice %arg5[%dma_start3A_90, %dma_start3A_91] : memref<18432x2048xf32, #tpu.memory_space<hbm>> -> memref<18432x2048xf32, #tpu.memory_space<hbm>>
      tpu.enqueue_indirect_dma source(%arg9 : memref<8x2048xf32, #tpu.memory_space<vmem>>) target(%dma_start3A_92 : memref<18432x2048xf32, #tpu.memory_space<hbm>>) offsets(%dma_start3A_89 : memref<8xi32, #tpu.memory_space<vmem>>) semaphore(%arg21 : memref<!tpu.dma_semaphore, #tpu.memory_space<semaphore_mem>>)
      %ge3A_93 = arith.constant 2 : i32
      %ge3A_94 = arith.cmpi sge, %add3A_74, %ge3A_93 : i32
      %convert_element_type3A_95 = arith.extui %ge3A_94 : i1 to i32
      %cond3A_96 = arith.constant 0 : i32
      %cond3A_97 = arith.cmpi ne, %convert_element_type3A_95, %cond3A_96 : i32
      scf.if %cond3A_97 {
        %dma_wait3A_169 = arith.constant 0 : i32
        %dma_wait3A_170 = arith.constant 0 : i32
        %dma_wait3A_171 = tpu.memref_slice %arg5[%dma_wait3A_169, %dma_wait3A_170] : memref<18432x2048xf32, #tpu.memory_space<hbm>> -> memref<8x2048xf32, #tpu.memory_space<hbm>>
        %dma_wait3A_172 = arith.constant 0 : i32
        %dma_wait3A_173 = arith.constant 0 : i32
        %dma_wait3A_174 = tpu.memref_slice %arg5[%dma_wait3A_172, %dma_wait3A_173] : memref<18432x2048xf32, #tpu.memory_space<hbm>> -> memref<8x2048xf32, #tpu.memory_space<hbm>>
        tpu.wait_dma2 semaphore(%arg19 : memref<!tpu.dma_semaphore, #tpu.memory_space<semaphore_mem>>) src(%arg11 : memref<8x2048xf32, #tpu.memory_space<vmem>>) dst(%dma_wait3A_174 : memref<8x2048xf32, #tpu.memory_space<hbm>>)
        %dma_wait3A_175 = arith.constant 0 : i32
        %dma_wait3A_176 = arith.constant 0 : i32
        %dma_wait3A_177 = tpu.memref_slice %arg5[%dma_wait3A_175, %dma_wait3A_176] : memref<18432x2048xf32, #tpu.memory_space<hbm>> -> memref<8x2048xf32, #tpu.memory_space<hbm>>
        %dma_wait3A_178 = arith.constant 0 : i32
        %dma_wait3A_179 = arith.constant 0 : i32
        %dma_wait3A_180 = tpu.memref_slice %arg5[%dma_wait3A_178, %dma_wait3A_179] : memref<18432x2048xf32, #tpu.memory_space<hbm>> -> memref<8x2048xf32, #tpu.memory_space<hbm>>
        tpu.wait_dma2 semaphore(%arg23 : memref<!tpu.dma_semaphore, #tpu.memory_space<semaphore_mem>>) src(%arg11 : memref<8x2048xf32, #tpu.memory_space<vmem>>) dst(%dma_wait3A_180 : memref<8x2048xf32, #tpu.memory_space<hbm>>)
      } else {
      }
      %add3A_98 = arith.constant 2 : i32
      %add3A_99 = arith.addi %add3A_74, %add3A_98 : i32
      %lt3A_100 = arith.constant 32 : i32
      %lt3A_101 = arith.cmpi slt, %add3A_99, %lt3A_100 : i32
      %convert_element_type3A_102 = arith.extui %lt3A_101 : i1 to i32
      %cond3A_103 = arith.constant 0 : i32
      %cond3A_104 = arith.cmpi ne, %convert_element_type3A_102, %cond3A_103 : i32
      scf.if %cond3A_104 {
        %add3A_169 = arith.constant 2 : i32
        %add3A_170 = arith.addi %add3A_74, %add3A_169 : i32
        %mul3A_171 = arith.constant 8 : i32
        %mul3A_172 = arith.muli %add3A_170, %mul3A_171 : i32
        %add3A_173 = arith.addi %mul3A_2, %mul3A_172 : i32
        %dma_start3A_174 = arith.constant 0 : i32
        %dma_start3A_175 = tpu.memref_slice %arg2[%add3A_173, %dma_start3A_174] : memref<8192x2048xf32, #tpu.memory_space<hbm>> -> memref<8x2048xf32, #tpu.memory_space<hbm>>
        %dma_start3A_176 = arith.constant 0 : i32
        %dma_start3A_177 = tpu.memref_slice %arg2[%add3A_173, %dma_start3A_176] : memref<8192x2048xf32, #tpu.memory_space<hbm>> -> memref<8x2048xf32, #tpu.memory_space<hbm>>
        tpu.enqueue_dma source(%dma_start3A_177 : memref<8x2048xf32, #tpu.memory_space<hbm>>) target(%arg11 : memref<8x2048xf32, #tpu.memory_space<vmem>>) target_semaphore(%arg15 : memref<!tpu.dma_semaphore, #tpu.memory_space<semaphore_mem>>)
      } else {
      }
      %add3A_105 = arith.constant 2 : i32
      %add3A_106 = arith.addi %mul3A_44, %add3A_105 : i32
      %dma_wait3A_107 = arith.constant 0 : i32
      %dma_wait3A_108 = arith.constant 0 : i32
      %dma_wait3A_109 = tpu.memref_slice %arg2[%dma_wait3A_107, %dma_wait3A_108] : memref<8192x2048xf32, #tpu.memory_space<hbm>> -> memref<8x2048xf32, #tpu.memory_space<hbm>>
      %dma_wait3A_110 = arith.constant 0 : i32
      %dma_wait3A_111 = arith.constant 0 : i32
      %dma_wait3A_112 = tpu.memref_slice %arg2[%dma_wait3A_110, %dma_wait3A_111] : memref<8192x2048xf32, #tpu.memory_space<hbm>> -> memref<8x2048xf32, #tpu.memory_space<hbm>>
      tpu.wait_dma2 semaphore(%arg14 : memref<!tpu.dma_semaphore, #tpu.memory_space<semaphore_mem>>) src(%dma_wait3A_112 : memref<8x2048xf32, #tpu.memory_space<hbm>>) dst(%arg10 : memref<8x2048xf32, #tpu.memory_space<vmem>>)
      %dma_start3A_113 = arith.constant 0 : i32
      %dma_start3A_114 = tpu.memref_slice %arg6[%add3A_106, %dma_start3A_113] : memref<32x8xi32, #tpu.memory_space<vmem>> -> memref<1x8xi32, #tpu.memory_space<vmem>>
      %dma_start3A_115 = tpu.memref_squeeze %dma_start3A_114 : memref<1x8xi32, #tpu.memory_space<vmem>> -> memref<8xi32, #tpu.memory_space<vmem>>
      %dma_start3A_116 = arith.constant 0 : i32
      %dma_start3A_117 = arith.constant 0 : i32
      %dma_start3A_118 = tpu.memref_slice %arg5[%dma_start3A_116, %dma_start3A_117] : memref<18432x2048xf32, #tpu.memory_space<hbm>> -> memref<18432x2048xf32, #tpu.memory_space<hbm>>
      tpu.enqueue_indirect_dma source(%arg10 : memref<8x2048xf32, #tpu.memory_space<vmem>>) target(%dma_start3A_118 : memref<18432x2048xf32, #tpu.memory_space<hbm>>) offsets(%dma_start3A_115 : memref<8xi32, #tpu.memory_space<vmem>>) semaphore(%arg18 : memref<!tpu.dma_semaphore, #tpu.memory_space<semaphore_mem>>)
      %dma_start3A_119 = arith.constant 0 : i32
      %dma_start3A_120 = tpu.memref_slice %arg7[%add3A_106, %dma_start3A_119] : memref<32x8xi32, #tpu.memory_space<vmem>> -> memref<1x8xi32, #tpu.memory_space<vmem>>
      %dma_start3A_121 = tpu.memref_squeeze %dma_start3A_120 : memref<1x8xi32, #tpu.memory_space<vmem>> -> memref<8xi32, #tpu.memory_space<vmem>>
      %dma_start3A_122 = arith.constant 0 : i32
      %dma_start3A_123 = arith.constant 0 : i32
      %dma_start3A_124 = tpu.memref_slice %arg5[%dma_start3A_122, %dma_start3A_123] : memref<18432x2048xf32, #tpu.memory_space<hbm>> -> memref<18432x2048xf32, #tpu.memory_space<hbm>>
      tpu.enqueue_indirect_dma source(%arg10 : memref<8x2048xf32, #tpu.memory_space<vmem>>) target(%dma_start3A_124 : memref<18432x2048xf32, #tpu.memory_space<hbm>>) offsets(%dma_start3A_121 : memref<8xi32, #tpu.memory_space<vmem>>) semaphore(%arg22 : memref<!tpu.dma_semaphore, #tpu.memory_space<semaphore_mem>>)
      %ge3A_125 = arith.constant 2 : i32
      %ge3A_126 = arith.cmpi sge, %add3A_106, %ge3A_125 : i32
      %convert_element_type3A_127 = arith.extui %ge3A_126 : i1 to i32
      %cond3A_128 = arith.constant 0 : i32
      %cond3A_129 = arith.cmpi ne, %convert_element_type3A_127, %cond3A_128 : i32
      scf.if %cond3A_129 {
        %dma_wait3A_169 = arith.constant 0 : i32
        %dma_wait3A_170 = arith.constant 0 : i32
        %dma_wait3A_171 = tpu.memref_slice %arg5[%dma_wait3A_169, %dma_wait3A_170] : memref<18432x2048xf32, #tpu.memory_space<hbm>> -> memref<8x2048xf32, #tpu.memory_space<hbm>>
        %dma_wait3A_172 = arith.constant 0 : i32
        %dma_wait3A_173 = arith.constant 0 : i32
        %dma_wait3A_174 = tpu.memref_slice %arg5[%dma_wait3A_172, %dma_wait3A_173] : memref<18432x2048xf32, #tpu.memory_space<hbm>> -> memref<8x2048xf32, #tpu.memory_space<hbm>>
        tpu.wait_dma2 semaphore(%arg16 : memref<!tpu.dma_semaphore, #tpu.memory_space<semaphore_mem>>) src(%arg8 : memref<8x2048xf32, #tpu.memory_space<vmem>>) dst(%dma_wait3A_174 : memref<8x2048xf32, #tpu.memory_space<hbm>>)
        %dma_wait3A_175 = arith.constant 0 : i32
        %dma_wait3A_176 = arith.constant 0 : i32
        %dma_wait3A_177 = tpu.memref_slice %arg5[%dma_wait3A_175, %dma_wait3A_176] : memref<18432x2048xf32, #tpu.memory_space<hbm>> -> memref<8x2048xf32, #tpu.memory_space<hbm>>
        %dma_wait3A_178 = arith.constant 0 : i32
        %dma_wait3A_179 = arith.constant 0 : i32
        %dma_wait3A_180 = tpu.memref_slice %arg5[%dma_wait3A_178, %dma_wait3A_179] : memref<18432x2048xf32, #tpu.memory_space<hbm>> -> memref<8x2048xf32, #tpu.memory_space<hbm>>
        tpu.wait_dma2 semaphore(%arg20 : memref<!tpu.dma_semaphore, #tpu.memory_space<semaphore_mem>>) src(%arg8 : memref<8x2048xf32, #tpu.memory_space<vmem>>) dst(%dma_wait3A_180 : memref<8x2048xf32, #tpu.memory_space<hbm>>)
      } else {
      }
      %add3A_130 = arith.constant 2 : i32
      %add3A_131 = arith.addi %add3A_106, %add3A_130 : i32
      %lt3A_132 = arith.constant 32 : i32
      %lt3A_133 = arith.cmpi slt, %add3A_131, %lt3A_132 : i32
      %convert_element_type3A_134 = arith.extui %lt3A_133 : i1 to i32
      %cond3A_135 = arith.constant 0 : i32
      %cond3A_136 = arith.cmpi ne, %convert_element_type3A_134, %cond3A_135 : i32
      scf.if %cond3A_136 {
        %add3A_169 = arith.constant 2 : i32
        %add3A_170 = arith.addi %add3A_106, %add3A_169 : i32
        %mul3A_171 = arith.constant 8 : i32
        %mul3A_172 = arith.muli %add3A_170, %mul3A_171 : i32
        %add3A_173 = arith.addi %mul3A_2, %mul3A_172 : i32
        %dma_start3A_174 = arith.constant 0 : i32
        %dma_start3A_175 = tpu.memref_slice %arg2[%add3A_173, %dma_start3A_174] : memref<8192x2048xf32, #tpu.memory_space<hbm>> -> memref<8x2048xf32, #tpu.memory_space<hbm>>
        %dma_start3A_176 = arith.constant 0 : i32
        %dma_start3A_177 = tpu.memref_slice %arg2[%add3A_173, %dma_start3A_176] : memref<8192x2048xf32, #tpu.memory_space<hbm>> -> memref<8x2048xf32, #tpu.memory_space<hbm>>
        tpu.enqueue_dma source(%dma_start3A_177 : memref<8x2048xf32, #tpu.memory_space<hbm>>) target(%arg8 : memref<8x2048xf32, #tpu.memory_space<vmem>>) target_semaphore(%arg12 : memref<!tpu.dma_semaphore, #tpu.memory_space<semaphore_mem>>)
      } else {
      }
      %add3A_137 = arith.constant 3 : i32
      %add3A_138 = arith.addi %mul3A_44, %add3A_137 : i32
      %dma_wait3A_139 = arith.constant 0 : i32
      %dma_wait3A_140 = arith.constant 0 : i32
      %dma_wait3A_141 = tpu.memref_slice %arg2[%dma_wait3A_139, %dma_wait3A_140] : memref<8192x2048xf32, #tpu.memory_space<hbm>> -> memref<8x2048xf32, #tpu.memory_space<hbm>>
      %dma_wait3A_142 = arith.constant 0 : i32
      %dma_wait3A_143 = arith.constant 0 : i32
      %dma_wait3A_144 = tpu.memref_slice %arg2[%dma_wait3A_142, %dma_wait3A_143] : memref<8192x2048xf32, #tpu.memory_space<hbm>> -> memref<8x2048xf32, #tpu.memory_space<hbm>>
      tpu.wait_dma2 semaphore(%arg15 : memref<!tpu.dma_semaphore, #tpu.memory_space<semaphore_mem>>) src(%dma_wait3A_144 : memref<8x2048xf32, #tpu.memory_space<hbm>>) dst(%arg11 : memref<8x2048xf32, #tpu.memory_space<vmem>>)
      %dma_start3A_145 = arith.constant 0 : i32
      %dma_start3A_146 = tpu.memref_slice %arg6[%add3A_138, %dma_start3A_145] : memref<32x8xi32, #tpu.memory_space<vmem>> -> memref<1x8xi32, #tpu.memory_space<vmem>>
      %dma_start3A_147 = tpu.memref_squeeze %dma_start3A_146 : memref<1x8xi32, #tpu.memory_space<vmem>> -> memref<8xi32, #tpu.memory_space<vmem>>
      %dma_start3A_148 = arith.constant 0 : i32
      %dma_start3A_149 = arith.constant 0 : i32
      %dma_start3A_150 = tpu.memref_slice %arg5[%dma_start3A_148, %dma_start3A_149] : memref<18432x2048xf32, #tpu.memory_space<hbm>> -> memref<18432x2048xf32, #tpu.memory_space<hbm>>
      tpu.enqueue_indirect_dma source(%arg11 : memref<8x2048xf32, #tpu.memory_space<vmem>>) target(%dma_start3A_150 : memref<18432x2048xf32, #tpu.memory_space<hbm>>) offsets(%dma_start3A_147 : memref<8xi32, #tpu.memory_space<vmem>>) semaphore(%arg19 : memref<!tpu.dma_semaphore, #tpu.memory_space<semaphore_mem>>)
      %dma_start3A_151 = arith.constant 0 : i32
      %dma_start3A_152 = tpu.memref_slice %arg7[%add3A_138, %dma_start3A_151] : memref<32x8xi32, #tpu.memory_space<vmem>> -> memref<1x8xi32, #tpu.memory_space<vmem>>
      %dma_start3A_153 = tpu.memref_squeeze %dma_start3A_152 : memref<1x8xi32, #tpu.memory_space<vmem>> -> memref<8xi32, #tpu.memory_space<vmem>>
      %dma_start3A_154 = arith.constant 0 : i32
      %dma_start3A_155 = arith.constant 0 : i32
      %dma_start3A_156 = tpu.memref_slice %arg5[%dma_start3A_154, %dma_start3A_155] : memref<18432x2048xf32, #tpu.memory_space<hbm>> -> memref<18432x2048xf32, #tpu.memory_space<hbm>>
      tpu.enqueue_indirect_dma source(%arg11 : memref<8x2048xf32, #tpu.memory_space<vmem>>) target(%dma_start3A_156 : memref<18432x2048xf32, #tpu.memory_space<hbm>>) offsets(%dma_start3A_153 : memref<8xi32, #tpu.memory_space<vmem>>) semaphore(%arg23 : memref<!tpu.dma_semaphore, #tpu.memory_space<semaphore_mem>>)
      %ge3A_157 = arith.constant 2 : i32
      %ge3A_158 = arith.cmpi sge, %add3A_138, %ge3A_157 : i32
      %convert_element_type3A_159 = arith.extui %ge3A_158 : i1 to i32
      %cond3A_160 = arith.constant 0 : i32
      %cond3A_161 = arith.cmpi ne, %convert_element_type3A_159, %cond3A_160 : i32
      scf.if %cond3A_161 {
        %dma_wait3A_169 = arith.constant 0 : i32
        %dma_wait3A_170 = arith.constant 0 : i32
        %dma_wait3A_171 = tpu.memref_slice %arg5[%dma_wait3A_169, %dma_wait3A_170] : memref<18432x2048xf32, #tpu.memory_space<hbm>> -> memref<8x2048xf32, #tpu.memory_space<hbm>>
        %dma_wait3A_172 = arith.constant 0 : i32
        %dma_wait3A_173 = arith.constant 0 : i32
        %dma_wait3A_174 = tpu.memref_slice %arg5[%dma_wait3A_172, %dma_wait3A_173] : memref<18432x2048xf32, #tpu.memory_space<hbm>> -> memref<8x2048xf32, #tpu.memory_space<hbm>>
        tpu.wait_dma2 semaphore(%arg17 : memref<!tpu.dma_semaphore, #tpu.memory_space<semaphore_mem>>) src(%arg9 : memref<8x2048xf32, #tpu.memory_space<vmem>>) dst(%dma_wait3A_174 : memref<8x2048xf32, #tpu.memory_space<hbm>>)
        %dma_wait3A_175 = arith.constant 0 : i32
        %dma_wait3A_176 = arith.constant 0 : i32
        %dma_wait3A_177 = tpu.memref_slice %arg5[%dma_wait3A_175, %dma_wait3A_176] : memref<18432x2048xf32, #tpu.memory_space<hbm>> -> memref<8x2048xf32, #tpu.memory_space<hbm>>
        %dma_wait3A_178 = arith.constant 0 : i32
        %dma_wait3A_179 = arith.constant 0 : i32
        %dma_wait3A_180 = tpu.memref_slice %arg5[%dma_wait3A_178, %dma_wait3A_179] : memref<18432x2048xf32, #tpu.memory_space<hbm>> -> memref<8x2048xf32, #tpu.memory_space<hbm>>
        tpu.wait_dma2 semaphore(%arg21 : memref<!tpu.dma_semaphore, #tpu.memory_space<semaphore_mem>>) src(%arg9 : memref<8x2048xf32, #tpu.memory_space<vmem>>) dst(%dma_wait3A_180 : memref<8x2048xf32, #tpu.memory_space<hbm>>)
      } else {
      }
      %add3A_162 = arith.constant 2 : i32
      %add3A_163 = arith.addi %add3A_138, %add3A_162 : i32
      %lt3A_164 = arith.constant 32 : i32
      %lt3A_165 = arith.cmpi slt, %add3A_163, %lt3A_164 : i32
      %convert_element_type3A_166 = arith.extui %lt3A_165 : i1 to i32
      %cond3A_167 = arith.constant 0 : i32
      %cond3A_168 = arith.cmpi ne, %convert_element_type3A_166, %cond3A_167 : i32
      scf.if %cond3A_168 {
        %add3A_169 = arith.constant 2 : i32
        %add3A_170 = arith.addi %add3A_138, %add3A_169 : i32
        %mul3A_171 = arith.constant 8 : i32
        %mul3A_172 = arith.muli %add3A_170, %mul3A_171 : i32
        %add3A_173 = arith.addi %mul3A_2, %mul3A_172 : i32
        %dma_start3A_174 = arith.constant 0 : i32
        %dma_start3A_175 = tpu.memref_slice %arg2[%add3A_173, %dma_start3A_174] : memref<8192x2048xf32, #tpu.memory_space<hbm>> -> memref<8x2048xf32, #tpu.memory_space<hbm>>
        %dma_start3A_176 = arith.constant 0 : i32
        %dma_start3A_177 = tpu.memref_slice %arg2[%add3A_173, %dma_start3A_176] : memref<8192x2048xf32, #tpu.memory_space<hbm>> -> memref<8x2048xf32, #tpu.memory_space<hbm>>
        tpu.enqueue_dma source(%dma_start3A_177 : memref<8x2048xf32, #tpu.memory_space<hbm>>) target(%arg9 : memref<8x2048xf32, #tpu.memory_space<vmem>>) target_semaphore(%arg13 : memref<!tpu.dma_semaphore, #tpu.memory_space<semaphore_mem>>)
      } else {
      }
    }
    %scan3A_18 = arith.constant 8 : i32
    %dma_wait3A = arith.constant 0 : i32
    %dma_wait3A_19 = arith.constant 0 : i32
    %dma_wait3A_20 = tpu.memref_slice %arg5[%dma_wait3A, %dma_wait3A_19] : memref<18432x2048xf32, #tpu.memory_space<hbm>> -> memref<8x2048xf32, #tpu.memory_space<hbm>>
    %dma_wait3A_21 = arith.constant 0 : i32
    %dma_wait3A_22 = arith.constant 0 : i32
    %dma_wait3A_23 = tpu.memref_slice %arg5[%dma_wait3A_21, %dma_wait3A_22] : memref<18432x2048xf32, #tpu.memory_space<hbm>> -> memref<8x2048xf32, #tpu.memory_space<hbm>>
    tpu.wait_dma2 semaphore(%arg18 : memref<!tpu.dma_semaphore, #tpu.memory_space<semaphore_mem>>) src(%arg10 : memref<8x2048xf32, #tpu.memory_space<vmem>>) dst(%dma_wait3A_23 : memref<8x2048xf32, #tpu.memory_space<hbm>>)
    %dma_wait3A_24 = arith.constant 0 : i32
    %dma_wait3A_25 = arith.constant 0 : i32
    %dma_wait3A_26 = tpu.memref_slice %arg5[%dma_wait3A_24, %dma_wait3A_25] : memref<18432x2048xf32, #tpu.memory_space<hbm>> -> memref<8x2048xf32, #tpu.memory_space<hbm>>
    %dma_wait3A_27 = arith.constant 0 : i32
    %dma_wait3A_28 = arith.constant 0 : i32
    %dma_wait3A_29 = tpu.memref_slice %arg5[%dma_wait3A_27, %dma_wait3A_28] : memref<18432x2048xf32, #tpu.memory_space<hbm>> -> memref<8x2048xf32, #tpu.memory_space<hbm>>
    tpu.wait_dma2 semaphore(%arg22 : memref<!tpu.dma_semaphore, #tpu.memory_space<semaphore_mem>>) src(%arg10 : memref<8x2048xf32, #tpu.memory_space<vmem>>) dst(%dma_wait3A_29 : memref<8x2048xf32, #tpu.memory_space<hbm>>)
    %dma_wait3A_30 = arith.constant 0 : i32
    %dma_wait3A_31 = arith.constant 0 : i32
    %dma_wait3A_32 = tpu.memref_slice %arg5[%dma_wait3A_30, %dma_wait3A_31] : memref<18432x2048xf32, #tpu.memory_space<hbm>> -> memref<8x2048xf32, #tpu.memory_space<hbm>>
    %dma_wait3A_33 = arith.constant 0 : i32
    %dma_wait3A_34 = arith.constant 0 : i32
    %dma_wait3A_35 = tpu.memref_slice %arg5[%dma_wait3A_33, %dma_wait3A_34] : memref<18432x2048xf32, #tpu.memory_space<hbm>> -> memref<8x2048xf32, #tpu.memory_space<hbm>>
    tpu.wait_dma2 semaphore(%arg19 : memref<!tpu.dma_semaphore, #tpu.memory_space<semaphore_mem>>) src(%arg11 : memref<8x2048xf32, #tpu.memory_space<vmem>>) dst(%dma_wait3A_35 : memref<8x2048xf32, #tpu.memory_space<hbm>>)
    %dma_wait3A_36 = arith.constant 0 : i32
    %dma_wait3A_37 = arith.constant 0 : i32
    %dma_wait3A_38 = tpu.memref_slice %arg5[%dma_wait3A_36, %dma_wait3A_37] : memref<18432x2048xf32, #tpu.memory_space<hbm>> -> memref<8x2048xf32, #tpu.memory_space<hbm>>
    %dma_wait3A_39 = arith.constant 0 : i32
    %dma_wait3A_40 = arith.constant 0 : i32
    %dma_wait3A_41 = tpu.memref_slice %arg5[%dma_wait3A_39, %dma_wait3A_40] : memref<18432x2048xf32, #tpu.memory_space<hbm>> -> memref<8x2048xf32, #tpu.memory_space<hbm>>
    tpu.wait_dma2 semaphore(%arg23 : memref<!tpu.dma_semaphore, #tpu.memory_space<semaphore_mem>>) src(%arg11 : memref<8x2048xf32, #tpu.memory_space<vmem>>) dst(%dma_wait3A_41 : memref<8x2048xf32, #tpu.memory_space<hbm>>)
    return
  }
}

module attributes {stable_mosaic.version = 14 : i64} {
  func.func @_gating_body(%arg0: i32, %arg1: memref<1024x2048xf32, #tpu.memory_space<vmem>>, %arg2: memref<2048x128xf32, #tpu.memory_space<vmem>>, %arg3: memref<1024x128xf32, #tpu.memory_space<vmem>>, %arg4: memref<1x128xf32, #tpu.memory_space<vmem>>, %arg5: memref<1024x2xf32, #tpu.memory_space<vmem>>, %arg6: memref<1024x2xi32, #tpu.memory_space<vmem>>, %arg7: memref<1x1xf32, #tpu.memory_space<vmem>>, %arg8: memref<1x128xf32, #tpu.memory_space<vmem>>) attributes {dimension_semantics = [#tpu.dimension_semantics<arbitrary>], iteration_bounds = array<i64: 8>, scalar_prefetch = 0 : i64, scratch_operands = 1 : i64, tpu.core_type = #tpu.core_type<tc>, window_params = [{transform_indices = @transform_0, window_bounds = array<i64: 1024, 2048>}, {pipeline_mode = #tpu.pipeline_mode<synchronous>, transform_indices = @transform_1, window_bounds = array<i64: 2048, 128>}, {transform_indices = @transform_2, window_bounds = array<i64: 1024, 128>}, {pipeline_mode = #tpu.pipeline_mode<synchronous>, transform_indices = @transform_3, window_bounds = array<i64: 1, 128>}, {transform_indices = @transform_4, window_bounds = array<i64: 1024, 2>}, {transform_indices = @transform_5, window_bounds = array<i64: 1024, 2>}, {pipeline_mode = #tpu.pipeline_mode<synchronous>, transform_indices = @transform_6, window_bounds = array<i64: 1, 1>}]} {
    %get3A = arith.constant 0 : index
    %get3A_0 = arith.constant 0 : index
    %get3A_1 = vector.load %arg1[%get3A, %get3A_0] : memref<1024x2048xf32, #tpu.memory_space<vmem>>, vector<1024x2048xf32>
    %get3A_2 = arith.constant 0 : index
    %get3A_3 = arith.constant 0 : index
    %get3A_4 = vector.load %arg2[%get3A_2, %get3A_3] : memref<2048x128xf32, #tpu.memory_space<vmem>>, vector<2048x128xf32>
    %dot_general3A = arith.constant dense<0.000000e+00> : vector<1024x128xf32>
    %dot_general3A_5 = tpu.matmul %get3A_1, %get3A_4, %dot_general3A {dimension_numbers = #tpu.dot_dimension_numbers<[1], [0], [0], [1], [0, 0, 1, 1], [], []>, transpose_lhs_hint = false} : vector<1024x2048xf32>, vector<2048x128xf32>, vector<1024x128xf32> -> vector<1024x128xf32>
    %get3A_6 = arith.constant 0 : index
    %get3A_7 = arith.constant 0 : index
    %get3A_8 = vector.load %arg4[%get3A_6, %get3A_7] : memref<1x128xf32, #tpu.memory_space<vmem>>, vector<1x128xf32>
    %add3A = vector.broadcast %get3A_8 : vector<1x128xf32> to vector<1024x128xf32>
    %add3A_9 = arith.addf %dot_general3A_5, %add3A : vector<1024x128xf32>
    %get3A_10 = arith.constant 0 : index
    %get3A_11 = arith.constant 0 : index
    %get3A_12 = vector.load %arg3[%get3A_10, %get3A_11] : memref<1024x128xf32, #tpu.memory_space<vmem>>, vector<1024x128xf32>
    %mul3A = arith.constant 1.000000e-01 : f32
    %mul3A_13 = vector.broadcast %mul3A : f32 to vector<1024x128xf32>
    %mul3A_14 = arith.mulf %get3A_12, %mul3A_13 : vector<1024x128xf32>
    %add3A_15 = arith.addf %add3A_9, %mul3A_14 : vector<1024x128xf32>
    %iota3A = tpu.iota {dimensions = array<i32: 1>} : vector<1024x128xi32>
    %lt3A = arith.constant 8 : i32
    %lt3A_16 = vector.broadcast %lt3A : i32 to vector<1024x128xi32>
    %lt3A_17 = arith.cmpi slt, %iota3A, %lt3A_16 : vector<1024x128xi32>
    %jit3A = arith.constant -1.000000e+30 : f32
    %broadcast_in_dim3A = vector.broadcast %jit3A : f32 to vector<1024x128xf32>
    %select_n3A = arith.select %lt3A_17, %add3A_15, %broadcast_in_dim3A : vector<1024x128xi1>, vector<1024x128xf32>
    %reduce_max3A = arith.constant dense<0xFF800000> : vector<1024xf32>
    %reduce_max3A_18 = vector.multi_reduction <maximumf>, %select_n3A, %reduce_max3A [1] : vector<1024x128xf32> to vector<1024xf32>
    %broadcast_in_dim3A_19 = vector.shape_cast %reduce_max3A_18 : vector<1024xf32> to vector<1024x1xf32>
    %sub3A = vector.broadcast %broadcast_in_dim3A_19 : vector<1024x1xf32> to vector<1024x128xf32>
    %sub3A_20 = arith.subf %select_n3A, %sub3A : vector<1024x128xf32>
    %exp3A = math.exp %sub3A_20 : vector<1024x128xf32>
    %jit3A_21 = arith.constant 0.000000e+00 : f32
    %broadcast_in_dim3A_22 = vector.broadcast %jit3A_21 : f32 to vector<1024x128xf32>
    %select_n3A_23 = arith.select %lt3A_17, %exp3A, %broadcast_in_dim3A_22 : vector<1024x128xi1>, vector<1024x128xf32>
    %reduce_sum3A = arith.constant dense<0.000000e+00> : vector<1024xf32>
    %reduce_sum3A_24 = vector.multi_reduction <add>, %select_n3A_23, %reduce_sum3A [1] : vector<1024x128xf32> to vector<1024xf32>
    %broadcast_in_dim3A_25 = vector.shape_cast %reduce_sum3A_24 : vector<1024xf32> to vector<1024x1xf32>
    %div3A = vector.broadcast %broadcast_in_dim3A_25 : vector<1024x1xf32> to vector<1024x128xf32>
    %div3A_26 = arith.divf %select_n3A_23, %div3A : vector<1024x128xf32>
    %eq3A = arith.constant 0 : i32
    %eq3A_27 = arith.cmpi eq, %arg0, %eq3A : i32
    %convert_element_type3A = arith.extui %eq3A_27 : i1 to i32
    %cond3A = arith.constant 0 : i32
    %cond3A_28 = arith.cmpi ne, %convert_element_type3A, %cond3A : i32
    scf.if %cond3A_28 {
      %broadcast_in_dim3A_76 = arith.constant 0.000000e+00 : f32
      %broadcast_in_dim3A_77 = vector.broadcast %broadcast_in_dim3A_76 : f32 to vector<1x128xf32>
      %swap3A_78 = arith.constant 0 : index
      %swap3A_79 = arith.constant 0 : index
      %swap3A_80 = vector.load %arg8[%swap3A_78, %swap3A_79] : memref<1x128xf32, #tpu.memory_space<vmem>>, vector<1x128xf32>
      tpu.vector_store %arg8[%swap3A_78, %swap3A_79], %broadcast_in_dim3A_77 {strides = array<i32>} : memref<1x128xf32, #tpu.memory_space<vmem>>, vector<1x128xf32>,
    } else {
    }
    %get3A_29 = arith.constant 0 : index
    %get3A_30 = arith.constant 0 : index
    %get3A_31 = vector.load %arg8[%get3A_29, %get3A_30] : memref<1x128xf32, #tpu.memory_space<vmem>>, vector<1x128xf32>
    %reduce_sum3A_32 = arith.constant dense<0.000000e+00> : vector<128xf32>
    %reduce_sum3A_33 = vector.multi_reduction <add>, %div3A_26, %reduce_sum3A_32 [0] : vector<1024x128xf32> to vector<128xf32>
    %broadcast_in_dim3A_34 = vector.shape_cast %reduce_sum3A_33 : vector<128xf32> to vector<1x128xf32>
    %add3A_35 = arith.addf %get3A_31, %broadcast_in_dim3A_34 : vector<1x128xf32>
    %swap3A = arith.constant 0 : index
    %swap3A_36 = arith.constant 0 : index
    %swap3A_37 = vector.load %arg8[%swap3A, %swap3A_36] : memref<1x128xf32, #tpu.memory_space<vmem>>, vector<1x128xf32>
    tpu.vector_store %arg8[%swap3A, %swap3A_36], %add3A_35 {strides = array<i32>} : memref<1x128xf32, #tpu.memory_space<vmem>>, vector<1x128xf32>,
    %reduce_max3A_38 = arith.constant dense<0xFF800000> : vector<1024xf32>
    %reduce_max3A_39 = vector.multi_reduction <maximumf>, %div3A_26, %reduce_max3A_38 [1] : vector<1024x128xf32> to vector<1024xf32>
    %broadcast_in_dim3A_40 = vector.shape_cast %reduce_max3A_39 : vector<1024xf32> to vector<1024x1xf32>
    %eq3A_41 = vector.broadcast %broadcast_in_dim3A_40 : vector<1024x1xf32> to vector<1024x128xf32>
    %eq3A_42 = arith.cmpf oeq, %div3A_26, %eq3A_41 : vector<1024x128xf32>
    %jit3A_43 = arith.constant 999 : i32
    %broadcast_in_dim3A_44 = vector.broadcast %jit3A_43 : i32 to vector<1024x128xi32>
    %select_n3A_45 = arith.select %eq3A_42, %iota3A, %broadcast_in_dim3A_44 : vector<1024x128xi1>, vector<1024x128xi32>
    %reduce_min3A = arith.constant dense<2147483647> : vector<1024xi32>
    %reduce_min3A_46 = vector.multi_reduction <minsi>, %select_n3A_45, %reduce_min3A [1] : vector<1024x128xi32> to vector<1024xi32>
    %broadcast_in_dim3A_47 = vector.shape_cast %reduce_min3A_46 : vector<1024xi32> to vector<1024x1xi32>
    %eq3A_48 = vector.broadcast %broadcast_in_dim3A_47 : vector<1024x1xi32> to vector<1024x128xi32>
    %eq3A_49 = arith.cmpi eq, %iota3A, %eq3A_48 : vector<1024x128xi32>
    %jit3A_50 = arith.constant -1.000000e+00 : f32
    %broadcast_in_dim3A_51 = vector.broadcast %jit3A_50 : f32 to vector<1024x128xf32>
    %select_n3A_52 = arith.select %eq3A_49, %broadcast_in_dim3A_51, %div3A_26 : vector<1024x128xi1>, vector<1024x128xf32>
    %reduce_max3A_53 = arith.constant dense<0xFF800000> : vector<1024xf32>
    %reduce_max3A_54 = vector.multi_reduction <maximumf>, %select_n3A_52, %reduce_max3A_53 [1] : vector<1024x128xf32> to vector<1024xf32>
    %broadcast_in_dim3A_55 = vector.shape_cast %reduce_max3A_54 : vector<1024xf32> to vector<1024x1xf32>
    %eq3A_56 = vector.broadcast %broadcast_in_dim3A_55 : vector<1024x1xf32> to vector<1024x128xf32>
    %eq3A_57 = arith.cmpf oeq, %select_n3A_52, %eq3A_56 : vector<1024x128xf32>
    %jit3A_58 = arith.constant 999 : i32
    %broadcast_in_dim3A_59 = vector.broadcast %jit3A_58 : i32 to vector<1024x128xi32>
    %select_n3A_60 = arith.select %eq3A_57, %iota3A, %broadcast_in_dim3A_59 : vector<1024x128xi1>, vector<1024x128xi32>
    %reduce_min3A_61 = arith.constant dense<2147483647> : vector<1024xi32>
    %reduce_min3A_62 = vector.multi_reduction <minsi>, %select_n3A_60, %reduce_min3A_61 [1] : vector<1024x128xi32> to vector<1024xi32>
    %broadcast_in_dim3A_63 = vector.shape_cast %reduce_min3A_62 : vector<1024xi32> to vector<1024x1xi32>
    %concatenate3A = tpu.concatenate %broadcast_in_dim3A_40, %broadcast_in_dim3A_55 in 1 : vector<1024x1xf32>, vector<1024x1xf32> -> vector<1024x2xf32>
    %swap3A_64 = arith.constant 0 : index
    %swap3A_65 = arith.constant 0 : index
    %swap3A_66 = vector.load %arg5[%swap3A_64, %swap3A_65] : memref<1024x2xf32, #tpu.memory_space<vmem>>, vector<1024x2xf32>
    tpu.vector_store %arg5[%swap3A_64, %swap3A_65], %concatenate3A {strides = array<i32>} : memref<1024x2xf32, #tpu.memory_space<vmem>>, vector<1024x2xf32>,
    %concatenate3A_67 = tpu.concatenate %broadcast_in_dim3A_47, %broadcast_in_dim3A_63 in 1 : vector<1024x1xi32>, vector<1024x1xi32> -> vector<1024x2xi32>
    %swap3A_68 = arith.constant 0 : index
    %swap3A_69 = arith.constant 0 : index
    %swap3A_70 = vector.load %arg6[%swap3A_68, %swap3A_69] : memref<1024x2xi32, #tpu.memory_space<vmem>>, vector<1024x2xi32>
    tpu.vector_store %arg6[%swap3A_68, %swap3A_69], %concatenate3A_67 {strides = array<i32>} : memref<1024x2xi32, #tpu.memory_space<vmem>>, vector<1024x2xi32>,
    %eq3A_71 = arith.constant 7 : i32
    %eq3A_72 = arith.cmpi eq, %arg0, %eq3A_71 : i32
    %convert_element_type3A_73 = arith.extui %eq3A_72 : i1 to i32
    %cond3A_74 = arith.constant 0 : i32
    %cond3A_75 = arith.cmpi ne, %convert_element_type3A_73, %cond3A_74 : i32
    scf.if %cond3A_75 {
      %get3A_76 = arith.constant 0 : index
      %get3A_77 = arith.constant 0 : index
      %get3A_78 = vector.load %arg8[%get3A_76, %get3A_77] : memref<1x128xf32, #tpu.memory_space<vmem>>, vector<1x128xf32>
      %mul3A_79 = arith.constant 1.22070313E-4 : f32
      %mul3A_80 = vector.broadcast %mul3A_79 : f32 to vector<1x128xf32>
      %mul3A_81 = arith.mulf %get3A_78, %mul3A_80 : vector<1x128xf32>
      %iota3A_82 = tpu.iota {dimensions = array<i32: 1>} : vector<1x128xi32>
      %lt3A_83 = arith.constant 8 : i32
      %lt3A_84 = vector.broadcast %lt3A_83 : i32 to vector<1x128xi32>
      %lt3A_85 = arith.cmpi slt, %iota3A_82, %lt3A_84 : vector<1x128xi32>
      %sub3A_86 = arith.constant 1.250000e-01 : f32
      %sub3A_87 = vector.broadcast %sub3A_86 : f32 to vector<1x128xf32>
      %sub3A_88 = arith.subf %mul3A_81, %sub3A_87 : vector<1x128xf32>
      %jit3A_89 = arith.constant 0.000000e+00 : f32
      %broadcast_in_dim3A_90 = vector.broadcast %jit3A_89 : f32 to vector<1x128xf32>
      %select_n3A_91 = arith.select %lt3A_85, %sub3A_88, %broadcast_in_dim3A_90 : vector<1x128xi1>, vector<1x128xf32>
      %mul3A_92 = arith.mulf %select_n3A_91, %select_n3A_91 : vector<1x128xf32>
      %reduce_sum3A_93 = vector.shape_cast %mul3A_92 : vector<1x128xf32> to vector<1x1x128xf32>
      %reduce_sum3A_94 = arith.constant dense<0.000000e+00> : vector<1xf32>
      %reduce_sum3A_95 = vector.multi_reduction <add>, %reduce_sum3A_93, %reduce_sum3A_94 [1, 2] : vector<1x1x128xf32> to vector<1xf32>
      %reduce_sum3A_96 = vector.shape_cast %reduce_sum3A_95 : vector<1xf32> to vector<1x1x1xf32>
      %reduce_sum3A_97 = vector.extract %reduce_sum3A_96[0, 0, 0] : f32 from vector<1x1x1xf32>
      %reshape3A = vector.broadcast %reduce_sum3A_97 : f32 to vector<1x1xf32>
      %swap3A_98 = arith.constant 0 : index
      %swap3A_99 = arith.constant 0 : index
      %swap3A_100 = vector.load %arg7[%swap3A_98, %swap3A_99] : memref<1x1xf32, #tpu.memory_space<vmem>>, vector<1x1xf32>
      tpu.vector_store %arg7[%swap3A_98, %swap3A_99], %reshape3A {strides = array<i32>} : memref<1x1xf32, #tpu.memory_space<vmem>>, vector<1x1xf32>,
    } else {
    }
    return
  }
  func.func @transform_0(%arg0: i32) -> (i32, i32) {
    %c0_i32 = arith.constant 0 : i32
    %c0_i32_0 = arith.constant 0 : i32
    return %arg0, %c0_i32 : i32, i32
  }
  func.func @transform_1(%arg0: i32) -> (i32, i32) {
    %c0_i32 = arith.constant 0 : i32
    %c0_i32_0 = arith.constant 0 : i32
    %c0_i32_1 = arith.constant 0 : i32
    return %c0_i32, %c0_i32_0 : i32, i32
  }
  func.func @transform_2(%arg0: i32) -> (i32, i32) {
    %c0_i32 = arith.constant 0 : i32
    %c0_i32_0 = arith.constant 0 : i32
    return %arg0, %c0_i32 : i32, i32
  }
  func.func @transform_3(%arg0: i32) -> (i32, i32) {
    %c0_i32 = arith.constant 0 : i32
    %c0_i32_0 = arith.constant 0 : i32
    %c0_i32_1 = arith.constant 0 : i32
    return %c0_i32, %c0_i32_0 : i32, i32
  }
  func.func @transform_4(%arg0: i32) -> (i32, i32) {
    %c0_i32 = arith.constant 0 : i32
    %c0_i32_0 = arith.constant 0 : i32
    return %arg0, %c0_i32 : i32, i32
  }
  func.func @transform_5(%arg0: i32) -> (i32, i32) {
    %c0_i32 = arith.constant 0 : i32
    %c0_i32_0 = arith.constant 0 : i32
    return %arg0, %c0_i32 : i32, i32
  }
  func.func @transform_6(%arg0: i32) -> (i32, i32) {
    %c0_i32 = arith.constant 0 : i32
    %c0_i32_0 = arith.constant 0 : i32
    %c0_i32_1 = arith.constant 0 : i32
    return %c0_i32, %c0_i32_0 : i32, i32
  }
}

module attributes {stable_mosaic.version = 14 : i64} {
  func.func @_gmm_body(%arg0: i32, %arg1: memref<72xi32, #tpu.memory_space<smem>>, %arg2: memref<256x2048xf32, #tpu.memory_space<vmem>>, %arg3: memref<256x1xf32, #tpu.memory_space<vmem>>, %arg4: memref<1x2048x2048xbf16, #tpu.memory_space<vmem>>, %arg5: memref<1x1x2048xf32, #tpu.memory_space<vmem>>, %arg6: memref<256x2048xf32, #tpu.memory_space<vmem>>) attributes {dimension_semantics = [#tpu.dimension_semantics<arbitrary>], iteration_bounds = array<i64: 72>, scalar_prefetch = 1 : i64, scratch_operands = 0 : i64, tpu.core_type = #tpu.core_type<tc>, window_params = [{transform_indices = @transform_0, window_bounds = array<i64: 256, 2048>}, {transform_indices = @transform_1, window_bounds = array<i64: 256, 1>}, {transform_indices = @transform_2, window_bounds = array<i64: 1, 2048, 2048>}, {transform_indices = @transform_3, window_bounds = array<i64: 1, 1, 2048>}, {transform_indices = @transform_4, window_bounds = array<i64: 256, 2048>}]} {
    %get3A = arith.constant 0 : index
    %get3A_0 = arith.constant 0 : index
    %get3A_1 = vector.load %arg3[%get3A, %get3A_0] : memref<256x1xf32, #tpu.memory_space<vmem>>, vector<256x1xf32>
    %gt3A = arith.constant 0.000000e+00 : f32
    %gt3A_2 = vector.broadcast %gt3A : f32 to vector<256x1xf32>
    %gt3A_3 = arith.cmpf ogt, %get3A_1, %gt3A_2 : vector<256x1xf32>
    %get3A_4 = arith.constant 0 : index
    %get3A_5 = arith.constant 0 : index
    %get3A_6 = vector.load %arg2[%get3A_4, %get3A_5] : memref<256x2048xf32, #tpu.memory_space<vmem>>, vector<256x2048xf32>
    %mul3A = vector.broadcast %get3A_1 : vector<256x1xf32> to vector<256x2048xf32>
    %mul3A_7 = arith.mulf %get3A_6, %mul3A : vector<256x2048xf32>
    %jit3A = arith.constant 0.000000e+00 : f32
    %broadcast_in_dim3A = vector.shape_cast %gt3A_3 : vector<256x1xi1> to vector<256x1xi1>
    %broadcast_in_dim3A_8 = vector.broadcast %broadcast_in_dim3A : vector<256x1xi1> to vector<256x2048xi1>
    %broadcast_in_dim3A_9 = vector.broadcast %jit3A : f32 to vector<256x2048xf32>
    %select_n3A = arith.select %broadcast_in_dim3A_8, %mul3A_7, %broadcast_in_dim3A_9 : vector<256x2048xi1>, vector<256x2048xf32>
    %convert_element_type3A = arith.truncf %select_n3A : vector<256x2048xf32> to vector<256x2048xbf16>
    %get3A_10 = arith.constant 0 : index
    %get3A_11 = arith.constant 0 : index
    %get3A_12 = arith.constant 0 : index
    %get3A_13 = vector.load %arg4[%get3A_10, %get3A_11, %get3A_12] : memref<1x2048x2048xbf16, #tpu.memory_space<vmem>>, vector<1x2048x2048xbf16>
    %get3A_14 = vector.shape_cast %get3A_13 : vector<1x2048x2048xbf16> to vector<2048x2048xbf16>
    %dot_general3A = arith.constant dense<0.000000e+00> : vector<256x2048xf32>
    %dot_general3A_15 = tpu.matmul %convert_element_type3A, %get3A_14, %dot_general3A {dimension_numbers = #tpu.dot_dimension_numbers<[1], [0], [0], [1], [0, 0, 1, 1], [], []>, transpose_lhs_hint = false} : vector<256x2048xbf16>, vector<2048x2048xbf16>, vector<256x2048xf32> -> vector<256x2048xf32>
    %get3A_16 = arith.constant 0 : index
    %get3A_17 = arith.constant 0 : index
    %get3A_18 = vector.load %arg3[%get3A_16, %get3A_17] : memref<256x1xf32, #tpu.memory_space<vmem>>, vector<256x1xf32>
    %get3A_19 = arith.constant 0 : index
    %get3A_20 = arith.constant 0 : index
    %get3A_21 = arith.constant 0 : index
    %get3A_22 = vector.load %arg5[%get3A_19, %get3A_20, %get3A_21] : memref<1x1x2048xf32, #tpu.memory_space<vmem>>, vector<1x1x2048xf32>
    %get3A_23 = vector.shape_cast %get3A_22 : vector<1x1x2048xf32> to vector<1x2048xf32>
    %mul3A_24 = vector.broadcast %get3A_18 : vector<256x1xf32> to vector<256x2048xf32>
    %mul3A_25 = vector.broadcast %get3A_23 : vector<1x2048xf32> to vector<256x2048xf32>
    %mul3A_26 = arith.mulf %mul3A_24, %mul3A_25 : vector<256x2048xf32>
    %add3A = arith.addf %dot_general3A_15, %mul3A_26 : vector<256x2048xf32>
    %swap3A = arith.constant 0 : index
    %swap3A_27 = arith.constant 0 : index
    %swap3A_28 = vector.load %arg6[%swap3A, %swap3A_27] : memref<256x2048xf32, #tpu.memory_space<vmem>>, vector<256x2048xf32>
    tpu.vector_store %arg6[%swap3A, %swap3A_27], %add3A {strides = array<i32>} : memref<256x2048xf32, #tpu.memory_space<vmem>>, vector<256x2048xf32>,
    return
  }
  func.func @transform_0(%arg0: i32, %arg1: memref<72xi32, #tpu.memory_space<smem>>) -> (i32, i32) {
    %c0_i32 = arith.constant 0 : i32
    %c0_i32_0 = arith.constant 0 : i32
    return %arg0, %c0_i32 : i32, i32
  }
  func.func @transform_1(%arg0: i32, %arg1: memref<72xi32, #tpu.memory_space<smem>>) -> (i32, i32) {
    %c0_i32 = arith.constant 0 : i32
    %c0_i32_0 = arith.constant 0 : i32
    return %arg0, %c0_i32 : i32, i32
  }
  func.func @transform_2(%arg0: i32, %arg1: memref<72xi32, #tpu.memory_space<smem>>) -> (i32, i32, i32) {
    %get3A = arith.index_cast %arg0 : i32 to index
    %get3A_0 = memref.load %arg1[%get3A] : memref<72xi32, #tpu.memory_space<smem>>
    %c0_i32 = arith.constant 0 : i32
    %c0_i32_1 = arith.constant 0 : i32
    %c0_i32_2 = arith.constant 0 : i32
    return %get3A_0, %c0_i32, %c0_i32_1 : i32, i32, i32
  }
  func.func @transform_3(%arg0: i32, %arg1: memref<72xi32, #tpu.memory_space<smem>>) -> (i32, i32, i32) {
    %get3A = arith.index_cast %arg0 : i32 to index
    %get3A_0 = memref.load %arg1[%get3A] : memref<72xi32, #tpu.memory_space<smem>>
    %c0_i32 = arith.constant 0 : i32
    %c0_i32_1 = arith.constant 0 : i32
    %c0_i32_2 = arith.constant 0 : i32
    return %get3A_0, %c0_i32, %c0_i32_1 : i32, i32, i32
  }
  func.func @transform_4(%arg0: i32, %arg1: memref<72xi32, #tpu.memory_space<smem>>) -> (i32, i32) {
    %c0_i32 = arith.constant 0 : i32
    %c0_i32_0 = arith.constant 0 : i32
    return %arg0, %c0_i32 : i32, i32
  }
}

</mosaic_0001>

<sc_bundles>
// kernel: gather_offload_async_start
scs
__scs_entry_jumppad:
0x0: {  	(pc) =	sbr.rel $0x88, $3  }
0x1: {  	(tag) =	ssettag $0x0;
	lr =	simm.s32 $0x1  }
0x2: {  	[smem:$0x3F9B] =	sst lr;
	_ =	strace $0xD0000000  }
0x3: {  	_ = 	snop  }
0x4: {  	_ = 	snop  }
0x5: {  	_ = 	snop  }
0x6: {  	_ = 	snop  }
0x7: {  	_ = 	snop  }
__scs_overlays_trampoline_lowered:
0x8: {  	[smem:$0x3FAA] =	sst s0  }
0x9: {  	[smem:$0x3FAB] =	sst s1  }
0xa: {  	[smem:$0x3FAC] =	sst s2  }
0xb: {  	[smem:$0x3FAD] =	sst s3  }
0xc: {  	[smem:$0x3FAE] =	sst s4  }
0xd: {  	[smem:$0x3FAF] =	sst s5  }
0xe: {  	[smem:$0x3FB0] =	sst s6  }
0xf: {  	[smem:$0x3FB1] =	sst s7  }
0x10: {  	[smem:$0x3FB2] =	sst s8  }
0x11: {  	[smem:$0x3FB3] =	sst s9;
	s0 =	simm.s32 @!p0 $0x0  }
0x12: {  	s1 =	sld [smem:$0x3F99];
	s0 =	simm.s32 @p0 $0x1  }
0x13: {  	[smem:$0x3FB4] =	sst s0;
	s0 =	simm.s32 @!p1 $0x0  }
0x14: {  	s2 =	sld [smem:$0x3F98];
	s0 =	simm.s32 @p1 $0x1  }
0x15: {  	[smem:$0x3FB5] =	sst s0;
	s0 =	simm.s32 @!p2 $0x0  }
0x16: {  	s3 =	sld [smem:$0x3FDB];
	s0 =	simm.s32 @p2 $0x1  }
0x17: {  	s4 =	simm.s32 $0x1BF5;
	[smem:$0x3FB7] =	sst s0  }
0x18: {  	s0 =	sld [smem:$0x3F9A];
	_ =	swait.ge [sflag:s4], $0x0  }
0x19: {  	s7 =	sld [smem:$0x3F9B]  }
0x1a: {  	s8 =	sadd.s32 $0xFFFFE003, lr  }
0x1b: {  	s9 =	sadd.s32 $0xFFFFFEF7, lr;
	s5 =	simm.s32 $0xFFFFFFFF;
	p2 =	slt.u32 s8, $0xFFFFF086  }
0x1c: {  	p1 =	slt.u32 s9, $0xF7A;
	s5 =	simm.s32 @!p2 $0x0  }
0x1d: {  	s5 =	simm.s32 @p1 $0x1;
	p0 =	seq.s32 s7, s2  }
0x1e: {  	s7 =	smul.u32 @!p0 $0xF7A, s2;
	p2 =	seq.s32 @!p0 s5, $0x0  }
0x1f: {  	s9 =	smul.u32 $0xF7A, s1;
	s8 =	simm.s32 @!p0 $0x1BF5;
	p2 =	por !p2, p0  }
0x20: {  	[sflag:s8] =	ssyncset.s32 @!p0 $0xFFFFF086;
	s6 =	sadd.s32 @!p0 s3, s7;
	s7 =	simm.s32 @!p0 $0x108  }
0x21: {  	s3 =	sadd.s32 s3, s9;
	s6 =	sadd.s32 @!p0 $0x88, s6;
	s7 =	simm.s32 @p2 $0x1082  }
0x22: {  	[simem:s7], [sflag:s8] =	dma.local @!p0 [hbm:s6], $0xF7A  }
0x23: {  	s9 =	sor.u32 $0xD0000000, s2;
	s6 =	simm.s32 $0x108;
	_ =	swait.ge @!p0 [sflag:s8], $0x0  }
0x24: {  	s3 =	sadd.s32 $0x88, s3;
	s6 =	simm.s32 @!p1 $0x1082;
	[sflag:s4] =	ssyncset.s32 $0xFFFFF086  }
0x25: {  	[simem:s6], [sflag:s4] =	dma.local [hbm:s3], $0xF7A  }
0x26: {  	[smem:$0x3F9B] =	sst s1;
	(tag) =	ssettag s2;
	_ =	strace s9  }
0x27: {  	s1 =	sld [smem:$0x3FAB]  }
0x28: {  	s2 =	sld [smem:$0x3FAC]  }
0x29: {  	s4 =	sld [smem:$0x3FAE]  }
0x2a: {  	p0 =	seq.s32 s5, $0x0;
	s5 =	sld [smem:$0x3FAF]  }
0x2b: {  	s6 =	sld [smem:$0x3FB0]  }
0x2c: {  	s7 =	sld [smem:$0x3FB1]  }
0x2d: {  	s3 =	simm.s32 $0x108;
	s8 =	sld [smem:$0x3FB2]  }
0x2e: {  	s3 =	simm.s32 @!p0 $0x1082;
	s9 =	sld [smem:$0x3FB3]  }
0x2f: {  	lr =	sadd.s32 s0, s3;
	s0 =	sld [smem:$0x3FAA]  }
0x30: {  	s3 =	sld [smem:$0x3FAD]  }
0x31: {  	[smem:$0x3FB6] =	sst s10  }
0x32: {  	s10 =	sld [smem:$0x3FB4];
	_ =	sdelay $0x3  }
0x33: {  	p0 =	seq.s32 s10, $0x1;
	s10 =	sld [smem:$0x3FB6];
	_ =	sdelay $0x3  }
0x34: {  	[smem:$0x3FB6] =	sst s10  }
0x35: {  	s10 =	sld [smem:$0x3FB5];
	_ =	sdelay $0x3  }
0x36: {  	p1 =	seq.s32 s10, $0x1;
	s10 =	sld [smem:$0x3FB6];
	_ =	sdelay $0x3  }
0x37: {  	[smem:$0x3FB6] =	sst s10  }
0x38: {  	s10 =	sld [smem:$0x3FB7]  }
0x39: {  	_ = 	snop;
	(pc) =	sbr.ind lr, $3  }
0x3a: {  	_ = 	snop  }
0x3b: {  	_ = 	snop  }
0x3c: {  	p2 =	seq.s32 s10, $0x1;
	s10 =	sld [smem:$0x3FB6]  }
0x3d: {  	_ =	shalt  }
0x3e: {  	_ =	shalt  }
0x3f: {  	_ =	shalt  }
0x40: {  	_ =	shalt  }
0x41: {  	_ =	shalt  }
0x42: {  	_ =	shalt  }
0x43: {  	_ =	shalt  }
0x44: {  	_ =	shalt  }
0x45: {  	_ =	shalt  }
0x46: {  	_ =	shalt  }
0x47: {  	_ =	shalt  }
0x48: {  	_ =	shalt  }
0x49: {  	_ =	shalt  }
0x4a: {  	_ =	shalt  }
0x4b: {  	_ =	shalt  }
0x4c: {  	_ =	shalt  }
0x4d: {  	_ =	shalt  }
0x4e: {  	_ =	shalt  }
0x4f: {  	_ =	shalt  }
0x50: {  	_ =	shalt  }
0x51: {  	_ =	shalt  }
0x52: {  	_ =	shalt  }
0x53: {  	_ =	shalt  }
0x54: {  	_ =	shalt  }
0x55: {  	_ =	shalt  }
0x56: {  	_ =	shalt  }
0x57: {  	_ =	shalt  }
0x58: {  	_ =	shalt  }
0x59: {  	_ =	shalt  }
0x5a: {  	_ =	shalt  }
0x5b: {  	_ =	shalt  }
0x5c: {  	_ =	shalt  }
0x5d: {  	_ =	shalt  }
0x5e: {  	_ =	shalt  }
0x5f: {  	_ =	shalt  }
0x60: {  	_ =	shalt  }
0x61: {  	_ =	shalt  }
0x62: {  	_ =	shalt  }
0x63: {  	_ =	shalt  }
0x64: {  	_ =	shalt  }
0x65: {  	_ =	shalt  }
0x66: {  	_ =	shalt  }
0x67: {  	_ =	shalt  }
0x68: {  	_ =	shalt  }
0x69: {  	_ =	shalt  }
0x6a: {  	_ =	shalt  }
0x6b: {  	_ =	shalt  }
0x6c: {  	_ =	shalt  }
0x6d: {  	_ =	shalt  }
0x6e: {  	_ =	shalt  }
0x6f: {  	_ =	shalt  }
0x70: {  	_ =	shalt  }
0x71: {  	_ =	shalt  }
0x72: {  	_ =	shalt  }
0x73: {  	_ =	shalt  }
0x74: {  	_ =	shalt  }
0x75: {  	_ =	shalt  }
0x76: {  	_ =	shalt  }
0x77: {  	_ =	shalt  }
0x78: {  	_ =	shalt  }
0x79: {  	_ =	shalt  }
0x7a: {  	_ =	shalt  }
0x7b: {  	_ =	shalt  }
0x7c: {  	_ =	shalt  }
0x7d: {  	_ =	shalt  }
0x7e: {  	_ =	shalt  }
0x7f: {  	_ =	shalt  }
0x80: {  	_ =	shalt  }
0x81: {  	_ =	shalt  }
0x82: {  	_ =	shalt  }
0x83: {  	_ =	shalt  }
0x84: {  	_ =	shalt  }
0x85: {  	_ =	shalt  }
0x86: {  	_ =	shalt  }
0x87: {  	_ =	shalt  }
.Lfunc_end0:
.L_simem_size_0:
called_computation.1_lowered:
.L_overlay_start_0:
0x88: {  	s2 =	sld [smem:$0x3FD9]  }
0x89: {  	s3 =	sld [smem:$0x3FFE];
	_ =	sdelay $0x1  }
0x8a: {  	s1 =	srdreg.scid  }
0x8b: {  	s0 =	sand.u32 $0x1, s1  }
0x8c: {  	s16 =	sshll.u32 s0, $0xA;
	s2 =	sadd.s32 s3, s2  }
0x8d: {  	s2 =	sadd.s32 s2, s16  }
0x8e: {  	[smem:$0x3FC2] =	sst s2  }
0x8f: {  	_ = 	snop  }
0x90: {  	(tm) =	ssettm $0x1  }
0x91: {  	s17 =	sld [smem:$0x3FFB];
	_ =	sdelay $0x3  }
0x92: {  	_ =	strace s17  }
0x93: {  	s2 =	sld [smem:$0x3FFC];
	_ =	sdelay $0x3  }
0x94: {  	_ =	strace s2  }
0x95: {  	s2 =	sld [smem:$0x3FFD];
	_ =	sdelay $0x3  }
0x96: {  	_ =	strace s2  }
0x97: {  	_ =	strace $0x8FFFFFFF  }
0x98: {  	s18 =	sld [smem:$0x3FDB];
	_ =	sdelay $0x1  }
0x99: {  	s19 =	simm.s32 $_scs_section_size  }
0x9a: {  	s4 =	simm.s32 $_size__tile_overlayer_lowered;
	s5 =	simm.s32 $_tile_overlayer_lowered  }
0x9b: {  	s22 =	simm.s32 $0x1BFF;
	s21 =	sshll.u32 s5, $0x1;
	s2 =	sadd.s32 s19, s18  }
0x9c: {  	s6 =	simm.s32 $0x0;
	s20 =	sshll.u32 s4, $0x1;
	s4 =	sadd.s32 s21, s2  }
0x9d: {  	[timem:s6], [sflag:s22] =	dma.local [hbm:s4], s20  }
0x9e: {  	_ =	swait.ge [sflag:s22], s20  }
0x9f: {  	s3 =	ssub.s32 $0x0, s20;
	[sflag:s22] =	ssyncset.done $0x0  }
0xa0: {  	[sflag:s22] =	ssyncadd.s32 s3;
	_ =	sdelay $0x1  }
0xa1: {  	s23 =	simm.s32 $0x1B8B  }
0xa2: {  	_ =	swait.ge [sflag:s23], $0x1  }
0xa3: {  	[sflag:s23] =	ssyncset.done $0x0  }
0xa4: {  	s25 =	simm.s32 $0x1B8E;
	s24 =	sld [smem:$0x3FFE];
	[sflag:s23] =	ssyncadd.s32 $0xFFFFFFFF  }
0xa5: {  	s26 =	simm.s32 $execute0_lowered;
	[smem:$0x3FD2] =	sst s25  }
0xa6: {  	s4 =	sshll.u32 s26, $0x1;
	_ =	strace $0x80000046;
	[dreg:$0x1] =	wrdreg $0xFFFFFFFF  }
0xa7: {  	s28 =	simm.s32 $_size_execute0_lowered;
	s2 =	sadd.s32 s2, s4;
	[dreg:$0x0] =	wrdreg $0x0  }
0xa8: {  	s4 =	sshll.u32 s28, $0x1;
	[dreg:$0x2] =	wrdreg s2  }
0xa9: {  	[dreg:$0x3] =	wrdreg s4  }
0xaa: {  	[dreg:$0x4] =	wrdreg $0xC0  }
0xab: {  	_ =	task [dreg:s6], $0x5FFFF  }
0xac: {  	[dreg:$0x1] =	wrdreg $0xFFFFFFFF  }
0xad: {  	[dreg:$0x0] =	wrdreg $0x60  }
0xae: {  	[dreg:$0x2] =	wrdreg s24  }
0xaf: {  	[dreg:$0x3] =	wrdreg $0xA  }
0xb0: {  	_ =	task.clear_ibuf [dreg:s6], $0x4FFFF;
	_ =	strace $0x90000046  }
0xb1: {  	s29 =	simm.s32 $0xA;
	_ =	strace $0x80000048  }
0xb2: {  	_ =	swait.ge [sflag:s29], $0x1  }
0xb3: {  	[sflag:s29] =	ssyncadd.s32 $0xFFFFFFFF  }
0xb4: {  	_ =	strace $0x90000048  }
0xb5: {  	_ =	sfence  }
0xb6: {  	s30 =	sld [smem:$0x0];
	_ =	sdelay $0x2  }
0xb7: {  	s31 =	sshll.u32 s1, $0xD;
	s1 =	sshrl.u32 s1, $0x2  }
0xb8: {  	s3 =	sand.u32 $0x4000, s31;
	s1 =	sadd.s32 s1, s30  }
0xb9: {  	s0 =	sor.u32 s3, s0;
	s1 =	sshll.u32 s1, $0x11  }
0xba: {  	s0 =	sor.u32 s1, s0  }
0xbb: {  	s0 =	sadd.s32 $0x8F2B, s0  }
0xbc: {  	[sflag:s0] =	ssyncadd.remote.s32 $0x1  }
0xbd: {  	_ =	sfence.sel $0xFFFF  }
0xbe: {  	[dreg:$0x0] =	wrdreg $0xFFFFFFFF;
	(pc) =	sbr.abs _section_cstart, $3  }
0xbf: {  	[dreg:$0x1] =	wrdreg $0xFFFFFFFF  }
0xc0: {  	_ =	task.clear_ibuf [dreg:s6], $0x2FFFF;
	_ =	strace $0x9FFFFFFF  }
0xc1: {  	(tm) =	ssettm $0x7FFFFFFF  }
tec
execute0_lowered:
.L_overlay_start_1:
0x0: {  	(tag) =	ssettag $0x1  }
0x1: {  	s0 =	srdreg.scid;
	s5 =	rddreg [dreg:$0x0]  }
0x2: {  	s1 =	stileid.u32;
	s6 =	simm.s32 $0x1;
	s9 =	simm.s32 $0x1  }
0x3: {  	s10 =	simm.s32 $0x3;
	s13 =	simm.s32 $0x0;
	s2 =	sshll.u32 s0, $0x8  }
0x4: {  	s12 =	simm.s32 $0x0;
	s3 =	sshll.u32 s1, $0x9;
	s2 =	sand.u32 $0x100, s2  }
0x5: {  	s0 =	rddreg [dreg:$0x1];
	_ =	strace $0x80000047;
	s2 =	sor.u32 s3, s2  }
0x6: {  	s4 =	sadd.s32 $0x81000, s5;
	[sflag:s6] =	ssyncpa.u1 $0x0;
	s8 =	ssub.s32 $0x4000, s2  }
.Ltmp0:
0x7: {  	s3 =	sadd.s32 $0x41000, s5;
	s7 =	sand.u32 $0x1F00, s8;
	(pc) =	sbr.rel .LBB2_1-.Ltmp0, $4  }
0x8: {  	s5 =	sadd.s32 $0x81800, s5;
	s11 =	smov.u32 s2;
	p0 =	sne.s32 s7, $0x0  }
0x9: {  	s8 =	sshrl.u32 s8, $0xD;
	s7 =	simm.s32 $0x2;
	s9 =	simm.s32 @!p0 $0x0  }
0xa: {  	[sflag:s7] =	ssyncpa.u1 $0x0;
	p0 =	por $0x0, $0x0;
	s8 =	sadd.s32 s9, s8  }
0xb: {  	vm0 =	vmmov $0xffff;
	[sflag:s10] =	ssyncpa.u1 $0x0;
	s10 =	simm.s32 $0x0;
	s9 =	sadd.s32 $0x1, s8  }
.LBB2_4:
0xc: {  	v5 =	vshrl.u32 v1, $0xE;
	v6 =	vshll.u32 v1, $0x7  }
0xd: {  	vm1 =	veq.s32 v1, $0x80000000;
	v58 =	vand.u32 $0x7, v5;
	v59 =	vand.u32 $0x1FFF80, v6  }
0xe: {  	v1 =	vsel vm1, $0xFFFFFFFF, v58;
	v5 =	vsel vm1, $0xFFFFFF80, v59  }
0xf: {  	v3 =	vor.u32 v4, v3;
	v60 =	vand.u32 $0xFFFFFC00, v5;
	v61 =	vand.u32 $0xFFFFFC00, v1  }
0x10: {  	v2 =	vor.u32 v2, v3;
	v63 =	vand.u32 $0x380, v5;
	v62 =	vadd.s32 v61, v60  }
0x11: {  	v1 =	vand.u32 $0x7F, v1;
	v3 =	vor.u32 v63, v62  }
0x12: {  	v1 =	vor.u32 v1, v3  }
0x13: {  	[tilespmem:s15], [sflag:$0x1] =	stream.indirect_vreg.gather [hbm4b:s3+s10], $0x1, v0, vm0, $0x4038;
	[tilespmem:$0x400] =	vst v63  }
0x14: {  	(ifvalue) =	ssetifvalue $0x7FFFFFFF  }
0x15: {  	[tilespmem:s16], [sflag:$0x1] =	stream.indirect_vreg.gather [hbm4b:s3+s10], $0x1, v2, vm0, $0x4038;
	[tilespmem:$0x400] =	vst v63  }
0x16: {  	s29 =	sadd.s32 $0x10, s16;
	(ifvalue) =	ssetifvalue $0x7FFFFFFF  }
0x17: {  	[tilespmem:s29], [sflag:$0x1] =	stream.indirect_vreg.gather [hbm4b:s3+s10], $0x1, v1, vm0, $0x4038;
	[tilespmem:$0x400] =	vst v63  }
0x18: {  	_ =	swait.ge [sflag:s6], $0x100  }
0x19: {  	s30 =	sshrl.u32 s13, $0x3;
	[sflag:s6] =	ssyncset.done $0x0  }
0x1a: {  	s31 =	sand.u32 $0x7, s13;
	s15 =	sadd.s32 s5, s30;
	[sflag:s6] =	ssyncadd.s32 $0xFFFFFF00  }
0x1b: {  	[hbm4b:s15+s31] =	stream.linear.scatter [tilespmem:s14], [sflag:$0x3], $0x100, $0x38;
	[tilespmem:$0x400] =	vst v63  }
.LBB2_5:
0x1c: {  	s15 =	sadd.s32 $0x2000, s11  }
0x1d: {  	p2 =	sgt.s32 s15, $0x3FFF  }
0x1e: {  	s15 =	smov.u32 @p2 s2;
	p2 =	sne.s32 s12, s9  }
.Ltmp1:
0x1f: {  	p1 =	slt.u32 s12, $0x2;
	(pc) =	sbr.rel @!p2 .LBB2_6-.Ltmp1, $4  }
0x20: {  	s14 =	simm.s32 @!p1 $0x3  }
0x21: {  	s16 =	sadd.s32 $0x1, s12;
	_ =	swait.ge @!p1 [sflag:s14], $0x100  }
0x22: {  	s13 =	smov.u32 s11;
	p0 =	por !p0, !p0;
	[sflag:s14] =	ssyncset.done @!p1 $0x0  }
0x23: {  	s12 =	smov.u32 s16;
	s11 =	smov.u32 s15;
	[sflag:s14] =	ssyncadd.s32 @!p1 $0xFFFFFF00  }
.LBB2_1:
0x24: {  	p1 =	sge.u32 s12, s8  }
0x25: {  	s14 =	sxor.u32 @!p1 $0xFFFFFFFF, s12  }
0x26: {  	s31 =	sadd.s32 $0xFFFFFFFF, s12;
	s15 =	sshrl.u32 @!p1 s11, $0x3;
	s14 =	sshll.u32 @!p1 s14, $0x8  }
0x27: {  	s16 =	sand.u32 @!p1 $0x7, s11;
	s15 =	sadd.s32 @!p1 s4, s15;
	s14 =	sand.u32 @!p1 $0x100, s14  }
0x28: {  	[tilespmem:s14], [sflag:$0x2] =	stream.linear.gather @!p1 [hbm4b:s15+s16], $0x100, $0x38;
	[tilespmem:$0x400] =	vst v63  }
0x29: {  	p1 =	sge.u32 s31, s8  }
.Ltmp2:
0x2a: {  	_ = 	snop;
	(pc) =	sbr.rel @p1 .LBB2_5-.Ltmp2, $1  }
0x2b: {  	_ =	sdelay $0x3  }
0x2c: {  	s14 =	simm.s32 $0x1  }
0x2d: {  	_ =	swait.ge [sflag:s7], $0x100;
	s14 =	simm.s32 @!p0 $0x0  }
0x2e: {  	[sflag:s7] =	ssyncset.done $0x0;
	s14 =	sshll.u32 s14, $0x8  }
0x2f: {  	[sflag:s7] =	ssyncadd.s32 $0xFFFFFF00;
	(ifvalue) =	ssetifvalue $0x7FFFFFFF;
	v0 =	vld.msk [tilespmem:s14+$0x0 ss:$0x1], $0xffff;
	_ =	sdelay $0x4  }
0x30: {  	s15 =	sadd.s32 $0x10, s14;
	v2 =	vshrl.u32 v0, $0xE;
	v3 =	vshll.u32 v0, $0x7  }
0x31: {  	v1 =	vld.msk [tilespmem:s15+$0x0 ss:$0x1], $0xffff;
	vm1 =	veq.s32 v0, $0x80000000;
	v0 =	vand.u32 $0x7, v2;
	v2 =	vand.u32 $0x1FFF80, v3  }
0x32: {  	v0 =	vsel vm1, $0xFFFFFFFF, v0;
	v2 =	vsel vm1, $0xFFFFFF80, v2  }
0x33: {  	v3 =	vand.u32 $0xFFFFFC00, v2;
	v4 =	vand.u32 $0xFFFFFC00, v0  }
0x34: {  	v2 =	vand.u32 $0x380, v2;
	v3 =	vadd.s32 v4, v3  }
0x35: {  	v0 =	vand.u32 $0x7F, v0;
	v2 =	vor.u32 v2, v3  }
0x36: {  	v5 =	vshll.u32 v1, $0x7;
	v4 =	vshrl.u32 v1, $0xE;
	v0 =	vor.u32 v0, v2  }
0x37: {  	s16 =	sshll.u32 s12, $0x8;
	vm1 =	veq.s32 v1, $0x80000000;
	v1 =	vand.u32 $0x7, v4;
	v4 =	vand.u32 $0x1FFF80, v5  }
0x38: {  	s16 =	sand.u32 $0x100, s16;
	s18 =	sadd.s32 $0x10, s15;
	v3 =	vsel vm1, $0xFFFFFFFF, v1;
	v4 =	vsel vm1, $0xFFFFFF80, v4  }
0x39: {  	s17 =	simm.s32 $0x20;
	s15 =	sor.u32 $0x200, s14;
	s14 =	sor.u32 $0x200, s16;
	v1 =	vld.msk [tilespmem:s18+$0x0 ss:$0x1], $0xffff;
	v5 =	vand.u32 $0xFFFFFC00, v4;
	v6 =	vand.u32 $0xFFFFFC00, v3  }
0x3a: {  	s16 =	sadd.s32 $0x10, s15;
	s18 =	sadd.s32 $0x10, s18;
	(ifvalue) =	ssetifvalue $0x7FFFFFFF;
	v2 =	vand.u32 $0x7F, v3;
	v4 =	vand.u32 $0x380, v4;
	v3 =	vadd.s32 v6, v5  }
.LBB2_3:
0x3b: {  	[tilespmem:s15], [sflag:$0x1] =	stream.indirect_vreg.gather [hbm4b:s3+s10], $0x1, v0, vm0, $0x4038;
	[tilespmem:$0x400] =	vst v63  }
0x3c: {  	s17 =	sadd.s32 $0x10, s17  }
0x3d: {  	v3 =	vor.u32 v4, v3;
	p1 =	slt.u32 s17, $0xF0  }
.Ltmp3:
0x3e: {  	v4 =	vshrl.u32 v1, $0xE;
	v5 =	vshll.u32 v1, $0x7;
	s15 =	smov.u32 s16;
	v0 =	vor.u32 v2, v3;
	v2 =	vmovc v1;
	v1 =	vld.msk [tilespmem:s18+$0x0 ss:$0x1], $0xffff;
	(pc) =	sbr.rel @p1 .LBB2_3-.Ltmp3, $4  }
0x3f: {  	v3 =	vand.u32 $0x1FFF80, v5;
	vm1 =	veq.s32 v2, $0x80000000;
	v2 =	vand.u32 $0x7, v4  }
0x40: {  	v4 =	vsel vm1, $0xFFFFFFFF, v2;
	v5 =	vsel vm1, $0xFFFFFF80, v3  }
0x41: {  	v2 =	vand.u32 $0x7F, v4;
	v3 =	vand.u32 $0xFFFFFC00, v5;
	v4 =	vand.u32 $0xFFFFFC00, v4  }
0x42: {  	s16 =	sadd.s32 $0x10, s16;
	s18 =	sadd.s32 $0x10, s18;
	v3 =	vadd.s32 v4, v3;
	v4 =	vand.u32 $0x380, v5;
	(ifvalue) =	ssetifvalue $0x7FFFFFFF  }
.Ltmp4:
0x43: {  	_ = 	snop;
	(pc) =	sbr.rel .LBB2_4-.Ltmp4, $1  }
0x44: {  	_ =	sdelay $0x3  }
.LBB2_6:
0x45: {  	_ =	sfence.sel $0x180000  }
0x46: {  	s2 =	simm.s32 $0x2;
	[bflag:$0x0] =	sbarrier.arrive $0xFFFF  }
0x47: {  	s30 =	simm.s32 $0x3;
	[sflag:s2] =	ssyncpa.u1 $0x1  }
0x48: {  	s31 =	simm.s32 $0x1;
	[sflag:s30] =	ssyncpa.u1 $0x1  }
0x49: {  	[sflag:s31] =	ssyncpa.u1 $0x1  }
0x4a: {  	p0 =	sne.s32 s1, $0x0;
	_ =	strace $0x90000047  }
0x4b: {  	s0 =	sadd.s32 @!p0 $0x100000, s0;
	[bflag:$0x2] =	sbarrier.arrive $0xFFFF  }
0x4c: {  	[sflag:s0] =	ssyncadd.tile.s32 @!p0 $0x1;
	_ =	shalt  }
.Lfunc_end2:
_tile_overlayer_lowered:
.L_overlay_start_2:
0x4d: {  	(tag) =	ssettag $0x2  }
0x4e: {  	s0 =	rddreg [dreg:$0x0];
	s2 =	stileid.u32  }
0x4f: {  	s1 =	rddreg [dreg:$0x1];
	p0 =	sne.s32 s2, $0x0  }
0x50: {  	s3 =	rddreg [dreg:$0x2];
	[bflag:$0x3] =	sbarrier.arrive $0xFFFF;
	s2 =	simm.s32 @!p0 $0x1C01  }
0x51: {  	[timem:s3], [sflag:s2] =	dma.local @!p0 [hbm:s0], s1  }
0x52: {  	s0 =	simm.s32 @!p0 $0x1  }
0x53: {  	_ =	swait.ge @!p0 [sflag:s0], s1  }
0x54: {  	s1 =	ssub.s32 @!p0 $0x0, s1;
	[sflag:s0] =	ssyncset.done @!p0 $0x0  }
0x55: {  	[sflag:s0] =	ssyncadd.s32 @!p0 s1  }
0x56: {  	[bflag:$0x3] =	sbarrier.arrive $0xFFFF  }
0x57: {  	_ =	shalt  }

// kernel: kernel.6.cloned.1.call-start
scs
__scs_entry_jumppad:
0x0: {  	(pc) =	sbr.rel $0x88, $3  }
0x1: {  	(tag) =	ssettag $0x0;
	lr =	simm.s32 $0x1  }
0x2: {  	[smem:$0x3F9B] =	sst lr;
	_ =	strace $0xD0000000  }
0x3: {  	_ = 	snop  }
0x4: {  	_ = 	snop  }
0x5: {  	_ = 	snop  }
0x6: {  	_ = 	snop  }
0x7: {  	_ = 	snop  }
__scs_overlays_trampoline_lowered:
0x8: {  	[smem:$0x3FAA] =	sst s0  }
0x9: {  	[smem:$0x3FAB] =	sst s1  }
0xa: {  	[smem:$0x3FAC] =	sst s2  }
0xb: {  	[smem:$0x3FAD] =	sst s3  }
0xc: {  	[smem:$0x3FAE] =	sst s4  }
0xd: {  	[smem:$0x3FAF] =	sst s5  }
0xe: {  	[smem:$0x3FB0] =	sst s6  }
0xf: {  	[smem:$0x3FB1] =	sst s7  }
0x10: {  	[smem:$0x3FB2] =	sst s8  }
0x11: {  	[smem:$0x3FB3] =	sst s9;
	s0 =	simm.s32 @!p0 $0x0  }
0x12: {  	s1 =	sld [smem:$0x3F99];
	s0 =	simm.s32 @p0 $0x1  }
0x13: {  	[smem:$0x3FB4] =	sst s0;
	s0 =	simm.s32 @!p1 $0x0  }
0x14: {  	s2 =	sld [smem:$0x3F98];
	s0 =	simm.s32 @p1 $0x1  }
0x15: {  	[smem:$0x3FB5] =	sst s0;
	s0 =	simm.s32 @!p2 $0x0  }
0x16: {  	s3 =	sld [smem:$0x3FDB];
	s0 =	simm.s32 @p2 $0x1  }
0x17: {  	s4 =	simm.s32 $0x1BF5;
	[smem:$0x3FB7] =	sst s0  }
0x18: {  	s0 =	sld [smem:$0x3F9A];
	_ =	swait.ge [sflag:s4], $0x0  }
0x19: {  	s7 =	sld [smem:$0x3F9B]  }
0x1a: {  	s8 =	sadd.s32 $0xFFFFE003, lr  }
0x1b: {  	s9 =	sadd.s32 $0xFFFFFEF7, lr;
	s5 =	simm.s32 $0xFFFFFFFF;
	p2 =	slt.u32 s8, $0xFFFFF086  }
0x1c: {  	p1 =	slt.u32 s9, $0xF7A;
	s5 =	simm.s32 @!p2 $0x0  }
0x1d: {  	s5 =	simm.s32 @p1 $0x1;
	p0 =	seq.s32 s7, s2  }
0x1e: {  	s7 =	smul.u32 @!p0 $0xF7A, s2;
	p2 =	seq.s32 @!p0 s5, $0x0  }
0x1f: {  	s9 =	smul.u32 $0xF7A, s1;
	s8 =	simm.s32 @!p0 $0x1BF5;
	p2 =	por !p2, p0  }
0x20: {  	[sflag:s8] =	ssyncset.s32 @!p0 $0xFFFFF086;
	s6 =	sadd.s32 @!p0 s3, s7;
	s7 =	simm.s32 @!p0 $0x108  }
0x21: {  	s3 =	sadd.s32 s3, s9;
	s6 =	sadd.s32 @!p0 $0x88, s6;
	s7 =	simm.s32 @p2 $0x1082  }
0x22: {  	[simem:s7], [sflag:s8] =	dma.local @!p0 [hbm:s6], $0xF7A  }
0x23: {  	s9 =	sor.u32 $0xD0000000, s2;
	s6 =	simm.s32 $0x108;
	_ =	swait.ge @!p0 [sflag:s8], $0x0  }
0x24: {  	s3 =	sadd.s32 $0x88, s3;
	s6 =	simm.s32 @!p1 $0x1082;
	[sflag:s4] =	ssyncset.s32 $0xFFFFF086  }
0x25: {  	[simem:s6], [sflag:s4] =	dma.local [hbm:s3], $0xF7A  }
0x26: {  	[smem:$0x3F9B] =	sst s1;
	(tag) =	ssettag s2;
	_ =	strace s9  }
0x27: {  	s1 =	sld [smem:$0x3FAB]  }
0x28: {  	s2 =	sld [smem:$0x3FAC]  }
0x29: {  	s4 =	sld [smem:$0x3FAE]  }
0x2a: {  	p0 =	seq.s32 s5, $0x0;
	s5 =	sld [smem:$0x3FAF]  }
0x2b: {  	s6 =	sld [smem:$0x3FB0]  }
0x2c: {  	s7 =	sld [smem:$0x3FB1]  }
0x2d: {  	s3 =	simm.s32 $0x108;
	s8 =	sld [smem:$0x3FB2]  }
0x2e: {  	s3 =	simm.s32 @!p0 $0x1082;
	s9 =	sld [smem:$0x3FB3]  }
0x2f: {  	lr =	sadd.s32 s0, s3;
	s0 =	sld [smem:$0x3FAA]  }
0x30: {  	s3 =	sld [smem:$0x3FAD]  }
0x31: {  	[smem:$0x3FB6] =	sst s10  }
0x32: {  	s10 =	sld [smem:$0x3FB4];
	_ =	sdelay $0x3  }
0x33: {  	p0 =	seq.s32 s10, $0x1;
	s10 =	sld [smem:$0x3FB6];
	_ =	sdelay $0x3  }
0x34: {  	[smem:$0x3FB6] =	sst s10  }
0x35: {  	s10 =	sld [smem:$0x3FB5];
	_ =	sdelay $0x3  }
0x36: {  	p1 =	seq.s32 s10, $0x1;
	s10 =	sld [smem:$0x3FB6];
	_ =	sdelay $0x3  }
0x37: {  	[smem:$0x3FB6] =	sst s10  }
0x38: {  	s10 =	sld [smem:$0x3FB7]  }
0x39: {  	_ = 	snop;
	(pc) =	sbr.ind lr, $3  }
0x3a: {  	_ = 	snop  }
0x3b: {  	_ = 	snop  }
0x3c: {  	p2 =	seq.s32 s10, $0x1;
	s10 =	sld [smem:$0x3FB6]  }
0x3d: {  	_ =	shalt  }
0x3e: {  	_ =	shalt  }
0x3f: {  	_ =	shalt  }
0x40: {  	_ =	shalt  }
0x41: {  	_ =	shalt  }
0x42: {  	_ =	shalt  }
0x43: {  	_ =	shalt  }
0x44: {  	_ =	shalt  }
0x45: {  	_ =	shalt  }
0x46: {  	_ =	shalt  }
0x47: {  	_ =	shalt  }
0x48: {  	_ =	shalt  }
0x49: {  	_ =	shalt  }
0x4a: {  	_ =	shalt  }
0x4b: {  	_ =	shalt  }
0x4c: {  	_ =	shalt  }
0x4d: {  	_ =	shalt  }
0x4e: {  	_ =	shalt  }
0x4f: {  	_ =	shalt  }
0x50: {  	_ =	shalt  }
0x51: {  	_ =	shalt  }
0x52: {  	_ =	shalt  }
0x53: {  	_ =	shalt  }
0x54: {  	_ =	shalt  }
0x55: {  	_ =	shalt  }
0x56: {  	_ =	shalt  }
0x57: {  	_ =	shalt  }
0x58: {  	_ =	shalt  }
0x59: {  	_ =	shalt  }
0x5a: {  	_ =	shalt  }
0x5b: {  	_ =	shalt  }
0x5c: {  	_ =	shalt  }
0x5d: {  	_ =	shalt  }
0x5e: {  	_ =	shalt  }
0x5f: {  	_ =	shalt  }
0x60: {  	_ =	shalt  }
0x61: {  	_ =	shalt  }
0x62: {  	_ =	shalt  }
0x63: {  	_ =	shalt  }
0x64: {  	_ =	shalt  }
0x65: {  	_ =	shalt  }
0x66: {  	_ =	shalt  }
0x67: {  	_ =	shalt  }
0x68: {  	_ =	shalt  }
0x69: {  	_ =	shalt  }
0x6a: {  	_ =	shalt  }
0x6b: {  	_ =	shalt  }
0x6c: {  	_ =	shalt  }
0x6d: {  	_ =	shalt  }
0x6e: {  	_ =	shalt  }
0x6f: {  	_ =	shalt  }
0x70: {  	_ =	shalt  }
0x71: {  	_ =	shalt  }
0x72: {  	_ =	shalt  }
0x73: {  	_ =	shalt  }
0x74: {  	_ =	shalt  }
0x75: {  	_ =	shalt  }
0x76: {  	_ =	shalt  }
0x77: {  	_ =	shalt  }
0x78: {  	_ =	shalt  }
0x79: {  	_ =	shalt  }
0x7a: {  	_ =	shalt  }
0x7b: {  	_ =	shalt  }
0x7c: {  	_ =	shalt  }
0x7d: {  	_ =	shalt  }
0x7e: {  	_ =	shalt  }
0x7f: {  	_ =	shalt  }
0x80: {  	_ =	shalt  }
0x81: {  	_ =	shalt  }
0x82: {  	_ =	shalt  }
0x83: {  	_ =	shalt  }
0x84: {  	_ =	shalt  }
0x85: {  	_ =	shalt  }
0x86: {  	_ =	shalt  }
0x87: {  	_ =	shalt  }
.Lfunc_end0:
.L_simem_size_0:
called_computation.2_lowered:
.L_overlay_start_0:
0x88: {  	s2 =	sld [smem:$0x3FD9]  }
0x89: {  	s3 =	sld [smem:$0x3FFE];
	_ =	sdelay $0x1  }
0x8a: {  	s1 =	srdreg.scid  }
0x8b: {  	s0 =	sand.u32 $0x1, s1  }
0x8c: {  	s17 =	sshll.u32 s0, $0xA;
	s2 =	sadd.s32 s3, s2  }
0x8d: {  	s2 =	sadd.s32 s2, s17  }
0x8e: {  	[smem:$0x3FC2] =	sst s2  }
0x8f: {  	_ = 	snop  }
0x90: {  	s18 =	sld [smem:$0x3FC9];
	(tm) =	ssettm $0x1  }
0x91: {  	s19 =	sld [smem:$0x3FFB];
	_ =	sdelay $0x3  }
0x92: {  	_ =	strace s19  }
0x93: {  	s2 =	sld [smem:$0x3FFC];
	_ =	sdelay $0x3  }
0x94: {  	_ =	strace s2  }
0x95: {  	s2 =	sld [smem:$0x3FFD];
	_ =	sdelay $0x3  }
0x96: {  	_ =	strace s2  }
0x97: {  	_ =	strace $0x8FFFFFFF  }
0x98: {  	s20 =	sld [smem:$0x3FDB];
	_ =	sdelay $0x1  }
0x99: {  	s4 =	simm.s32 $_scs_section_size  }
0x9a: {  	s5 =	simm.s32 $_size__tile_overlayer_lowered;
	s6 =	simm.s32 $_tile_overlayer_lowered  }
0x9b: {  	s7 =	simm.s32 $0x1BFF;
	s21 =	sshll.u32 s6, $0x1;
	s4 =	sadd.s32 s4, s20  }
0x9c: {  	s22 =	simm.s32 $0x0;
	s5 =	sshll.u32 s5, $0x1;
	s6 =	sadd.s32 s21, s4  }
0x9d: {  	[timem:s22], [sflag:s7] =	dma.local [hbm:s6], s5  }
0x9e: {  	_ =	swait.ge [sflag:s7], s5  }
0x9f: {  	s5 =	ssub.s32 $0x0, s5;
	[sflag:s7] =	ssyncset.done $0x0  }
0xa0: {  	[sflag:s7] =	ssyncadd.s32 s5;
	_ =	sdelay $0x1  }
0xa1: {  	s23 =	simm.s32 $0x1B8B  }
0xa2: {  	_ =	swait.ge [sflag:s23], $0x1  }
0xa3: {  	[sflag:s23] =	ssyncset.done $0x0  }
0xa4: {  	[sflag:s23] =	ssyncadd.s32 $0xFFFFFFFF  }
0xa5: {  	s5 =	sld [smem:$0x0]  }
0xa6: {  	s6 =	sand.u32 $0xFFFFFFFE, s1  }
0xa7: {  	p0 =	sne.s32 s1, s6  }
0xa8: {  	s6 =	sshll.u32 @p0 s6, $0xE  }
0xa9: {  	s6 =	sadd.s32 @p0 $0x11B8D, s6;
	s7 =	sshll.u32 @p0 s5, $0x11  }
0xaa: {  	s6 =	sor.u32 @p0 s7, s6  }
0xab: {  	[sflag:s6] =	ssyncadd.remote.s32 @p0 $0x1;
	_ =	sdelay $0x1  }
0xac: {  	s6 =	simm.s32 @p0 $0x1B8D  }
0xad: {  	_ =	swait.eq @p0 [sflag:s6], $0x1  }
0xae: {  	[sflag:s6] =	ssyncadd.s32 @p0 $0xFFFFFFFF  }
0xaf: {  	s7 =	sshll.u32 @!p0 s1, $0xE  }
0xb0: {  	s7 =	sor.u32 @!p0 $0x4000, s7;
	s6 =	simm.s32 @!p0 $0x1B8D  }
0xb1: {  	s5 =	sshll.u32 @!p0 s5, $0x11;
	s7 =	sadd.s32 @!p0 $0x11B8D, s7;
	_ =	swait.eq @!p0 [sflag:s6], $0x1  }
0xb2: {  	s5 =	sor.u32 @!p0 s5, s7;
	[sflag:s6] =	ssyncadd.s32 @!p0 $0xFFFFFFFF  }
0xb3: {  	s25 =	simm.s32 $0x1B8E;
	s24 =	sld [smem:$0x3FFE];
	[sflag:s5] =	ssyncadd.remote.s32 @!p0 $0x1  }
0xb4: {  	s26 =	simm.s32 $execute0_lowered;
	[smem:$0x3FD2] =	sst s25  }
0xb5: {  	s6 =	sshll.u32 s26, $0x1;
	_ =	strace $0x8000004C;
	[dreg:$0x1] =	wrdreg $0xFFFFFFFF  }
0xb6: {  	s28 =	simm.s32 $_size_execute0_lowered;
	s4 =	sadd.s32 s4, s6;
	[dreg:$0x0] =	wrdreg $0x0  }
0xb7: {  	s6 =	sshll.u32 s28, $0x1;
	[dreg:$0x2] =	wrdreg s4  }
0xb8: {  	[dreg:$0x3] =	wrdreg s6  }
0xb9: {  	[dreg:$0x4] =	wrdreg $0xC0  }
0xba: {  	_ =	task [dreg:s22], $0x5FFFF  }
0xbb: {  	[dreg:$0x1] =	wrdreg $0xFFFFFFFF  }
0xbc: {  	[dreg:$0x0] =	wrdreg $0x60  }
0xbd: {  	[dreg:$0x2] =	wrdreg s18  }
0xbe: {  	[dreg:$0x3] =	wrdreg s24  }
0xbf: {  	[dreg:$0x4] =	wrdreg $0xA  }
0xc0: {  	_ =	task.clear_ibuf [dreg:s22], $0x5FFFF;
	_ =	strace $0x9000004C  }
0xc1: {  	s29 =	simm.s32 $0xA;
	_ =	strace $0x8000004E  }
0xc2: {  	_ =	swait.ge [sflag:s29], $0x1  }
0xc3: {  	[sflag:s29] =	ssyncadd.s32 $0xFFFFFFFF  }
0xc4: {  	_ =	strace $0x9000004E  }
0xc5: {  	_ =	sfence  }
0xc6: {  	s30 =	sld [smem:$0x0];
	_ =	sdelay $0x2  }
0xc7: {  	s31 =	sshll.u32 s1, $0xD;
	s1 =	sshrl.u32 s1, $0x2  }
0xc8: {  	s4 =	sand.u32 $0x4000, s31;
	s1 =	sadd.s32 s1, s30  }
0xc9: {  	s0 =	sor.u32 s4, s0;
	s1 =	sshll.u32 s1, $0x11  }
0xca: {  	s0 =	sor.u32 s1, s0  }
0xcb: {  	s0 =	sadd.s32 $0x8F2B, s0  }
0xcc: {  	[sflag:s0] =	ssyncadd.remote.s32 $0x1  }
0xcd: {  	_ =	sfence.sel $0xFFFF  }
0xce: {  	[dreg:$0x0] =	wrdreg $0xFFFFFFFF;
	(pc) =	sbr.abs _section_cstart, $3  }
0xcf: {  	[dreg:$0x1] =	wrdreg $0xFFFFFFFF  }
0xd0: {  	_ =	task.clear_ibuf [dreg:s22], $0x2FFFF;
	_ =	strace $0x9FFFFFFF  }
0xd1: {  	(tm) =	ssettm $0x7FFFFFFF  }
tec
execute0_lowered:
.L_overlay_start_1:
0x0: {  	(tag) =	ssettag $0x1  }
0x1: {  	s0 =	rddreg [dreg:$0x0]  }
0x2: {  	s1 =	rddreg [dreg:$0x1]  }
0x3: {  	s3 =	srdreg.scid;
	s13 =	stileid.u32;
	s2 =	simm.s32 $0x0  }
0x4: {  	s15 =	simm.s32 $0x2000;
	s20 =	simm.s32 $0x6000;
	s17 =	simm.s32 $0x3  }
0x5: {  	s29 =	simm.s32 $0x5;
	s19 =	simm.s32 $0x6;
	s24 =	simm.s32 $0xA  }
0x6: {  	s31 =	simm.s32 $0x9800;
	s4 =	sand.u32 $0x1, s3;
	[smem:$0x7FF] =	sst s2  }
0x7: {  	s25 =	sshll.u32 s13, $0x1;
	s11 =	sadd.s32 $0x282500, s1;
	s12 =	sadd.s32 $0x282600, s1  }
0x8: {  	s14 =	sadd.s32 $0x282700, s1;
	s26 =	sshll.u32 s13, $0x11;
	s13 =	simm.s32 $0x0  }
0x9: {  	s5 =	sor.u32 s4, s25;
	_ =	strace $0x8000004D;
	s7 =	ssub.s32 $0x2, s4  }
0xa: {  	s30 =	sshll.u32 s4, $0x10;
	s3 =	sshll.u32 s5, $0x9;
	s8 =	sshrl.u32 s7, $0x1  }
0xb: {  	s5 =	sshll.u32 s5, $0x10;
	s6 =	sadd.s32 s3, s1;
	s3 =	sadd.s32 $0x282000, s1  }
0xc: {  	s10 =	ssub.s32 s7, s8;
	s7 =	sadd.s32 $0x282200, s1;
	s8 =	sadd.s32 $0x282300, s1  }
0xd: {  	s5 =	sadd.s32 s0, s5;
	s0 =	sadd.s32 s26, s0;
	s9 =	sadd.s32 $0x2A00, s6  }
.Ltmp0:
0xe: {  	s6 =	sadd.s32 $0x6A00, s6;
	[dreg:$0x5] =	wrdreg s5;
	(pc) =	sbr.rel .LBB2_1-.Ltmp0, $4  }
0xf: {  	s5 =	sadd.s32 $0x800, s5;
	s28 =	smax.u32 s10, $0x1;
	[dreg:$0x3] =	wrdreg s9  }
0x10: {  	v0 =	vlaneseq.u32;
	s16 =	sadd.s32 s30, s0;
	s10 =	simm.s32 $0xE000;
	[dreg:$0x4] =	wrdreg s6  }
0x11: {  	v1 =	vshrl.u32 v0, $0x3;
	s0 =	simm.s32 $0x9;
	s6 =	sadd.s32 $0x282100, s1;
	[dreg:$0x6] =	wrdreg s5  }
0x12: {  	vm0 =	vmmov $0xffff;
	v0 =	vand.u32 $0x7, v0;
	v1 =	vmul.u32 $0x8, v1;
	s9 =	sadd.s32 $0x282400, s1;
	[dreg:$0x7] =	wrdreg s28;
	s1 =	simm.s32 $0x4  }
.LBB2_4:
0x13: {  	s4 =	simm.s32 $0x7  }
0x14: {  	_ =	swait.ge [sflag:s4], $0x4000  }
0x15: {  	[sflag:s4] =	ssyncset.done $0x0  }
0x16: {  	s26 =	simm.s32 $0xB;
	[sflag:s4] =	ssyncadd.s32 $0xFFFFC000  }
0x17: {  	_ =	swait.ge [sflag:s26], $0x4000  }
0x18: {  	[sflag:s26] =	ssyncset.done $0x0  }
0x19: {  	s28 =	simm.s32 $0x8;
	[sflag:s26] =	ssyncadd.s32 $0xFFFFC000  }
0x1a: {  	_ =	swait.ge [sflag:s28], $0x4000  }
0x1b: {  	[sflag:s28] =	ssyncset.done $0x0  }
0x1c: {  	s5 =	simm.s32 $0xC;
	[sflag:s28] =	ssyncadd.s32 $0xFFFFC000  }
0x1d: {  	_ =	swait.ge [sflag:s5], $0x4000  }
0x1e: {  	s13 =	rddreg [dreg:$0x8]  }
0x1f: {  	s30 =	rddreg [dreg:$0x7];
	s13 =	sadd.s32 $0x1, s13  }
0x20: {  	p0 =	sne.s32 s13, s30  }
.Ltmp1:
0x21: {  	_ = 	snop;
	(pc) =	sbr.rel @!p0 .LBB2_5-.Ltmp1, $3  }
0x22: {  	_ =	sdelay $0x1  }
0x23: {  	[sflag:s5] =	ssyncset.done $0x0  }
0x24: {  	[sflag:s5] =	ssyncadd.s32 $0xFFFFC000  }
.LBB2_1:
0x25: {  	[dreg:$0x8] =	wrdreg s13  }
0x26: {  	s4 =	rddreg [dreg:$0x3];
	s5 =	simm.s32 $0xD  }
0x27: {  	[tilespmem:s2], [sflag:$0xD] =	stream.linear.gather [hbm4b:s4+s2], $0x1000, $0x38;
	[tilespmem:$0x12000] =	vst v63  }
0x28: {  	_ =	swait.ge [sflag:s5], $0x1000  }
0x29: {  	[sflag:s5] =	ssyncset.done $0x0  }
0x2a: {  	s25 =	simm.s32 $0x1000;
	s23 =	rddreg [dreg:$0x4];
	[sflag:s5] =	ssyncadd.s32 $0xFFFFF000  }
0x2b: {  	[tilespmem:s25], [sflag:$0xD] =	stream.linear.gather [hbm4b:s23+s2], $0x1000, $0x38;
	[tilespmem:$0x12000] =	vst v63  }
0x2c: {  	_ =	swait.ge [sflag:s5], $0x1000  }
0x2d: {  	s28 =	simm.s32 $0x0;
	[sflag:s5] =	ssyncset.done $0x0  }
0x2e: {  	s21 =	simm.s32 $0x6000;
	s26 =	rddreg [dreg:$0x5];
	[sflag:s5] =	ssyncadd.s32 $0xFFFFF000  }
0x2f: {  	[tilespmem:s15], [sflag:$0x1] =	stream.linear.gather [hbm4b:s26+s2], $0x4000, $0x38;
	[tilespmem:$0x12000] =	vst v63  }
0x30: {  	s25 =	simm.s32 $0x1100;
	s30 =	rddreg [dreg:$0x6];
	s26 =	simm.s32 $0x100  }
0x31: {  	[tilespmem:s20], [sflag:$0x2] =	stream.linear.gather [hbm4b:s30+s2], $0x4000, $0x38;
	[tilespmem:$0x12000] =	vst v63  }
.LBB2_2:
0x32: {  	s4 =	simm.s32 $0x1  }
0x33: {  	_ =	swait.ge [sflag:s4], $0x4000  }
0x34: {  	[sflag:s4] =	ssyncset.done $0x0  }
0x35: {  	[sflag:s4] =	ssyncadd.s32 $0xFFFFC000  }
0x36: {  	v2 =	vld.msk [tilespmem:s26+$0xFFFFFF00], $0xff;
	_ =	sdelay $0x4  }
0x37: {  	v3 =	vshll.u32 v2, $0x4  }
0x38: {  	v2 =	vand.u32 $0x7, v2;
	v3 =	vand.u32 $0xFFFFFF80, v3  }
0x39: {  	v2 =	vor.u32 v2, v3  }
0x3a: {  	v2 =	vperm.xlane v2, v0;
	_ =	sdelay $0x1  }
0x3b: {  	v2 =	vadd.s32 v1, v2;
	_ =	sdelay $0x3  }
0x3c: {  	s4 =	simm.s32 $0x2000  }
0x3d: {  	[hbm4b:s3+s2] =	stream.indirect_vreg.scatter [tilespmem:s4], [sflag:$0x5], $0x80, v2, vm0, $0xb8;
	[tilespmem:$0x12000] =	vst v63  }
0x3e: {  	s5 =	simm.s32 $0x2800  }
0x3f: {  	[hbm4b:s6+s2] =	stream.indirect_vreg.scatter [tilespmem:s5], [sflag:$0x5], $0x80, v2, vm0, $0xb8;
	[tilespmem:$0x12000] =	vst v63  }
0x40: {  	s13 =	simm.s32 $0x3000  }
0x41: {  	[hbm4b:s7+s2] =	stream.indirect_vreg.scatter [tilespmem:s13], [sflag:$0x5], $0x80, v2, vm0, $0xb8;
	[tilespmem:$0x12000] =	vst v63  }
0x42: {  	s18 =	simm.s32 $0x3800  }
0x43: {  	[hbm4b:s8+s2] =	stream.indirect_vreg.scatter [tilespmem:s18], [sflag:$0x5], $0x80, v2, vm0, $0xb8;
	[tilespmem:$0x12000] =	vst v63  }
0x44: {  	s22 =	simm.s32 $0x4000  }
0x45: {  	[hbm4b:s9+s2] =	stream.indirect_vreg.scatter [tilespmem:s22], [sflag:$0x5], $0x80, v2, vm0, $0xb8;
	[tilespmem:$0x12000] =	vst v63  }
0x46: {  	s23 =	simm.s32 $0x4800  }
0x47: {  	[hbm4b:s11+s2] =	stream.indirect_vreg.scatter [tilespmem:s23], [sflag:$0x5], $0x80, v2, vm0, $0xb8;
	[tilespmem:$0x12000] =	vst v63  }
0x48: {  	s20 =	simm.s32 $0x5000  }
0x49: {  	[hbm4b:s12+s2] =	stream.indirect_vreg.scatter [tilespmem:s20], [sflag:$0x5], $0x80, v2, vm0, $0xb8;
	[tilespmem:$0x12000] =	vst v63  }
0x4a: {  	s30 =	simm.s32 $0x5800  }
0x4b: {  	[hbm4b:s14+s2] =	stream.indirect_vreg.scatter [tilespmem:s30], [sflag:$0x5], $0x80, v2, vm0, $0xb8;
	[tilespmem:$0x12000] =	vst v63  }
0x4c: {  	v2 =	vld.msk [tilespmem:s25+$0xFFFFFF00], $0xff;
	_ =	sdelay $0x4  }
0x4d: {  	v3 =	vshll.u32 v2, $0x4  }
0x4e: {  	v2 =	vand.u32 $0x7, v2;
	v3 =	vand.u32 $0xFFFFFF80, v3  }
0x4f: {  	v2 =	vor.u32 v2, v3  }
0x50: {  	v2 =	vperm.xlane v2, v0;
	_ =	sdelay $0x1  }
0x51: {  	v2 =	vadd.s32 v1, v2;
	_ =	sdelay $0x4  }
0x52: {  	[hbm4b:s3+s2] =	stream.indirect_vreg.scatter [tilespmem:s4], [sflag:$0x9], $0x80, v2, vm0, $0xb8;
	[tilespmem:$0x12000] =	vst v63  }
0x53: {  	_ = 	snop  }
0x54: {  	[hbm4b:s6+s2] =	stream.indirect_vreg.scatter [tilespmem:s5], [sflag:$0x9], $0x80, v2, vm0, $0xb8;
	[tilespmem:$0x12000] =	vst v63  }
0x55: {  	_ = 	snop  }
0x56: {  	[hbm4b:s7+s2] =	stream.indirect_vreg.scatter [tilespmem:s13], [sflag:$0x9], $0x80, v2, vm0, $0xb8;
	[tilespmem:$0x12000] =	vst v63  }
0x57: {  	_ = 	snop  }
0x58: {  	[hbm4b:s8+s2] =	stream.indirect_vreg.scatter [tilespmem:s18], [sflag:$0x9], $0x80, v2, vm0, $0xb8;
	[tilespmem:$0x12000] =	vst v63  }
0x59: {  	_ = 	snop  }
0x5a: {  	[hbm4b:s9+s2] =	stream.indirect_vreg.scatter [tilespmem:s22], [sflag:$0x9], $0x80, v2, vm0, $0xb8;
	[tilespmem:$0x12000] =	vst v63  }
0x5b: {  	_ = 	snop  }
0x5c: {  	[hbm4b:s11+s2] =	stream.indirect_vreg.scatter [tilespmem:s23], [sflag:$0x9], $0x80, v2, vm0, $0xb8;
	[tilespmem:$0x12000] =	vst v63  }
0x5d: {  	p0 =	seq.s32 s28, $0x0  }
0x5e: {  	[hbm4b:s12+s2] =	stream.indirect_vreg.scatter [tilespmem:s20], [sflag:$0x9], $0x80, v2, vm0, $0xb8;
	[tilespmem:$0x12000] =	vst v63  }
0x5f: {  	s18 =	simm.s32 @!p0 $0x7  }
0x60: {  	[hbm4b:s14+s2] =	stream.indirect_vreg.scatter [tilespmem:s30], [sflag:$0x9], $0x80, v2, vm0, $0xb8;
	[tilespmem:$0x12000] =	vst v63  }
0x61: {  	_ =	swait.ge @!p0 [sflag:s18], $0x4000  }
0x62: {  	[sflag:s18] =	ssyncset.done @!p0 $0x0  }
0x63: {  	s4 =	simm.s32 @!p0 $0xB;
	[sflag:s18] =	ssyncadd.s32 @!p0 $0xFFFFC000  }
0x64: {  	_ =	swait.ge @!p0 [sflag:s4], $0x4000  }
0x65: {  	s5 =	simm.s32 $0xA000;
	s18 =	sadd.s32 s28, s16;
	[sflag:s4] =	ssyncset.done @!p0 $0x0  }
0x66: {  	s23 =	simm.s32 $0x2;
	s22 =	sadd.s32 $0x1000, s18;
	[sflag:s4] =	ssyncadd.s32 @!p0 $0xFFFFC000  }
0x67: {  	[tilespmem:s5], [sflag:$0x3] =	stream.linear.gather [hbm4b:s22+s2], $0x4000, $0x38;
	[tilespmem:$0x12000] =	vst v63  }
0x68: {  	_ =	swait.ge [sflag:s23], $0x4000  }
0x69: {  	[sflag:s23] =	ssyncset.done $0x0  }
0x6a: {  	[sflag:s23] =	ssyncadd.s32 $0xFFFFC000  }
0x6b: {  	v2 =	vld.msk [tilespmem:s26+$0xFFFFFF80], $0xff;
	_ =	sdelay $0x4  }
0x6c: {  	v3 =	vshll.u32 v2, $0x4  }
0x6d: {  	v2 =	vand.u32 $0x7, v2;
	v3 =	vand.u32 $0xFFFFFF80, v3  }
0x6e: {  	v2 =	vor.u32 v2, v3  }
0x6f: {  	v2 =	vperm.xlane v2, v0;
	_ =	sdelay $0x1  }
0x70: {  	v2 =	vadd.s32 v1, v2;
	_ =	sdelay $0x4  }
0x71: {  	[hbm4b:s3+s2] =	stream.indirect_vreg.scatter [tilespmem:s21], [sflag:$0x6], $0x80, v2, vm0, $0xb8;
	[tilespmem:$0x12000] =	vst v63  }
0x72: {  	s4 =	simm.s32 $0x6800  }
0x73: {  	[hbm4b:s6+s2] =	stream.indirect_vreg.scatter [tilespmem:s4], [sflag:$0x6], $0x80, v2, vm0, $0xb8;
	[tilespmem:$0x12000] =	vst v63  }
0x74: {  	s13 =	simm.s32 $0x7000  }
0x75: {  	[hbm4b:s7+s2] =	stream.indirect_vreg.scatter [tilespmem:s13], [sflag:$0x6], $0x80, v2, vm0, $0xb8;
	[tilespmem:$0x12000] =	vst v63  }
0x76: {  	s20 =	simm.s32 $0x7800  }
0x77: {  	[hbm4b:s8+s2] =	stream.indirect_vreg.scatter [tilespmem:s20], [sflag:$0x6], $0x80, v2, vm0, $0xb8;
	[tilespmem:$0x12000] =	vst v63  }
0x78: {  	s22 =	simm.s32 $0x8000  }
0x79: {  	[hbm4b:s9+s2] =	stream.indirect_vreg.scatter [tilespmem:s22], [sflag:$0x6], $0x80, v2, vm0, $0xb8;
	[tilespmem:$0x12000] =	vst v63  }
0x7a: {  	s23 =	simm.s32 $0x8800  }
0x7b: {  	[hbm4b:s11+s2] =	stream.indirect_vreg.scatter [tilespmem:s23], [sflag:$0x6], $0x80, v2, vm0, $0xb8;
	[tilespmem:$0x12000] =	vst v63  }
0x7c: {  	s30 =	simm.s32 $0x9000  }
0x7d: {  	[hbm4b:s12+s2] =	stream.indirect_vreg.scatter [tilespmem:s30], [sflag:$0x6], $0x80, v2, vm0, $0xb8;
	[tilespmem:$0x12000] =	vst v63  }
0x7e: {  	_ = 	snop  }
0x7f: {  	[hbm4b:s14+s2] =	stream.indirect_vreg.scatter [tilespmem:s31], [sflag:$0x6], $0x80, v2, vm0, $0xb8;
	[tilespmem:$0x12000] =	vst v63  }
0x80: {  	v2 =	vld.msk [tilespmem:s25+$0xFFFFFF80], $0xff;
	_ =	sdelay $0x4  }
0x81: {  	v3 =	vshll.u32 v2, $0x4  }
0x82: {  	v2 =	vand.u32 $0x7, v2;
	v3 =	vand.u32 $0xFFFFFF80, v3  }
0x83: {  	v2 =	vor.u32 v2, v3  }
0x84: {  	v2 =	vperm.xlane v2, v0;
	_ =	sdelay $0x1  }
0x85: {  	v2 =	vadd.s32 v1, v2;
	_ =	sdelay $0x4  }
0x86: {  	[hbm4b:s3+s2] =	stream.indirect_vreg.scatter [tilespmem:s21], [sflag:$0xA], $0x80, v2, vm0, $0xb8;
	[tilespmem:$0x12000] =	vst v63  }
0x87: {  	_ = 	snop  }
0x88: {  	[hbm4b:s6+s2] =	stream.indirect_vreg.scatter [tilespmem:s4], [sflag:$0xA], $0x80, v2, vm0, $0xb8;
	[tilespmem:$0x12000] =	vst v63  }
0x89: {  	_ = 	snop  }
0x8a: {  	[hbm4b:s7+s2] =	stream.indirect_vreg.scatter [tilespmem:s13], [sflag:$0xA], $0x80, v2, vm0, $0xb8;
	[tilespmem:$0x12000] =	vst v63  }
0x8b: {  	_ = 	snop  }
0x8c: {  	[hbm4b:s8+s2] =	stream.indirect_vreg.scatter [tilespmem:s20], [sflag:$0xA], $0x80, v2, vm0, $0xb8;
	[tilespmem:$0x12000] =	vst v63  }
0x8d: {  	_ = 	snop  }
0x8e: {  	[hbm4b:s9+s2] =	stream.indirect_vreg.scatter [tilespmem:s22], [sflag:$0xA], $0x80, v2, vm0, $0xb8;
	[tilespmem:$0x12000] =	vst v63  }
0x8f: {  	_ = 	snop  }
0x90: {  	[hbm4b:s11+s2] =	stream.indirect_vreg.scatter [tilespmem:s23], [sflag:$0xA], $0x80, v2, vm0, $0xb8;
	[tilespmem:$0x12000] =	vst v63  }
0x91: {  	_ = 	snop  }
0x92: {  	[hbm4b:s12+s2] =	stream.indirect_vreg.scatter [tilespmem:s30], [sflag:$0xA], $0x80, v2, vm0, $0xb8;
	[tilespmem:$0x12000] =	vst v63  }
0x93: {  	s4 =	simm.s32 @!p0 $0x8  }
0x94: {  	[hbm4b:s14+s2] =	stream.indirect_vreg.scatter [tilespmem:s31], [sflag:$0xA], $0x80, v2, vm0, $0xb8;
	[tilespmem:$0x12000] =	vst v63  }
0x95: {  	_ =	swait.ge @!p0 [sflag:s4], $0x4000  }
0x96: {  	[sflag:s4] =	ssyncset.done @!p0 $0x0  }
0x97: {  	[sflag:s4] =	ssyncadd.s32 @!p0 $0xFFFFC000;
	s4 =	simm.s32 @!p0 $0xC  }
0x98: {  	_ =	swait.ge @!p0 [sflag:s4], $0x4000  }
0x99: {  	[sflag:s4] =	ssyncset.done @!p0 $0x0  }
0x9a: {  	s30 =	sadd.s32 $0x1800, s18;
	[sflag:s4] =	ssyncadd.s32 @!p0 $0xFFFFC000  }
0x9b: {  	[tilespmem:s10], [sflag:$0x4] =	stream.linear.gather [hbm4b:s30+s2], $0x4000, $0x38;
	[tilespmem:$0x12000] =	vst v63  }
0x9c: {  	_ =	swait.ge [sflag:s17], $0x4000  }
0x9d: {  	[sflag:s17] =	ssyncset.done $0x0  }
0x9e: {  	[sflag:s17] =	ssyncadd.s32 $0xFFFFC000  }
0x9f: {  	v2 =	vld.msk [tilespmem:s26+$0x0], $0xff;
	_ =	sdelay $0x4  }
0xa0: {  	v3 =	vshll.u32 v2, $0x4  }
0xa1: {  	v2 =	vand.u32 $0x7, v2;
	v3 =	vand.u32 $0xFFFFFF80, v3  }
0xa2: {  	v2 =	vor.u32 v2, v3  }
0xa3: {  	v2 =	vperm.xlane v2, v0;
	_ =	sdelay $0x1  }
0xa4: {  	v2 =	vadd.s32 v1, v2;
	_ =	sdelay $0x4  }
0xa5: {  	[hbm4b:s3+s2] =	stream.indirect_vreg.scatter [tilespmem:s5], [sflag:$0x7], $0x80, v2, vm0, $0xb8;
	[tilespmem:$0x12000] =	vst v63  }
0xa6: {  	s4 =	simm.s32 $0xA800  }
0xa7: {  	[hbm4b:s6+s2] =	stream.indirect_vreg.scatter [tilespmem:s4], [sflag:$0x7], $0x80, v2, vm0, $0xb8;
	[tilespmem:$0x12000] =	vst v63  }
0xa8: {  	s13 =	simm.s32 $0xB000  }
0xa9: {  	[hbm4b:s7+s2] =	stream.indirect_vreg.scatter [tilespmem:s13], [sflag:$0x7], $0x80, v2, vm0, $0xb8;
	[tilespmem:$0x12000] =	vst v63  }
0xaa: {  	s20 =	simm.s32 $0xB800  }
0xab: {  	[hbm4b:s8+s2] =	stream.indirect_vreg.scatter [tilespmem:s20], [sflag:$0x7], $0x80, v2, vm0, $0xb8;
	[tilespmem:$0x12000] =	vst v63  }
0xac: {  	s21 =	simm.s32 $0xC000  }
0xad: {  	[hbm4b:s9+s2] =	stream.indirect_vreg.scatter [tilespmem:s21], [sflag:$0x7], $0x80, v2, vm0, $0xb8;
	[tilespmem:$0x12000] =	vst v63  }
0xae: {  	s22 =	simm.s32 $0xC800  }
0xaf: {  	[hbm4b:s11+s2] =	stream.indirect_vreg.scatter [tilespmem:s22], [sflag:$0x7], $0x80, v2, vm0, $0xb8;
	[tilespmem:$0x12000] =	vst v63  }
0xb0: {  	s23 =	simm.s32 $0xD000  }
0xb1: {  	[hbm4b:s12+s2] =	stream.indirect_vreg.scatter [tilespmem:s23], [sflag:$0x7], $0x80, v2, vm0, $0xb8;
	[tilespmem:$0x12000] =	vst v63  }
0xb2: {  	s30 =	simm.s32 $0xD800  }
0xb3: {  	[hbm4b:s14+s2] =	stream.indirect_vreg.scatter [tilespmem:s30], [sflag:$0x7], $0x80, v2, vm0, $0xb8;
	[tilespmem:$0x12000] =	vst v63  }
0xb4: {  	v2 =	vld.msk [tilespmem:s25+$0x0], $0xff;
	_ =	sdelay $0x4  }
0xb5: {  	v3 =	vshll.u32 v2, $0x4  }
0xb6: {  	v2 =	vand.u32 $0x7, v2;
	v3 =	vand.u32 $0xFFFFFF80, v3  }
0xb7: {  	v2 =	vor.u32 v2, v3  }
0xb8: {  	v2 =	vperm.xlane v2, v0;
	_ =	sdelay $0x1  }
0xb9: {  	v2 =	vadd.s32 v1, v2;
	_ =	sdelay $0x4  }
0xba: {  	[hbm4b:s3+s2] =	stream.indirect_vreg.scatter [tilespmem:s5], [sflag:$0xB], $0x80, v2, vm0, $0xb8;
	[tilespmem:$0x12000] =	vst v63  }
0xbb: {  	_ = 	snop  }
0xbc: {  	[hbm4b:s6+s2] =	stream.indirect_vreg.scatter [tilespmem:s4], [sflag:$0xB], $0x80, v2, vm0, $0xb8;
	[tilespmem:$0x12000] =	vst v63  }
0xbd: {  	_ = 	snop  }
0xbe: {  	[hbm4b:s7+s2] =	stream.indirect_vreg.scatter [tilespmem:s13], [sflag:$0xB], $0x80, v2, vm0, $0xb8;
	[tilespmem:$0x12000] =	vst v63  }
0xbf: {  	_ = 	snop  }
0xc0: {  	[hbm4b:s8+s2] =	stream.indirect_vreg.scatter [tilespmem:s20], [sflag:$0xB], $0x80, v2, vm0, $0xb8;
	[tilespmem:$0x12000] =	vst v63  }
0xc1: {  	_ = 	snop  }
0xc2: {  	[hbm4b:s9+s2] =	stream.indirect_vreg.scatter [tilespmem:s21], [sflag:$0xB], $0x80, v2, vm0, $0xb8;
	[tilespmem:$0x12000] =	vst v63  }
0xc3: {  	_ = 	snop  }
0xc4: {  	[hbm4b:s11+s2] =	stream.indirect_vreg.scatter [tilespmem:s22], [sflag:$0xB], $0x80, v2, vm0, $0xb8;
	[tilespmem:$0x12000] =	vst v63  }
0xc5: {  	_ = 	snop  }
0xc6: {  	[hbm4b:s12+s2] =	stream.indirect_vreg.scatter [tilespmem:s23], [sflag:$0xB], $0x80, v2, vm0, $0xb8;
	[tilespmem:$0x12000] =	vst v63  }
0xc7: {  	_ = 	snop  }
0xc8: {  	[hbm4b:s14+s2] =	stream.indirect_vreg.scatter [tilespmem:s30], [sflag:$0xB], $0x80, v2, vm0, $0xb8;
	[tilespmem:$0x12000] =	vst v63  }
0xc9: {  	_ =	swait.ge [sflag:s29], $0x4000  }
0xca: {  	[sflag:s29] =	ssyncset.done $0x0  }
0xcb: {  	[sflag:s29] =	ssyncadd.s32 $0xFFFFC000  }
0xcc: {  	p0 =	seq.s32 s28, $0xE000;
	_ =	swait.ge [sflag:s0], $0x4000  }
0xcd: {  	s5 =	simm.s32 @!p0 $0x0;
	s4 =	sadd.s32 @!p0 s28, s16;
	[sflag:s0] =	ssyncset.done $0x0  }
0xce: {  	s4 =	sadd.s32 @!p0 $0x2000, s4;
	s13 =	simm.s32 @!p0 $0x2000;
	[sflag:s0] =	ssyncadd.s32 $0xFFFFC000  }
0xcf: {  	[tilespmem:s13], [sflag:$0x1] =	stream.linear.gather @!p0 [hbm4b:s4+s5], $0x4000, $0x38;
	[tilespmem:$0x12000] =	vst v63  }
0xd0: {  	_ =	swait.ge [sflag:s1], $0x4000  }
0xd1: {  	[sflag:s1] =	ssyncset.done $0x0  }
0xd2: {  	[sflag:s1] =	ssyncadd.s32 $0xFFFFC000  }
0xd3: {  	v2 =	vld.msk [tilespmem:s26+$0x80], $0xff;
	_ =	sdelay $0x4  }
0xd4: {  	v3 =	vshll.u32 v2, $0x4  }
0xd5: {  	v2 =	vand.u32 $0x7, v2;
	v3 =	vand.u32 $0xFFFFFF80, v3  }
0xd6: {  	v2 =	vor.u32 v2, v3  }
0xd7: {  	v2 =	vperm.xlane v2, v0;
	_ =	sdelay $0x1  }
0xd8: {  	v2 =	vadd.s32 v1, v2;
	_ =	sdelay $0x4  }
0xd9: {  	[hbm4b:s3+s2] =	stream.indirect_vreg.scatter [tilespmem:s10], [sflag:$0x8], $0x80, v2, vm0, $0xb8;
	[tilespmem:$0x12000] =	vst v63  }
0xda: {  	s5 =	simm.s32 $0xE800  }
0xdb: {  	[hbm4b:s6+s2] =	stream.indirect_vreg.scatter [tilespmem:s5], [sflag:$0x8], $0x80, v2, vm0, $0xb8;
	[tilespmem:$0x12000] =	vst v63  }
0xdc: {  	s13 =	simm.s32 $0xF000  }
0xdd: {  	[hbm4b:s7+s2] =	stream.indirect_vreg.scatter [tilespmem:s13], [sflag:$0x8], $0x80, v2, vm0, $0xb8;
	[tilespmem:$0x12000] =	vst v63  }
0xde: {  	s20 =	simm.s32 $0xF800  }
0xdf: {  	[hbm4b:s8+s2] =	stream.indirect_vreg.scatter [tilespmem:s20], [sflag:$0x8], $0x80, v2, vm0, $0xb8;
	[tilespmem:$0x12000] =	vst v63  }
0xe0: {  	s21 =	simm.s32 $0x10000  }
0xe1: {  	[hbm4b:s9+s2] =	stream.indirect_vreg.scatter [tilespmem:s21], [sflag:$0x8], $0x80, v2, vm0, $0xb8;
	[tilespmem:$0x12000] =	vst v63  }
0xe2: {  	s22 =	simm.s32 $0x10800  }
0xe3: {  	[hbm4b:s11+s2] =	stream.indirect_vreg.scatter [tilespmem:s22], [sflag:$0x8], $0x80, v2, vm0, $0xb8;
	[tilespmem:$0x12000] =	vst v63  }
0xe4: {  	s23 =	simm.s32 $0x11000  }
0xe5: {  	[hbm4b:s12+s2] =	stream.indirect_vreg.scatter [tilespmem:s23], [sflag:$0x8], $0x80, v2, vm0, $0xb8;
	[tilespmem:$0x12000] =	vst v63  }
0xe6: {  	s30 =	simm.s32 $0x11800  }
0xe7: {  	[hbm4b:s14+s2] =	stream.indirect_vreg.scatter [tilespmem:s30], [sflag:$0x8], $0x80, v2, vm0, $0xb8;
	[tilespmem:$0x12000] =	vst v63  }
0xe8: {  	v2 =	vld.msk [tilespmem:s25+$0x80], $0xff;
	_ =	sdelay $0x4  }
0xe9: {  	v3 =	vshll.u32 v2, $0x4  }
0xea: {  	v2 =	vand.u32 $0x7, v2;
	v3 =	vand.u32 $0xFFFFFF80, v3  }
0xeb: {  	v2 =	vor.u32 v2, v3  }
0xec: {  	v2 =	vperm.xlane v2, v0;
	_ =	sdelay $0x1  }
0xed: {  	v2 =	vadd.s32 v1, v2;
	_ =	sdelay $0x4  }
0xee: {  	[hbm4b:s3+s2] =	stream.indirect_vreg.scatter [tilespmem:s10], [sflag:$0xC], $0x80, v2, vm0, $0xb8;
	[tilespmem:$0x12000] =	vst v63  }
0xef: {  	_ = 	snop  }
0xf0: {  	[hbm4b:s6+s2] =	stream.indirect_vreg.scatter [tilespmem:s5], [sflag:$0xC], $0x80, v2, vm0, $0xb8;
	[tilespmem:$0x12000] =	vst v63  }
0xf1: {  	_ = 	snop  }
0xf2: {  	[hbm4b:s7+s2] =	stream.indirect_vreg.scatter [tilespmem:s13], [sflag:$0xC], $0x80, v2, vm0, $0xb8;
	[tilespmem:$0x12000] =	vst v63  }
0xf3: {  	_ = 	snop  }
0xf4: {  	[hbm4b:s8+s2] =	stream.indirect_vreg.scatter [tilespmem:s20], [sflag:$0xC], $0x80, v2, vm0, $0xb8;
	[tilespmem:$0x12000] =	vst v63  }
0xf5: {  	_ = 	snop  }
0xf6: {  	[hbm4b:s9+s2] =	stream.indirect_vreg.scatter [tilespmem:s21], [sflag:$0xC], $0x80, v2, vm0, $0xb8;
	[tilespmem:$0x12000] =	vst v63  }
0xf7: {  	_ = 	snop  }
0xf8: {  	[hbm4b:s11+s2] =	stream.indirect_vreg.scatter [tilespmem:s22], [sflag:$0xC], $0x80, v2, vm0, $0xb8;
	[tilespmem:$0x12000] =	vst v63  }
0xf9: {  	_ = 	snop  }
0xfa: {  	[hbm4b:s12+s2] =	stream.indirect_vreg.scatter [tilespmem:s23], [sflag:$0xC], $0x80, v2, vm0, $0xb8;
	[tilespmem:$0x12000] =	vst v63  }
0xfb: {  	_ = 	snop  }
0xfc: {  	[hbm4b:s14+s2] =	stream.indirect_vreg.scatter [tilespmem:s30], [sflag:$0xC], $0x80, v2, vm0, $0xb8;
	[tilespmem:$0x12000] =	vst v63  }
0xfd: {  	_ =	swait.ge [sflag:s19], $0x4000  }
.Ltmp2:
0xfe: {  	[sflag:s19] =	ssyncset.done $0x0;
	(pc) =	sbr.rel @p0 .LBB2_4-.Ltmp2, $4  }
0xff: {  	[sflag:s19] =	ssyncadd.s32 $0xFFFFC000  }
0x100: {  	_ =	swait.ge [sflag:s24], $0x4000  }
0x101: {  	[sflag:s24] =	ssyncset.done $0x0  }
0x102: {  	s15 =	simm.s32 $0x2000;
	s20 =	simm.s32 $0x6000;
	[sflag:s24] =	ssyncadd.s32 $0xFFFFC000  }
.Ltmp3:
0x103: {  	(pc) =	sbr.rel .LBB2_2-.Ltmp3, $4  }
0x104: {  	_ = 	snop  }
0x105: {  	s4 =	sadd.s32 $0x2800, s18;
	s28 =	sadd.s32 $0x2000, s28  }
0x106: {  	s25 =	sadd.s32 $0x200, s25;
	s26 =	sadd.s32 $0x200, s26;
	s21 =	simm.s32 $0x6000  }
0x107: {  	[tilespmem:s20], [sflag:$0x2] =	stream.linear.gather [hbm4b:s4+s2], $0x4000, $0x38;
	[tilespmem:$0x12000] =	vst v63  }
.LBB2_5:
0x108: {  	_ =	sfence.sel $0x180000  }
0x109: {  	[bflag:$0x0] =	sbarrier.arrive $0xFFFF  }
0x10a: {  	_ =	strace $0x9000004D  }
0x10b: {  	s0 =	stileid.u32;
	[bflag:$0x2] =	sbarrier.arrive $0xFFFF  }
0x10c: {  	p0 =	sne.s32 s0, $0x0;
	s0 =	rddreg [dreg:$0x2]  }
0x10d: {  	s0 =	sadd.s32 @!p0 $0x100000, s0  }
0x10e: {  	[sflag:s0] =	ssyncadd.tile.s32 @!p0 $0x1;
	_ =	shalt  }
.Lfunc_end2:
_tile_overlayer_lowered:
.L_overlay_start_2:
0x10f: {  	(tag) =	ssettag $0x2  }
0x110: {  	s0 =	rddreg [dreg:$0x0];
	s2 =	stileid.u32  }
0x111: {  	s1 =	rddreg [dreg:$0x1];
	p0 =	sne.s32 s2, $0x0  }
0x112: {  	s3 =	rddreg [dreg:$0x2];
	[bflag:$0x3] =	sbarrier.arrive $0xFFFF;
	s2 =	simm.s32 @!p0 $0x1C0D  }
0x113: {  	[timem:s3], [sflag:s2] =	dma.local @!p0 [hbm:s0], s1  }
0x114: {  	s0 =	simm.s32 @!p0 $0xD  }
0x115: {  	_ =	swait.ge @!p0 [sflag:s0], s1  }
0x116: {  	s1 =	ssub.s32 @!p0 $0x0, s1;
	[sflag:s0] =	ssyncset.done @!p0 $0x0  }
0x117: {  	[sflag:s0] =	ssyncadd.s32 @!p0 s1  }
0x118: {  	[bflag:$0x3] =	sbarrier.arrive $0xFFFF  }
0x119: {  	_ =	shalt  }

// kernel: kernel.9.cloned.1.call-start
scs
__scs_entry_jumppad:
0x0: {  	(pc) =	sbr.rel $0x88, $3  }
0x1: {  	(tag) =	ssettag $0x0;
	lr =	simm.s32 $0x1  }
0x2: {  	[smem:$0x3F9B] =	sst lr;
	_ =	strace $0xD0000000  }
0x3: {  	_ = 	snop  }
0x4: {  	_ = 	snop  }
0x5: {  	_ = 	snop  }
0x6: {  	_ = 	snop  }
0x7: {  	_ = 	snop  }
__scs_overlays_trampoline_lowered:
0x8: {  	[smem:$0x3FAA] =	sst s0  }
0x9: {  	[smem:$0x3FAB] =	sst s1  }
0xa: {  	[smem:$0x3FAC] =	sst s2  }
0xb: {  	[smem:$0x3FAD] =	sst s3  }
0xc: {  	[smem:$0x3FAE] =	sst s4  }
0xd: {  	[smem:$0x3FAF] =	sst s5  }
0xe: {  	[smem:$0x3FB0] =	sst s6  }
0xf: {  	[smem:$0x3FB1] =	sst s7  }
0x10: {  	[smem:$0x3FB2] =	sst s8  }
0x11: {  	[smem:$0x3FB3] =	sst s9;
	s0 =	simm.s32 @!p0 $0x0  }
0x12: {  	s1 =	sld [smem:$0x3F99];
	s0 =	simm.s32 @p0 $0x1  }
0x13: {  	[smem:$0x3FB4] =	sst s0;
	s0 =	simm.s32 @!p1 $0x0  }
0x14: {  	s2 =	sld [smem:$0x3F98];
	s0 =	simm.s32 @p1 $0x1  }
0x15: {  	[smem:$0x3FB5] =	sst s0;
	s0 =	simm.s32 @!p2 $0x0  }
0x16: {  	s3 =	sld [smem:$0x3FDB];
	s0 =	simm.s32 @p2 $0x1  }
0x17: {  	s4 =	simm.s32 $0x1BF5;
	[smem:$0x3FB7] =	sst s0  }
0x18: {  	s0 =	sld [smem:$0x3F9A];
	_ =	swait.ge [sflag:s4], $0x0  }
0x19: {  	s7 =	sld [smem:$0x3F9B]  }
0x1a: {  	s8 =	sadd.s32 $0xFFFFE003, lr  }
0x1b: {  	s9 =	sadd.s32 $0xFFFFFEF7, lr;
	s5 =	simm.s32 $0xFFFFFFFF;
	p2 =	slt.u32 s8, $0xFFFFF086  }
0x1c: {  	p1 =	slt.u32 s9, $0xF7A;
	s5 =	simm.s32 @!p2 $0x0  }
0x1d: {  	s5 =	simm.s32 @p1 $0x1;
	p0 =	seq.s32 s7, s2  }
0x1e: {  	s7 =	smul.u32 @!p0 $0xF7A, s2;
	p2 =	seq.s32 @!p0 s5, $0x0  }
0x1f: {  	s9 =	smul.u32 $0xF7A, s1;
	s8 =	simm.s32 @!p0 $0x1BF5;
	p2 =	por !p2, p0  }
0x20: {  	[sflag:s8] =	ssyncset.s32 @!p0 $0xFFFFF086;
	s6 =	sadd.s32 @!p0 s3, s7;
	s7 =	simm.s32 @!p0 $0x108  }
0x21: {  	s3 =	sadd.s32 s3, s9;
	s6 =	sadd.s32 @!p0 $0x88, s6;
	s7 =	simm.s32 @p2 $0x1082  }
0x22: {  	[simem:s7], [sflag:s8] =	dma.local @!p0 [hbm:s6], $0xF7A  }
0x23: {  	s9 =	sor.u32 $0xD0000000, s2;
	s6 =	simm.s32 $0x108;
	_ =	swait.ge @!p0 [sflag:s8], $0x0  }
0x24: {  	s3 =	sadd.s32 $0x88, s3;
	s6 =	simm.s32 @!p1 $0x1082;
	[sflag:s4] =	ssyncset.s32 $0xFFFFF086  }
0x25: {  	[simem:s6], [sflag:s4] =	dma.local [hbm:s3], $0xF7A  }
0x26: {  	[smem:$0x3F9B] =	sst s1;
	(tag) =	ssettag s2;
	_ =	strace s9  }
0x27: {  	s1 =	sld [smem:$0x3FAB]  }
0x28: {  	s2 =	sld [smem:$0x3FAC]  }
0x29: {  	s4 =	sld [smem:$0x3FAE]  }
0x2a: {  	p0 =	seq.s32 s5, $0x0;
	s5 =	sld [smem:$0x3FAF]  }
0x2b: {  	s6 =	sld [smem:$0x3FB0]  }
0x2c: {  	s7 =	sld [smem:$0x3FB1]  }
0x2d: {  	s3 =	simm.s32 $0x108;
	s8 =	sld [smem:$0x3FB2]  }
0x2e: {  	s3 =	simm.s32 @!p0 $0x1082;
	s9 =	sld [smem:$0x3FB3]  }
0x2f: {  	lr =	sadd.s32 s0, s3;
	s0 =	sld [smem:$0x3FAA]  }
0x30: {  	s3 =	sld [smem:$0x3FAD]  }
0x31: {  	[smem:$0x3FB6] =	sst s10  }
0x32: {  	s10 =	sld [smem:$0x3FB4];
	_ =	sdelay $0x3  }
0x33: {  	p0 =	seq.s32 s10, $0x1;
	s10 =	sld [smem:$0x3FB6];
	_ =	sdelay $0x3  }
0x34: {  	[smem:$0x3FB6] =	sst s10  }
0x35: {  	s10 =	sld [smem:$0x3FB5];
	_ =	sdelay $0x3  }
0x36: {  	p1 =	seq.s32 s10, $0x1;
	s10 =	sld [smem:$0x3FB6];
	_ =	sdelay $0x3  }
0x37: {  	[smem:$0x3FB6] =	sst s10  }
0x38: {  	s10 =	sld [smem:$0x3FB7]  }
0x39: {  	_ = 	snop;
	(pc) =	sbr.ind lr, $3  }
0x3a: {  	_ = 	snop  }
0x3b: {  	_ = 	snop  }
0x3c: {  	p2 =	seq.s32 s10, $0x1;
	s10 =	sld [smem:$0x3FB6]  }
0x3d: {  	_ =	shalt  }
0x3e: {  	_ =	shalt  }
0x3f: {  	_ =	shalt  }
0x40: {  	_ =	shalt  }
0x41: {  	_ =	shalt  }
0x42: {  	_ =	shalt  }
0x43: {  	_ =	shalt  }
0x44: {  	_ =	shalt  }
0x45: {  	_ =	shalt  }
0x46: {  	_ =	shalt  }
0x47: {  	_ =	shalt  }
0x48: {  	_ =	shalt  }
0x49: {  	_ =	shalt  }
0x4a: {  	_ =	shalt  }
0x4b: {  	_ =	shalt  }
0x4c: {  	_ =	shalt  }
0x4d: {  	_ =	shalt  }
0x4e: {  	_ =	shalt  }
0x4f: {  	_ =	shalt  }
0x50: {  	_ =	shalt  }
0x51: {  	_ =	shalt  }
0x52: {  	_ =	shalt  }
0x53: {  	_ =	shalt  }
0x54: {  	_ =	shalt  }
0x55: {  	_ =	shalt  }
0x56: {  	_ =	shalt  }
0x57: {  	_ =	shalt  }
0x58: {  	_ =	shalt  }
0x59: {  	_ =	shalt  }
0x5a: {  	_ =	shalt  }
0x5b: {  	_ =	shalt  }
0x5c: {  	_ =	shalt  }
0x5d: {  	_ =	shalt  }
0x5e: {  	_ =	shalt  }
0x5f: {  	_ =	shalt  }
0x60: {  	_ =	shalt  }
0x61: {  	_ =	shalt  }
0x62: {  	_ =	shalt  }
0x63: {  	_ =	shalt  }
0x64: {  	_ =	shalt  }
0x65: {  	_ =	shalt  }
0x66: {  	_ =	shalt  }
0x67: {  	_ =	shalt  }
0x68: {  	_ =	shalt  }
0x69: {  	_ =	shalt  }
0x6a: {  	_ =	shalt  }
0x6b: {  	_ =	shalt  }
0x6c: {  	_ =	shalt  }
0x6d: {  	_ =	shalt  }
0x6e: {  	_ =	shalt  }
0x6f: {  	_ =	shalt  }
0x70: {  	_ =	shalt  }
0x71: {  	_ =	shalt  }
0x72: {  	_ =	shalt  }
0x73: {  	_ =	shalt  }
0x74: {  	_ =	shalt  }
0x75: {  	_ =	shalt  }
0x76: {  	_ =	shalt  }
0x77: {  	_ =	shalt  }
0x78: {  	_ =	shalt  }
0x79: {  	_ =	shalt  }
0x7a: {  	_ =	shalt  }
0x7b: {  	_ =	shalt  }
0x7c: {  	_ =	shalt  }
0x7d: {  	_ =	shalt  }
0x7e: {  	_ =	shalt  }
0x7f: {  	_ =	shalt  }
0x80: {  	_ =	shalt  }
0x81: {  	_ =	shalt  }
0x82: {  	_ =	shalt  }
0x83: {  	_ =	shalt  }
0x84: {  	_ =	shalt  }
0x85: {  	_ =	shalt  }
0x86: {  	_ =	shalt  }
0x87: {  	_ =	shalt  }
.Lfunc_end0:
.L_simem_size_0:
called_computation.3_lowered:
.L_overlay_start_0:
0x88: {  	s2 =	sld [smem:$0x3FD9]  }
0x89: {  	s3 =	sld [smem:$0x3FFE];
	_ =	sdelay $0x1  }
0x8a: {  	s1 =	srdreg.scid  }
0x8b: {  	s0 =	sand.u32 $0x1, s1  }
0x8c: {  	s14 =	sshll.u32 s0, $0xA;
	s2 =	sadd.s32 s3, s2  }
0x8d: {  	s2 =	sadd.s32 s2, s14  }
0x8e: {  	[smem:$0x3FC2] =	sst s2  }
0x8f: {  	_ = 	snop  }
0x90: {  	s2 =	sld [smem:$0x3FD0];
	_ =	sdelay $0x2  }
0x91: {  	s15 =	simm.s32 $0xB;
	s4 =	simm.s32 $0x10  }
0x92: {  	[smem:s4], [sflag:s15] =	dma.local [hbm:s2], $0x1  }
0x93: {  	_ =	swait.eq [sflag:s15], $0x1  }
0x94: {  	[sflag:s15] =	ssyncset.done $0x0  }
0x95: {  	[sflag:s15] =	ssyncadd.s32 $0xFFFFFFFF  }
0x96: {  	s16 =	sld [smem:$0x10];
	(tm) =	ssettm $0x1  }
0x97: {  	s17 =	sld [smem:$0x3FFB];
	_ =	sdelay $0x3  }
0x98: {  	_ =	strace s17  }
0x99: {  	s3 =	sld [smem:$0x3FFC];
	_ =	sdelay $0x3  }
0x9a: {  	_ =	strace s3  }
0x9b: {  	s3 =	sld [smem:$0x3FFD];
	_ =	sdelay $0x3  }
0x9c: {  	_ =	strace s3  }
0x9d: {  	_ =	strace $0x8FFFFFFF  }
0x9e: {  	s18 =	sld [smem:$0x3FDB];
	_ =	sdelay $0x1  }
0x9f: {  	s19 =	simm.s32 $_scs_section_size  }
0xa0: {  	s5 =	simm.s32 $_size__tile_overlayer_lowered;
	s6 =	simm.s32 $_tile_overlayer_lowered  }
0xa1: {  	s22 =	simm.s32 $0x1BFF;
	s21 =	sshll.u32 s6, $0x1;
	s3 =	sadd.s32 s19, s18  }
0xa2: {  	s7 =	simm.s32 $0x0;
	s20 =	sshll.u32 s5, $0x1;
	s5 =	sadd.s32 s21, s3  }
0xa3: {  	[timem:s7], [sflag:s22] =	dma.local [hbm:s5], s20  }
0xa4: {  	_ =	swait.ge [sflag:s22], s20  }
0xa5: {  	s4 =	ssub.s32 $0x0, s20;
	[sflag:s22] =	ssyncset.done $0x0  }
0xa6: {  	[sflag:s22] =	ssyncadd.s32 s4;
	_ =	sdelay $0x1  }
0xa7: {  	s23 =	simm.s32 $0x1B8B  }
0xa8: {  	_ =	swait.ge [sflag:s23], $0x1  }
0xa9: {  	[sflag:s23] =	ssyncset.done $0x0  }
0xaa: {  	s25 =	simm.s32 $0x1B8E;
	s24 =	sld [smem:$0x3FFE];
	[sflag:s23] =	ssyncadd.s32 $0xFFFFFFFF  }
0xab: {  	s26 =	simm.s32 $execute0_lowered;
	[smem:$0x3FD2] =	sst s25  }
0xac: {  	s5 =	sshll.u32 s26, $0x1;
	_ =	strace $0x8000004F;
	[dreg:$0x1] =	wrdreg $0xFFFFFFFF  }
0xad: {  	s28 =	simm.s32 $_size_execute0_lowered;
	s3 =	sadd.s32 s3, s5;
	[dreg:$0x0] =	wrdreg $0x0  }
0xae: {  	s5 =	sshll.u32 s28, $0x1;
	[dreg:$0x2] =	wrdreg s3  }
0xaf: {  	[dreg:$0x3] =	wrdreg s5  }
0xb0: {  	[dreg:$0x4] =	wrdreg $0xC0  }
0xb1: {  	_ =	task [dreg:s7], $0x5FFFF  }
0xb2: {  	[dreg:$0x1] =	wrdreg $0xFFFFFFFF  }
0xb3: {  	[dreg:$0x0] =	wrdreg $0x60  }
0xb4: {  	[dreg:$0x2] =	wrdreg s24  }
0xb5: {  	[dreg:$0x3] =	wrdreg s16  }
0xb6: {  	[dreg:$0x4] =	wrdreg $0x9  }
0xb7: {  	_ =	task.clear_ibuf [dreg:s7], $0x5FFFF;
	_ =	strace $0x9000004F  }
0xb8: {  	s29 =	simm.s32 $0x9;
	_ =	strace $0x80000051  }
0xb9: {  	_ =	swait.ge [sflag:s29], $0x1  }
0xba: {  	[sflag:s29] =	ssyncadd.s32 $0xFFFFFFFF  }
0xbb: {  	_ =	strace $0x90000051  }
0xbc: {  	_ =	sfence  }
0xbd: {  	s30 =	sld [smem:$0x0];
	_ =	sdelay $0x2  }
0xbe: {  	s31 =	sshll.u32 s1, $0xD;
	s1 =	sshrl.u32 s1, $0x2  }
0xbf: {  	s3 =	sand.u32 $0x4000, s31;
	s1 =	sadd.s32 s1, s30  }
0xc0: {  	s0 =	sor.u32 s3, s0;
	s1 =	sshll.u32 s1, $0x11  }
0xc1: {  	s0 =	sor.u32 s1, s0  }
0xc2: {  	s0 =	sadd.s32 $0x8F2B, s0  }
0xc3: {  	[sflag:s0] =	ssyncadd.remote.s32 $0x1  }
0xc4: {  	_ =	sfence.sel $0xFFFF  }
0xc5: {  	[dreg:$0x0] =	wrdreg $0xFFFFFFFF;
	(pc) =	sbr.abs _section_cstart, $3  }
0xc6: {  	[dreg:$0x1] =	wrdreg $0xFFFFFFFF  }
0xc7: {  	_ =	task.clear_ibuf [dreg:s7], $0x2FFFF;
	_ =	strace $0x9FFFFFFF  }
0xc8: {  	(tm) =	ssettm $0x7FFFFFFF  }
0xc9: {  	_ =	shalt  }
tec
execute0_lowered:
.L_overlay_start_1:
0x0: {  	(tag) =	ssettag $0x1  }
0x1: {  	s0 =	rddreg [dreg:$0x0]  }
0x2: {  	s12 =	rddreg [dreg:$0x1]  }
0x3: {  	s1 =	srdreg.scid;
	s2 =	stileid.u32;
	s3 =	simm.s32 $0x0  }
0x4: {  	s31 =	simm.s32 $0x1A000;
	s18 =	simm.s32 $0x9;
	s22 =	simm.s32 $0x200  }
0x5: {  	s30 =	simm.s32 $0xE000;
	s29 =	simm.s32 $0xC;
	s20 =	simm.s32 $0x5  }
0x6: {  	s21 =	simm.s32 $0x6;
	s13 =	simm.s32 $0x8;
	s28 =	simm.s32 $0x10  }
0x7: {  	s1 =	sand.u32 $0x1, s1;
	[smem:$0x7FF] =	sst s3;
	s4 =	sadd.s32 $0x702000, s0  }
0x8: {  	s2 =	sshll.u32 s2, $0x1;
	s7 =	sadd.s32 $0x702200, s0;
	s9 =	sadd.s32 $0x702400, s0  }
0x9: {  	s10 =	sadd.s32 $0x702600, s0;
	s11 =	sadd.s32 $0x40, s12;
	s24 =	sadd.s32 $0x800, s12  }
0xa: {  	s25 =	sadd.s32 $0x840, s12;
	s2 =	sor.u32 s1, s2;
	s1 =	ssub.s32 $0x2, s1  }
0xb: {  	_ =	strace $0x80000050;
	[dreg:$0x5] =	wrdreg s24;
	s5 =	sshll.u32 s2, $0xA  }
0xc: {  	[dreg:$0x6] =	wrdreg s25;
	s6 =	sshrl.u32 s1, $0x1;
	s5 =	sadd.s32 s5, s0  }
.Ltmp0:
0xd: {  	s8 =	sshll.u32 s2, $0x10;
	s23 =	sadd.s32 $0xAA00, s5;
	(pc) =	sbr.rel .LBB2_1-.Ltmp0, $4  }
0xe: {  	s1 =	ssub.s32 s1, s6;
	s5 =	sadd.s32 $0x12A00, s5;
	[dreg:$0x3] =	wrdreg s23  }
0xf: {  	v0 =	vlaneseq.u32;
	s14 =	sadd.s32 s12, s8;
	s26 =	smax.u32 s1, $0x1;
	[dreg:$0x4] =	wrdreg s5  }
0x10: {  	v1 =	vshrl.u32 v0, $0x2;
	s12 =	simm.s32 $0x7;
	s1 =	simm.s32 $0xB;
	[dreg:$0x7] =	wrdreg s26  }
0x11: {  	vm0 =	vmmov $0xffff;
	v0 =	vand.u32 $0x3, v0;
	v1 =	vmul.u32 $0x8, v1;
	s23 =	simm.s32 $0x400;
	s26 =	simm.s32 $0xA;
	s5 =	simm.s32 $0x0  }
.LBB2_36:
0x12: {  	s0 =	simm.s32 $0xD  }
0x13: {  	_ =	swait.ge [sflag:s0], $0x2000  }
0x14: {  	[sflag:s0] =	ssyncset.done $0x0  }
0x15: {  	s15 =	simm.s32 $0xE;
	[sflag:s0] =	ssyncadd.s32 $0xFFFFE000  }
0x16: {  	_ =	swait.ge [sflag:s15], $0x2000  }
0x17: {  	[sflag:s15] =	ssyncset.done $0x0  }
0x18: {  	s16 =	simm.s32 $0xF;
	[sflag:s15] =	ssyncadd.s32 $0xFFFFE000  }
0x19: {  	_ =	swait.ge [sflag:s16], $0x2000  }
0x1a: {  	[sflag:s16] =	ssyncset.done $0x0  }
0x1b: {  	[sflag:s16] =	ssyncadd.s32 $0xFFFFE000  }
0x1c: {  	_ =	swait.ge [sflag:s28], $0x2000  }
0x1d: {  	[sflag:s28] =	ssyncset.done $0x0  }
0x1e: {  	s17 =	simm.s32 $0x11;
	[sflag:s28] =	ssyncadd.s32 $0xFFFFE000  }
0x1f: {  	_ =	swait.ge [sflag:s17], $0x2000  }
0x20: {  	[sflag:s17] =	ssyncset.done $0x0  }
0x21: {  	s19 =	simm.s32 $0x12;
	[sflag:s17] =	ssyncadd.s32 $0xFFFFE000  }
0x22: {  	_ =	swait.ge [sflag:s19], $0x2000  }
0x23: {  	[sflag:s19] =	ssyncset.done $0x0  }
0x24: {  	s24 =	simm.s32 $0x13;
	[sflag:s19] =	ssyncadd.s32 $0xFFFFE000  }
0x25: {  	_ =	swait.ge [sflag:s24], $0x2000  }
0x26: {  	[sflag:s24] =	ssyncset.done $0x0  }
0x27: {  	s2 =	simm.s32 $0x14;
	[sflag:s24] =	ssyncadd.s32 $0xFFFFE000  }
0x28: {  	_ =	swait.ge [sflag:s2], $0x2000  }
0x29: {  	s5 =	rddreg [dreg:$0x8]  }
0x2a: {  	s25 =	rddreg [dreg:$0x7];
	s5 =	sadd.s32 $0x1, s5  }
0x2b: {  	p0 =	sne.s32 s5, s25  }
.Ltmp1:
0x2c: {  	_ = 	snop;
	(pc) =	sbr.rel @!p0 .LBB2_37-.Ltmp1, $3  }
0x2d: {  	_ =	sdelay $0x1  }
0x2e: {  	[sflag:s2] =	ssyncset.done $0x0  }
0x2f: {  	[sflag:s2] =	ssyncadd.s32 $0xFFFFE000  }
.LBB2_1:
0x30: {  	[dreg:$0x8] =	wrdreg s5  }
0x31: {  	s0 =	rddreg [dreg:$0x3];
	s2 =	simm.s32 $0x15  }
0x32: {  	[tilespmem:s3], [sflag:$0x15] =	stream.linear.gather [hbm4b:s0+s3], $0x2000, $0x38;
	[tilespmem:$0x1C000] =	vst v63  }
0x33: {  	_ =	swait.ge [sflag:s2], $0x2000  }
0x34: {  	[sflag:s2] =	ssyncset.done $0x0  }
0x35: {  	s17 =	simm.s32 $0x2000;
	s16 =	rddreg [dreg:$0x4];
	[sflag:s2] =	ssyncadd.s32 $0xFFFFE000  }
0x36: {  	[tilespmem:s17], [sflag:$0x15] =	stream.linear.gather [hbm4b:s16+s3], $0x2000, $0x38;
	[tilespmem:$0x1C000] =	vst v63  }
0x37: {  	_ =	swait.ge [sflag:s2], $0x2000  }
0x38: {  	[sflag:s2] =	ssyncset.done $0x0  }
0x39: {  	[sflag:s2] =	ssyncadd.s32 $0xFFFFE000  }
0x3a: {  	v2 =	vld.msk [tilespmem:$0x0], $0xf;
	_ =	sdelay $0x4  }
0x3b: {  	v3 =	vshll.u32 v2, $0x4  }
0x3c: {  	v2 =	vand.u32 $0x7, v2;
	v3 =	vand.u32 $0xFFFFFF80, v3  }
0x3d: {  	v2 =	vor.u32 v2, v3  }
0x3e: {  	v2 =	vperm.xlane v2, v0;
	_ =	sdelay $0x1  }
0x3f: {  	v2 =	vadd.s32 v1, v2;
	_ =	sdelay $0x3  }
0x40: {  	s19 =	simm.s32 $0x4000  }
0x41: {  	[tilespmem:s19], [sflag:$0x1] =	stream.indirect_vreg.gather [hbm4b:s4+s3], $0x80, v2, vm0, $0xb8;
	[tilespmem:$0x1C000] =	vst v63  }
0x42: {  	s24 =	simm.s32 $0x4800  }
0x43: {  	[tilespmem:s24], [sflag:$0x1] =	stream.indirect_vreg.gather [hbm4b:s7+s3], $0x80, v2, vm0, $0xb8;
	[tilespmem:$0x1C000] =	vst v63  }
0x44: {  	s25 =	simm.s32 $0x5000  }
0x45: {  	[tilespmem:s25], [sflag:$0x1] =	stream.indirect_vreg.gather [hbm4b:s9+s3], $0x80, v2, vm0, $0xb8;
	[tilespmem:$0x1C000] =	vst v63  }
0x46: {  	s2 =	simm.s32 $0x5800  }
0x47: {  	[tilespmem:s2], [sflag:$0x1] =	stream.indirect_vreg.gather [hbm4b:s10+s3], $0x80, v2, vm0, $0xb8;
	[tilespmem:$0x1C000] =	vst v63  }
0x48: {  	v2 =	vld.msk [tilespmem:$0x2000], $0xf;
	_ =	sdelay $0x4  }
0x49: {  	v3 =	vshll.u32 v2, $0x4  }
0x4a: {  	v2 =	vand.u32 $0x7, v2;
	v3 =	vand.u32 $0xFFFFFF80, v3  }
0x4b: {  	v2 =	vor.u32 v2, v3  }
0x4c: {  	v2 =	vperm.xlane v2, v0;
	_ =	sdelay $0x1  }
0x4d: {  	v2 =	vadd.s32 v1, v2;
	_ =	sdelay $0x3  }
0x4e: {  	s5 =	simm.s32 $0x14000  }
0x4f: {  	[tilespmem:s5], [sflag:$0x9] =	stream.indirect_vreg.gather [hbm4b:s4+s3], $0x80, v2, vm0, $0xb8;
	[tilespmem:$0x1C000] =	vst v63  }
0x50: {  	s6 =	simm.s32 $0x14800  }
0x51: {  	[tilespmem:s6], [sflag:$0x9] =	stream.indirect_vreg.gather [hbm4b:s7+s3], $0x80, v2, vm0, $0xb8;
	[tilespmem:$0x1C000] =	vst v63  }
0x52: {  	s15 =	simm.s32 $0x15000  }
0x53: {  	[tilespmem:s15], [sflag:$0x9] =	stream.indirect_vreg.gather [hbm4b:s9+s3], $0x80, v2, vm0, $0xb8;
	[tilespmem:$0x1C000] =	vst v63  }
0x54: {  	s16 =	simm.s32 $0x15800  }
0x55: {  	[tilespmem:s16], [sflag:$0x9] =	stream.indirect_vreg.gather [hbm4b:s10+s3], $0x80, v2, vm0, $0xb8;
	[tilespmem:$0x1C000] =	vst v63  }
0x56: {  	v2 =	vld.msk [tilespmem:$0x80], $0xf;
	_ =	sdelay $0x4  }
0x57: {  	v3 =	vshll.u32 v2, $0x4  }
0x58: {  	v2 =	vand.u32 $0x7, v2;
	v3 =	vand.u32 $0xFFFFFF80, v3  }
0x59: {  	v2 =	vor.u32 v2, v3  }
0x5a: {  	v2 =	vperm.xlane v2, v0;
	_ =	sdelay $0x1  }
0x5b: {  	v2 =	vadd.s32 v1, v2;
	_ =	sdelay $0x3  }
0x5c: {  	s17 =	simm.s32 $0x6000  }
0x5d: {  	[tilespmem:s17], [sflag:$0x2] =	stream.indirect_vreg.gather [hbm4b:s4+s3], $0x80, v2, vm0, $0xb8;
	[tilespmem:$0x1C000] =	vst v63  }
0x5e: {  	s19 =	simm.s32 $0x6800  }
0x5f: {  	[tilespmem:s19], [sflag:$0x2] =	stream.indirect_vreg.gather [hbm4b:s7+s3], $0x80, v2, vm0, $0xb8;
	[tilespmem:$0x1C000] =	vst v63  }
0x60: {  	s24 =	simm.s32 $0x7000  }
0x61: {  	[tilespmem:s24], [sflag:$0x2] =	stream.indirect_vreg.gather [hbm4b:s9+s3], $0x80, v2, vm0, $0xb8;
	[tilespmem:$0x1C000] =	vst v63  }
0x62: {  	s25 =	simm.s32 $0x7800  }
0x63: {  	[tilespmem:s25], [sflag:$0x2] =	stream.indirect_vreg.gather [hbm4b:s10+s3], $0x80, v2, vm0, $0xb8;
	[tilespmem:$0x1C000] =	vst v63  }
0x64: {  	v2 =	vld.msk [tilespmem:$0x2080], $0xf;
	_ =	sdelay $0x4  }
0x65: {  	v3 =	vshll.u32 v2, $0x4  }
0x66: {  	v2 =	vand.u32 $0x7, v2;
	v3 =	vand.u32 $0xFFFFFF80, v3  }
0x67: {  	v2 =	vor.u32 v2, v3  }
0x68: {  	v2 =	vperm.xlane v2, v0;
	_ =	sdelay $0x1  }
0x69: {  	v2 =	vadd.s32 v1, v2;
	_ =	sdelay $0x3  }
0x6a: {  	s2 =	simm.s32 $0x16000  }
0x6b: {  	[tilespmem:s2], [sflag:$0xA] =	stream.indirect_vreg.gather [hbm4b:s4+s3], $0x80, v2, vm0, $0xb8;
	[tilespmem:$0x1C000] =	vst v63  }
0x6c: {  	s5 =	simm.s32 $0x16800  }
0x6d: {  	[tilespmem:s5], [sflag:$0xA] =	stream.indirect_vreg.gather [hbm4b:s7+s3], $0x80, v2, vm0, $0xb8;
	[tilespmem:$0x1C000] =	vst v63  }
0x6e: {  	s6 =	simm.s32 $0x17000  }
0x6f: {  	[tilespmem:s6], [sflag:$0xA] =	stream.indirect_vreg.gather [hbm4b:s9+s3], $0x80, v2, vm0, $0xb8;
	[tilespmem:$0x1C000] =	vst v63  }
0x70: {  	s15 =	simm.s32 $0x17800  }
0x71: {  	[tilespmem:s15], [sflag:$0xA] =	stream.indirect_vreg.gather [hbm4b:s10+s3], $0x80, v2, vm0, $0xb8;
	[tilespmem:$0x1C000] =	vst v63  }
0x72: {  	v2 =	vld.msk [tilespmem:$0x100], $0xf;
	_ =	sdelay $0x4  }
0x73: {  	v3 =	vshll.u32 v2, $0x4  }
0x74: {  	v2 =	vand.u32 $0x7, v2;
	v3 =	vand.u32 $0xFFFFFF80, v3  }
0x75: {  	v2 =	vor.u32 v2, v3  }
0x76: {  	v2 =	vperm.xlane v2, v0;
	_ =	sdelay $0x1  }
0x77: {  	v2 =	vadd.s32 v1, v2;
	_ =	sdelay $0x3  }
0x78: {  	s16 =	simm.s32 $0x8000  }
0x79: {  	[tilespmem:s16], [sflag:$0x3] =	stream.indirect_vreg.gather [hbm4b:s4+s3], $0x80, v2, vm0, $0xb8;
	[tilespmem:$0x1C000] =	vst v63  }
0x7a: {  	s17 =	simm.s32 $0x8800  }
0x7b: {  	[tilespmem:s17], [sflag:$0x3] =	stream.indirect_vreg.gather [hbm4b:s7+s3], $0x80, v2, vm0, $0xb8;
	[tilespmem:$0x1C000] =	vst v63  }
0x7c: {  	s19 =	simm.s32 $0x9000  }
0x7d: {  	[tilespmem:s19], [sflag:$0x3] =	stream.indirect_vreg.gather [hbm4b:s9+s3], $0x80, v2, vm0, $0xb8;
	[tilespmem:$0x1C000] =	vst v63  }
0x7e: {  	s24 =	simm.s32 $0x9800  }
0x7f: {  	[tilespmem:s24], [sflag:$0x3] =	stream.indirect_vreg.gather [hbm4b:s10+s3], $0x80, v2, vm0, $0xb8;
	[tilespmem:$0x1C000] =	vst v63  }
0x80: {  	v2 =	vld.msk [tilespmem:$0x2100], $0xf;
	_ =	sdelay $0x4  }
0x81: {  	v3 =	vshll.u32 v2, $0x4  }
0x82: {  	v2 =	vand.u32 $0x7, v2;
	v3 =	vand.u32 $0xFFFFFF80, v3  }
0x83: {  	v2 =	vor.u32 v2, v3  }
0x84: {  	v2 =	vperm.xlane v2, v0;
	_ =	sdelay $0x1  }
0x85: {  	v2 =	vadd.s32 v1, v2;
	_ =	sdelay $0x3  }
0x86: {  	s25 =	simm.s32 $0x18000  }
0x87: {  	[tilespmem:s25], [sflag:$0xB] =	stream.indirect_vreg.gather [hbm4b:s4+s3], $0x80, v2, vm0, $0xb8;
	[tilespmem:$0x1C000] =	vst v63  }
0x88: {  	s2 =	simm.s32 $0x18800  }
0x89: {  	[tilespmem:s2], [sflag:$0xB] =	stream.indirect_vreg.gather [hbm4b:s7+s3], $0x80, v2, vm0, $0xb8;
	[tilespmem:$0x1C000] =	vst v63  }
0x8a: {  	s5 =	simm.s32 $0x19000  }
0x8b: {  	[tilespmem:s5], [sflag:$0xB] =	stream.indirect_vreg.gather [hbm4b:s9+s3], $0x80, v2, vm0, $0xb8;
	[tilespmem:$0x1C000] =	vst v63  }
0x8c: {  	s6 =	simm.s32 $0x19800  }
0x8d: {  	[tilespmem:s6], [sflag:$0xB] =	stream.indirect_vreg.gather [hbm4b:s10+s3], $0x80, v2, vm0, $0xb8;
	[tilespmem:$0x1C000] =	vst v63  }
0x8e: {  	v2 =	vld.msk [tilespmem:$0x180], $0xf;
	_ =	sdelay $0x4  }
0x8f: {  	v3 =	vshll.u32 v2, $0x4  }
0x90: {  	v2 =	vand.u32 $0x7, v2;
	v3 =	vand.u32 $0xFFFFFF80, v3  }
0x91: {  	v2 =	vor.u32 v2, v3  }
0x92: {  	v2 =	vperm.xlane v2, v0;
	_ =	sdelay $0x1  }
0x93: {  	v2 =	vadd.s32 v1, v2;
	_ =	sdelay $0x3  }
0x94: {  	s15 =	simm.s32 $0xA000  }
0x95: {  	[tilespmem:s15], [sflag:$0x4] =	stream.indirect_vreg.gather [hbm4b:s4+s3], $0x80, v2, vm0, $0xb8;
	[tilespmem:$0x1C000] =	vst v63  }
0x96: {  	s16 =	simm.s32 $0xA800  }
0x97: {  	[tilespmem:s16], [sflag:$0x4] =	stream.indirect_vreg.gather [hbm4b:s7+s3], $0x80, v2, vm0, $0xb8;
	[tilespmem:$0x1C000] =	vst v63  }
0x98: {  	s17 =	simm.s32 $0xB000  }
0x99: {  	[tilespmem:s17], [sflag:$0x4] =	stream.indirect_vreg.gather [hbm4b:s9+s3], $0x80, v2, vm0, $0xb8;
	[tilespmem:$0x1C000] =	vst v63  }
0x9a: {  	s19 =	simm.s32 $0xB800  }
0x9b: {  	[tilespmem:s19], [sflag:$0x4] =	stream.indirect_vreg.gather [hbm4b:s10+s3], $0x80, v2, vm0, $0xb8;
	[tilespmem:$0x1C000] =	vst v63  }
0x9c: {  	v2 =	vld.msk [tilespmem:$0x2180], $0xf;
	_ =	sdelay $0x4  }
0x9d: {  	v3 =	vshll.u32 v2, $0x4  }
0x9e: {  	v2 =	vand.u32 $0x7, v2;
	v3 =	vand.u32 $0xFFFFFF80, v3  }
0x9f: {  	v2 =	vor.u32 v2, v3  }
0xa0: {  	v2 =	vperm.xlane v2, v0;
	_ =	sdelay $0x1  }
0xa1: {  	v2 =	vadd.s32 v1, v2;
	_ =	sdelay $0x4  }
0xa2: {  	[tilespmem:s31], [sflag:$0xC] =	stream.indirect_vreg.gather [hbm4b:s4+s3], $0x80, v2, vm0, $0xb8;
	[tilespmem:$0x1C000] =	vst v63  }
0xa3: {  	s24 =	simm.s32 $0x1A800  }
0xa4: {  	[tilespmem:s24], [sflag:$0xC] =	stream.indirect_vreg.gather [hbm4b:s7+s3], $0x80, v2, vm0, $0xb8;
	[tilespmem:$0x1C000] =	vst v63  }
0xa5: {  	s25 =	simm.s32 $0x1B000  }
0xa6: {  	[tilespmem:s25], [sflag:$0xC] =	stream.indirect_vreg.gather [hbm4b:s9+s3], $0x80, v2, vm0, $0xb8;
	[tilespmem:$0x1C000] =	vst v63  }
0xa7: {  	s16 =	simm.s32 $0x0;
	s31 =	simm.s32 $0x1B800  }
0xa8: {  	[tilespmem:s31], [sflag:$0xC] =	stream.indirect_vreg.gather [hbm4b:s10+s3], $0x80, v2, vm0, $0xb8;
	[tilespmem:$0x1C000] =	vst v63  }
.LBB2_2:
0xa9: {  	s0 =	simm.s32 $0x1  }
0xaa: {  	_ =	swait.ge [sflag:s0], $0x2000  }
0xab: {  	[sflag:s0] =	ssyncset.done $0x0  }
0xac: {  	[sflag:s0] =	ssyncadd.s32 $0xFFFFE000  }
0xad: {  	_ =	swait.ge [sflag:s18], $0x2000  }
0xae: {  	s2 =	simm.s32 $0x0;
	[sflag:s18] =	ssyncset.done $0x0  }
0xaf: {  	s5 =	simm.s32 $0x4000;
	s6 =	simm.s32 $0x14040;
	[sflag:s18] =	ssyncadd.s32 $0xFFFFE000  }
.LBB2_3:
0xb0: {  	v2 =	vmov s6;
	_ =	sdelay $0x3  }
0xb1: {  	s15 =	simm.s32 $0x0;
	s17 =	simm.s32 $0x800  }
.LBB2_4:
0xb2: {  	p0 =	sne.s32 s17, $0x7800;
	v3 =	vld.idx.msk [tilespmem:v2+s15+$0xFFFFFFC0 ss:$0x1], $0xffff;
	_ =	sdelay $0x4  }
0xb3: {  	s0 =	sadd.s32 s15, s5  }
0xb4: {  	[tilespmem:s0+$0x0] =	vst.add.f32.msk $0xffff, v3  }
0xb5: {  	v3 =	vld.idx.msk [tilespmem:v2+s15+$0xFFFFFFD0 ss:$0x1], $0xffff;
	_ =	sdelay $0x5  }
0xb6: {  	[tilespmem:s0+$0x10] =	vst.add.f32.msk $0xffff, v3  }
0xb7: {  	v3 =	vld.idx.msk [tilespmem:v2+s15+$0xFFFFFFE0 ss:$0x1], $0xffff;
	_ =	sdelay $0x5  }
0xb8: {  	[tilespmem:s0+$0x20] =	vst.add.f32.msk $0xffff, v3  }
0xb9: {  	v3 =	vld.idx.msk [tilespmem:v2+s15+$0xFFFFFFF0 ss:$0x1], $0xffff;
	_ =	sdelay $0x5  }
0xba: {  	[tilespmem:s0+$0x30] =	vst.add.f32.msk $0xffff, v3  }
0xbb: {  	v3 =	vld.idx.msk [tilespmem:v2+s15+$0x0 ss:$0x1], $0xffff;
	_ =	sdelay $0x5  }
0xbc: {  	[tilespmem:s0+$0x40] =	vst.add.f32.msk $0xffff, v3  }
0xbd: {  	v3 =	vld.idx.msk [tilespmem:v2+s15+$0x10 ss:$0x1], $0xffff;
	_ =	sdelay $0x5  }
0xbe: {  	[tilespmem:s0+$0x50] =	vst.add.f32.msk $0xffff, v3  }
0xbf: {  	v3 =	vld.idx.msk [tilespmem:v2+s15+$0x20 ss:$0x1], $0xffff;
	_ =	sdelay $0x5  }
0xc0: {  	[tilespmem:s0+$0x60] =	vst.add.f32.msk $0xffff, v3  }
0xc1: {  	v3 =	vld.idx.msk [tilespmem:v2+s15+$0x30 ss:$0x1], $0xffff;
	_ =	sdelay $0x1  }
.Ltmp2:
0xc2: {  	(pc) =	sbr.rel @p0 .LBB2_4-.Ltmp2, $2  }
0xc3: {  	_ =	sdelay $0x2  }
0xc4: {  	s15 =	sshra.s32 s17, $0x2;
	s17 =	sadd.s32 $0x800, s17;
	[tilespmem:s0+$0x70] =	vst.add.f32.msk $0xffff, v3  }
0xc5: {  	_ =	sdelay $0x3  }
0xc6: {  	v3 =	vld.idx.msk [tilespmem:v2+s15+$0xFFFFFFC0 ss:$0x1], $0xffff;
	_ =	sdelay $0x3  }
0xc7: {  	s0 =	sadd.s32 s15, s5  }
0xc8: {  	[tilespmem:s0+$0x0] =	vst.add.f32.msk $0xffff, v3  }
0xc9: {  	v3 =	vld.idx.msk [tilespmem:v2+s15+$0xFFFFFFD0 ss:$0x1], $0xffff;
	_ =	sdelay $0x4  }
0xca: {  	[tilespmem:s0+$0x10] =	vst.add.f32.msk $0xffff, v3  }
0xcb: {  	v3 =	vld.idx.msk [tilespmem:v2+s15+$0xFFFFFFE0 ss:$0x1], $0xffff;
	_ =	sdelay $0x4  }
0xcc: {  	[tilespmem:s0+$0x20] =	vst.add.f32.msk $0xffff, v3  }
0xcd: {  	v3 =	vld.idx.msk [tilespmem:v2+s15+$0xFFFFFFF0 ss:$0x1], $0xffff;
	_ =	sdelay $0x4  }
0xce: {  	[tilespmem:s0+$0x30] =	vst.add.f32.msk $0xffff, v3  }
0xcf: {  	v3 =	vld.idx.msk [tilespmem:v2+s15+$0x0 ss:$0x1], $0xffff;
	_ =	sdelay $0x4  }
0xd0: {  	[tilespmem:s0+$0x40] =	vst.add.f32.msk $0xffff, v3  }
0xd1: {  	v3 =	vld.idx.msk [tilespmem:v2+s15+$0x10 ss:$0x1], $0xffff;
	_ =	sdelay $0x4  }
0xd2: {  	[tilespmem:s0+$0x50] =	vst.add.f32.msk $0xffff, v3  }
0xd3: {  	v3 =	vld.idx.msk [tilespmem:v2+s15+$0x20 ss:$0x1], $0xffff;
	_ =	sdelay $0x4  }
0xd4: {  	s2 =	sadd.s32 $0x1, s2;
	[tilespmem:s0+$0x60] =	vst.add.f32.msk $0xffff, v3  }
0xd5: {  	p0 =	sne.s32 s2, $0x4;
	v2 =	vld.idx.msk [tilespmem:v2+s15+$0x30 ss:$0x1], $0xffff  }
.Ltmp3:
0xd6: {  	_ = 	snop;
	(pc) =	sbr.rel @p0 .LBB2_3-.Ltmp3, $2  }
0xd7: {  	_ =	sdelay $0x2  }
0xd8: {  	s5 =	sadd.s32 $0x80, s5;
	s6 =	sadd.s32 $0x80, s6;
	[tilespmem:s0+$0x70] =	vst.add.f32.msk $0xffff, v2  }
0xd9: {  	s0 =	sshll.u32 s16, $0xD  }
0xda: {  	s6 =	rddreg [dreg:$0x1];
	s2 =	sadd.s32 s8, s0  }
0xdb: {  	s5 =	simm.s32 $0x4000;
	p0 =	seq.s32 s16, $0x0;
	s0 =	sadd.s32 s6, s2  }
0xdc: {  	[hbm4b:s0+s22] =	stream.strided.scatter [tilespmem:s5], [sflag:$0xD], $0x2000, s23, s22, $0x38;
	[tilespmem:$0x1C000] =	vst v63  }
0xdd: {  	s0 =	simm.s32 @!p0 $0x11  }
0xde: {  	s31 =	sshll.u32 s16, $0x3;
	_ =	swait.ge @!p0 [sflag:s0], $0x2000  }
0xdf: {  	s24 =	sor.u32 $0x4, s31;
	[sflag:s0] =	ssyncset.done @!p0 $0x0  }
0xe0: {  	s15 =	sshll.u32 s24, $0x7;
	[sflag:s0] =	ssyncadd.s32 @!p0 $0xFFFFE000  }
0xe1: {  	v2 =	vld.msk [tilespmem:s15+$0x0], $0xf;
	_ =	sdelay $0x4  }
0xe2: {  	v3 =	vshll.u32 v2, $0x4  }
0xe3: {  	v2 =	vand.u32 $0x7, v2;
	v3 =	vand.u32 $0xFFFFFF80, v3  }
0xe4: {  	v2 =	vor.u32 v2, v3  }
0xe5: {  	v2 =	vperm.xlane v2, v0;
	_ =	sdelay $0x1  }
0xe6: {  	v2 =	vadd.s32 v1, v2;
	_ =	sdelay $0x3  }
0xe7: {  	s6 =	simm.s32 $0xC000;
	s5 =	simm.s32 $0x0  }
0xe8: {  	[tilespmem:s6], [sflag:$0x5] =	stream.indirect_vreg.gather [hbm4b:s4+s5], $0x80, v2, vm0, $0xb8;
	[tilespmem:$0x1C000] =	vst v63  }
0xe9: {  	s17 =	simm.s32 $0xC800  }
0xea: {  	[tilespmem:s17], [sflag:$0x5] =	stream.indirect_vreg.gather [hbm4b:s7+s5], $0x80, v2, vm0, $0xb8;
	[tilespmem:$0x1C000] =	vst v63  }
0xeb: {  	s19 =	simm.s32 $0xD000  }
0xec: {  	[tilespmem:s19], [sflag:$0x5] =	stream.indirect_vreg.gather [hbm4b:s9+s5], $0x80, v2, vm0, $0xb8;
	[tilespmem:$0x1C000] =	vst v63  }
0xed: {  	s25 =	simm.s32 $0xD800  }
0xee: {  	[tilespmem:s25], [sflag:$0x5] =	stream.indirect_vreg.gather [hbm4b:s10+s5], $0x80, v2, vm0, $0xb8;
	[tilespmem:$0x1C000] =	vst v63  }
0xef: {  	v2 =	vld.msk [tilespmem:s15+$0x2000], $0xf;
	_ =	sdelay $0x4  }
0xf0: {  	v3 =	vshll.u32 v2, $0x4  }
0xf1: {  	v2 =	vand.u32 $0x7, v2;
	v3 =	vand.u32 $0xFFFFFF80, v3  }
0xf2: {  	v2 =	vor.u32 v2, v3  }
0xf3: {  	v2 =	vperm.xlane v2, v0;
	_ =	sdelay $0x1  }
0xf4: {  	v2 =	vadd.s32 v1, v2;
	_ =	sdelay $0x3  }
0xf5: {  	s6 =	simm.s32 $0x14000  }
0xf6: {  	[tilespmem:s6], [sflag:$0x9] =	stream.indirect_vreg.gather [hbm4b:s4+s5], $0x80, v2, vm0, $0xb8;
	[tilespmem:$0x1C000] =	vst v63  }
0xf7: {  	s15 =	simm.s32 $0x14800  }
0xf8: {  	[tilespmem:s15], [sflag:$0x9] =	stream.indirect_vreg.gather [hbm4b:s7+s5], $0x80, v2, vm0, $0xb8;
	[tilespmem:$0x1C000] =	vst v63  }
0xf9: {  	s17 =	simm.s32 $0x15000  }
0xfa: {  	[tilespmem:s17], [sflag:$0x9] =	stream.indirect_vreg.gather [hbm4b:s9+s5], $0x80, v2, vm0, $0xb8;
	[tilespmem:$0x1C000] =	vst v63  }
0xfb: {  	s19 =	simm.s32 $0x15800;
	s25 =	simm.s32 $0x2  }
0xfc: {  	[tilespmem:s19], [sflag:$0x9] =	stream.indirect_vreg.gather [hbm4b:s10+s5], $0x80, v2, vm0, $0xb8;
	[tilespmem:$0x1C000] =	vst v63  }
0xfd: {  	_ =	swait.ge [sflag:s25], $0x2000  }
0xfe: {  	[sflag:s25] =	ssyncset.done $0x0  }
0xff: {  	[sflag:s25] =	ssyncadd.s32 $0xFFFFE000  }
0x100: {  	_ =	swait.ge [sflag:s26], $0x2000  }
0x101: {  	[sflag:s26] =	ssyncset.done $0x0  }
0x102: {  	s6 =	simm.s32 $0x6000;
	s17 =	simm.s32 $0x16040;
	[sflag:s26] =	ssyncadd.s32 $0xFFFFE000  }
.LBB2_7:
0x103: {  	v2 =	vmov s17;
	_ =	sdelay $0x3  }
0x104: {  	s15 =	simm.s32 $0x0;
	s25 =	simm.s32 $0x800  }
.LBB2_8:
0x105: {  	p1 =	sne.s32 s25, $0x7800;
	v3 =	vld.idx.msk [tilespmem:v2+s15+$0xFFFFFFC0 ss:$0x1], $0xffff;
	_ =	sdelay $0x4  }
0x106: {  	s0 =	sadd.s32 s15, s6  }
0x107: {  	[tilespmem:s0+$0x0] =	vst.add.f32.msk $0xffff, v3  }
0x108: {  	v3 =	vld.idx.msk [tilespmem:v2+s15+$0xFFFFFFD0 ss:$0x1], $0xffff;
	_ =	sdelay $0x5  }
0x109: {  	[tilespmem:s0+$0x10] =	vst.add.f32.msk $0xffff, v3  }
0x10a: {  	v3 =	vld.idx.msk [tilespmem:v2+s15+$0xFFFFFFE0 ss:$0x1], $0xffff;
	_ =	sdelay $0x5  }
0x10b: {  	[tilespmem:s0+$0x20] =	vst.add.f32.msk $0xffff, v3  }
0x10c: {  	v3 =	vld.idx.msk [tilespmem:v2+s15+$0xFFFFFFF0 ss:$0x1], $0xffff;
	_ =	sdelay $0x5  }
0x10d: {  	[tilespmem:s0+$0x30] =	vst.add.f32.msk $0xffff, v3  }
0x10e: {  	v3 =	vld.idx.msk [tilespmem:v2+s15+$0x0 ss:$0x1], $0xffff;
	_ =	sdelay $0x5  }
0x10f: {  	[tilespmem:s0+$0x40] =	vst.add.f32.msk $0xffff, v3  }
0x110: {  	v3 =	vld.idx.msk [tilespmem:v2+s15+$0x10 ss:$0x1], $0xffff;
	_ =	sdelay $0x5  }
0x111: {  	[tilespmem:s0+$0x50] =	vst.add.f32.msk $0xffff, v3  }
0x112: {  	v3 =	vld.idx.msk [tilespmem:v2+s15+$0x20 ss:$0x1], $0xffff;
	_ =	sdelay $0x5  }
0x113: {  	[tilespmem:s0+$0x60] =	vst.add.f32.msk $0xffff, v3  }
0x114: {  	v3 =	vld.idx.msk [tilespmem:v2+s15+$0x30 ss:$0x1], $0xffff;
	_ =	sdelay $0x1  }
.Ltmp4:
0x115: {  	(pc) =	sbr.rel @p1 .LBB2_8-.Ltmp4, $2  }
0x116: {  	_ =	sdelay $0x2  }
0x117: {  	s15 =	sshra.s32 s25, $0x2;
	s25 =	sadd.s32 $0x800, s25;
	[tilespmem:s0+$0x70] =	vst.add.f32.msk $0xffff, v3  }
0x118: {  	_ =	sdelay $0x3  }
0x119: {  	v3 =	vld.idx.msk [tilespmem:v2+s15+$0xFFFFFFC0 ss:$0x1], $0xffff;
	_ =	sdelay $0x3  }
0x11a: {  	s0 =	sadd.s32 s15, s6  }
0x11b: {  	[tilespmem:s0+$0x0] =	vst.add.f32.msk $0xffff, v3  }
0x11c: {  	v3 =	vld.idx.msk [tilespmem:v2+s15+$0xFFFFFFD0 ss:$0x1], $0xffff;
	_ =	sdelay $0x4  }
0x11d: {  	[tilespmem:s0+$0x10] =	vst.add.f32.msk $0xffff, v3  }
0x11e: {  	v3 =	vld.idx.msk [tilespmem:v2+s15+$0xFFFFFFE0 ss:$0x1], $0xffff;
	_ =	sdelay $0x4  }
0x11f: {  	[tilespmem:s0+$0x20] =	vst.add.f32.msk $0xffff, v3  }
0x120: {  	v3 =	vld.idx.msk [tilespmem:v2+s15+$0xFFFFFFF0 ss:$0x1], $0xffff;
	_ =	sdelay $0x4  }
0x121: {  	[tilespmem:s0+$0x30] =	vst.add.f32.msk $0xffff, v3  }
0x122: {  	v3 =	vld.idx.msk [tilespmem:v2+s15+$0x0 ss:$0x1], $0xffff;
	_ =	sdelay $0x4  }
0x123: {  	[tilespmem:s0+$0x40] =	vst.add.f32.msk $0xffff, v3  }
0x124: {  	v3 =	vld.idx.msk [tilespmem:v2+s15+$0x10 ss:$0x1], $0xffff;
	_ =	sdelay $0x4  }
0x125: {  	[tilespmem:s0+$0x50] =	vst.add.f32.msk $0xffff, v3  }
0x126: {  	v3 =	vld.idx.msk [tilespmem:v2+s15+$0x20 ss:$0x1], $0xffff;
	_ =	sdelay $0x4  }
0x127: {  	s5 =	sadd.s32 $0x1, s5;
	[tilespmem:s0+$0x60] =	vst.add.f32.msk $0xffff, v3  }
0x128: {  	p1 =	sne.s32 s5, $0x4;
	v2 =	vld.idx.msk [tilespmem:v2+s15+$0x30 ss:$0x1], $0xffff  }
.Ltmp5:
0x129: {  	_ = 	snop;
	(pc) =	sbr.rel @p1 .LBB2_7-.Ltmp5, $2  }
0x12a: {  	_ =	sdelay $0x2  }
0x12b: {  	s6 =	sadd.s32 $0x80, s6;
	s17 =	sadd.s32 $0x80, s17;
	[tilespmem:s0+$0x70] =	vst.add.f32.msk $0xffff, v2  }
0x12c: {  	s0 =	sadd.s32 s2, s11;
	s5 =	simm.s32 $0x6000  }
0x12d: {  	[hbm4b:s0+s22] =	stream.strided.scatter [tilespmem:s5], [sflag:$0xE], $0x2000, s23, s22, $0x38;
	[tilespmem:$0x1C000] =	vst v63  }
0x12e: {  	s0 =	simm.s32 @!p0 $0x12  }
0x12f: {  	_ =	swait.ge @!p0 [sflag:s0], $0x2000  }
0x130: {  	s6 =	sor.u32 $0x5, s31;
	[sflag:s0] =	ssyncset.done @!p0 $0x0  }
0x131: {  	s25 =	sshll.u32 s6, $0x7;
	[sflag:s0] =	ssyncadd.s32 @!p0 $0xFFFFE000  }
0x132: {  	v2 =	vld.msk [tilespmem:s25+$0x0], $0xf;
	_ =	sdelay $0x4  }
0x133: {  	v3 =	vshll.u32 v2, $0x4  }
0x134: {  	v2 =	vand.u32 $0x7, v2;
	v3 =	vand.u32 $0xFFFFFF80, v3  }
0x135: {  	v2 =	vor.u32 v2, v3  }
0x136: {  	v2 =	vperm.xlane v2, v0;
	_ =	sdelay $0x1  }
0x137: {  	v2 =	vadd.s32 v1, v2;
	_ =	sdelay $0x3  }
0x138: {  	s5 =	simm.s32 $0x0  }
0x139: {  	[tilespmem:s30], [sflag:$0x6] =	stream.indirect_vreg.gather [hbm4b:s4+s5], $0x80, v2, vm0, $0xb8;
	[tilespmem:$0x1C000] =	vst v63  }
0x13a: {  	s15 =	simm.s32 $0xE800  }
0x13b: {  	[tilespmem:s15], [sflag:$0x6] =	stream.indirect_vreg.gather [hbm4b:s7+s5], $0x80, v2, vm0, $0xb8;
	[tilespmem:$0x1C000] =	vst v63  }
0x13c: {  	s17 =	simm.s32 $0xF000  }
0x13d: {  	[tilespmem:s17], [sflag:$0x6] =	stream.indirect_vreg.gather [hbm4b:s9+s5], $0x80, v2, vm0, $0xb8;
	[tilespmem:$0x1C000] =	vst v63  }
0x13e: {  	s19 =	simm.s32 $0xF800  }
0x13f: {  	[tilespmem:s19], [sflag:$0x6] =	stream.indirect_vreg.gather [hbm4b:s10+s5], $0x80, v2, vm0, $0xb8;
	[tilespmem:$0x1C000] =	vst v63  }
0x140: {  	v2 =	vld.msk [tilespmem:s25+$0x2000], $0xf;
	_ =	sdelay $0x4  }
0x141: {  	v3 =	vshll.u32 v2, $0x4  }
0x142: {  	v2 =	vand.u32 $0x7, v2;
	v3 =	vand.u32 $0xFFFFFF80, v3  }
0x143: {  	v2 =	vor.u32 v2, v3  }
0x144: {  	v2 =	vperm.xlane v2, v0;
	_ =	sdelay $0x1  }
0x145: {  	v2 =	vadd.s32 v1, v2;
	_ =	sdelay $0x3  }
0x146: {  	s25 =	simm.s32 $0x16000  }
0x147: {  	[tilespmem:s25], [sflag:$0xA] =	stream.indirect_vreg.gather [hbm4b:s4+s5], $0x80, v2, vm0, $0xb8;
	[tilespmem:$0x1C000] =	vst v63  }
0x148: {  	s15 =	simm.s32 $0x16800  }
0x149: {  	[tilespmem:s15], [sflag:$0xA] =	stream.indirect_vreg.gather [hbm4b:s7+s5], $0x80, v2, vm0, $0xb8;
	[tilespmem:$0x1C000] =	vst v63  }
0x14a: {  	s17 =	simm.s32 $0x17000  }
0x14b: {  	[tilespmem:s17], [sflag:$0xA] =	stream.indirect_vreg.gather [hbm4b:s9+s5], $0x80, v2, vm0, $0xb8;
	[tilespmem:$0x1C000] =	vst v63  }
0x14c: {  	s19 =	simm.s32 $0x17800;
	s25 =	simm.s32 $0x3  }
0x14d: {  	[tilespmem:s19], [sflag:$0xA] =	stream.indirect_vreg.gather [hbm4b:s10+s5], $0x80, v2, vm0, $0xb8;
	[tilespmem:$0x1C000] =	vst v63  }
0x14e: {  	_ =	swait.ge [sflag:s25], $0x2000  }
0x14f: {  	[sflag:s25] =	ssyncset.done $0x0  }
0x150: {  	[sflag:s25] =	ssyncadd.s32 $0xFFFFE000  }
0x151: {  	_ =	swait.ge [sflag:s1], $0x2000  }
0x152: {  	[sflag:s1] =	ssyncset.done $0x0  }
0x153: {  	s30 =	simm.s32 $0x18040;
	s17 =	simm.s32 $0x8000;
	[sflag:s1] =	ssyncadd.s32 $0xFFFFE000  }
.LBB2_11:
0x154: {  	v2 =	vmov s30;
	_ =	sdelay $0x3  }
0x155: {  	s15 =	simm.s32 $0x0;
	s25 =	simm.s32 $0x800  }
.LBB2_12:
0x156: {  	p1 =	sne.s32 s25, $0x7800;
	v3 =	vld.idx.msk [tilespmem:v2+s15+$0xFFFFFFC0 ss:$0x1], $0xffff;
	_ =	sdelay $0x4  }
0x157: {  	s0 =	sadd.s32 s15, s17  }
0x158: {  	[tilespmem:s0+$0x0] =	vst.add.f32.msk $0xffff, v3  }
0x159: {  	v3 =	vld.idx.msk [tilespmem:v2+s15+$0xFFFFFFD0 ss:$0x1], $0xffff;
	_ =	sdelay $0x5  }
0x15a: {  	[tilespmem:s0+$0x10] =	vst.add.f32.msk $0xffff, v3  }
0x15b: {  	v3 =	vld.idx.msk [tilespmem:v2+s15+$0xFFFFFFE0 ss:$0x1], $0xffff;
	_ =	sdelay $0x5  }
0x15c: {  	[tilespmem:s0+$0x20] =	vst.add.f32.msk $0xffff, v3  }
0x15d: {  	v3 =	vld.idx.msk [tilespmem:v2+s15+$0xFFFFFFF0 ss:$0x1], $0xffff;
	_ =	sdelay $0x5  }
0x15e: {  	[tilespmem:s0+$0x30] =	vst.add.f32.msk $0xffff, v3  }
0x15f: {  	v3 =	vld.idx.msk [tilespmem:v2+s15+$0x0 ss:$0x1], $0xffff;
	_ =	sdelay $0x5  }
0x160: {  	[tilespmem:s0+$0x40] =	vst.add.f32.msk $0xffff, v3  }
0x161: {  	v3 =	vld.idx.msk [tilespmem:v2+s15+$0x10 ss:$0x1], $0xffff;
	_ =	sdelay $0x5  }
0x162: {  	[tilespmem:s0+$0x50] =	vst.add.f32.msk $0xffff, v3  }
0x163: {  	v3 =	vld.idx.msk [tilespmem:v2+s15+$0x20 ss:$0x1], $0xffff;
	_ =	sdelay $0x5  }
0x164: {  	[tilespmem:s0+$0x60] =	vst.add.f32.msk $0xffff, v3  }
0x165: {  	v3 =	vld.idx.msk [tilespmem:v2+s15+$0x30 ss:$0x1], $0xffff;
	_ =	sdelay $0x1  }
.Ltmp6:
0x166: {  	(pc) =	sbr.rel @p1 .LBB2_12-.Ltmp6, $2  }
0x167: {  	_ =	sdelay $0x2  }
0x168: {  	s15 =	sshra.s32 s25, $0x2;
	s25 =	sadd.s32 $0x800, s25;
	[tilespmem:s0+$0x70] =	vst.add.f32.msk $0xffff, v3  }
0x169: {  	_ =	sdelay $0x3  }
0x16a: {  	v3 =	vld.idx.msk [tilespmem:v2+s15+$0xFFFFFFC0 ss:$0x1], $0xffff;
	_ =	sdelay $0x3  }
0x16b: {  	s0 =	sadd.s32 s15, s17  }
0x16c: {  	[tilespmem:s0+$0x0] =	vst.add.f32.msk $0xffff, v3  }
0x16d: {  	v3 =	vld.idx.msk [tilespmem:v2+s15+$0xFFFFFFD0 ss:$0x1], $0xffff;
	_ =	sdelay $0x4  }
0x16e: {  	[tilespmem:s0+$0x10] =	vst.add.f32.msk $0xffff, v3  }
0x16f: {  	v3 =	vld.idx.msk [tilespmem:v2+s15+$0xFFFFFFE0 ss:$0x1], $0xffff;
	_ =	sdelay $0x4  }
0x170: {  	[tilespmem:s0+$0x20] =	vst.add.f32.msk $0xffff, v3  }
0x171: {  	v3 =	vld.idx.msk [tilespmem:v2+s15+$0xFFFFFFF0 ss:$0x1], $0xffff;
	_ =	sdelay $0x4  }
0x172: {  	[tilespmem:s0+$0x30] =	vst.add.f32.msk $0xffff, v3  }
0x173: {  	v3 =	vld.idx.msk [tilespmem:v2+s15+$0x0 ss:$0x1], $0xffff;
	_ =	sdelay $0x4  }
0x174: {  	[tilespmem:s0+$0x40] =	vst.add.f32.msk $0xffff, v3  }
0x175: {  	v3 =	vld.idx.msk [tilespmem:v2+s15+$0x10 ss:$0x1], $0xffff;
	_ =	sdelay $0x4  }
0x176: {  	[tilespmem:s0+$0x50] =	vst.add.f32.msk $0xffff, v3  }
0x177: {  	v3 =	vld.idx.msk [tilespmem:v2+s15+$0x20 ss:$0x1], $0xffff;
	_ =	sdelay $0x4  }
0x178: {  	s5 =	sadd.s32 $0x1, s5;
	[tilespmem:s0+$0x60] =	vst.add.f32.msk $0xffff, v3  }
0x179: {  	p1 =	sne.s32 s5, $0x4;
	v2 =	vld.idx.msk [tilespmem:v2+s15+$0x30 ss:$0x1], $0xffff  }
.Ltmp7:
0x17a: {  	_ = 	snop;
	(pc) =	sbr.rel @p1 .LBB2_11-.Ltmp7, $2  }
0x17b: {  	_ =	sdelay $0x2  }
0x17c: {  	s17 =	sadd.s32 $0x80, s17;
	s30 =	sadd.s32 $0x80, s30;
	[tilespmem:s0+$0x70] =	vst.add.f32.msk $0xffff, v2  }
0x17d: {  	s0 =	rddreg [dreg:$0x5]  }
0x17e: {  	s5 =	simm.s32 $0x8000;
	s0 =	sadd.s32 s2, s0  }
0x17f: {  	[hbm4b:s0+s22] =	stream.strided.scatter [tilespmem:s5], [sflag:$0xF], $0x2000, s23, s22, $0x38;
	[tilespmem:$0x1C000] =	vst v63  }
0x180: {  	s0 =	simm.s32 @!p0 $0x13  }
0x181: {  	_ =	swait.ge @!p0 [sflag:s0], $0x2000  }
0x182: {  	s5 =	sor.u32 $0x6, s31;
	[sflag:s0] =	ssyncset.done @!p0 $0x0  }
0x183: {  	[sflag:s0] =	ssyncadd.s32 @!p0 $0xFFFFE000;
	s0 =	sshll.u32 s5, $0x7  }
0x184: {  	v2 =	vld.msk [tilespmem:s0+$0x0], $0xf;
	_ =	sdelay $0x4  }
0x185: {  	v3 =	vshll.u32 v2, $0x4  }
0x186: {  	v2 =	vand.u32 $0x7, v2;
	v3 =	vand.u32 $0xFFFFFF80, v3  }
0x187: {  	v2 =	vor.u32 v2, v3  }
0x188: {  	v2 =	vperm.xlane v2, v0;
	_ =	sdelay $0x1  }
0x189: {  	v2 =	vadd.s32 v1, v2;
	_ =	sdelay $0x3  }
0x18a: {  	s17 =	simm.s32 $0x0;
	s15 =	simm.s32 $0x10000  }
0x18b: {  	[tilespmem:s15], [sflag:$0x7] =	stream.indirect_vreg.gather [hbm4b:s4+s17], $0x80, v2, vm0, $0xb8;
	[tilespmem:$0x1C000] =	vst v63  }
0x18c: {  	s25 =	simm.s32 $0x10800  }
0x18d: {  	[tilespmem:s25], [sflag:$0x7] =	stream.indirect_vreg.gather [hbm4b:s7+s17], $0x80, v2, vm0, $0xb8;
	[tilespmem:$0x1C000] =	vst v63  }
0x18e: {  	s19 =	simm.s32 $0x11000  }
0x18f: {  	[tilespmem:s19], [sflag:$0x7] =	stream.indirect_vreg.gather [hbm4b:s9+s17], $0x80, v2, vm0, $0xb8;
	[tilespmem:$0x1C000] =	vst v63  }
0x190: {  	s25 =	simm.s32 $0x11800  }
0x191: {  	[tilespmem:s25], [sflag:$0x7] =	stream.indirect_vreg.gather [hbm4b:s10+s17], $0x80, v2, vm0, $0xb8;
	[tilespmem:$0x1C000] =	vst v63  }
0x192: {  	v2 =	vld.msk [tilespmem:s0+$0x2000], $0xf;
	_ =	sdelay $0x4  }
0x193: {  	v3 =	vshll.u32 v2, $0x4  }
0x194: {  	v2 =	vand.u32 $0x7, v2;
	v3 =	vand.u32 $0xFFFFFF80, v3  }
0x195: {  	v2 =	vor.u32 v2, v3  }
0x196: {  	v2 =	vperm.xlane v2, v0;
	_ =	sdelay $0x1  }
0x197: {  	v2 =	vadd.s32 v1, v2;
	_ =	sdelay $0x3  }
0x198: {  	s19 =	simm.s32 $0x18000  }
0x199: {  	[tilespmem:s19], [sflag:$0xB] =	stream.indirect_vreg.gather [hbm4b:s4+s17], $0x80, v2, vm0, $0xb8;
	[tilespmem:$0x1C000] =	vst v63  }
0x19a: {  	s25 =	simm.s32 $0x18800  }
0x19b: {  	[tilespmem:s25], [sflag:$0xB] =	stream.indirect_vreg.gather [hbm4b:s7+s17], $0x80, v2, vm0, $0xb8;
	[tilespmem:$0x1C000] =	vst v63  }
0x19c: {  	s15 =	simm.s32 $0x19000  }
0x19d: {  	[tilespmem:s15], [sflag:$0xB] =	stream.indirect_vreg.gather [hbm4b:s9+s17], $0x80, v2, vm0, $0xb8;
	[tilespmem:$0x1C000] =	vst v63  }
0x19e: {  	s19 =	simm.s32 $0x19800;
	s25 =	simm.s32 $0x4  }
0x19f: {  	[tilespmem:s19], [sflag:$0xB] =	stream.indirect_vreg.gather [hbm4b:s10+s17], $0x80, v2, vm0, $0xb8;
	[tilespmem:$0x1C000] =	vst v63  }
0x1a0: {  	_ =	swait.ge [sflag:s25], $0x2000  }
0x1a1: {  	[sflag:s25] =	ssyncset.done $0x0  }
0x1a2: {  	[sflag:s25] =	ssyncadd.s32 $0xFFFFE000  }
0x1a3: {  	_ =	swait.ge [sflag:s29], $0x2000  }
0x1a4: {  	[sflag:s29] =	ssyncset.done $0x0  }
0x1a5: {  	s30 =	simm.s32 $0xA000;
	s15 =	simm.s32 $0x1A040;
	[sflag:s29] =	ssyncadd.s32 $0xFFFFE000  }
.LBB2_15:
0x1a6: {  	v2 =	vmov s15;
	_ =	sdelay $0x3  }
0x1a7: {  	s25 =	simm.s32 $0x0;
	s0 =	simm.s32 $0x800  }
.LBB2_16:
0x1a8: {  	p1 =	sne.s32 s0, $0x7800;
	v3 =	vld.idx.msk [tilespmem:v2+s25+$0xFFFFFFC0 ss:$0x1], $0xffff;
	_ =	sdelay $0x4  }
0x1a9: {  	s19 =	sadd.s32 s25, s30  }
0x1aa: {  	[tilespmem:s19+$0x0] =	vst.add.f32.msk $0xffff, v3  }
0x1ab: {  	v3 =	vld.idx.msk [tilespmem:v2+s25+$0xFFFFFFD0 ss:$0x1], $0xffff;
	_ =	sdelay $0x5  }
0x1ac: {  	[tilespmem:s19+$0x10] =	vst.add.f32.msk $0xffff, v3  }
0x1ad: {  	v3 =	vld.idx.msk [tilespmem:v2+s25+$0xFFFFFFE0 ss:$0x1], $0xffff;
	_ =	sdelay $0x5  }
0x1ae: {  	[tilespmem:s19+$0x20] =	vst.add.f32.msk $0xffff, v3  }
0x1af: {  	v3 =	vld.idx.msk [tilespmem:v2+s25+$0xFFFFFFF0 ss:$0x1], $0xffff;
	_ =	sdelay $0x5  }
0x1b0: {  	[tilespmem:s19+$0x30] =	vst.add.f32.msk $0xffff, v3  }
0x1b1: {  	v3 =	vld.idx.msk [tilespmem:v2+s25+$0x0 ss:$0x1], $0xffff;
	_ =	sdelay $0x5  }
0x1b2: {  	[tilespmem:s19+$0x40] =	vst.add.f32.msk $0xffff, v3  }
0x1b3: {  	v3 =	vld.idx.msk [tilespmem:v2+s25+$0x10 ss:$0x1], $0xffff;
	_ =	sdelay $0x5  }
0x1b4: {  	[tilespmem:s19+$0x50] =	vst.add.f32.msk $0xffff, v3  }
0x1b5: {  	v3 =	vld.idx.msk [tilespmem:v2+s25+$0x20 ss:$0x1], $0xffff;
	_ =	sdelay $0x5  }
0x1b6: {  	[tilespmem:s19+$0x60] =	vst.add.f32.msk $0xffff, v3  }
0x1b7: {  	v3 =	vld.idx.msk [tilespmem:v2+s25+$0x30 ss:$0x1], $0xffff;
	_ =	sdelay $0x1  }
.Ltmp8:
0x1b8: {  	(pc) =	sbr.rel @p1 .LBB2_16-.Ltmp8, $2  }
0x1b9: {  	_ =	sdelay $0x2  }
0x1ba: {  	s25 =	sshra.s32 s0, $0x2;
	s0 =	sadd.s32 $0x800, s0;
	[tilespmem:s19+$0x70] =	vst.add.f32.msk $0xffff, v3  }
0x1bb: {  	_ =	sdelay $0x3  }
0x1bc: {  	v3 =	vld.idx.msk [tilespmem:v2+s25+$0xFFFFFFC0 ss:$0x1], $0xffff;
	_ =	sdelay $0x3  }
0x1bd: {  	s0 =	sadd.s32 s25, s30  }
0x1be: {  	[tilespmem:s0+$0x0] =	vst.add.f32.msk $0xffff, v3  }
0x1bf: {  	v3 =	vld.idx.msk [tilespmem:v2+s25+$0xFFFFFFD0 ss:$0x1], $0xffff;
	_ =	sdelay $0x4  }
0x1c0: {  	[tilespmem:s0+$0x10] =	vst.add.f32.msk $0xffff, v3  }
0x1c1: {  	v3 =	vld.idx.msk [tilespmem:v2+s25+$0xFFFFFFE0 ss:$0x1], $0xffff;
	_ =	sdelay $0x4  }
0x1c2: {  	[tilespmem:s0+$0x20] =	vst.add.f32.msk $0xffff, v3  }
0x1c3: {  	v3 =	vld.idx.msk [tilespmem:v2+s25+$0xFFFFFFF0 ss:$0x1], $0xffff;
	_ =	sdelay $0x4  }
0x1c4: {  	[tilespmem:s0+$0x30] =	vst.add.f32.msk $0xffff, v3  }
0x1c5: {  	v3 =	vld.idx.msk [tilespmem:v2+s25+$0x0 ss:$0x1], $0xffff;
	_ =	sdelay $0x4  }
0x1c6: {  	[tilespmem:s0+$0x40] =	vst.add.f32.msk $0xffff, v3  }
0x1c7: {  	v3 =	vld.idx.msk [tilespmem:v2+s25+$0x10 ss:$0x1], $0xffff;
	_ =	sdelay $0x4  }
0x1c8: {  	[tilespmem:s0+$0x50] =	vst.add.f32.msk $0xffff, v3  }
0x1c9: {  	v3 =	vld.idx.msk [tilespmem:v2+s25+$0x20 ss:$0x1], $0xffff;
	_ =	sdelay $0x4  }
0x1ca: {  	s17 =	sadd.s32 $0x1, s17;
	[tilespmem:s0+$0x60] =	vst.add.f32.msk $0xffff, v3  }
0x1cb: {  	p1 =	sne.s32 s17, $0x4;
	v2 =	vld.idx.msk [tilespmem:v2+s25+$0x30 ss:$0x1], $0xffff  }
.Ltmp9:
0x1cc: {  	_ = 	snop;
	(pc) =	sbr.rel @p1 .LBB2_15-.Ltmp9, $2  }
0x1cd: {  	_ =	sdelay $0x2  }
0x1ce: {  	s30 =	sadd.s32 $0x80, s30;
	s15 =	sadd.s32 $0x80, s15;
	[tilespmem:s0+$0x70] =	vst.add.f32.msk $0xffff, v2  }
0x1cf: {  	s0 =	rddreg [dreg:$0x6]  }
0x1d0: {  	s19 =	simm.s32 $0xA000;
	s0 =	sadd.s32 s2, s0  }
0x1d1: {  	[hbm4b:s0+s22] =	stream.strided.scatter [tilespmem:s19], [sflag:$0x10], $0x2000, s23, s22, $0x38;
	[tilespmem:$0x1C000] =	vst v63  }
0x1d2: {  	s0 =	simm.s32 @!p0 $0x14  }
0x1d3: {  	_ =	swait.ge @!p0 [sflag:s0], $0x2000  }
0x1d4: {  	s2 =	sor.u32 $0x7, s31;
	[sflag:s0] =	ssyncset.done @!p0 $0x0  }
0x1d5: {  	[sflag:s0] =	ssyncadd.s32 @!p0 $0xFFFFE000;
	s0 =	sshll.u32 s2, $0x7  }
0x1d6: {  	v2 =	vld.msk [tilespmem:s0+$0x0], $0xf;
	_ =	sdelay $0x4  }
0x1d7: {  	v3 =	vshll.u32 v2, $0x4  }
0x1d8: {  	v2 =	vand.u32 $0x7, v2;
	v3 =	vand.u32 $0xFFFFFF80, v3  }
0x1d9: {  	v2 =	vor.u32 v2, v3  }
0x1da: {  	v2 =	vperm.xlane v2, v0;
	_ =	sdelay $0x1  }
0x1db: {  	v2 =	vadd.s32 v1, v2;
	_ =	sdelay $0x3  }
0x1dc: {  	s17 =	simm.s32 $0x0;
	s15 =	simm.s32 $0x12000  }
0x1dd: {  	[tilespmem:s15], [sflag:$0x8] =	stream.indirect_vreg.gather [hbm4b:s4+s17], $0x80, v2, vm0, $0xb8;
	[tilespmem:$0x1C000] =	vst v63  }
0x1de: {  	s25 =	simm.s32 $0x12800  }
0x1df: {  	[tilespmem:s25], [sflag:$0x8] =	stream.indirect_vreg.gather [hbm4b:s7+s17], $0x80, v2, vm0, $0xb8;
	[tilespmem:$0x1C000] =	vst v63  }
0x1e0: {  	s19 =	simm.s32 $0x13000  }
0x1e1: {  	[tilespmem:s19], [sflag:$0x8] =	stream.indirect_vreg.gather [hbm4b:s9+s17], $0x80, v2, vm0, $0xb8;
	[tilespmem:$0x1C000] =	vst v63  }
0x1e2: {  	s25 =	simm.s32 $0x13800  }
0x1e3: {  	[tilespmem:s25], [sflag:$0x8] =	stream.indirect_vreg.gather [hbm4b:s10+s17], $0x80, v2, vm0, $0xb8;
	[tilespmem:$0x1C000] =	vst v63  }
0x1e4: {  	v2 =	vld.msk [tilespmem:s0+$0x2000], $0xf;
	_ =	sdelay $0x4  }
0x1e5: {  	v3 =	vshll.u32 v2, $0x4  }
0x1e6: {  	v2 =	vand.u32 $0x7, v2;
	v3 =	vand.u32 $0xFFFFFF80, v3  }
0x1e7: {  	v2 =	vor.u32 v2, v3  }
0x1e8: {  	v2 =	vperm.xlane v2, v0;
	_ =	sdelay $0x1  }
0x1e9: {  	v2 =	vadd.s32 v1, v2;
	_ =	sdelay $0x3  }
0x1ea: {  	s31 =	simm.s32 $0x1A000  }
0x1eb: {  	[tilespmem:s31], [sflag:$0xC] =	stream.indirect_vreg.gather [hbm4b:s4+s17], $0x80, v2, vm0, $0xb8;
	[tilespmem:$0x1C000] =	vst v63  }
0x1ec: {  	s15 =	simm.s32 $0x1A800  }
0x1ed: {  	[tilespmem:s15], [sflag:$0xC] =	stream.indirect_vreg.gather [hbm4b:s7+s17], $0x80, v2, vm0, $0xb8;
	[tilespmem:$0x1C000] =	vst v63  }
0x1ee: {  	s19 =	simm.s32 $0x1B000  }
0x1ef: {  	[tilespmem:s19], [sflag:$0xC] =	stream.indirect_vreg.gather [hbm4b:s9+s17], $0x80, v2, vm0, $0xb8;
	[tilespmem:$0x1C000] =	vst v63  }
0x1f0: {  	s25 =	simm.s32 $0x1B800  }
0x1f1: {  	[tilespmem:s25], [sflag:$0xC] =	stream.indirect_vreg.gather [hbm4b:s10+s17], $0x80, v2, vm0, $0xb8;
	[tilespmem:$0x1C000] =	vst v63  }
0x1f2: {  	_ =	swait.ge [sflag:s20], $0x2000  }
0x1f3: {  	[sflag:s20] =	ssyncset.done $0x0  }
0x1f4: {  	[sflag:s20] =	ssyncadd.s32 $0xFFFFE000  }
0x1f5: {  	_ =	swait.ge [sflag:s18], $0x2000  }
0x1f6: {  	[sflag:s18] =	ssyncset.done $0x0  }
0x1f7: {  	s30 =	simm.s32 $0xC000;
	s15 =	simm.s32 $0x14040;
	[sflag:s18] =	ssyncadd.s32 $0xFFFFE000  }
.LBB2_19:
0x1f8: {  	v2 =	vmov s15;
	_ =	sdelay $0x3  }
0x1f9: {  	s25 =	simm.s32 $0x0;
	s0 =	simm.s32 $0x800  }
.LBB2_20:
0x1fa: {  	p0 =	sne.s32 s0, $0x7800;
	v3 =	vld.idx.msk [tilespmem:v2+s25+$0xFFFFFFC0 ss:$0x1], $0xffff;
	_ =	sdelay $0x4  }
0x1fb: {  	s19 =	sadd.s32 s25, s30  }
0x1fc: {  	[tilespmem:s19+$0x0] =	vst.add.f32.msk $0xffff, v3  }
0x1fd: {  	v3 =	vld.idx.msk [tilespmem:v2+s25+$0xFFFFFFD0 ss:$0x1], $0xffff;
	_ =	sdelay $0x5  }
0x1fe: {  	[tilespmem:s19+$0x10] =	vst.add.f32.msk $0xffff, v3  }
0x1ff: {  	v3 =	vld.idx.msk [tilespmem:v2+s25+$0xFFFFFFE0 ss:$0x1], $0xffff;
	_ =	sdelay $0x5  }
0x200: {  	[tilespmem:s19+$0x20] =	vst.add.f32.msk $0xffff, v3  }
0x201: {  	v3 =	vld.idx.msk [tilespmem:v2+s25+$0xFFFFFFF0 ss:$0x1], $0xffff;
	_ =	sdelay $0x5  }
0x202: {  	[tilespmem:s19+$0x30] =	vst.add.f32.msk $0xffff, v3  }
0x203: {  	v3 =	vld.idx.msk [tilespmem:v2+s25+$0x0 ss:$0x1], $0xffff;
	_ =	sdelay $0x5  }
0x204: {  	[tilespmem:s19+$0x40] =	vst.add.f32.msk $0xffff, v3  }
0x205: {  	v3 =	vld.idx.msk [tilespmem:v2+s25+$0x10 ss:$0x1], $0xffff;
	_ =	sdelay $0x5  }
0x206: {  	[tilespmem:s19+$0x50] =	vst.add.f32.msk $0xffff, v3  }
0x207: {  	v3 =	vld.idx.msk [tilespmem:v2+s25+$0x20 ss:$0x1], $0xffff;
	_ =	sdelay $0x5  }
0x208: {  	[tilespmem:s19+$0x60] =	vst.add.f32.msk $0xffff, v3  }
0x209: {  	v3 =	vld.idx.msk [tilespmem:v2+s25+$0x30 ss:$0x1], $0xffff;
	_ =	sdelay $0x1  }
.Ltmp10:
0x20a: {  	(pc) =	sbr.rel @p0 .LBB2_20-.Ltmp10, $2  }
0x20b: {  	_ =	sdelay $0x2  }
0x20c: {  	s25 =	sshra.s32 s0, $0x2;
	s0 =	sadd.s32 $0x800, s0;
	[tilespmem:s19+$0x70] =	vst.add.f32.msk $0xffff, v3  }
0x20d: {  	_ =	sdelay $0x3  }
0x20e: {  	v3 =	vld.idx.msk [tilespmem:v2+s25+$0xFFFFFFC0 ss:$0x1], $0xffff;
	_ =	sdelay $0x3  }
0x20f: {  	s0 =	sadd.s32 s25, s30  }
0x210: {  	[tilespmem:s0+$0x0] =	vst.add.f32.msk $0xffff, v3  }
0x211: {  	v3 =	vld.idx.msk [tilespmem:v2+s25+$0xFFFFFFD0 ss:$0x1], $0xffff;
	_ =	sdelay $0x4  }
0x212: {  	[tilespmem:s0+$0x10] =	vst.add.f32.msk $0xffff, v3  }
0x213: {  	v3 =	vld.idx.msk [tilespmem:v2+s25+$0xFFFFFFE0 ss:$0x1], $0xffff;
	_ =	sdelay $0x4  }
0x214: {  	[tilespmem:s0+$0x20] =	vst.add.f32.msk $0xffff, v3  }
0x215: {  	v3 =	vld.idx.msk [tilespmem:v2+s25+$0xFFFFFFF0 ss:$0x1], $0xffff;
	_ =	sdelay $0x4  }
0x216: {  	[tilespmem:s0+$0x30] =	vst.add.f32.msk $0xffff, v3  }
0x217: {  	v3 =	vld.idx.msk [tilespmem:v2+s25+$0x0 ss:$0x1], $0xffff;
	_ =	sdelay $0x4  }
0x218: {  	[tilespmem:s0+$0x40] =	vst.add.f32.msk $0xffff, v3  }
0x219: {  	v3 =	vld.idx.msk [tilespmem:v2+s25+$0x10 ss:$0x1], $0xffff;
	_ =	sdelay $0x4  }
0x21a: {  	[tilespmem:s0+$0x50] =	vst.add.f32.msk $0xffff, v3  }
0x21b: {  	v3 =	vld.idx.msk [tilespmem:v2+s25+$0x20 ss:$0x1], $0xffff;
	_ =	sdelay $0x4  }
0x21c: {  	s17 =	sadd.s32 $0x1, s17;
	[tilespmem:s0+$0x60] =	vst.add.f32.msk $0xffff, v3  }
0x21d: {  	p0 =	sne.s32 s17, $0x4;
	v2 =	vld.idx.msk [tilespmem:v2+s25+$0x30 ss:$0x1], $0xffff  }
.Ltmp11:
0x21e: {  	_ = 	snop;
	(pc) =	sbr.rel @p0 .LBB2_19-.Ltmp11, $2  }
0x21f: {  	_ =	sdelay $0x2  }
0x220: {  	s30 =	sadd.s32 $0x80, s30;
	s15 =	sadd.s32 $0x80, s15;
	[tilespmem:s0+$0x70] =	vst.add.f32.msk $0xffff, v2  }
0x221: {  	s0 =	sshll.u32 s24, $0xA  }
0x222: {  	s15 =	simm.s32 $0xC000;
	p0 =	seq.s32 s16, $0x7;
	s0 =	sadd.s32 s0, s14  }
0x223: {  	[hbm4b:s0+s22] =	stream.strided.scatter [tilespmem:s15], [sflag:$0x11], $0x2000, s23, s22, $0x38;
	[tilespmem:$0x1C000] =	vst v63  }
0x224: {  	s0 =	simm.s32 @!p0 $0xD  }
0x225: {  	_ =	swait.ge @!p0 [sflag:s0], $0x2000  }
0x226: {  	[sflag:s0] =	ssyncset.done @!p0 $0x0  }
0x227: {  	s24 =	sshll.u32 @!p0 s16, $0xA;
	[sflag:s0] =	ssyncadd.s32 @!p0 $0xFFFFE000  }
0x228: {  	v2 =	vld.msk @!p0 [tilespmem:s24+$0x400], $0xf;
	_ =	sdelay $0x4  }
0x229: {  	v3 =	vshll.u32 @!p0 v2, $0x4  }
0x22a: {  	v4 =	vlaneseq.u32 @!p0;
	v2 =	vand.u32 @!p0 $0x7, v2;
	v3 =	vand.u32 @!p0 $0xFFFFFF80, v3  }
0x22b: {  	v2 =	vor.u32 @!p0 v2, v3;
	v3 =	vand.u32 @!p0 $0x3, v4;
	v4 =	vshrl.u32 @!p0 v4, $0x2  }
0x22c: {  	v2 =	vperm.xlane @!p0 v2, v3;
	v4 =	vmul.u32 @!p0 $0x8, v4;
	_ =	sdelay $0x1  }
0x22d: {  	v2 =	vadd.s32 @!p0 v4, v2;
	_ =	sdelay $0x3  }
0x22e: {  	vm1 =	vmmov @!p0 $0xffff;
	s15 =	simm.s32 @!p0 $0x4000;
	s0 =	simm.s32 @!p0 $0x0  }
0x22f: {  	[tilespmem:s15], [sflag:$0x1] =	stream.indirect_vreg.gather @!p0 [hbm4b:s4+s0], $0x80, v2, vm1, $0xb8;
	[tilespmem:$0x1C000] =	vst v63  }
0x230: {  	s15 =	simm.s32 @!p0 $0x4800  }
0x231: {  	[tilespmem:s15], [sflag:$0x1] =	stream.indirect_vreg.gather @!p0 [hbm4b:s7+s0], $0x80, v2, vm1, $0xb8;
	[tilespmem:$0x1C000] =	vst v63  }
0x232: {  	s15 =	simm.s32 @!p0 $0x5000  }
0x233: {  	[tilespmem:s15], [sflag:$0x1] =	stream.indirect_vreg.gather @!p0 [hbm4b:s9+s0], $0x80, v2, vm1, $0xb8;
	[tilespmem:$0x1C000] =	vst v63  }
0x234: {  	s15 =	simm.s32 @!p0 $0x5800  }
0x235: {  	[tilespmem:s15], [sflag:$0x1] =	stream.indirect_vreg.gather @!p0 [hbm4b:s10+s0], $0x80, v2, vm1, $0xb8;
	[tilespmem:$0x1C000] =	vst v63  }
0x236: {  	v2 =	vld.msk @!p0 [tilespmem:s24+$0x2400], $0xf;
	_ =	sdelay $0x4  }
0x237: {  	v5 =	vshll.u32 @!p0 v2, $0x4  }
0x238: {  	v2 =	vand.u32 @!p0 $0x7, v2;
	v5 =	vand.u32 @!p0 $0xFFFFFF80, v5  }
0x239: {  	v2 =	vor.u32 @!p0 v2, v5  }
0x23a: {  	v2 =	vperm.xlane @!p0 v2, v3;
	_ =	sdelay $0x1  }
0x23b: {  	v2 =	vadd.s32 @!p0 v4, v2;
	_ =	sdelay $0x3  }
0x23c: {  	s15 =	simm.s32 @!p0 $0x14000  }
0x23d: {  	[tilespmem:s15], [sflag:$0x9] =	stream.indirect_vreg.gather @!p0 [hbm4b:s4+s0], $0x80, v2, vm1, $0xb8;
	[tilespmem:$0x1C000] =	vst v63  }
0x23e: {  	s15 =	simm.s32 @!p0 $0x14800  }
0x23f: {  	[tilespmem:s15], [sflag:$0x9] =	stream.indirect_vreg.gather @!p0 [hbm4b:s7+s0], $0x80, v2, vm1, $0xb8;
	[tilespmem:$0x1C000] =	vst v63  }
0x240: {  	s15 =	simm.s32 @!p0 $0x15000  }
0x241: {  	[tilespmem:s15], [sflag:$0x9] =	stream.indirect_vreg.gather @!p0 [hbm4b:s9+s0], $0x80, v2, vm1, $0xb8;
	[tilespmem:$0x1C000] =	vst v63  }
0x242: {  	s15 =	simm.s32 @!p0 $0x15800  }
0x243: {  	[tilespmem:s15], [sflag:$0x9] =	stream.indirect_vreg.gather @!p0 [hbm4b:s10+s0], $0x80, v2, vm1, $0xb8;
	[tilespmem:$0x1C000] =	vst v63  }
0x244: {  	_ =	swait.ge [sflag:s21], $0x2000  }
0x245: {  	[sflag:s21] =	ssyncset.done $0x0  }
0x246: {  	[sflag:s21] =	ssyncadd.s32 $0xFFFFE000  }
0x247: {  	_ =	swait.ge [sflag:s26], $0x2000  }
0x248: {  	s17 =	simm.s32 $0x0;
	[sflag:s26] =	ssyncset.done $0x0  }
0x249: {  	s30 =	simm.s32 $0xE000;
	s15 =	simm.s32 $0x16040;
	[sflag:s26] =	ssyncadd.s32 $0xFFFFE000  }
.LBB2_23:
0x24a: {  	v2 =	vmov s15;
	_ =	sdelay $0x3  }
0x24b: {  	s25 =	simm.s32 $0x0;
	s0 =	simm.s32 $0x800  }
.LBB2_24:
0x24c: {  	p1 =	sne.s32 s0, $0x7800;
	v3 =	vld.idx.msk [tilespmem:v2+s25+$0xFFFFFFC0 ss:$0x1], $0xffff;
	_ =	sdelay $0x4  }
0x24d: {  	s19 =	sadd.s32 s25, s30  }
0x24e: {  	[tilespmem:s19+$0x0] =	vst.add.f32.msk $0xffff, v3  }
0x24f: {  	v3 =	vld.idx.msk [tilespmem:v2+s25+$0xFFFFFFD0 ss:$0x1], $0xffff;
	_ =	sdelay $0x5  }
0x250: {  	[tilespmem:s19+$0x10] =	vst.add.f32.msk $0xffff, v3  }
0x251: {  	v3 =	vld.idx.msk [tilespmem:v2+s25+$0xFFFFFFE0 ss:$0x1], $0xffff;
	_ =	sdelay $0x5  }
0x252: {  	[tilespmem:s19+$0x20] =	vst.add.f32.msk $0xffff, v3  }
0x253: {  	v3 =	vld.idx.msk [tilespmem:v2+s25+$0xFFFFFFF0 ss:$0x1], $0xffff;
	_ =	sdelay $0x5  }
0x254: {  	[tilespmem:s19+$0x30] =	vst.add.f32.msk $0xffff, v3  }
0x255: {  	v3 =	vld.idx.msk [tilespmem:v2+s25+$0x0 ss:$0x1], $0xffff;
	_ =	sdelay $0x5  }
0x256: {  	[tilespmem:s19+$0x40] =	vst.add.f32.msk $0xffff, v3  }
0x257: {  	v3 =	vld.idx.msk [tilespmem:v2+s25+$0x10 ss:$0x1], $0xffff;
	_ =	sdelay $0x5  }
0x258: {  	[tilespmem:s19+$0x50] =	vst.add.f32.msk $0xffff, v3  }
0x259: {  	v3 =	vld.idx.msk [tilespmem:v2+s25+$0x20 ss:$0x1], $0xffff;
	_ =	sdelay $0x5  }
0x25a: {  	[tilespmem:s19+$0x60] =	vst.add.f32.msk $0xffff, v3  }
0x25b: {  	v3 =	vld.idx.msk [tilespmem:v2+s25+$0x30 ss:$0x1], $0xffff;
	_ =	sdelay $0x1  }
.Ltmp12:
0x25c: {  	(pc) =	sbr.rel @p1 .LBB2_24-.Ltmp12, $2  }
0x25d: {  	_ =	sdelay $0x2  }
0x25e: {  	s25 =	sshra.s32 s0, $0x2;
	s0 =	sadd.s32 $0x800, s0;
	[tilespmem:s19+$0x70] =	vst.add.f32.msk $0xffff, v3  }
0x25f: {  	_ =	sdelay $0x3  }
0x260: {  	v3 =	vld.idx.msk [tilespmem:v2+s25+$0xFFFFFFC0 ss:$0x1], $0xffff;
	_ =	sdelay $0x3  }
0x261: {  	s0 =	sadd.s32 s25, s30  }
0x262: {  	[tilespmem:s0+$0x0] =	vst.add.f32.msk $0xffff, v3  }
0x263: {  	v3 =	vld.idx.msk [tilespmem:v2+s25+$0xFFFFFFD0 ss:$0x1], $0xffff;
	_ =	sdelay $0x4  }
0x264: {  	[tilespmem:s0+$0x10] =	vst.add.f32.msk $0xffff, v3  }
0x265: {  	v3 =	vld.idx.msk [tilespmem:v2+s25+$0xFFFFFFE0 ss:$0x1], $0xffff;
	_ =	sdelay $0x4  }
0x266: {  	[tilespmem:s0+$0x20] =	vst.add.f32.msk $0xffff, v3  }
0x267: {  	v3 =	vld.idx.msk [tilespmem:v2+s25+$0xFFFFFFF0 ss:$0x1], $0xffff;
	_ =	sdelay $0x4  }
0x268: {  	[tilespmem:s0+$0x30] =	vst.add.f32.msk $0xffff, v3  }
0x269: {  	v3 =	vld.idx.msk [tilespmem:v2+s25+$0x0 ss:$0x1], $0xffff;
	_ =	sdelay $0x4  }
0x26a: {  	[tilespmem:s0+$0x40] =	vst.add.f32.msk $0xffff, v3  }
0x26b: {  	v3 =	vld.idx.msk [tilespmem:v2+s25+$0x10 ss:$0x1], $0xffff;
	_ =	sdelay $0x4  }
0x26c: {  	[tilespmem:s0+$0x50] =	vst.add.f32.msk $0xffff, v3  }
0x26d: {  	v3 =	vld.idx.msk [tilespmem:v2+s25+$0x20 ss:$0x1], $0xffff;
	_ =	sdelay $0x4  }
0x26e: {  	s17 =	sadd.s32 $0x1, s17;
	[tilespmem:s0+$0x60] =	vst.add.f32.msk $0xffff, v3  }
0x26f: {  	p1 =	sne.s32 s17, $0x4;
	v2 =	vld.idx.msk [tilespmem:v2+s25+$0x30 ss:$0x1], $0xffff  }
.Ltmp13:
0x270: {  	_ = 	snop;
	(pc) =	sbr.rel @p1 .LBB2_23-.Ltmp13, $2  }
0x271: {  	_ =	sdelay $0x2  }
0x272: {  	s30 =	sadd.s32 $0x80, s30;
	s15 =	sadd.s32 $0x80, s15;
	[tilespmem:s0+$0x70] =	vst.add.f32.msk $0xffff, v2  }
0x273: {  	s0 =	sshll.u32 s6, $0xA  }
0x274: {  	s0 =	sand.u32 $0xF000, s0  }
0x275: {  	s0 =	sor.u32 s0, s8  }
0x276: {  	s30 =	simm.s32 $0xE000;
	s0 =	sadd.s32 s0, s11  }
0x277: {  	[hbm4b:s0+s22] =	stream.strided.scatter [tilespmem:s30], [sflag:$0x12], $0x2000, s23, s22, $0x38;
	[tilespmem:$0x1C000] =	vst v63  }
0x278: {  	s0 =	simm.s32 @!p0 $0xE  }
0x279: {  	_ =	swait.ge @!p0 [sflag:s0], $0x2000  }
0x27a: {  	[sflag:s0] =	ssyncset.done @!p0 $0x0  }
0x27b: {  	[sflag:s0] =	ssyncadd.s32 @!p0 $0xFFFFE000  }
0x27c: {  	v2 =	vld.msk @!p0 [tilespmem:s24+$0x480], $0xf;
	_ =	sdelay $0x4  }
0x27d: {  	v3 =	vshll.u32 @!p0 v2, $0x4  }
0x27e: {  	v4 =	vlaneseq.u32 @!p0;
	v2 =	vand.u32 @!p0 $0x7, v2;
	v3 =	vand.u32 @!p0 $0xFFFFFF80, v3  }
0x27f: {  	v2 =	vor.u32 @!p0 v2, v3;
	v3 =	vand.u32 @!p0 $0x3, v4;
	v4 =	vshrl.u32 @!p0 v4, $0x2  }
0x280: {  	v2 =	vperm.xlane @!p0 v2, v3;
	v4 =	vmul.u32 @!p0 $0x8, v4;
	_ =	sdelay $0x1  }
0x281: {  	v2 =	vadd.s32 @!p0 v4, v2;
	_ =	sdelay $0x3  }
0x282: {  	s6 =	simm.s32 @!p0 $0x6000;
	s0 =	simm.s32 @!p0 $0x0  }
0x283: {  	[tilespmem:s6], [sflag:$0x2] =	stream.indirect_vreg.gather @!p0 [hbm4b:s4+s0], $0x80, v2, vm1, $0xb8;
	[tilespmem:$0x1C000] =	vst v63  }
0x284: {  	s6 =	simm.s32 @!p0 $0x6800  }
0x285: {  	[tilespmem:s6], [sflag:$0x2] =	stream.indirect_vreg.gather @!p0 [hbm4b:s7+s0], $0x80, v2, vm1, $0xb8;
	[tilespmem:$0x1C000] =	vst v63  }
0x286: {  	s6 =	simm.s32 @!p0 $0x7000  }
0x287: {  	[tilespmem:s6], [sflag:$0x2] =	stream.indirect_vreg.gather @!p0 [hbm4b:s9+s0], $0x80, v2, vm1, $0xb8;
	[tilespmem:$0x1C000] =	vst v63  }
0x288: {  	s6 =	simm.s32 @!p0 $0x7800  }
0x289: {  	[tilespmem:s6], [sflag:$0x2] =	stream.indirect_vreg.gather @!p0 [hbm4b:s10+s0], $0x80, v2, vm1, $0xb8;
	[tilespmem:$0x1C000] =	vst v63  }
0x28a: {  	v2 =	vld.msk @!p0 [tilespmem:s24+$0x2480], $0xf;
	_ =	sdelay $0x4  }
0x28b: {  	v5 =	vshll.u32 @!p0 v2, $0x4  }
0x28c: {  	v2 =	vand.u32 @!p0 $0x7, v2;
	v5 =	vand.u32 @!p0 $0xFFFFFF80, v5  }
0x28d: {  	v2 =	vor.u32 @!p0 v2, v5  }
0x28e: {  	v2 =	vperm.xlane @!p0 v2, v3;
	_ =	sdelay $0x1  }
0x28f: {  	v2 =	vadd.s32 @!p0 v4, v2;
	_ =	sdelay $0x3  }
0x290: {  	s6 =	simm.s32 @!p0 $0x16000  }
0x291: {  	[tilespmem:s6], [sflag:$0xA] =	stream.indirect_vreg.gather @!p0 [hbm4b:s4+s0], $0x80, v2, vm1, $0xb8;
	[tilespmem:$0x1C000] =	vst v63  }
0x292: {  	s6 =	simm.s32 @!p0 $0x16800  }
0x293: {  	[tilespmem:s6], [sflag:$0xA] =	stream.indirect_vreg.gather @!p0 [hbm4b:s7+s0], $0x80, v2, vm1, $0xb8;
	[tilespmem:$0x1C000] =	vst v63  }
0x294: {  	s6 =	simm.s32 @!p0 $0x17000  }
0x295: {  	[tilespmem:s6], [sflag:$0xA] =	stream.indirect_vreg.gather @!p0 [hbm4b:s9+s0], $0x80, v2, vm1, $0xb8;
	[tilespmem:$0x1C000] =	vst v63  }
0x296: {  	s6 =	simm.s32 @!p0 $0x17800  }
0x297: {  	[tilespmem:s6], [sflag:$0xA] =	stream.indirect_vreg.gather @!p0 [hbm4b:s10+s0], $0x80, v2, vm1, $0xb8;
	[tilespmem:$0x1C000] =	vst v63  }
0x298: {  	_ =	swait.ge [sflag:s12], $0x2000  }
0x299: {  	[sflag:s12] =	ssyncset.done $0x0  }
0x29a: {  	[sflag:s12] =	ssyncadd.s32 $0xFFFFE000  }
0x29b: {  	_ =	swait.ge [sflag:s1], $0x2000  }
0x29c: {  	s17 =	simm.s32 $0x10000;
	[sflag:s1] =	ssyncset.done $0x0  }
0x29d: {  	s15 =	simm.s32 $0x18040;
	s6 =	simm.s32 $0x0;
	[sflag:s1] =	ssyncadd.s32 $0xFFFFE000  }
.LBB2_27:
0x29e: {  	v2 =	vmov s15;
	_ =	sdelay $0x3  }
0x29f: {  	s25 =	simm.s32 $0x0;
	s0 =	simm.s32 $0x800  }
.LBB2_28:
0x2a0: {  	p1 =	sne.s32 s0, $0x7800;
	v3 =	vld.idx.msk [tilespmem:v2+s25+$0xFFFFFFC0 ss:$0x1], $0xffff;
	_ =	sdelay $0x4  }
0x2a1: {  	s19 =	sadd.s32 s25, s17  }
0x2a2: {  	[tilespmem:s19+$0x0] =	vst.add.f32.msk $0xffff, v3  }
0x2a3: {  	v3 =	vld.idx.msk [tilespmem:v2+s25+$0xFFFFFFD0 ss:$0x1], $0xffff;
	_ =	sdelay $0x5  }
0x2a4: {  	[tilespmem:s19+$0x10] =	vst.add.f32.msk $0xffff, v3  }
0x2a5: {  	v3 =	vld.idx.msk [tilespmem:v2+s25+$0xFFFFFFE0 ss:$0x1], $0xffff;
	_ =	sdelay $0x5  }
0x2a6: {  	[tilespmem:s19+$0x20] =	vst.add.f32.msk $0xffff, v3  }
0x2a7: {  	v3 =	vld.idx.msk [tilespmem:v2+s25+$0xFFFFFFF0 ss:$0x1], $0xffff;
	_ =	sdelay $0x5  }
0x2a8: {  	[tilespmem:s19+$0x30] =	vst.add.f32.msk $0xffff, v3  }
0x2a9: {  	v3 =	vld.idx.msk [tilespmem:v2+s25+$0x0 ss:$0x1], $0xffff;
	_ =	sdelay $0x5  }
0x2aa: {  	[tilespmem:s19+$0x40] =	vst.add.f32.msk $0xffff, v3  }
0x2ab: {  	v3 =	vld.idx.msk [tilespmem:v2+s25+$0x10 ss:$0x1], $0xffff;
	_ =	sdelay $0x5  }
0x2ac: {  	[tilespmem:s19+$0x50] =	vst.add.f32.msk $0xffff, v3  }
0x2ad: {  	v3 =	vld.idx.msk [tilespmem:v2+s25+$0x20 ss:$0x1], $0xffff;
	_ =	sdelay $0x5  }
0x2ae: {  	[tilespmem:s19+$0x60] =	vst.add.f32.msk $0xffff, v3  }
0x2af: {  	v3 =	vld.idx.msk [tilespmem:v2+s25+$0x30 ss:$0x1], $0xffff;
	_ =	sdelay $0x1  }
.Ltmp14:
0x2b0: {  	(pc) =	sbr.rel @p1 .LBB2_28-.Ltmp14, $2  }
0x2b1: {  	_ =	sdelay $0x2  }
0x2b2: {  	s25 =	sshra.s32 s0, $0x2;
	s0 =	sadd.s32 $0x800, s0;
	[tilespmem:s19+$0x70] =	vst.add.f32.msk $0xffff, v3  }
0x2b3: {  	_ =	sdelay $0x3  }
0x2b4: {  	v3 =	vld.idx.msk [tilespmem:v2+s25+$0xFFFFFFC0 ss:$0x1], $0xffff;
	_ =	sdelay $0x3  }
0x2b5: {  	s0 =	sadd.s32 s25, s17  }
0x2b6: {  	[tilespmem:s0+$0x0] =	vst.add.f32.msk $0xffff, v3  }
0x2b7: {  	v3 =	vld.idx.msk [tilespmem:v2+s25+$0xFFFFFFD0 ss:$0x1], $0xffff;
	_ =	sdelay $0x4  }
0x2b8: {  	[tilespmem:s0+$0x10] =	vst.add.f32.msk $0xffff, v3  }
0x2b9: {  	v3 =	vld.idx.msk [tilespmem:v2+s25+$0xFFFFFFE0 ss:$0x1], $0xffff;
	_ =	sdelay $0x4  }
0x2ba: {  	[tilespmem:s0+$0x20] =	vst.add.f32.msk $0xffff, v3  }
0x2bb: {  	v3 =	vld.idx.msk [tilespmem:v2+s25+$0xFFFFFFF0 ss:$0x1], $0xffff;
	_ =	sdelay $0x4  }
0x2bc: {  	[tilespmem:s0+$0x30] =	vst.add.f32.msk $0xffff, v3  }
0x2bd: {  	v3 =	vld.idx.msk [tilespmem:v2+s25+$0x0 ss:$0x1], $0xffff;
	_ =	sdelay $0x4  }
0x2be: {  	[tilespmem:s0+$0x40] =	vst.add.f32.msk $0xffff, v3  }
0x2bf: {  	v3 =	vld.idx.msk [tilespmem:v2+s25+$0x10 ss:$0x1], $0xffff;
	_ =	sdelay $0x4  }
0x2c0: {  	[tilespmem:s0+$0x50] =	vst.add.f32.msk $0xffff, v3  }
0x2c1: {  	v3 =	vld.idx.msk [tilespmem:v2+s25+$0x20 ss:$0x1], $0xffff;
	_ =	sdelay $0x4  }
0x2c2: {  	s6 =	sadd.s32 $0x1, s6;
	[tilespmem:s0+$0x60] =	vst.add.f32.msk $0xffff, v3  }
0x2c3: {  	p1 =	sne.s32 s6, $0x4;
	v2 =	vld.idx.msk [tilespmem:v2+s25+$0x30 ss:$0x1], $0xffff  }
.Ltmp15:
0x2c4: {  	_ = 	snop;
	(pc) =	sbr.rel @p1 .LBB2_27-.Ltmp15, $2  }
0x2c5: {  	_ =	sdelay $0x2  }
0x2c6: {  	s17 =	sadd.s32 $0x80, s17;
	s15 =	sadd.s32 $0x80, s15;
	[tilespmem:s0+$0x70] =	vst.add.f32.msk $0xffff, v2  }
0x2c7: {  	s0 =	sshll.u32 s5, $0xA  }
0x2c8: {  	s25 =	simm.s32 $0x10000;
	s0 =	sadd.s32 s0, s14  }
0x2c9: {  	[hbm4b:s0+s22] =	stream.strided.scatter [tilespmem:s25], [sflag:$0x13], $0x2000, s23, s22, $0x38;
	[tilespmem:$0x1C000] =	vst v63  }
0x2ca: {  	s0 =	simm.s32 @!p0 $0xF  }
0x2cb: {  	_ =	swait.ge @!p0 [sflag:s0], $0x2000  }
0x2cc: {  	[sflag:s0] =	ssyncset.done @!p0 $0x0  }
0x2cd: {  	[sflag:s0] =	ssyncadd.s32 @!p0 $0xFFFFE000  }
0x2ce: {  	v2 =	vld.msk @!p0 [tilespmem:s24+$0x500], $0xf;
	_ =	sdelay $0x4  }
0x2cf: {  	v3 =	vshll.u32 @!p0 v2, $0x4  }
0x2d0: {  	v4 =	vlaneseq.u32 @!p0;
	v2 =	vand.u32 @!p0 $0x7, v2;
	v3 =	vand.u32 @!p0 $0xFFFFFF80, v3  }
0x2d1: {  	v2 =	vor.u32 @!p0 v2, v3;
	v3 =	vand.u32 @!p0 $0x3, v4;
	v4 =	vshrl.u32 @!p0 v4, $0x2  }
0x2d2: {  	v2 =	vperm.xlane @!p0 v2, v3;
	v4 =	vmul.u32 @!p0 $0x8, v4;
	_ =	sdelay $0x1  }
0x2d3: {  	v2 =	vadd.s32 @!p0 v4, v2;
	_ =	sdelay $0x3  }
0x2d4: {  	s5 =	simm.s32 @!p0 $0x8000;
	s0 =	simm.s32 @!p0 $0x0  }
0x2d5: {  	[tilespmem:s5], [sflag:$0x3] =	stream.indirect_vreg.gather @!p0 [hbm4b:s4+s0], $0x80, v2, vm1, $0xb8;
	[tilespmem:$0x1C000] =	vst v63  }
0x2d6: {  	s5 =	simm.s32 @!p0 $0x8800  }
0x2d7: {  	[tilespmem:s5], [sflag:$0x3] =	stream.indirect_vreg.gather @!p0 [hbm4b:s7+s0], $0x80, v2, vm1, $0xb8;
	[tilespmem:$0x1C000] =	vst v63  }
0x2d8: {  	s5 =	simm.s32 @!p0 $0x9000  }
0x2d9: {  	[tilespmem:s5], [sflag:$0x3] =	stream.indirect_vreg.gather @!p0 [hbm4b:s9+s0], $0x80, v2, vm1, $0xb8;
	[tilespmem:$0x1C000] =	vst v63  }
0x2da: {  	s5 =	simm.s32 @!p0 $0x9800  }
0x2db: {  	[tilespmem:s5], [sflag:$0x3] =	stream.indirect_vreg.gather @!p0 [hbm4b:s10+s0], $0x80, v2, vm1, $0xb8;
	[tilespmem:$0x1C000] =	vst v63  }
0x2dc: {  	v2 =	vld.msk @!p0 [tilespmem:s24+$0x2500], $0xf;
	_ =	sdelay $0x4  }
0x2dd: {  	v5 =	vshll.u32 @!p0 v2, $0x4  }
0x2de: {  	v2 =	vand.u32 @!p0 $0x7, v2;
	v5 =	vand.u32 @!p0 $0xFFFFFF80, v5  }
0x2df: {  	v2 =	vor.u32 @!p0 v2, v5  }
0x2e0: {  	v2 =	vperm.xlane @!p0 v2, v3;
	_ =	sdelay $0x1  }
0x2e1: {  	v2 =	vadd.s32 @!p0 v4, v2;
	_ =	sdelay $0x3  }
0x2e2: {  	s5 =	simm.s32 @!p0 $0x18000  }
0x2e3: {  	[tilespmem:s5], [sflag:$0xB] =	stream.indirect_vreg.gather @!p0 [hbm4b:s4+s0], $0x80, v2, vm1, $0xb8;
	[tilespmem:$0x1C000] =	vst v63  }
0x2e4: {  	s5 =	simm.s32 @!p0 $0x18800  }
0x2e5: {  	[tilespmem:s5], [sflag:$0xB] =	stream.indirect_vreg.gather @!p0 [hbm4b:s7+s0], $0x80, v2, vm1, $0xb8;
	[tilespmem:$0x1C000] =	vst v63  }
0x2e6: {  	s5 =	simm.s32 @!p0 $0x19000  }
0x2e7: {  	[tilespmem:s5], [sflag:$0xB] =	stream.indirect_vreg.gather @!p0 [hbm4b:s9+s0], $0x80, v2, vm1, $0xb8;
	[tilespmem:$0x1C000] =	vst v63  }
0x2e8: {  	s5 =	simm.s32 @!p0 $0x19800  }
0x2e9: {  	[tilespmem:s5], [sflag:$0xB] =	stream.indirect_vreg.gather @!p0 [hbm4b:s10+s0], $0x80, v2, vm1, $0xb8;
	[tilespmem:$0x1C000] =	vst v63  }
0x2ea: {  	_ =	swait.ge [sflag:s13], $0x2000  }
0x2eb: {  	[sflag:s13] =	ssyncset.done $0x0  }
0x2ec: {  	[sflag:s13] =	ssyncadd.s32 $0xFFFFE000  }
0x2ed: {  	_ =	swait.ge [sflag:s29], $0x2000  }
0x2ee: {  	s6 =	simm.s32 $0x12000;
	[sflag:s29] =	ssyncset.done $0x0  }
0x2ef: {  	s15 =	simm.s32 $0x1A040;
	s5 =	simm.s32 $0x0;
	[sflag:s29] =	ssyncadd.s32 $0xFFFFE000  }
.LBB2_31:
0x2f0: {  	v2 =	vmov s15;
	_ =	sdelay $0x3  }
0x2f1: {  	s17 =	simm.s32 $0x0;
	s0 =	simm.s32 $0x800  }
.LBB2_32:
0x2f2: {  	p1 =	sne.s32 s0, $0x7800;
	v3 =	vld.idx.msk [tilespmem:v2+s17+$0xFFFFFFC0 ss:$0x1], $0xffff;
	_ =	sdelay $0x4  }
0x2f3: {  	s19 =	sadd.s32 s17, s6  }
0x2f4: {  	[tilespmem:s19+$0x0] =	vst.add.f32.msk $0xffff, v3  }
0x2f5: {  	v3 =	vld.idx.msk [tilespmem:v2+s17+$0xFFFFFFD0 ss:$0x1], $0xffff;
	_ =	sdelay $0x5  }
0x2f6: {  	[tilespmem:s19+$0x10] =	vst.add.f32.msk $0xffff, v3  }
0x2f7: {  	v3 =	vld.idx.msk [tilespmem:v2+s17+$0xFFFFFFE0 ss:$0x1], $0xffff;
	_ =	sdelay $0x5  }
0x2f8: {  	[tilespmem:s19+$0x20] =	vst.add.f32.msk $0xffff, v3  }
0x2f9: {  	v3 =	vld.idx.msk [tilespmem:v2+s17+$0xFFFFFFF0 ss:$0x1], $0xffff;
	_ =	sdelay $0x5  }
0x2fa: {  	[tilespmem:s19+$0x30] =	vst.add.f32.msk $0xffff, v3  }
0x2fb: {  	v3 =	vld.idx.msk [tilespmem:v2+s17+$0x0 ss:$0x1], $0xffff;
	_ =	sdelay $0x5  }
0x2fc: {  	[tilespmem:s19+$0x40] =	vst.add.f32.msk $0xffff, v3  }
0x2fd: {  	v3 =	vld.idx.msk [tilespmem:v2+s17+$0x10 ss:$0x1], $0xffff;
	_ =	sdelay $0x5  }
0x2fe: {  	[tilespmem:s19+$0x50] =	vst.add.f32.msk $0xffff, v3  }
0x2ff: {  	v3 =	vld.idx.msk [tilespmem:v2+s17+$0x20 ss:$0x1], $0xffff;
	_ =	sdelay $0x5  }
0x300: {  	[tilespmem:s19+$0x60] =	vst.add.f32.msk $0xffff, v3  }
0x301: {  	v3 =	vld.idx.msk [tilespmem:v2+s17+$0x30 ss:$0x1], $0xffff;
	_ =	sdelay $0x1  }
.Ltmp16:
0x302: {  	(pc) =	sbr.rel @p1 .LBB2_32-.Ltmp16, $2  }
0x303: {  	_ =	sdelay $0x2  }
0x304: {  	s17 =	sshra.s32 s0, $0x2;
	s0 =	sadd.s32 $0x800, s0;
	[tilespmem:s19+$0x70] =	vst.add.f32.msk $0xffff, v3  }
0x305: {  	_ =	sdelay $0x3  }
0x306: {  	v3 =	vld.idx.msk [tilespmem:v2+s17+$0xFFFFFFC0 ss:$0x1], $0xffff;
	_ =	sdelay $0x3  }
0x307: {  	s0 =	sadd.s32 s17, s6  }
0x308: {  	[tilespmem:s0+$0x0] =	vst.add.f32.msk $0xffff, v3  }
0x309: {  	v3 =	vld.idx.msk [tilespmem:v2+s17+$0xFFFFFFD0 ss:$0x1], $0xffff;
	_ =	sdelay $0x4  }
0x30a: {  	[tilespmem:s0+$0x10] =	vst.add.f32.msk $0xffff, v3  }
0x30b: {  	v3 =	vld.idx.msk [tilespmem:v2+s17+$0xFFFFFFE0 ss:$0x1], $0xffff;
	_ =	sdelay $0x4  }
0x30c: {  	[tilespmem:s0+$0x20] =	vst.add.f32.msk $0xffff, v3  }
0x30d: {  	v3 =	vld.idx.msk [tilespmem:v2+s17+$0xFFFFFFF0 ss:$0x1], $0xffff;
	_ =	sdelay $0x4  }
0x30e: {  	[tilespmem:s0+$0x30] =	vst.add.f32.msk $0xffff, v3  }
0x30f: {  	v3 =	vld.idx.msk [tilespmem:v2+s17+$0x0 ss:$0x1], $0xffff;
	_ =	sdelay $0x4  }
0x310: {  	[tilespmem:s0+$0x40] =	vst.add.f32.msk $0xffff, v3  }
0x311: {  	v3 =	vld.idx.msk [tilespmem:v2+s17+$0x10 ss:$0x1], $0xffff;
	_ =	sdelay $0x4  }
0x312: {  	[tilespmem:s0+$0x50] =	vst.add.f32.msk $0xffff, v3  }
0x313: {  	v3 =	vld.idx.msk [tilespmem:v2+s17+$0x20 ss:$0x1], $0xffff;
	_ =	sdelay $0x4  }
0x314: {  	s5 =	sadd.s32 $0x1, s5;
	[tilespmem:s0+$0x60] =	vst.add.f32.msk $0xffff, v3  }
0x315: {  	p1 =	sne.s32 s5, $0x4;
	v2 =	vld.idx.msk [tilespmem:v2+s17+$0x30 ss:$0x1], $0xffff  }
.Ltmp17:
0x316: {  	_ = 	snop;
	(pc) =	sbr.rel @p1 .LBB2_31-.Ltmp17, $2  }
0x317: {  	_ =	sdelay $0x2  }
0x318: {  	s6 =	sadd.s32 $0x80, s6;
	s15 =	sadd.s32 $0x80, s15;
	[tilespmem:s0+$0x70] =	vst.add.f32.msk $0xffff, v2  }
.Ltmp18:
0x319: {  	s0 =	sshll.u32 s2, $0xA;
	(pc) =	sbr.rel @p0 .LBB2_36-.Ltmp18, $4  }
0x31a: {  	s0 =	sand.u32 $0xF800, s0  }
0x31b: {  	s0 =	sor.u32 s0, s8  }
0x31c: {  	s25 =	simm.s32 $0x12000;
	s0 =	sadd.s32 s0, s11  }
0x31d: {  	[hbm4b:s0+s22] =	stream.strided.scatter [tilespmem:s25], [sflag:$0x14], $0x2000, s23, s22, $0x38;
	[tilespmem:$0x1C000] =	vst v63  }
0x31e: {  	_ =	swait.ge [sflag:s28], $0x2000  }
0x31f: {  	[sflag:s28] =	ssyncset.done $0x0  }
0x320: {  	s0 =	sshll.u32 s16, $0xA;
	[sflag:s28] =	ssyncadd.s32 $0xFFFFE000  }
0x321: {  	v2 =	vld.msk [tilespmem:s0+$0x580], $0xf;
	_ =	sdelay $0x4  }
0x322: {  	v3 =	vshll.u32 v2, $0x4  }
0x323: {  	v2 =	vand.u32 $0x7, v2;
	v3 =	vand.u32 $0xFFFFFF80, v3  }
0x324: {  	v2 =	vor.u32 v2, v3  }
0x325: {  	v2 =	vperm.xlane v2, v0;
	_ =	sdelay $0x1  }
0x326: {  	v2 =	vadd.s32 v1, v2;
	_ =	sdelay $0x3  }
0x327: {  	s2 =	simm.s32 $0xA000  }
0x328: {  	[tilespmem:s2], [sflag:$0x4] =	stream.indirect_vreg.gather [hbm4b:s4+s3], $0x80, v2, vm0, $0xb8;
	[tilespmem:$0x1C000] =	vst v63  }
0x329: {  	s15 =	simm.s32 $0xA800  }
0x32a: {  	[tilespmem:s15], [sflag:$0x4] =	stream.indirect_vreg.gather [hbm4b:s7+s3], $0x80, v2, vm0, $0xb8;
	[tilespmem:$0x1C000] =	vst v63  }
0x32b: {  	s17 =	simm.s32 $0xB000  }
0x32c: {  	[tilespmem:s17], [sflag:$0x4] =	stream.indirect_vreg.gather [hbm4b:s9+s3], $0x80, v2, vm0, $0xb8;
	[tilespmem:$0x1C000] =	vst v63  }
0x32d: {  	s19 =	simm.s32 $0xB800  }
0x32e: {  	[tilespmem:s19], [sflag:$0x4] =	stream.indirect_vreg.gather [hbm4b:s10+s3], $0x80, v2, vm0, $0xb8;
	[tilespmem:$0x1C000] =	vst v63  }
0x32f: {  	v2 =	vld.msk [tilespmem:s0+$0x2580], $0xf;
	_ =	sdelay $0x4  }
0x330: {  	v3 =	vshll.u32 v2, $0x4  }
0x331: {  	v2 =	vand.u32 $0x7, v2;
	v3 =	vand.u32 $0xFFFFFF80, v3  }
0x332: {  	v2 =	vor.u32 v2, v3  }
0x333: {  	v2 =	vperm.xlane v2, v0;
	_ =	sdelay $0x1  }
0x334: {  	v2 =	vadd.s32 v1, v2;
	_ =	sdelay $0x4  }
0x335: {  	[tilespmem:s31], [sflag:$0xC] =	stream.indirect_vreg.gather [hbm4b:s4+s3], $0x80, v2, vm0, $0xb8;
	[tilespmem:$0x1C000] =	vst v63  }
0x336: {  	s24 =	simm.s32 $0x1A800  }
0x337: {  	[tilespmem:s24], [sflag:$0xC] =	stream.indirect_vreg.gather [hbm4b:s7+s3], $0x80, v2, vm0, $0xb8;
	[tilespmem:$0x1C000] =	vst v63  }
.Ltmp19:
0x338: {  	_ = 	snop;
	(pc) =	sbr.rel .LBB2_2-.Ltmp19, $4  }
0x339: {  	s25 =	simm.s32 $0x1B000  }
0x33a: {  	[tilespmem:s25], [sflag:$0xC] =	stream.indirect_vreg.gather [hbm4b:s9+s3], $0x80, v2, vm0, $0xb8;
	[tilespmem:$0x1C000] =	vst v63  }
0x33b: {  	s16 =	sadd.s32 $0x1, s16;
	s31 =	simm.s32 $0x1B800  }
0x33c: {  	[tilespmem:s31], [sflag:$0xC] =	stream.indirect_vreg.gather [hbm4b:s10+s3], $0x80, v2, vm0, $0xb8;
	[tilespmem:$0x1C000] =	vst v63  }
.LBB2_37:
0x33d: {  	_ =	sfence.sel $0x180000  }
0x33e: {  	[bflag:$0x0] =	sbarrier.arrive $0xFFFF  }
0x33f: {  	_ =	strace $0x90000050  }
0x340: {  	s0 =	stileid.u32;
	[bflag:$0x2] =	sbarrier.arrive $0xFFFF  }
0x341: {  	p0 =	sne.s32 s0, $0x0;
	s0 =	rddreg [dreg:$0x2]  }
0x342: {  	s0 =	sadd.s32 @!p0 $0x100000, s0  }
0x343: {  	[sflag:s0] =	ssyncadd.tile.s32 @!p0 $0x1;
	_ =	shalt  }
.Lfunc_end2:
_tile_overlayer_lowered:
.L_overlay_start_2:
0x344: {  	(tag) =	ssettag $0x2  }
0x345: {  	s0 =	rddreg [dreg:$0x0];
	s2 =	stileid.u32  }
0x346: {  	s1 =	rddreg [dreg:$0x1];
	p0 =	sne.s32 s2, $0x0  }
0x347: {  	s3 =	rddreg [dreg:$0x2];
	[bflag:$0x3] =	sbarrier.arrive $0xFFFF;
	s2 =	simm.s32 @!p0 $0x1C15  }
0x348: {  	[timem:s3], [sflag:s2] =	dma.local @!p0 [hbm:s0], s1  }
0x349: {  	s0 =	simm.s32 @!p0 $0x15  }
0x34a: {  	_ =	swait.ge @!p0 [sflag:s0], s1  }
0x34b: {  	s1 =	ssub.s32 @!p0 $0x0, s1;
	[sflag:s0] =	ssyncset.done @!p0 $0x0  }
0x34c: {  	[sflag:s0] =	ssyncadd.s32 @!p0 s1  }
0x34d: {  	[bflag:$0x3] =	sbarrier.arrive $0xFFFF  }
0x34e: {  	_ =	shalt  }

// kernel: sparse-core-data-format-call.cloned.1.call-start
scs
called_computation_lowered:
.L_overlay_start_0:
0x0: {  	s2 =	sld [smem:$0x3FD9]  }
0x1: {  	s3 =	sld [smem:$0x3FFE];
	_ =	sdelay $0x1  }
0x2: {  	s1 =	srdreg.scid  }
0x3: {  	s0 =	sand.u32 $0x1, s1  }
0x4: {  	s16 =	sshll.u32 s0, $0xA;
	s2 =	sadd.s32 s3, s2  }
0x5: {  	s2 =	sadd.s32 s2, s16  }
0x6: {  	[smem:$0x3FC2] =	sst s2  }
0x7: {  	_ = 	snop  }
0x8: {  	s2 =	sld [smem:$0x3FD0];
	_ =	sdelay $0x2  }
0x9: {  	s17 =	simm.s32 $0xB;
	s4 =	simm.s32 $0x10  }
0xa: {  	[smem:s4], [sflag:s17] =	dma.local [hbm:s2], $0x1  }
0xb: {  	_ =	swait.eq [sflag:s17], $0x1  }
0xc: {  	[sflag:s17] =	ssyncset.done $0x0  }
0xd: {  	[sflag:s17] =	ssyncadd.s32 $0xFFFFFFFF  }
0xe: {  	s18 =	sld [smem:$0x10];
	(tm) =	ssettm $0x1  }
0xf: {  	s19 =	sld [smem:$0x3FFB];
	_ =	sdelay $0x3  }
0x10: {  	_ =	strace s19  }
0x11: {  	s2 =	sld [smem:$0x3FFC];
	_ =	sdelay $0x3  }
0x12: {  	_ =	strace s2  }
0x13: {  	s2 =	sld [smem:$0x3FFD];
	_ =	sdelay $0x3  }
0x14: {  	_ =	strace s2  }
0x15: {  	_ =	strace $0x8FFFFFFF  }
0x16: {  	s20 =	sld [smem:$0x3FDB];
	_ =	sdelay $0x1  }
0x17: {  	s21 =	simm.s32 $_scs_section_size  }
0x18: {  	s5 =	simm.s32 $_size__tile_overlayer_lowered;
	s6 =	simm.s32 $_tile_overlayer_lowered  }
0x19: {  	s7 =	simm.s32 $0x1BFF;
	s22 =	sshll.u32 s6, $0x1;
	s4 =	sadd.s32 s21, s20  }
0x1a: {  	s23 =	simm.s32 $0x0;
	s5 =	sshll.u32 s5, $0x1;
	s6 =	sadd.s32 s22, s4  }
0x1b: {  	[timem:s23], [sflag:s7] =	dma.local [hbm:s6], s5  }
0x1c: {  	_ =	swait.ge [sflag:s7], s5  }
0x1d: {  	s5 =	ssub.s32 $0x0, s5;
	[sflag:s7] =	ssyncset.done $0x0  }
0x1e: {  	[sflag:s7] =	ssyncadd.s32 s5;
	_ =	sdelay $0x1  }
0x1f: {  	s24 =	simm.s32 $0x1B8B  }
0x20: {  	_ =	swait.ge [sflag:s24], $0x1  }
0x21: {  	[sflag:s24] =	ssyncset.done $0x0  }
0x22: {  	[sflag:s24] =	ssyncadd.s32 $0xFFFFFFFF  }
0x23: {  	s5 =	sld [smem:$0x0]  }
0x24: {  	s6 =	sand.u32 $0xFFFFFFFE, s1  }
0x25: {  	p0 =	sne.s32 s1, s6  }
0x26: {  	s6 =	sshll.u32 @p0 s6, $0xE  }
0x27: {  	s6 =	sadd.s32 @p0 $0x11B8D, s6;
	s7 =	sshll.u32 @p0 s5, $0x11  }
0x28: {  	s6 =	sor.u32 @p0 s7, s6  }
0x29: {  	[sflag:s6] =	ssyncadd.remote.s32 @p0 $0x1;
	_ =	sdelay $0x1  }
0x2a: {  	s6 =	simm.s32 @p0 $0x1B8D  }
0x2b: {  	_ =	swait.eq @p0 [sflag:s6], $0x1  }
0x2c: {  	[sflag:s6] =	ssyncadd.s32 @p0 $0xFFFFFFFF  }
0x2d: {  	s7 =	sshll.u32 @!p0 s1, $0xE  }
0x2e: {  	s7 =	sor.u32 @!p0 $0x4000, s7;
	s6 =	simm.s32 @!p0 $0x1B8D  }
0x2f: {  	s5 =	sshll.u32 @!p0 s5, $0x11;
	s7 =	sadd.s32 @!p0 $0x11B8D, s7;
	_ =	swait.eq @!p0 [sflag:s6], $0x1  }
0x30: {  	s5 =	sor.u32 @!p0 s5, s7;
	[sflag:s6] =	ssyncadd.s32 @!p0 $0xFFFFFFFF  }
0x31: {  	s26 =	simm.s32 $0x1B8E;
	s25 =	sld [smem:$0x3FFE];
	[sflag:s5] =	ssyncadd.remote.s32 @!p0 $0x1  }
0x32: {  	s27 =	simm.s32 $execute0_lowered;
	[smem:$0x3FD2] =	sst s26  }
0x33: {  	s6 =	sshll.u32 s27, $0x1;
	_ =	strace $0x80000049;
	[dreg:$0x1] =	wrdreg $0xFFFFFFFF  }
0x34: {  	s28 =	simm.s32 $_size_execute0_lowered;
	s4 =	sadd.s32 s4, s6;
	[dreg:$0x0] =	wrdreg $0x0  }
0x35: {  	s6 =	sshll.u32 s28, $0x1;
	[dreg:$0x2] =	wrdreg s4  }
0x36: {  	[dreg:$0x3] =	wrdreg s6  }
0x37: {  	[dreg:$0x4] =	wrdreg $0xC0  }
0x38: {  	_ =	task [dreg:s23], $0x5FFFF  }
0x39: {  	[dreg:$0x1] =	wrdreg $0xFFFFFFFF  }
0x3a: {  	[dreg:$0x0] =	wrdreg $0x60  }
0x3b: {  	[dreg:$0x2] =	wrdreg s18  }
0x3c: {  	[dreg:$0x3] =	wrdreg s25  }
0x3d: {  	[dreg:$0x4] =	wrdreg $0x9  }
0x3e: {  	_ =	task.clear_ibuf [dreg:s23], $0x5FFFF;
	_ =	strace $0x90000049  }
0x3f: {  	s29 =	simm.s32 $0x9;
	_ =	strace $0x8000004B  }
0x40: {  	_ =	swait.ge [sflag:s29], $0x1  }
0x41: {  	[sflag:s29] =	ssyncadd.s32 $0xFFFFFFFF  }
0x42: {  	_ =	strace $0x9000004B  }
0x43: {  	_ =	sfence  }
0x44: {  	s30 =	sld [smem:$0x0];
	_ =	sdelay $0x2  }
0x45: {  	s31 =	sshll.u32 s1, $0xD;
	s1 =	sshrl.u32 s1, $0x2  }
0x46: {  	s4 =	sand.u32 $0x4000, s31;
	s1 =	sadd.s32 s1, s30  }
0x47: {  	s0 =	sor.u32 s4, s0;
	s1 =	sshll.u32 s1, $0x11  }
0x48: {  	s0 =	sor.u32 s1, s0  }
0x49: {  	s0 =	sadd.s32 $0x8F2B, s0  }
0x4a: {  	[sflag:s0] =	ssyncadd.remote.s32 $0x1  }
0x4b: {  	_ =	sfence.sel $0xFFFF  }
0x4c: {  	[dreg:$0x0] =	wrdreg $0xFFFFFFFF;
	(pc) =	sbr.abs _section_cstart, $3  }
0x4d: {  	[dreg:$0x1] =	wrdreg $0xFFFFFFFF  }
0x4e: {  	_ =	task.clear_ibuf [dreg:s23], $0x2FFFF;
	_ =	strace $0x9FFFFFFF  }
0x4f: {  	(tm) =	ssettm $0x7FFFFFFF  }
tec
execute0_lowered:
.L_overlay_start_1:
0x0: {  	(tag) =	ssettag $0x1  }
0x1: {  	s0 =	stileid.u32;
	s1 =	srdreg.scid  }
0x2: {  	s4 =	rddreg [dreg:$0x1];
	s7 =	simm.s32 $0x1;
	s31 =	simm.s32 $0x2  }
0x3: {  	s16 =	simm.s32 $0x0;
	s2 =	sshll.u32 s0, $0x4;
	s1 =	sshll.u32 s1, $0x8  }
0x4: {  	s9 =	simm.s32 $0x2000;
	s14 =	simm.s32 $0x0;
	s1 =	sor.u32 s2, s1  }
0x5: {  	s15 =	simm.s32 $0x0;
	s10 =	simm.s32 $0x0;
	s3 =	sand.u32 $0x180, s1  }
0x6: {  	s13 =	simm.s32 $0x0;
	s2 =	rddreg [dreg:$0x0];
	s5 =	ssub.s32 $0x800, s3  }
0x7: {  	s4 =	sadd.s32 $0x82000, s4;
	s1 =	rddreg [dreg:$0x2];
	s6 =	sand.u32 $0x180, s5  }
.Ltmp0:
0x8: {  	_ =	strace $0x8000004A;
	p0 =	sne.s32 s6, $0x0;
	(pc) =	sbr.rel .LBB1_1-.Ltmp0, $4  }
0x9: {  	s11 =	smov.u32 s3;
	s8 =	sshrl.u32 s5, $0x9;
	s7 =	simm.s32 @!p0 $0x0  }
0xa: {  	s5 =	sand.u32 $0x7, s0;
	s6 =	simm.s32 $0x1;
	s7 =	sadd.s32 s7, s8  }
0xb: {  	s12 =	smov.u32 s5;
	[sflag:s6] =	ssyncpa.u1 $0x0;
	s7 =	sshll.u32 s7, $0x3  }
0xc: {  	p0 =	por $0x0, $0x0;
	[sflag:s31] =	ssyncpa.u1 $0x0;
	s8 =	sor.u32 $0x1, s7  }
.LBB1_4:
0xd: {  	[tilespmem:s19+$0x1 ss:$0x81] =	vst.msk $0xffff, v11;
	v7 =	vcombine.high v7, v9;
	v4 =	vperm.xlane.i2c.b16 v4;
	v48 =	vld [tilespmem:s20+$0x230]  }
0xe: {  	[tilespmem:s19+$0x810 ss:$0x81] =	vst.msk $0xffff, v12;
	v49 =	vcombine.low v8, v10;
	v2 =	vperm.xlane.i2c.b16 v2;
	v50 =	vld [tilespmem:s20+$0x240]  }
0xf: {  	v51 =	vcombine.high v8, v10;
	v52 =	vld [tilespmem:s20+$0x250];
	v0 =	vcombine.high v0, v1;
	[tilespmem:s19+$0x811 ss:$0x81] =	vst.msk $0xffff, v7  }
0x10: {  	v5 =	vperm.xlane.i2c.b16 v5;
	v3 =	vperm.xlane.i2c.b16 v3;
	[tilespmem:s19+$0x1020 ss:$0x81] =	vst.msk $0xffff, v49  }
0x11: {  	v54 =	vperm.xlane.i2c.b16 v6;
	v53 =	vcombine.low v4, v2;
	[tilespmem:s17+$0x3061 ss:$0x81] =	vst.msk $0xffff, v0  }
0x12: {  	v2 =	vcombine.high v4, v2;
	v55 =	vcombine.low v5, v3;
	[tilespmem:s19+$0x1021 ss:$0x81] =	vst.msk $0xffff, v51  }
0x13: {  	s18 =	sshll.u32 s16, $0xB;
	s28 =	sshll.u32 s14, $0x3;
	v57 =	vcombine.high v5, v3;
	[tilespmem:s19+$0x1830 ss:$0x81] =	vst.msk $0xffff, v53;
	v56 =	vperm.xlane.i2c.b16 v48  }
0x14: {  	s23 =	sshll.u32 s14, $0x1;
	s29 =	sshll.u32 s16, $0x7;
	s15 =	sshll.u32 s15, $0x12;
	[tilespmem:s19+$0x2040 ss:$0x81] =	vst.msk $0xffff, v55;
	v58 =	vperm.xlane.i2c.b16 v50;
	v60 =	vperm.xlane.i2c.b16 v52  }
0x15: {  	s31 =	sand.u32 $0x7, s14;
	s18 =	sand.u32 $0x3FC000, s18;
	s21 =	sand.u32 $0x3FFC00, s28;
	[tilespmem:s19+$0x1831 ss:$0x81] =	vst.msk $0xffff, v2;
	v59 =	vcombine.low v54, v56  }
0x16: {  	s23 =	sand.u32 $0xF0, s23;
	s20 =	sand.u32 $0x400, s28;
	s18 =	sadd.s32 s21, s18;
	[tilespmem:s19+$0x2041 ss:$0x81] =	vst.msk $0xffff, v57;
	v62 =	vcombine.low v58, v60  }
0x17: {  	s16 =	sand.u32 $0x300, s29;
	s20 =	sor.u32 s20, s23;
	s18 =	sshrl.u32 s18, $0x4;
	v61 =	vcombine.high v54, v56;
	[tilespmem:s19+$0x2850 ss:$0x81] =	vst.msk $0xffff, v59  }
0x18: {  	s15 =	sadd.s32 s4, s15;
	s16 =	sor.u32 s16, s20;
	s30 =	sand.u32 $0x3FF80, s18;
	v63 =	vcombine.high v58, v60;
	[tilespmem:s19+$0x3060 ss:$0x81] =	vst.msk $0xffff, v62  }
0x19: {  	s14 =	sshll.u32 s31, $0x12;
	s16 =	sshrl.u32 s16, $0x4;
	s15 =	sadd.s32 s30, s15;
	[tilespmem:s19+$0x2851 ss:$0x81] =	vst.msk $0xffff, v61  }
0x1a: {  	s14 =	sor.u32 $0x200, s14;
	s15 =	sadd.s32 s16, s15;
	[tilespmem:s19+$0x3061 ss:$0x81] =	vst.msk $0xffff, v63  }
0x1b: {  	[hbm4b:s15+s14] =	stream.strided.scatter [tilespmem:s22], [sflag:$0x2], $0x4000, s9, s14, $0x20;
	[tilespmem:$0x10100] =	vst v63  }
.LBB1_5:
0x1c: {  	s17 =	sadd.s32 $0x100, s10  }
0x1d: {  	s14 =	sadd.s32 $0x200, s11;
	s18 =	smov.u32 s11;
	p2 =	sgt.s32 s17, $0x7FF  }
0x1e: {  	s18 =	smov.u32 @p2 s14  }
0x1f: {  	s20 =	smov.u32 s12;
	s14 =	sadd.s32 $0x8, s12;
	p3 =	sgt.s32 s18, $0x7FF  }
0x20: {  	s20 =	smov.u32 @p3 s14  }
0x21: {  	s17 =	simm.s32 @p2 $0x0;
	p2 =	sgt.s32 s20, $0x7  }
0x22: {  	p1 =	slt.u32 s13, $0x2;
	s20 =	smov.u32 @p2 s5;
	p2 =	sne.s32 s13, s8  }
.Ltmp1:
0x23: {  	s19 =	simm.s32 @!p1 $0x2;
	(pc) =	sbr.rel @!p2 .LBB1_6-.Ltmp1, $4  }
0x24: {  	s16 =	smov.u32 s10;
	s15 =	smov.u32 s12;
	_ =	swait.ge @!p1 [sflag:s19], $0x4000  }
0x25: {  	p0 =	por !p0, !p0;
	[sflag:s19] =	ssyncset.done @!p1 $0x0;
	s10 =	smov.u32 s17  }
0x26: {  	s18 =	smov.u32 @p3 s3;
	s14 =	smov.u32 s11;
	[sflag:s19] =	ssyncadd.s32 @!p1 $0xFFFFC000  }
0x27: {  	s11 =	smov.u32 s18;
	s13 =	sadd.s32 $0x1, s13;
	s12 =	smov.u32 s20  }
.LBB1_1:
0x28: {  	p1 =	sge.u32 s13, s7  }
0x29: {  	s31 =	sadd.s32 $0xFFFFFFFF, s13;
	s17 =	sshll.u32 @!p1 s11, $0xB  }
0x2a: {  	s18 =	sxor.u32 @!p1 $0xFFFFFFFF, s13;
	s19 =	sshll.u32 @!p1 s10, $0x3;
	s20 =	sshll.u32 @!p1 s11, $0x7  }
0x2b: {  	s21 =	sshll.u32 @!p1 s10, $0x1;
	s17 =	sand.u32 @!p1 $0x3FC000, s17;
	s20 =	sand.u32 @!p1 $0x300, s20  }
0x2c: {  	s21 =	sand.u32 @!p1 $0xF0, s21;
	s17 =	sadd.s32 @!p1 s17, s19;
	s19 =	sand.u32 @!p1 $0x400, s19  }
0x2d: {  	s19 =	sor.u32 @!p1 s20, s19;
	s20 =	sshll.u32 @!p1 s12, $0x12;
	s17 =	sshrl.u32 @!p1 s17, $0x4  }
0x2e: {  	s19 =	sor.u32 @!p1 s21, s19;
	s17 =	sand.u32 @!p1 $0x3FF80, s17;
	s20 =	sadd.s32 @!p1 s2, s20  }
0x2f: {  	s19 =	sshrl.u32 @!p1 s19, $0x4;
	s17 =	sadd.s32 @!p1 s17, s20;
	s20 =	sand.u32 @!p1 $0x7, s10  }
0x30: {  	s18 =	sshll.u32 @!p1 s18, $0xE;
	s17 =	sadd.s32 @!p1 s19, s17;
	s19 =	sshll.u32 @!p1 s20, $0x12  }
0x31: {  	s18 =	sand.u32 @!p1 $0x4000, s18;
	s20 =	simm.s32 @!p1 $0x2000;
	s19 =	sor.u32 @!p1 $0x400, s19  }
0x32: {  	[tilespmem:s18], [sflag:$0x1] =	stream.strided.gather @!p1 [hbm4b:s17+s19], $0x4000, s20, s19, $0x38;
	[tilespmem:$0x10100] =	vst v63  }
0x33: {  	p1 =	sge.u32 s31, s7  }
.Ltmp2:
0x34: {  	_ = 	snop;
	(pc) =	sbr.rel @p1 .LBB1_5-.Ltmp2, $1  }
0x35: {  	_ =	sdelay $0x3  }
0x36: {  	s19 =	sand.u32 $0x1, s13;
	s17 =	simm.s32 $0x0  }
0x37: {  	_ =	swait.ge [sflag:s6], $0x4000;
	s18 =	sshll.u32 s19, $0xE;
	s20 =	sand.u32 $0x3C00, s17  }
0x38: {  	[sflag:s6] =	ssyncset.done $0x0;
	s17 =	sand.u32 $0x180, s17;
	s20 =	sadd.s32 s20, s18  }
0x39: {  	[sflag:s6] =	ssyncadd.s32 $0xFFFFC000;
	s22 =	sadd.s32 s17, s20  }
0x3a: {  	v0 =	vld [tilespmem:s22+$0x260]  }
0x3b: {  	v1 =	vld [tilespmem:s22+$0x270]  }
0x3c: {  	v2 =	vld [tilespmem:s22+$0x0]  }
0x3d: {  	v3 =	vld [tilespmem:s22+$0x10]  }
0x3e: {  	v4 =	vld [tilespmem:s22+$0x20]  }
0x3f: {  	s17 =	simm.s32 $0x1;
	v5 =	vld [tilespmem:s22+$0x30]  }
0x40: {  	s17 =	simm.s32 @!p0 $0x0;
	v6 =	vld [tilespmem:s22+$0x40]  }
0x41: {  	v7 =	vld [tilespmem:s22+$0x50];
	s17 =	smul.u32 $0x10200, s17;
	v1 =	vperm.xlane.i2c.b16 v1;
	v0 =	vperm.xlane.i2c.b16 v0  }
0x42: {  	v8 =	vld [tilespmem:s22+$0x60];
	v2 =	vperm.xlane.i2c.b16 v2;
	v3 =	vperm.xlane.i2c.b16 v3  }
0x43: {  	v10 =	vld [tilespmem:s22+$0x70];
	s17 =	sshrl.u32 s17, $0x2;
	v9 =	vcombine.low v0, v1;
	v0 =	vcombine.high v0, v1  }
0x44: {  	s17 =	sor.u32 $0x8000, s17;
	v1 =	vperm.xlane.i2c.b16 v5;
	v5 =	vld [tilespmem:s22+$0x200];
	v11 =	vcombine.low v2, v3  }
0x45: {  	v4 =	vperm.xlane.i2c.b16 v4;
	v2 =	vcombine.high v2, v3;
	v3 =	vld [tilespmem:s22+$0x210];
	[tilespmem:s17+$0x3870 ss:$0x81] =	vst.msk $0xffff, v9  }
0x46: {  	s30 =	simm.s32 $0x100;
	v6 =	vperm.xlane.i2c.b16 v6;
	v7 =	vperm.xlane.i2c.b16 v7;
	v9 =	vld [tilespmem:s22+$0x220];
	[tilespmem:s17+$0x0 ss:$0x81] =	vst.msk $0xffff, v11  }
0x47: {  	s21 =	simm.s32 $0x80;
	s20 =	sand.u32 $0x3C00, s30;
	[tilespmem:s17+$0x3871 ss:$0x81] =	vst.msk $0xffff, v0;
	v0 =	vcombine.low v4, v1;
	v1 =	vcombine.high v4, v1;
	v4 =	vld [tilespmem:s22+$0x230]  }
0x48: {  	s23 =	sand.u32 $0x180, s21;
	s20 =	sadd.s32 s20, s18;
	[tilespmem:s17+$0x1 ss:$0x81] =	vst.msk $0xffff, v2;
	v2 =	vperm.xlane.i2c.b16 v8;
	v8 =	vperm.xlane.i2c.b16 v10;
	v10 =	vld [tilespmem:s22+$0x240]  }
0x49: {  	s20 =	sadd.s32 s23, s20;
	[tilespmem:s17+$0x810 ss:$0x81] =	vst.msk $0xffff, v0;
	v0 =	vcombine.low v6, v7;
	v6 =	vcombine.high v6, v7;
	v7 =	vld [tilespmem:s22+$0x250]  }
0x4a: {  	v11 =	vcombine.low v2, v8;
	v2 =	vcombine.high v2, v8;
	v8 =	vld [tilespmem:s20+$0x0];
	[tilespmem:s17+$0x811 ss:$0x81] =	vst.msk $0xffff, v1  }
0x4b: {  	v1 =	vperm.xlane.i2c.b16 v5;
	v5 =	vld [tilespmem:s20+$0x260];
	[tilespmem:s17+$0x1020 ss:$0x81] =	vst.msk $0xffff, v0;
	v0 =	vperm.xlane.i2c.b16 v3  }
0x4c: {  	v3 =	vld [tilespmem:s20+$0x270];
	[tilespmem:s17+$0x1021 ss:$0x81] =	vst.msk $0xffff, v6;
	v6 =	vperm.xlane.i2c.b16 v9  }
0x4d: {  	[tilespmem:s17+$0x1830 ss:$0x81] =	vst.msk $0xffff, v11;
	v11 =	vld [tilespmem:s20+$0x10];
	v4 =	vperm.xlane.i2c.b16 v4;
	v9 =	vcombine.low v1, v0  }
0x4e: {  	v12 =	vcombine.high v1, v0;
	v0 =	vperm.xlane.i2c.b16 v10  }
0x4f: {  	[tilespmem:s17+$0x1831 ss:$0x81] =	vst.msk $0xffff, v2;
	v2 =	vld [tilespmem:s20+$0x20];
	v10 =	vcombine.low v6, v4;
	v1 =	vperm.xlane.i2c.b16 v7  }
0x50: {  	v4 =	vcombine.high v6, v4;
	v8 =	vperm.xlane.i2c.b16 v8;
	[tilespmem:s17+$0x2040 ss:$0x81] =	vst.msk $0xffff, v9;
	v9 =	vld [tilespmem:s20+$0x30]  }
0x51: {  	v6 =	vld [tilespmem:s20+$0x40];
	v5 =	vperm.xlane.i2c.b16 v5;
	[tilespmem:s17+$0x2041 ss:$0x81] =	vst.msk $0xffff, v12;
	v3 =	vperm.xlane.i2c.b16 v3  }
0x52: {  	[tilespmem:s17+$0x2850 ss:$0x81] =	vst.msk $0xffff, v10;
	v10 =	vld [tilespmem:s20+$0x50];
	v12 =	vcombine.low v0, v1;
	v11 =	vperm.xlane.i2c.b16 v11  }
0x53: {  	[tilespmem:s17+$0x2851 ss:$0x81] =	vst.msk $0xffff, v4;
	v4 =	vld [tilespmem:s20+$0x60];
	v13 =	vcombine.low v5, v3  }
0x54: {  	s31 =	smul.u32 $0x10200, s19;
	s19 =	sadd.s32 $0x2, s17;
	v7 =	vperm.xlane.i2c.b16 v2;
	v2 =	vld [tilespmem:s20+$0x70];
	[tilespmem:s17+$0x3060 ss:$0x81] =	vst.msk $0xffff, v12;
	v12 =	vcombine.low v8, v11  }
0x55: {  	v14 =	vcombine.high v5, v3;
	v5 =	vld [tilespmem:s20+$0x200];
	v9 =	vperm.xlane.i2c.b16 v9;
	[tilespmem:s19+$0x3870 ss:$0x81] =	vst.msk $0xffff, v13  }
0x56: {  	s22 =	sshrl.u32 s31, $0x2;
	v11 =	vcombine.high v8, v11;
	v3 =	vld [tilespmem:s20+$0x210];
	v8 =	vperm.xlane.i2c.b16 v6;
	[tilespmem:s19+$0x0 ss:$0x81] =	vst.msk $0xffff, v12  }
0x57: {  	s24 =	simm.s32 $0x200;
	s23 =	simm.s32 $0x2;
	s22 =	sor.u32 $0x8000, s22;
	v6 =	vld [tilespmem:s20+$0x220];
	[tilespmem:s19+$0x3871 ss:$0x81] =	vst.msk $0xffff, v14;
	v10 =	vperm.xlane.i2c.b16 v10;
	v12 =	vcombine.low v7, v9  }
.LBB1_3:
0x58: {  	s25 =	sand.u32 $0x3C00, s24;
	[tilespmem:s19+$0x1 ss:$0x81] =	vst.msk $0xffff, v11;
	v7 =	vcombine.high v7, v9;
	v4 =	vperm.xlane.i2c.b16 v4;
	v9 =	vld [tilespmem:s20+$0x230];
	s21 =	sadd.s32 $0x80, s21  }
0x59: {  	v11 =	vcombine.low v8, v10;
	v2 =	vperm.xlane.i2c.b16 v2;
	s26 =	sand.u32 $0x180, s21;
	s25 =	sadd.s32 s25, s18;
	[tilespmem:s19+$0x810 ss:$0x81] =	vst.msk $0xffff, v12;
	v12 =	vld [tilespmem:s20+$0x240]  }
0x5a: {  	s23 =	sadd.s32 $0x2, s23;
	v5 =	vperm.xlane.i2c.b16 v5;
	[tilespmem:s19+$0x811 ss:$0x81] =	vst.msk $0xffff, v7;
	v7 =	vcombine.high v8, v10;
	v8 =	vld [tilespmem:s20+$0x250];
	s20 =	sadd.s32 s26, s25  }
0x5b: {  	v3 =	vperm.xlane.i2c.b16 v3;
	p1 =	slt.u32 s23, $0x7E;
	v10 =	vld [tilespmem:s20+$0x260];
	[tilespmem:s19+$0x1020 ss:$0x81] =	vst.msk $0xffff, v11;
	v11 =	vcombine.low v4, v2  }
0x5c: {  	v2 =	vcombine.high v4, v2;
	v4 =	vperm.xlane.i2c.b16 v6;
	v13 =	vld [tilespmem:s20+$0x270];
	[tilespmem:s19+$0x1021 ss:$0x81] =	vst.msk $0xffff, v7  }
0x5d: {  	v7 =	vcombine.low v5, v3;
	v6 =	vld [tilespmem:s20+$0x0];
	[tilespmem:s19+$0x1830 ss:$0x81] =	vst.msk $0xffff, v11;
	v9 =	vperm.xlane.i2c.b16 v9  }
0x5e: {  	v11 =	vld [tilespmem:s20+$0x10];
	[tilespmem:s19+$0x1831 ss:$0x81] =	vst.msk $0xffff, v2;
	v2 =	vcombine.high v5, v3;
	v3 =	vperm.xlane.i2c.b16 v12  }
0x5f: {  	v5 =	vld [tilespmem:s20+$0x20];
	[tilespmem:s19+$0x2040 ss:$0x81] =	vst.msk $0xffff, v7;
	v7 =	vcombine.low v4, v9;
	v8 =	vperm.xlane.i2c.b16 v8  }
0x60: {  	v12 =	vld [tilespmem:s20+$0x30];
	[tilespmem:s19+$0x2041 ss:$0x81] =	vst.msk $0xffff, v2;
	v2 =	vcombine.high v4, v9;
	v9 =	vcombine.high v0, v1;
	v0 =	vmov v3  }
0x61: {  	v10 =	vperm.xlane.i2c.b16 v10;
	v3 =	vld [tilespmem:s20+$0x40];
	v13 =	vperm.xlane.i2c.b16 v13;
	[tilespmem:s19+$0x2850 ss:$0x81] =	vst.msk $0xffff, v7;
	v1 =	vmov v8  }
0x62: {  	v6 =	vperm.xlane.i2c.b16 v6;
	v14 =	vld [tilespmem:s20+$0x50];
	[tilespmem:s19+$0x2851 ss:$0x81] =	vst.msk $0xffff, v2;
	v8 =	vcombine.low v0, v1  }
.Ltmp3:
0x63: {  	v11 =	vperm.xlane.i2c.b16 v11;
	v4 =	vld [tilespmem:s20+$0x60];
	v15 =	vcombine.low v10, v13;
	[tilespmem:s17+$0x3061 ss:$0x81] =	vst.msk $0xffff, v9;
	s17 =	smov.u32 s19;
	(pc) =	sbr.rel @p1 .LBB1_3-.Ltmp3, $4  }
0x64: {  	v10 =	vcombine.high v10, v13;
	s19 =	sadd.s32 $0x2, s19;
	v7 =	vperm.xlane.i2c.b16 v5;
	v2 =	vld [tilespmem:s20+$0x70];
	[tilespmem:s17+$0x3060 ss:$0x81] =	vst.msk $0xffff, v8  }
0x65: {  	v13 =	vcombine.low v6, v11;
	v9 =	vperm.xlane.i2c.b16 v12;
	v5 =	vld [tilespmem:s20+$0x200];
	[tilespmem:s19+$0x3870 ss:$0x81] =	vst.msk $0xffff, v15  }
0x66: {  	v11 =	vcombine.high v6, v11;
	v8 =	vperm.xlane.i2c.b16 v3;
	v3 =	vld [tilespmem:s20+$0x210];
	[tilespmem:s19+$0x3871 ss:$0x81] =	vst.msk $0xffff, v10  }
0x67: {  	s24 =	sadd.s32 $0x100, s24;
	[tilespmem:s19+$0x0 ss:$0x81] =	vst.msk $0xffff, v13;
	v12 =	vcombine.low v7, v9;
	v10 =	vperm.xlane.i2c.b16 v14;
	v6 =	vld [tilespmem:s20+$0x220]  }
.Ltmp4:
0x68: {  	_ = 	snop;
	(pc) =	sbr.rel .LBB1_4-.Ltmp4, $1  }
0x69: {  	_ =	sdelay $0x3  }
.LBB1_6:
0x6a: {  	_ =	sfence.sel $0x180000  }
0x6b: {  	s2 =	simm.s32 $0x1;
	[bflag:$0x0] =	sbarrier.arrive $0xFFFF  }
0x6c: {  	s31 =	simm.s32 $0x2;
	[sflag:s2] =	ssyncpa.u1 $0x1  }
0x6d: {  	[sflag:s31] =	ssyncpa.u1 $0x1  }
0x6e: {  	p0 =	sne.s32 s0, $0x0;
	_ =	strace $0x9000004A  }
0x6f: {  	s0 =	sadd.s32 @!p0 $0x100000, s1;
	[bflag:$0x2] =	sbarrier.arrive $0xFFFF  }
0x70: {  	[sflag:s0] =	ssyncadd.tile.s32 @!p0 $0x1;
	_ =	shalt  }
.Lfunc_end1:
_tile_overlayer_lowered:
.L_overlay_start_2:
0x71: {  	(tag) =	ssettag $0x2  }
0x72: {  	s0 =	rddreg [dreg:$0x0];
	s2 =	stileid.u32  }
0x73: {  	s1 =	rddreg [dreg:$0x1];
	p0 =	sne.s32 s2, $0x0  }
0x74: {  	s3 =	rddreg [dreg:$0x2];
	[bflag:$0x3] =	sbarrier.arrive $0xFFFF;
	s2 =	simm.s32 @!p0 $0x1C01  }
0x75: {  	[timem:s3], [sflag:s2] =	dma.local @!p0 [hbm:s0], s1  }
0x76: {  	s0 =	simm.s32 @!p0 $0x1  }
0x77: {  	_ =	swait.ge @!p0 [sflag:s0], s1  }
0x78: {  	s1 =	ssub.s32 @!p0 $0x0, s1;
	[sflag:s0] =	ssyncset.done @!p0 $0x0  }
0x79: {  	[sflag:s0] =	ssyncadd.s32 @!p0 s1  }
0x7a: {  	[bflag:$0x3] =	sbarrier.arrive $0xFFFF  }
0x7b: {  	_ =	shalt  }

</sc_bundles>
